<compile_context>
chip_gen: v7x
topology: tpu7x:2x2x1
jax: 0.10.2.dev20260603
libtpu: 0.0.44.dev20260713+nightly
codegen_flags: <defaults>
</compile_context>

<pallas_src>
import functools

import jax
import jax.numpy as jnp
from jax import lax
from jax.experimental import pallas as pl
from jax.experimental.pallas import tpu as pltpu
from jax.experimental.pallas import tpu_sc as plsc

N = 100000
NP = 100096
E = 1600000
DH = 16
NC = 2
NS = 16
B = 80
G = 5
GB = G * B
EPT = E // NS
NCH = EPT // B
NG = NCH // G
NQ = (NG - 2) // 4
RPT = NP // NS
WB = 368
NWB = RPT // WB
NROW = E // B

_mesh = plsc.VectorSubcoreMesh(
    core_axis_name="c", subcore_axis_name="s", num_cores=NC, num_subcores=NS
)


@functools.partial(
    pl.kernel,
    out_type=jax.ShapeDtypeStruct((NC, NP, DH), jnp.float32),
    mesh=_mesh,
    scratch_types=[
        pltpu.VMEM((4 * G, B), jnp.int32),
        pltpu.VMEM((4 * G, B), jnp.int32),
        pltpu.VMEM((GB, DH), jnp.float32),
        pltpu.VMEM((GB, DH), jnp.float32),
        pltpu.VMEM((GB, DH), jnp.float32),
        pltpu.VMEM((GB, DH), jnp.float32),
        pltpu.VMEM_SHARED((NP, DH), jnp.float32),
        pltpu.SemaphoreType.DMA,
        pltpu.SemaphoreType.DMA,
        pltpu.SemaphoreType.DMA,
        pltpu.SemaphoreType.DMA,
    ],
    compiler_params=pltpu.CompilerParams(use_tc_tiling_on_sc=False),
)
def _vector_graph_sc(xh, ii, jj, out, ibig, jbig, bi0, bi1, bj0, bj1,
                     acc, semi, semg, sems0, sems1):
    c = lax.axis_index("c")
    s = lax.axis_index("s")
    bis = (bi0, bi1)
    bjs = (bj0, bj1)
    semss = (sems0, sems1)

    zero_v = jnp.zeros((DH,), jnp.float32)

    def zfill(k, carry):
        r0 = k * 8
        for u in range(8):
            bi0[r0 + u, :] = zero_v
        return carry

    lax.fori_loop(0, WB // 8, zfill, 0)

    def zero_body(k, carry):
        row0 = s * RPT + k * WB
        pltpu.sync_copy(bi0.at[pl.ds(0, WB)], acc.at[pl.ds(row0, WB)])
        return carry

    lax.fori_loop(0, NWB, zero_body, 0)
    plsc.subcore_barrier()

    def idx_row0(g):
        return jnp.minimum(s * NCH + g * G, NROW - G)

    def fire_idx_load(g, ph):
        r0 = idx_row0(g)
        pltpu.async_copy(ii.at[pl.ds(r0, G)], ibig.at[pl.ds(ph * G, G)], semi)
        pltpu.async_copy(jj.at[pl.ds(r0, G)], jbig.at[pl.ds(ph * G, G)], semi)

    def wait_idx_load():
        pltpu.make_async_copy(
            ii.at[pl.ds(0, G)], ibig.at[pl.ds(0, G)], semi).wait()
        pltpu.make_async_copy(
            jj.at[pl.ds(0, G)], jbig.at[pl.ds(0, G)], semi).wait()

    def drain_scatters(p):
        pltpu.make_async_copy(
            xh.at[c].at[pl.ds(0, GB)], bis[p], semss[p]).wait()
        pltpu.make_async_copy(
            xh.at[c].at[pl.ds(0, GB)], bjs[p], semss[p]).wait()

    def do_group(g, p, ph, drain):
        bi = bis[p]
        bj = bjs[p]
        sems = semss[p]
        if drain:
            drain_scatters(p)
        wait_idx_load()
        gds = []
        for t in range(G):
            r = ph * G + t
            gds.append(pltpu.async_copy(
                xh.at[c].at[jbig.at[r]], bi.at[pl.ds(t * B, B)], semg))
            gds.append(pltpu.async_copy(
                xh.at[c].at[ibig.at[r]], bj.at[pl.ds(t * B, B)], semg))
        fire_idx_load(g + 2, (ph + 2) % 4)
        for t in range(G):
            r = ph * G + t
            gds[2 * t].wait()
            gds[2 * t + 1].wait()
            pltpu.async_copy(
                bi.at[pl.ds(t * B, B)], acc.at[ibig.at[r]], sems, add=True)
            pltpu.async_copy(
                bj.at[pl.ds(t * B, B)], acc.at[jbig.at[r]], sems, add=True)

    fire_idx_load(0, 0)
    fire_idx_load(1, 1)
    do_group(0, 0, 0, drain=False)
    do_group(1, 1, 1, drain=False)

    def body(m, carry):
        g = 2 + m * 4
        for b in range(4):
            do_group(g + b, b % 2, (2 + b) % 4, drain=True)
        return carry

    lax.fori_loop(0, NQ, body, 0)

    drain_scatters(0)
    drain_scatters(1)
    wait_idx_load()
    wait_idx_load()
    plsc.subcore_barrier()

    def wb_body(k, carry):
        row0 = s * RPT + k * WB
        ca = pltpu.async_copy(acc.at[pl.ds(row0, WB)], bi0.at[pl.ds(0, WB)],
                              semi)
        cx = pltpu.async_copy(xh.at[c].at[pl.ds(row0, WB)],
                              bj0.at[pl.ds(0, WB)], semg)
        ca.wait()
        cx.wait()

        def comp(q, carry2):
            r0 = q * 8
            for u in range(8):
                r = r0 + u
                a = bi0[r, :]
                bi0[r, :] = bj0[r, :] * a[12] - a
            return carry2

        lax.fori_loop(0, WB // 8, comp, 0)
        co = pltpu.async_copy(bi0.at[pl.ds(0, WB)],
                              out.at[c, pl.ds(row0, WB)], sems0)
        co.wait()
        return carry

    lax.fori_loop(0, NWB, wb_body, 0)


def kernel(x, iInd, jInd):
    nb, f1, f2, n = x.shape
    feats = f1 * f2
    half = feats // 2
    xT = x.reshape(feats, n).T
    ones = jnp.ones((n, 1), jnp.float32)
    zpad = jnp.zeros((n, DH - half - 1), jnp.float32)
    xa = jnp.concatenate([xT[:, :half], ones, zpad], axis=1)
    xb = jnp.concatenate([xT[:, half:], ones, zpad], axis=1)
    xh = jnp.pad(jnp.stack([xa, xb]), ((0, 0), (0, NP - n), (0, 0)))
    ii2 = iInd.astype(jnp.int32).reshape(E // B, B)
    jj2 = jInd.astype(jnp.int32).reshape(E // B, B)
    out2 = _vector_graph_sc(xh, ii2, jj2)
    o = jnp.concatenate([out2[0, :n, :half], out2[1, :n, :half]], axis=1)
    return o.T.reshape(nb, f1, f2, n)

# --- scband reference (transcript-rebuilt; emitter-appended) ---
"""Pipeline reference for scband-vector-graph-8358006358517 (READ-ONLY COPY).

The authoritative reference and input builder live on the scoring server;
editing this copy changes nothing except your own understanding.
"""

import jax, jax.numpy as jnp
import numpy as np


def setup_inputs(seed: int = 0) -> dict:
    key = jax.random.key(seed)
    k1, k2, k3 = jax.random.split(key, 3)
    x = jax.random.normal(k1, (1, 8, 3, 100000), dtype=jnp.float32)
    iInd = jax.random.randint(k2, (1600000,), 0, 100000, dtype=jnp.int64 if jax.config.jax_enable_x64 else jnp.int32)
    jInd = jax.random.randint(k3, (1600000,), 0, 100000, dtype=jnp.int64 if jax.config.jax_enable_x64 else jnp.int32)
    return {"x": x, "iInd": iInd, "jInd": jInd}


def reference(x, iInd, jInd):
    # vectorGraph.nodeLap(x) with scalar weight W = 1.0:
    #   g = nodeGrad(x) = W * (x[..., iInd] - x[..., jInd])      (gather)
    #   d = edgeDiv(g):  zeros.index_add_(3, iInd, W*g); index_add_(3, jInd, -W*g)  (scatter-add)
    W = jnp.float32(1.0)
    nnodes = x.shape[3]
    # nodeGrad: gather along node axis
    g = W * (x[:, :, :, iInd] - x[:, :, :, jInd])
    # edgeDiv: scatter-add along node axis
    out = jnp.zeros((g.shape[0], g.shape[1], 3, nnodes), dtype=g.dtype)
    out = out.at[:, :, :, iInd].add(W * g)
    out = out.at[:, :, :, jInd].add(-W * g)
    return out

if __name__ == "__main__":
    import jax
    _d = setup_inputs()
    print(jax.jit(kernel)(*tuple(_d.values())))

</pallas_src>

<mosaic_0001>
#map = affine_map<(d0, d1) -> (0, 0, 0)>
#map1 = affine_map<(d0, d1) -> (0, 0)>
module attributes {stable_mosaic.version = 14 : i64} {
  func.func @_vector_graph_sc(%arg0: i32, %arg1: i32, %arg2: memref<2x100096x16xf32, #tpu.memory_space<hbm>>, %arg3: memref<20000x80xi32, #tpu.memory_space<hbm>>, %arg4: memref<20000x80xi32, #tpu.memory_space<hbm>>, %arg5: memref<2x100096x16xf32, #tpu.memory_space<hbm>>, %arg6: memref<20x80xi32, #tpu.memory_space<vmem>>, %arg7: memref<20x80xi32, #tpu.memory_space<vmem>>, %arg8: memref<400x16xf32, #tpu.memory_space<vmem>>, %arg9: memref<400x16xf32, #tpu.memory_space<vmem>>, %arg10: memref<400x16xf32, #tpu.memory_space<vmem>>, %arg11: memref<400x16xf32, #tpu.memory_space<vmem>>, %arg12: memref<100096x16xf32, #tpu.memory_space<vmem_shared>>, %arg13: memref<!tpu.dma_semaphore, #tpu.memory_space<semaphore_mem>>, %arg14: memref<!tpu.dma_semaphore, #tpu.memory_space<semaphore_mem>>, %arg15: memref<!tpu.dma_semaphore, #tpu.memory_space<semaphore_mem>>, %arg16: memref<!tpu.dma_semaphore, #tpu.memory_space<semaphore_mem>>) attributes {dimension_semantics = [#tpu.dimension_semantics<core_parallel>, #tpu.dimension_semantics<subcore_parallel>], iteration_bounds = array<i64: 2, 16>, scalar_prefetch = 0 : i64, scratch_operands = 11 : i64, tpu.core_type = #tpu.core_type<sc_vector_subcore>, window_params = [{transform_indices = #map}, {transform_indices = #map1}, {transform_indices = #map1}, {transform_indices = #map}]} {
    %broadcast_in_dim3A = arith.constant 0.000000e+00 : f32
    %broadcast_in_dim3A_0 = vector.broadcast %broadcast_in_dim3A : f32 to vector<16xf32>
    %scan3A = arith.constant 0 : i32
    %scan3A_1 = arith.constant 0 : i32
    %scan3A_2 = arith.constant 46 : i32
    %scan3A_3 = arith.addi %scan3A_1, %scan3A_2 : i32
    %scan3A_4 = arith.constant 1 : i32
    scf.for %scan3A_1036 = %scan3A_1 to %scan3A_3 step %scan3A_4  : i32 {
      %mul3A_1037 = arith.constant 8 : i32
      %mul3A_1038 = arith.muli %scan3A_1036, %mul3A_1037 : i32
      %add3A_1039 = arith.constant 0 : i32
      %add3A_1040 = arith.addi %mul3A_1038, %add3A_1039 : i32
      %swap3A = arith.index_cast %add3A_1040 : i32 to index
      %swap3A_1041 = arith.constant 0 : index
      %swap3A_1042 = tpu.vector_load %arg8[%swap3A, %swap3A_1041] {strides = array<i32>} : memref<400x16xf32, #tpu.memory_space<vmem>>, vector<1x16xf32>,
      %swap3A_1043 = vector.shape_cast %swap3A_1042 : vector<1x16xf32> to vector<16xf32>
      %swap3A_1044 = vector.shape_cast %broadcast_in_dim3A_0 : vector<16xf32> to vector<1x16xf32>
      tpu.vector_store %arg8[%swap3A, %swap3A_1041], %swap3A_1044 {strides = array<i32>} : memref<400x16xf32, #tpu.memory_space<vmem>>, vector<1x16xf32>,
      %add3A_1045 = arith.constant 1 : i32
      %add3A_1046 = arith.addi %mul3A_1038, %add3A_1045 : i32
      %swap3A_1047 = arith.index_cast %add3A_1046 : i32 to index
      %swap3A_1048 = arith.constant 0 : index
      %swap3A_1049 = tpu.vector_load %arg8[%swap3A_1047, %swap3A_1048] {strides = array<i32>} : memref<400x16xf32, #tpu.memory_space<vmem>>, vector<1x16xf32>,
      %swap3A_1050 = vector.shape_cast %swap3A_1049 : vector<1x16xf32> to vector<16xf32>
      %swap3A_1051 = vector.shape_cast %broadcast_in_dim3A_0 : vector<16xf32> to vector<1x16xf32>
      tpu.vector_store %arg8[%swap3A_1047, %swap3A_1048], %swap3A_1051 {strides = array<i32>} : memref<400x16xf32, #tpu.memory_space<vmem>>, vector<1x16xf32>,
      %add3A_1052 = arith.constant 2 : i32
      %add3A_1053 = arith.addi %mul3A_1038, %add3A_1052 : i32
      %swap3A_1054 = arith.index_cast %add3A_1053 : i32 to index
      %swap3A_1055 = arith.constant 0 : index
      %swap3A_1056 = tpu.vector_load %arg8[%swap3A_1054, %swap3A_1055] {strides = array<i32>} : memref<400x16xf32, #tpu.memory_space<vmem>>, vector<1x16xf32>,
      %swap3A_1057 = vector.shape_cast %swap3A_1056 : vector<1x16xf32> to vector<16xf32>
      %swap3A_1058 = vector.shape_cast %broadcast_in_dim3A_0 : vector<16xf32> to vector<1x16xf32>
      tpu.vector_store %arg8[%swap3A_1054, %swap3A_1055], %swap3A_1058 {strides = array<i32>} : memref<400x16xf32, #tpu.memory_space<vmem>>, vector<1x16xf32>,
      %add3A_1059 = arith.constant 3 : i32
      %add3A_1060 = arith.addi %mul3A_1038, %add3A_1059 : i32
      %swap3A_1061 = arith.index_cast %add3A_1060 : i32 to index
      %swap3A_1062 = arith.constant 0 : index
      %swap3A_1063 = tpu.vector_load %arg8[%swap3A_1061, %swap3A_1062] {strides = array<i32>} : memref<400x16xf32, #tpu.memory_space<vmem>>, vector<1x16xf32>,
      %swap3A_1064 = vector.shape_cast %swap3A_1063 : vector<1x16xf32> to vector<16xf32>
      %swap3A_1065 = vector.shape_cast %broadcast_in_dim3A_0 : vector<16xf32> to vector<1x16xf32>
      tpu.vector_store %arg8[%swap3A_1061, %swap3A_1062], %swap3A_1065 {strides = array<i32>} : memref<400x16xf32, #tpu.memory_space<vmem>>, vector<1x16xf32>,
      %add3A_1066 = arith.constant 4 : i32
      %add3A_1067 = arith.addi %mul3A_1038, %add3A_1066 : i32
      %swap3A_1068 = arith.index_cast %add3A_1067 : i32 to index
      %swap3A_1069 = arith.constant 0 : index
      %swap3A_1070 = tpu.vector_load %arg8[%swap3A_1068, %swap3A_1069] {strides = array<i32>} : memref<400x16xf32, #tpu.memory_space<vmem>>, vector<1x16xf32>,
      %swap3A_1071 = vector.shape_cast %swap3A_1070 : vector<1x16xf32> to vector<16xf32>
      %swap3A_1072 = vector.shape_cast %broadcast_in_dim3A_0 : vector<16xf32> to vector<1x16xf32>
      tpu.vector_store %arg8[%swap3A_1068, %swap3A_1069], %swap3A_1072 {strides = array<i32>} : memref<400x16xf32, #tpu.memory_space<vmem>>, vector<1x16xf32>,
      %add3A_1073 = arith.constant 5 : i32
      %add3A_1074 = arith.addi %mul3A_1038, %add3A_1073 : i32
      %swap3A_1075 = arith.index_cast %add3A_1074 : i32 to index
      %swap3A_1076 = arith.constant 0 : index
      %swap3A_1077 = tpu.vector_load %arg8[%swap3A_1075, %swap3A_1076] {strides = array<i32>} : memref<400x16xf32, #tpu.memory_space<vmem>>, vector<1x16xf32>,
      %swap3A_1078 = vector.shape_cast %swap3A_1077 : vector<1x16xf32> to vector<16xf32>
      %swap3A_1079 = vector.shape_cast %broadcast_in_dim3A_0 : vector<16xf32> to vector<1x16xf32>
      tpu.vector_store %arg8[%swap3A_1075, %swap3A_1076], %swap3A_1079 {strides = array<i32>} : memref<400x16xf32, #tpu.memory_space<vmem>>, vector<1x16xf32>,
      %add3A_1080 = arith.constant 6 : i32
      %add3A_1081 = arith.addi %mul3A_1038, %add3A_1080 : i32
      %swap3A_1082 = arith.index_cast %add3A_1081 : i32 to index
      %swap3A_1083 = arith.constant 0 : index
      %swap3A_1084 = tpu.vector_load %arg8[%swap3A_1082, %swap3A_1083] {strides = array<i32>} : memref<400x16xf32, #tpu.memory_space<vmem>>, vector<1x16xf32>,
      %swap3A_1085 = vector.shape_cast %swap3A_1084 : vector<1x16xf32> to vector<16xf32>
      %swap3A_1086 = vector.shape_cast %broadcast_in_dim3A_0 : vector<16xf32> to vector<1x16xf32>
      tpu.vector_store %arg8[%swap3A_1082, %swap3A_1083], %swap3A_1086 {strides = array<i32>} : memref<400x16xf32, #tpu.memory_space<vmem>>, vector<1x16xf32>,
      %add3A_1087 = arith.constant 7 : i32
      %add3A_1088 = arith.addi %mul3A_1038, %add3A_1087 : i32
      %swap3A_1089 = arith.index_cast %add3A_1088 : i32 to index
      %swap3A_1090 = arith.constant 0 : index
      %swap3A_1091 = tpu.vector_load %arg8[%swap3A_1089, %swap3A_1090] {strides = array<i32>} : memref<400x16xf32, #tpu.memory_space<vmem>>, vector<1x16xf32>,
      %swap3A_1092 = vector.shape_cast %swap3A_1091 : vector<1x16xf32> to vector<16xf32>
      %swap3A_1093 = vector.shape_cast %broadcast_in_dim3A_0 : vector<16xf32> to vector<1x16xf32>
      tpu.vector_store %arg8[%swap3A_1089, %swap3A_1090], %swap3A_1093 {strides = array<i32>} : memref<400x16xf32, #tpu.memory_space<vmem>>, vector<1x16xf32>,
    }
    %scan3A_5 = arith.constant 46 : i32
    %scan3A_6 = arith.constant 0 : i32
    %scan3A_7 = arith.constant 0 : i32
    %scan3A_8 = arith.constant 17 : i32
    %scan3A_9 = arith.addi %scan3A_7, %scan3A_8 : i32
    %scan3A_10 = arith.constant 1 : i32
    scf.for %scan3A_1036 = %scan3A_7 to %scan3A_9 step %scan3A_10  : i32 {
      %mul3A_1037 = arith.constant 6256 : i32
      %mul3A_1038 = arith.muli %arg1, %mul3A_1037 : i32
      %mul3A_1039 = arith.constant 368 : i32
      %mul3A_1040 = arith.muli %scan3A_1036, %mul3A_1039 : i32
      %add3A_1041 = arith.addi %mul3A_1038, %mul3A_1040 : i32
      "tpu.region"() ({
        %run_scoped3A = tpu.sem_alloc : memref<!tpu.dma_semaphore, #tpu.memory_space<semaphore_mem>>
        %dma_start3A_1042 = arith.constant 0 : i32
        %dma_start3A_1043 = arith.constant 0 : i32
        %dma_start3A_1044 = tpu.memref_slice %arg8[%dma_start3A_1042, %dma_start3A_1043] : memref<400x16xf32, #tpu.memory_space<vmem>> -> memref<368x16xf32, #tpu.memory_space<vmem>>
        %dma_start3A_1045 = arith.constant 0 : i32
        %dma_start3A_1046 = tpu.memref_slice %arg12[%add3A_1041, %dma_start3A_1045] : memref<100096x16xf32, #tpu.memory_space<vmem_shared>> -> memref<368x16xf32, #tpu.memory_space<vmem_shared>>
        %dma_start3A_1047 = arith.constant 0 : i32
        %dma_start3A_1048 = tpu.memref_slice %arg12[%add3A_1041, %dma_start3A_1047] : memref<100096x16xf32, #tpu.memory_space<vmem_shared>> -> memref<368x16xf32, #tpu.memory_space<vmem_shared>>
        %dma_start3A_1049 = arith.constant 0 : i32
        %dma_start3A_1050 = arith.constant 0 : i32
        %dma_start3A_1051 = tpu.memref_slice %arg8[%dma_start3A_1049, %dma_start3A_1050] : memref<400x16xf32, #tpu.memory_space<vmem>> -> memref<368x16xf32, #tpu.memory_space<vmem>>
        tpu.enqueue_dma source(%dma_start3A_1051 : memref<368x16xf32, #tpu.memory_space<vmem>>) target(%dma_start3A_1048 : memref<368x16xf32, #tpu.memory_space<vmem_shared>>) target_semaphore(%run_scoped3A : memref<!tpu.dma_semaphore, #tpu.memory_space<semaphore_mem>>)
        %dma_wait3A_1052 = arith.constant 0 : i32
        %dma_wait3A_1053 = arith.constant 0 : i32
        %dma_wait3A_1054 = tpu.memref_slice %arg8[%dma_wait3A_1052, %dma_wait3A_1053] : memref<400x16xf32, #tpu.memory_space<vmem>> -> memref<368x16xf32, #tpu.memory_space<vmem>>
        %dma_wait3A_1055 = arith.constant 0 : i32
        %dma_wait3A_1056 = tpu.memref_slice %arg12[%add3A_1041, %dma_wait3A_1055] : memref<100096x16xf32, #tpu.memory_space<vmem_shared>> -> memref<368x16xf32, #tpu.memory_space<vmem_shared>>
        %dma_wait3A_1057 = arith.constant 0 : i32
        %dma_wait3A_1058 = tpu.memref_slice %arg12[%add3A_1041, %dma_wait3A_1057] : memref<100096x16xf32, #tpu.memory_space<vmem_shared>> -> memref<368x16xf32, #tpu.memory_space<vmem_shared>>
        %dma_wait3A_1059 = arith.constant 0 : i32
        %dma_wait3A_1060 = arith.constant 0 : i32
        %dma_wait3A_1061 = tpu.memref_slice %arg8[%dma_wait3A_1059, %dma_wait3A_1060] : memref<400x16xf32, #tpu.memory_space<vmem>> -> memref<368x16xf32, #tpu.memory_space<vmem>>
        tpu.wait_dma2 semaphore(%run_scoped3A : memref<!tpu.dma_semaphore, #tpu.memory_space<semaphore_mem>>) src(%dma_wait3A_1061 : memref<368x16xf32, #tpu.memory_space<vmem>>) dst(%dma_wait3A_1058 : memref<368x16xf32, #tpu.memory_space<vmem_shared>>)
        tpu.yield
      }) : () -> ()
    }
    %scan3A_11 = arith.constant 17 : i32
    %barrier3A = arith.constant 0 : index
    tpu.barrier barrier_id(%barrier3A)
    %mul3A = arith.constant 1250 : i32
    %mul3A_12 = arith.muli %arg1, %mul3A : i32
    %add3A = arith.constant 0 : i32
    %add3A_13 = arith.addi %mul3A_12, %add3A : i32
    %min3A = arith.constant 19995 : i32
    %min3A_14 = arith.minsi %add3A_13, %min3A : i32
    %dma_start3A = arith.constant 0 : i32
    %dma_start3A_15 = arith.constant 0 : i32
    %dma_start3A_16 = tpu.memref_slice %arg6[%dma_start3A, %dma_start3A_15] : memref<20x80xi32, #tpu.memory_space<vmem>> -> memref<5x80xi32, #tpu.memory_space<vmem>>
    %dma_start3A_17 = arith.constant 0 : i32
    %dma_start3A_18 = tpu.memref_slice %arg3[%min3A_14, %dma_start3A_17] : memref<20000x80xi32, #tpu.memory_space<hbm>> -> memref<5x80xi32, #tpu.memory_space<hbm>>
    %dma_start3A_19 = arith.constant 0 : i32
    %dma_start3A_20 = arith.constant 0 : i32
    %dma_start3A_21 = tpu.memref_slice %arg6[%dma_start3A_19, %dma_start3A_20] : memref<20x80xi32, #tpu.memory_space<vmem>> -> memref<5x80xi32, #tpu.memory_space<vmem>>
    %dma_start3A_22 = arith.constant 0 : i32
    %dma_start3A_23 = tpu.memref_slice %arg3[%min3A_14, %dma_start3A_22] : memref<20000x80xi32, #tpu.memory_space<hbm>> -> memref<5x80xi32, #tpu.memory_space<hbm>>
    tpu.enqueue_dma source(%dma_start3A_23 : memref<5x80xi32, #tpu.memory_space<hbm>>) target(%dma_start3A_21 : memref<5x80xi32, #tpu.memory_space<vmem>>) target_semaphore(%arg13 : memref<!tpu.dma_semaphore, #tpu.memory_space<semaphore_mem>>)
    %dma_start3A_24 = arith.constant 0 : i32
    %dma_start3A_25 = arith.constant 0 : i32
    %dma_start3A_26 = tpu.memref_slice %arg7[%dma_start3A_24, %dma_start3A_25] : memref<20x80xi32, #tpu.memory_space<vmem>> -> memref<5x80xi32, #tpu.memory_space<vmem>>
    %dma_start3A_27 = arith.constant 0 : i32
    %dma_start3A_28 = tpu.memref_slice %arg4[%min3A_14, %dma_start3A_27] : memref<20000x80xi32, #tpu.memory_space<hbm>> -> memref<5x80xi32, #tpu.memory_space<hbm>>
    %dma_start3A_29 = arith.constant 0 : i32
    %dma_start3A_30 = arith.constant 0 : i32
    %dma_start3A_31 = tpu.memref_slice %arg7[%dma_start3A_29, %dma_start3A_30] : memref<20x80xi32, #tpu.memory_space<vmem>> -> memref<5x80xi32, #tpu.memory_space<vmem>>
    %dma_start3A_32 = arith.constant 0 : i32
    %dma_start3A_33 = tpu.memref_slice %arg4[%min3A_14, %dma_start3A_32] : memref<20000x80xi32, #tpu.memory_space<hbm>> -> memref<5x80xi32, #tpu.memory_space<hbm>>
    tpu.enqueue_dma source(%dma_start3A_33 : memref<5x80xi32, #tpu.memory_space<hbm>>) target(%dma_start3A_31 : memref<5x80xi32, #tpu.memory_space<vmem>>) target_semaphore(%arg13 : memref<!tpu.dma_semaphore, #tpu.memory_space<semaphore_mem>>)
    %mul3A_34 = arith.constant 1250 : i32
    %mul3A_35 = arith.muli %arg1, %mul3A_34 : i32
    %add3A_36 = arith.constant 5 : i32
    %add3A_37 = arith.addi %mul3A_35, %add3A_36 : i32
    %min3A_38 = arith.constant 19995 : i32
    %min3A_39 = arith.minsi %add3A_37, %min3A_38 : i32
    %dma_start3A_40 = arith.constant 5 : i32
    %dma_start3A_41 = arith.constant 0 : i32
    %dma_start3A_42 = tpu.memref_slice %arg6[%dma_start3A_40, %dma_start3A_41] : memref<20x80xi32, #tpu.memory_space<vmem>> -> memref<5x80xi32, #tpu.memory_space<vmem>>
    %dma_start3A_43 = arith.constant 0 : i32
    %dma_start3A_44 = tpu.memref_slice %arg3[%min3A_39, %dma_start3A_43] : memref<20000x80xi32, #tpu.memory_space<hbm>> -> memref<5x80xi32, #tpu.memory_space<hbm>>
    %dma_start3A_45 = arith.constant 5 : i32
    %dma_start3A_46 = arith.constant 0 : i32
    %dma_start3A_47 = tpu.memref_slice %arg6[%dma_start3A_45, %dma_start3A_46] : memref<20x80xi32, #tpu.memory_space<vmem>> -> memref<5x80xi32, #tpu.memory_space<vmem>>
    %dma_start3A_48 = arith.constant 0 : i32
    %dma_start3A_49 = tpu.memref_slice %arg3[%min3A_39, %dma_start3A_48] : memref<20000x80xi32, #tpu.memory_space<hbm>> -> memref<5x80xi32, #tpu.memory_space<hbm>>
    tpu.enqueue_dma source(%dma_start3A_49 : memref<5x80xi32, #tpu.memory_space<hbm>>) target(%dma_start3A_47 : memref<5x80xi32, #tpu.memory_space<vmem>>) target_semaphore(%arg13 : memref<!tpu.dma_semaphore, #tpu.memory_space<semaphore_mem>>)
    %dma_start3A_50 = arith.constant 5 : i32
    %dma_start3A_51 = arith.constant 0 : i32
    %dma_start3A_52 = tpu.memref_slice %arg7[%dma_start3A_50, %dma_start3A_51] : memref<20x80xi32, #tpu.memory_space<vmem>> -> memref<5x80xi32, #tpu.memory_space<vmem>>
    %dma_start3A_53 = arith.constant 0 : i32
    %dma_start3A_54 = tpu.memref_slice %arg4[%min3A_39, %dma_start3A_53] : memref<20000x80xi32, #tpu.memory_space<hbm>> -> memref<5x80xi32, #tpu.memory_space<hbm>>
    %dma_start3A_55 = arith.constant 5 : i32
    %dma_start3A_56 = arith.constant 0 : i32
    %dma_start3A_57 = tpu.memref_slice %arg7[%dma_start3A_55, %dma_start3A_56] : memref<20x80xi32, #tpu.memory_space<vmem>> -> memref<5x80xi32, #tpu.memory_space<vmem>>
    %dma_start3A_58 = arith.constant 0 : i32
    %dma_start3A_59 = tpu.memref_slice %arg4[%min3A_39, %dma_start3A_58] : memref<20000x80xi32, #tpu.memory_space<hbm>> -> memref<5x80xi32, #tpu.memory_space<hbm>>
    tpu.enqueue_dma source(%dma_start3A_59 : memref<5x80xi32, #tpu.memory_space<hbm>>) target(%dma_start3A_57 : memref<5x80xi32, #tpu.memory_space<vmem>>) target_semaphore(%arg13 : memref<!tpu.dma_semaphore, #tpu.memory_space<semaphore_mem>>)
    %dma_wait3A = arith.constant 0 : i32
    %dma_wait3A_60 = arith.constant 0 : i32
    %dma_wait3A_61 = tpu.memref_slice %arg6[%dma_wait3A, %dma_wait3A_60] : memref<20x80xi32, #tpu.memory_space<vmem>> -> memref<5x80xi32, #tpu.memory_space<vmem>>
    %dma_wait3A_62 = arith.constant 0 : i32
    %dma_wait3A_63 = arith.constant 0 : i32
    %dma_wait3A_64 = tpu.memref_slice %arg3[%dma_wait3A_62, %dma_wait3A_63] : memref<20000x80xi32, #tpu.memory_space<hbm>> -> memref<5x80xi32, #tpu.memory_space<hbm>>
    %dma_wait3A_65 = arith.constant 0 : i32
    %dma_wait3A_66 = arith.constant 0 : i32
    %dma_wait3A_67 = tpu.memref_slice %arg6[%dma_wait3A_65, %dma_wait3A_66] : memref<20x80xi32, #tpu.memory_space<vmem>> -> memref<5x80xi32, #tpu.memory_space<vmem>>
    %dma_wait3A_68 = arith.constant 0 : i32
    %dma_wait3A_69 = arith.constant 0 : i32
    %dma_wait3A_70 = tpu.memref_slice %arg3[%dma_wait3A_68, %dma_wait3A_69] : memref<20000x80xi32, #tpu.memory_space<hbm>> -> memref<5x80xi32, #tpu.memory_space<hbm>>
    tpu.wait_dma2 semaphore(%arg13 : memref<!tpu.dma_semaphore, #tpu.memory_space<semaphore_mem>>) src(%dma_wait3A_70 : memref<5x80xi32, #tpu.memory_space<hbm>>) dst(%dma_wait3A_67 : memref<5x80xi32, #tpu.memory_space<vmem>>)
    %dma_wait3A_71 = arith.constant 0 : i32
    %dma_wait3A_72 = arith.constant 0 : i32
    %dma_wait3A_73 = tpu.memref_slice %arg7[%dma_wait3A_71, %dma_wait3A_72] : memref<20x80xi32, #tpu.memory_space<vmem>> -> memref<5x80xi32, #tpu.memory_space<vmem>>
    %dma_wait3A_74 = arith.constant 0 : i32
    %dma_wait3A_75 = arith.constant 0 : i32
    %dma_wait3A_76 = tpu.memref_slice %arg4[%dma_wait3A_74, %dma_wait3A_75] : memref<20000x80xi32, #tpu.memory_space<hbm>> -> memref<5x80xi32, #tpu.memory_space<hbm>>
    %dma_wait3A_77 = arith.constant 0 : i32
    %dma_wait3A_78 = arith.constant 0 : i32
    %dma_wait3A_79 = tpu.memref_slice %arg7[%dma_wait3A_77, %dma_wait3A_78] : memref<20x80xi32, #tpu.memory_space<vmem>> -> memref<5x80xi32, #tpu.memory_space<vmem>>
    %dma_wait3A_80 = arith.constant 0 : i32
    %dma_wait3A_81 = arith.constant 0 : i32
    %dma_wait3A_82 = tpu.memref_slice %arg4[%dma_wait3A_80, %dma_wait3A_81] : memref<20000x80xi32, #tpu.memory_space<hbm>> -> memref<5x80xi32, #tpu.memory_space<hbm>>
    tpu.wait_dma2 semaphore(%arg13 : memref<!tpu.dma_semaphore, #tpu.memory_space<semaphore_mem>>) src(%dma_wait3A_82 : memref<5x80xi32, #tpu.memory_space<hbm>>) dst(%dma_wait3A_79 : memref<5x80xi32, #tpu.memory_space<vmem>>)
    %dma_start3A_83 = arith.constant 0 : i32
    %dma_start3A_84 = arith.constant 0 : i32
    %dma_start3A_85 = arith.constant 0 : i32
    %dma_start3A_86 = tpu.memref_slice %arg8[%dma_start3A_84, %dma_start3A_85] : memref<400x16xf32, #tpu.memory_space<vmem>> -> memref<80x16xf32, #tpu.memory_space<vmem>>
    %dma_start3A_87 = arith.constant 0 : i32
    %dma_start3A_88 = tpu.memref_slice %arg7[%dma_start3A_83, %dma_start3A_87] : memref<20x80xi32, #tpu.memory_space<vmem>> -> memref<1x80xi32, #tpu.memory_space<vmem>>
    %dma_start3A_89 = tpu.memref_squeeze %dma_start3A_88 : memref<1x80xi32, #tpu.memory_space<vmem>> -> memref<80xi32, #tpu.memory_space<vmem>>
    %dma_start3A_90 = arith.constant 0 : i32
    %dma_start3A_91 = arith.constant 0 : i32
    %dma_start3A_92 = tpu.memref_slice %arg2[%arg0, %dma_start3A_90, %dma_start3A_91] : memref<2x100096x16xf32, #tpu.memory_space<hbm>> -> memref<1x100096x16xf32, #tpu.memory_space<hbm>>
    %dma_start3A_93 = tpu.memref_squeeze %dma_start3A_92 : memref<1x100096x16xf32, #tpu.memory_space<hbm>> -> memref<100096x16xf32, #tpu.memory_space<hbm>>
    %dma_start3A_94 = arith.constant 0 : i32
    %dma_start3A_95 = arith.constant 0 : i32
    %dma_start3A_96 = tpu.memref_slice %dma_start3A_93[%dma_start3A_94, %dma_start3A_95] : memref<100096x16xf32, #tpu.memory_space<hbm>> -> memref<100096x16xf32, #tpu.memory_space<hbm>>
    tpu.enqueue_indirect_dma source(%dma_start3A_96 : memref<100096x16xf32, #tpu.memory_space<hbm>>) target(%dma_start3A_86 : memref<80x16xf32, #tpu.memory_space<vmem>>) offsets(%dma_start3A_89 : memref<80xi32, #tpu.memory_space<vmem>>) semaphore(%arg14 : memref<!tpu.dma_semaphore, #tpu.memory_space<semaphore_mem>>)
    %dma_start3A_97 = arith.constant 0 : i32
    %dma_start3A_98 = arith.constant 0 : i32
    %dma_start3A_99 = arith.constant 0 : i32
    %dma_start3A_100 = tpu.memref_slice %arg10[%dma_start3A_98, %dma_start3A_99] : memref<400x16xf32, #tpu.memory_space<vmem>> -> memref<80x16xf32, #tpu.memory_space<vmem>>
    %dma_start3A_101 = arith.constant 0 : i32
    %dma_start3A_102 = tpu.memref_slice %arg6[%dma_start3A_97, %dma_start3A_101] : memref<20x80xi32, #tpu.memory_space<vmem>> -> memref<1x80xi32, #tpu.memory_space<vmem>>
    %dma_start3A_103 = tpu.memref_squeeze %dma_start3A_102 : memref<1x80xi32, #tpu.memory_space<vmem>> -> memref<80xi32, #tpu.memory_space<vmem>>
    %dma_start3A_104 = arith.constant 0 : i32
    %dma_start3A_105 = arith.constant 0 : i32
    %dma_start3A_106 = tpu.memref_slice %arg2[%arg0, %dma_start3A_104, %dma_start3A_105] : memref<2x100096x16xf32, #tpu.memory_space<hbm>> -> memref<1x100096x16xf32, #tpu.memory_space<hbm>>
    %dma_start3A_107 = tpu.memref_squeeze %dma_start3A_106 : memref<1x100096x16xf32, #tpu.memory_space<hbm>> -> memref<100096x16xf32, #tpu.memory_space<hbm>>
    %dma_start3A_108 = arith.constant 0 : i32
    %dma_start3A_109 = arith.constant 0 : i32
    %dma_start3A_110 = tpu.memref_slice %dma_start3A_107[%dma_start3A_108, %dma_start3A_109] : memref<100096x16xf32, #tpu.memory_space<hbm>> -> memref<100096x16xf32, #tpu.memory_space<hbm>>
    tpu.enqueue_indirect_dma source(%dma_start3A_110 : memref<100096x16xf32, #tpu.memory_space<hbm>>) target(%dma_start3A_100 : memref<80x16xf32, #tpu.memory_space<vmem>>) offsets(%dma_start3A_103 : memref<80xi32, #tpu.memory_space<vmem>>) semaphore(%arg14 : memref<!tpu.dma_semaphore, #tpu.memory_space<semaphore_mem>>)
    %dma_start3A_111 = arith.constant 1 : i32
    %dma_start3A_112 = arith.constant 80 : i32
    %dma_start3A_113 = arith.constant 0 : i32
    %dma_start3A_114 = tpu.memref_slice %arg8[%dma_start3A_112, %dma_start3A_113] : memref<400x16xf32, #tpu.memory_space<vmem>> -> memref<80x16xf32, #tpu.memory_space<vmem>>
    %dma_start3A_115 = arith.constant 0 : i32
    %dma_start3A_116 = tpu.memref_slice %arg7[%dma_start3A_111, %dma_start3A_115] : memref<20x80xi32, #tpu.memory_space<vmem>> -> memref<1x80xi32, #tpu.memory_space<vmem>>
    %dma_start3A_117 = tpu.memref_squeeze %dma_start3A_116 : memref<1x80xi32, #tpu.memory_space<vmem>> -> memref<80xi32, #tpu.memory_space<vmem>>
    %dma_start3A_118 = arith.constant 0 : i32
    %dma_start3A_119 = arith.constant 0 : i32
    %dma_start3A_120 = tpu.memref_slice %arg2[%arg0, %dma_start3A_118, %dma_start3A_119] : memref<2x100096x16xf32, #tpu.memory_space<hbm>> -> memref<1x100096x16xf32, #tpu.memory_space<hbm>>
    %dma_start3A_121 = tpu.memref_squeeze %dma_start3A_120 : memref<1x100096x16xf32, #tpu.memory_space<hbm>> -> memref<100096x16xf32, #tpu.memory_space<hbm>>
    %dma_start3A_122 = arith.constant 0 : i32
    %dma_start3A_123 = arith.constant 0 : i32
    %dma_start3A_124 = tpu.memref_slice %dma_start3A_121[%dma_start3A_122, %dma_start3A_123] : memref<100096x16xf32, #tpu.memory_space<hbm>> -> memref<100096x16xf32, #tpu.memory_space<hbm>>
    tpu.enqueue_indirect_dma source(%dma_start3A_124 : memref<100096x16xf32, #tpu.memory_space<hbm>>) target(%dma_start3A_114 : memref<80x16xf32, #tpu.memory_space<vmem>>) offsets(%dma_start3A_117 : memref<80xi32, #tpu.memory_space<vmem>>) semaphore(%arg14 : memref<!tpu.dma_semaphore, #tpu.memory_space<semaphore_mem>>)
    %dma_start3A_125 = arith.constant 1 : i32
    %dma_start3A_126 = arith.constant 80 : i32
    %dma_start3A_127 = arith.constant 0 : i32
    %dma_start3A_128 = tpu.memref_slice %arg10[%dma_start3A_126, %dma_start3A_127] : memref<400x16xf32, #tpu.memory_space<vmem>> -> memref<80x16xf32, #tpu.memory_space<vmem>>
    %dma_start3A_129 = arith.constant 0 : i32
    %dma_start3A_130 = tpu.memref_slice %arg6[%dma_start3A_125, %dma_start3A_129] : memref<20x80xi32, #tpu.memory_space<vmem>> -> memref<1x80xi32, #tpu.memory_space<vmem>>
    %dma_start3A_131 = tpu.memref_squeeze %dma_start3A_130 : memref<1x80xi32, #tpu.memory_space<vmem>> -> memref<80xi32, #tpu.memory_space<vmem>>
    %dma_start3A_132 = arith.constant 0 : i32
    %dma_start3A_133 = arith.constant 0 : i32
    %dma_start3A_134 = tpu.memref_slice %arg2[%arg0, %dma_start3A_132, %dma_start3A_133] : memref<2x100096x16xf32, #tpu.memory_space<hbm>> -> memref<1x100096x16xf32, #tpu.memory_space<hbm>>
    %dma_start3A_135 = tpu.memref_squeeze %dma_start3A_134 : memref<1x100096x16xf32, #tpu.memory_space<hbm>> -> memref<100096x16xf32, #tpu.memory_space<hbm>>
    %dma_start3A_136 = arith.constant 0 : i32
    %dma_start3A_137 = arith.constant 0 : i32
    %dma_start3A_138 = tpu.memref_slice %dma_start3A_135[%dma_start3A_136, %dma_start3A_137] : memref<100096x16xf32, #tpu.memory_space<hbm>> -> memref<100096x16xf32, #tpu.memory_space<hbm>>
    tpu.enqueue_indirect_dma source(%dma_start3A_138 : memref<100096x16xf32, #tpu.memory_space<hbm>>) target(%dma_start3A_128 : memref<80x16xf32, #tpu.memory_space<vmem>>) offsets(%dma_start3A_131 : memref<80xi32, #tpu.memory_space<vmem>>) semaphore(%arg14 : memref<!tpu.dma_semaphore, #tpu.memory_space<semaphore_mem>>)
    %dma_start3A_139 = arith.constant 2 : i32
    %dma_start3A_140 = arith.constant 160 : i32
    %dma_start3A_141 = arith.constant 0 : i32
    %dma_start3A_142 = tpu.memref_slice %arg8[%dma_start3A_140, %dma_start3A_141] : memref<400x16xf32, #tpu.memory_space<vmem>> -> memref<80x16xf32, #tpu.memory_space<vmem>>
    %dma_start3A_143 = arith.constant 0 : i32
    %dma_start3A_144 = tpu.memref_slice %arg7[%dma_start3A_139, %dma_start3A_143] : memref<20x80xi32, #tpu.memory_space<vmem>> -> memref<1x80xi32, #tpu.memory_space<vmem>>
    %dma_start3A_145 = tpu.memref_squeeze %dma_start3A_144 : memref<1x80xi32, #tpu.memory_space<vmem>> -> memref<80xi32, #tpu.memory_space<vmem>>
    %dma_start3A_146 = arith.constant 0 : i32
    %dma_start3A_147 = arith.constant 0 : i32
    %dma_start3A_148 = tpu.memref_slice %arg2[%arg0, %dma_start3A_146, %dma_start3A_147] : memref<2x100096x16xf32, #tpu.memory_space<hbm>> -> memref<1x100096x16xf32, #tpu.memory_space<hbm>>
    %dma_start3A_149 = tpu.memref_squeeze %dma_start3A_148 : memref<1x100096x16xf32, #tpu.memory_space<hbm>> -> memref<100096x16xf32, #tpu.memory_space<hbm>>
    %dma_start3A_150 = arith.constant 0 : i32
    %dma_start3A_151 = arith.constant 0 : i32
    %dma_start3A_152 = tpu.memref_slice %dma_start3A_149[%dma_start3A_150, %dma_start3A_151] : memref<100096x16xf32, #tpu.memory_space<hbm>> -> memref<100096x16xf32, #tpu.memory_space<hbm>>
    tpu.enqueue_indirect_dma source(%dma_start3A_152 : memref<100096x16xf32, #tpu.memory_space<hbm>>) target(%dma_start3A_142 : memref<80x16xf32, #tpu.memory_space<vmem>>) offsets(%dma_start3A_145 : memref<80xi32, #tpu.memory_space<vmem>>) semaphore(%arg14 : memref<!tpu.dma_semaphore, #tpu.memory_space<semaphore_mem>>)
    %dma_start3A_153 = arith.constant 2 : i32
    %dma_start3A_154 = arith.constant 160 : i32
    %dma_start3A_155 = arith.constant 0 : i32
    %dma_start3A_156 = tpu.memref_slice %arg10[%dma_start3A_154, %dma_start3A_155] : memref<400x16xf32, #tpu.memory_space<vmem>> -> memref<80x16xf32, #tpu.memory_space<vmem>>
    %dma_start3A_157 = arith.constant 0 : i32
    %dma_start3A_158 = tpu.memref_slice %arg6[%dma_start3A_153, %dma_start3A_157] : memref<20x80xi32, #tpu.memory_space<vmem>> -> memref<1x80xi32, #tpu.memory_space<vmem>>
    %dma_start3A_159 = tpu.memref_squeeze %dma_start3A_158 : memref<1x80xi32, #tpu.memory_space<vmem>> -> memref<80xi32, #tpu.memory_space<vmem>>
    %dma_start3A_160 = arith.constant 0 : i32
    %dma_start3A_161 = arith.constant 0 : i32
    %dma_start3A_162 = tpu.memref_slice %arg2[%arg0, %dma_start3A_160, %dma_start3A_161] : memref<2x100096x16xf32, #tpu.memory_space<hbm>> -> memref<1x100096x16xf32, #tpu.memory_space<hbm>>
    %dma_start3A_163 = tpu.memref_squeeze %dma_start3A_162 : memref<1x100096x16xf32, #tpu.memory_space<hbm>> -> memref<100096x16xf32, #tpu.memory_space<hbm>>
    %dma_start3A_164 = arith.constant 0 : i32
    %dma_start3A_165 = arith.constant 0 : i32
    %dma_start3A_166 = tpu.memref_slice %dma_start3A_163[%dma_start3A_164, %dma_start3A_165] : memref<100096x16xf32, #tpu.memory_space<hbm>> -> memref<100096x16xf32, #tpu.memory_space<hbm>>
    tpu.enqueue_indirect_dma source(%dma_start3A_166 : memref<100096x16xf32, #tpu.memory_space<hbm>>) target(%dma_start3A_156 : memref<80x16xf32, #tpu.memory_space<vmem>>) offsets(%dma_start3A_159 : memref<80xi32, #tpu.memory_space<vmem>>) semaphore(%arg14 : memref<!tpu.dma_semaphore, #tpu.memory_space<semaphore_mem>>)
    %dma_start3A_167 = arith.constant 3 : i32
    %dma_start3A_168 = arith.constant 240 : i32
    %dma_start3A_169 = arith.constant 0 : i32
    %dma_start3A_170 = tpu.memref_slice %arg8[%dma_start3A_168, %dma_start3A_169] : memref<400x16xf32, #tpu.memory_space<vmem>> -> memref<80x16xf32, #tpu.memory_space<vmem>>
    %dma_start3A_171 = arith.constant 0 : i32
    %dma_start3A_172 = tpu.memref_slice %arg7[%dma_start3A_167, %dma_start3A_171] : memref<20x80xi32, #tpu.memory_space<vmem>> -> memref<1x80xi32, #tpu.memory_space<vmem>>
    %dma_start3A_173 = tpu.memref_squeeze %dma_start3A_172 : memref<1x80xi32, #tpu.memory_space<vmem>> -> memref<80xi32, #tpu.memory_space<vmem>>
    %dma_start3A_174 = arith.constant 0 : i32
    %dma_start3A_175 = arith.constant 0 : i32
    %dma_start3A_176 = tpu.memref_slice %arg2[%arg0, %dma_start3A_174, %dma_start3A_175] : memref<2x100096x16xf32, #tpu.memory_space<hbm>> -> memref<1x100096x16xf32, #tpu.memory_space<hbm>>
    %dma_start3A_177 = tpu.memref_squeeze %dma_start3A_176 : memref<1x100096x16xf32, #tpu.memory_space<hbm>> -> memref<100096x16xf32, #tpu.memory_space<hbm>>
    %dma_start3A_178 = arith.constant 0 : i32
    %dma_start3A_179 = arith.constant 0 : i32
    %dma_start3A_180 = tpu.memref_slice %dma_start3A_177[%dma_start3A_178, %dma_start3A_179] : memref<100096x16xf32, #tpu.memory_space<hbm>> -> memref<100096x16xf32, #tpu.memory_space<hbm>>
    tpu.enqueue_indirect_dma source(%dma_start3A_180 : memref<100096x16xf32, #tpu.memory_space<hbm>>) target(%dma_start3A_170 : memref<80x16xf32, #tpu.memory_space<vmem>>) offsets(%dma_start3A_173 : memref<80xi32, #tpu.memory_space<vmem>>) semaphore(%arg14 : memref<!tpu.dma_semaphore, #tpu.memory_space<semaphore_mem>>)
    %dma_start3A_181 = arith.constant 3 : i32
    %dma_start3A_182 = arith.constant 240 : i32
    %dma_start3A_183 = arith.constant 0 : i32
    %dma_start3A_184 = tpu.memref_slice %arg10[%dma_start3A_182, %dma_start3A_183] : memref<400x16xf32, #tpu.memory_space<vmem>> -> memref<80x16xf32, #tpu.memory_space<vmem>>
    %dma_start3A_185 = arith.constant 0 : i32
    %dma_start3A_186 = tpu.memref_slice %arg6[%dma_start3A_181, %dma_start3A_185] : memref<20x80xi32, #tpu.memory_space<vmem>> -> memref<1x80xi32, #tpu.memory_space<vmem>>
    %dma_start3A_187 = tpu.memref_squeeze %dma_start3A_186 : memref<1x80xi32, #tpu.memory_space<vmem>> -> memref<80xi32, #tpu.memory_space<vmem>>
    %dma_start3A_188 = arith.constant 0 : i32
    %dma_start3A_189 = arith.constant 0 : i32
    %dma_start3A_190 = tpu.memref_slice %arg2[%arg0, %dma_start3A_188, %dma_start3A_189] : memref<2x100096x16xf32, #tpu.memory_space<hbm>> -> memref<1x100096x16xf32, #tpu.memory_space<hbm>>
    %dma_start3A_191 = tpu.memref_squeeze %dma_start3A_190 : memref<1x100096x16xf32, #tpu.memory_space<hbm>> -> memref<100096x16xf32, #tpu.memory_space<hbm>>
    %dma_start3A_192 = arith.constant 0 : i32
    %dma_start3A_193 = arith.constant 0 : i32
    %dma_start3A_194 = tpu.memref_slice %dma_start3A_191[%dma_start3A_192, %dma_start3A_193] : memref<100096x16xf32, #tpu.memory_space<hbm>> -> memref<100096x16xf32, #tpu.memory_space<hbm>>
    tpu.enqueue_indirect_dma source(%dma_start3A_194 : memref<100096x16xf32, #tpu.memory_space<hbm>>) target(%dma_start3A_184 : memref<80x16xf32, #tpu.memory_space<vmem>>) offsets(%dma_start3A_187 : memref<80xi32, #tpu.memory_space<vmem>>) semaphore(%arg14 : memref<!tpu.dma_semaphore, #tpu.memory_space<semaphore_mem>>)
    %dma_start3A_195 = arith.constant 4 : i32
    %dma_start3A_196 = arith.constant 320 : i32
    %dma_start3A_197 = arith.constant 0 : i32
    %dma_start3A_198 = tpu.memref_slice %arg8[%dma_start3A_196, %dma_start3A_197] : memref<400x16xf32, #tpu.memory_space<vmem>> -> memref<80x16xf32, #tpu.memory_space<vmem>>
    %dma_start3A_199 = arith.constant 0 : i32
    %dma_start3A_200 = tpu.memref_slice %arg7[%dma_start3A_195, %dma_start3A_199] : memref<20x80xi32, #tpu.memory_space<vmem>> -> memref<1x80xi32, #tpu.memory_space<vmem>>
    %dma_start3A_201 = tpu.memref_squeeze %dma_start3A_200 : memref<1x80xi32, #tpu.memory_space<vmem>> -> memref<80xi32, #tpu.memory_space<vmem>>
    %dma_start3A_202 = arith.constant 0 : i32
    %dma_start3A_203 = arith.constant 0 : i32
    %dma_start3A_204 = tpu.memref_slice %arg2[%arg0, %dma_start3A_202, %dma_start3A_203] : memref<2x100096x16xf32, #tpu.memory_space<hbm>> -> memref<1x100096x16xf32, #tpu.memory_space<hbm>>
    %dma_start3A_205 = tpu.memref_squeeze %dma_start3A_204 : memref<1x100096x16xf32, #tpu.memory_space<hbm>> -> memref<100096x16xf32, #tpu.memory_space<hbm>>
    %dma_start3A_206 = arith.constant 0 : i32
    %dma_start3A_207 = arith.constant 0 : i32
    %dma_start3A_208 = tpu.memref_slice %dma_start3A_205[%dma_start3A_206, %dma_start3A_207] : memref<100096x16xf32, #tpu.memory_space<hbm>> -> memref<100096x16xf32, #tpu.memory_space<hbm>>
    tpu.enqueue_indirect_dma source(%dma_start3A_208 : memref<100096x16xf32, #tpu.memory_space<hbm>>) target(%dma_start3A_198 : memref<80x16xf32, #tpu.memory_space<vmem>>) offsets(%dma_start3A_201 : memref<80xi32, #tpu.memory_space<vmem>>) semaphore(%arg14 : memref<!tpu.dma_semaphore, #tpu.memory_space<semaphore_mem>>)
    %dma_start3A_209 = arith.constant 4 : i32
    %dma_start3A_210 = arith.constant 320 : i32
    %dma_start3A_211 = arith.constant 0 : i32
    %dma_start3A_212 = tpu.memref_slice %arg10[%dma_start3A_210, %dma_start3A_211] : memref<400x16xf32, #tpu.memory_space<vmem>> -> memref<80x16xf32, #tpu.memory_space<vmem>>
    %dma_start3A_213 = arith.constant 0 : i32
    %dma_start3A_214 = tpu.memref_slice %arg6[%dma_start3A_209, %dma_start3A_213] : memref<20x80xi32, #tpu.memory_space<vmem>> -> memref<1x80xi32, #tpu.memory_space<vmem>>
    %dma_start3A_215 = tpu.memref_squeeze %dma_start3A_214 : memref<1x80xi32, #tpu.memory_space<vmem>> -> memref<80xi32, #tpu.memory_space<vmem>>
    %dma_start3A_216 = arith.constant 0 : i32
    %dma_start3A_217 = arith.constant 0 : i32
    %dma_start3A_218 = tpu.memref_slice %arg2[%arg0, %dma_start3A_216, %dma_start3A_217] : memref<2x100096x16xf32, #tpu.memory_space<hbm>> -> memref<1x100096x16xf32, #tpu.memory_space<hbm>>
    %dma_start3A_219 = tpu.memref_squeeze %dma_start3A_218 : memref<1x100096x16xf32, #tpu.memory_space<hbm>> -> memref<100096x16xf32, #tpu.memory_space<hbm>>
    %dma_start3A_220 = arith.constant 0 : i32
    %dma_start3A_221 = arith.constant 0 : i32
    %dma_start3A_222 = tpu.memref_slice %dma_start3A_219[%dma_start3A_220, %dma_start3A_221] : memref<100096x16xf32, #tpu.memory_space<hbm>> -> memref<100096x16xf32, #tpu.memory_space<hbm>>
    tpu.enqueue_indirect_dma source(%dma_start3A_222 : memref<100096x16xf32, #tpu.memory_space<hbm>>) target(%dma_start3A_212 : memref<80x16xf32, #tpu.memory_space<vmem>>) offsets(%dma_start3A_215 : memref<80xi32, #tpu.memory_space<vmem>>) semaphore(%arg14 : memref<!tpu.dma_semaphore, #tpu.memory_space<semaphore_mem>>)
    %mul3A_223 = arith.constant 1250 : i32
    %mul3A_224 = arith.muli %arg1, %mul3A_223 : i32
    %add3A_225 = arith.constant 10 : i32
    %add3A_226 = arith.addi %mul3A_224, %add3A_225 : i32
    %min3A_227 = arith.constant 19995 : i32
    %min3A_228 = arith.minsi %add3A_226, %min3A_227 : i32
    %dma_start3A_229 = arith.constant 10 : i32
    %dma_start3A_230 = arith.constant 0 : i32
    %dma_start3A_231 = tpu.memref_slice %arg6[%dma_start3A_229, %dma_start3A_230] : memref<20x80xi32, #tpu.memory_space<vmem>> -> memref<5x80xi32, #tpu.memory_space<vmem>>
    %dma_start3A_232 = arith.constant 0 : i32
    %dma_start3A_233 = tpu.memref_slice %arg3[%min3A_228, %dma_start3A_232] : memref<20000x80xi32, #tpu.memory_space<hbm>> -> memref<5x80xi32, #tpu.memory_space<hbm>>
    %dma_start3A_234 = arith.constant 10 : i32
    %dma_start3A_235 = arith.constant 0 : i32
    %dma_start3A_236 = tpu.memref_slice %arg6[%dma_start3A_234, %dma_start3A_235] : memref<20x80xi32, #tpu.memory_space<vmem>> -> memref<5x80xi32, #tpu.memory_space<vmem>>
    %dma_start3A_237 = arith.constant 0 : i32
    %dma_start3A_238 = tpu.memref_slice %arg3[%min3A_228, %dma_start3A_237] : memref<20000x80xi32, #tpu.memory_space<hbm>> -> memref<5x80xi32, #tpu.memory_space<hbm>>
    tpu.enqueue_dma source(%dma_start3A_238 : memref<5x80xi32, #tpu.memory_space<hbm>>) target(%dma_start3A_236 : memref<5x80xi32, #tpu.memory_space<vmem>>) target_semaphore(%arg13 : memref<!tpu.dma_semaphore, #tpu.memory_space<semaphore_mem>>)
    %dma_start3A_239 = arith.constant 10 : i32
    %dma_start3A_240 = arith.constant 0 : i32
    %dma_start3A_241 = tpu.memref_slice %arg7[%dma_start3A_239, %dma_start3A_240] : memref<20x80xi32, #tpu.memory_space<vmem>> -> memref<5x80xi32, #tpu.memory_space<vmem>>
    %dma_start3A_242 = arith.constant 0 : i32
    %dma_start3A_243 = tpu.memref_slice %arg4[%min3A_228, %dma_start3A_242] : memref<20000x80xi32, #tpu.memory_space<hbm>> -> memref<5x80xi32, #tpu.memory_space<hbm>>
    %dma_start3A_244 = arith.constant 10 : i32
    %dma_start3A_245 = arith.constant 0 : i32
    %dma_start3A_246 = tpu.memref_slice %arg7[%dma_start3A_244, %dma_start3A_245] : memref<20x80xi32, #tpu.memory_space<vmem>> -> memref<5x80xi32, #tpu.memory_space<vmem>>
    %dma_start3A_247 = arith.constant 0 : i32
    %dma_start3A_248 = tpu.memref_slice %arg4[%min3A_228, %dma_start3A_247] : memref<20000x80xi32, #tpu.memory_space<hbm>> -> memref<5x80xi32, #tpu.memory_space<hbm>>
    tpu.enqueue_dma source(%dma_start3A_248 : memref<5x80xi32, #tpu.memory_space<hbm>>) target(%dma_start3A_246 : memref<5x80xi32, #tpu.memory_space<vmem>>) target_semaphore(%arg13 : memref<!tpu.dma_semaphore, #tpu.memory_space<semaphore_mem>>)
    %dma_wait3A_249 = arith.constant 0 : i32
    %dma_wait3A_250 = arith.constant 0 : i32
    %dma_wait3A_251 = arith.constant 0 : i32
    %dma_wait3A_252 = tpu.memref_slice %arg8[%dma_wait3A_250, %dma_wait3A_251] : memref<400x16xf32, #tpu.memory_space<vmem>> -> memref<80x16xf32, #tpu.memory_space<vmem>>
    %dma_wait3A_253 = arith.constant 0 : i32
    %dma_wait3A_254 = tpu.memref_slice %arg7[%dma_wait3A_249, %dma_wait3A_253] : memref<20x80xi32, #tpu.memory_space<vmem>> -> memref<1x80xi32, #tpu.memory_space<vmem>>
    %dma_wait3A_255 = tpu.memref_squeeze %dma_wait3A_254 : memref<1x80xi32, #tpu.memory_space<vmem>> -> memref<80xi32, #tpu.memory_space<vmem>>
    %dma_wait3A_256 = arith.constant 0 : i32
    %dma_wait3A_257 = arith.constant 0 : i32
    %dma_wait3A_258 = tpu.memref_slice %arg2[%arg0, %dma_wait3A_256, %dma_wait3A_257] : memref<2x100096x16xf32, #tpu.memory_space<hbm>> -> memref<1x100096x16xf32, #tpu.memory_space<hbm>>
    %dma_wait3A_259 = tpu.memref_squeeze %dma_wait3A_258 : memref<1x100096x16xf32, #tpu.memory_space<hbm>> -> memref<100096x16xf32, #tpu.memory_space<hbm>>
    %dma_wait3A_260 = arith.constant 0 : i32
    %dma_wait3A_261 = arith.constant 0 : i32
    %dma_wait3A_262 = tpu.memref_slice %dma_wait3A_259[%dma_wait3A_260, %dma_wait3A_261] : memref<100096x16xf32, #tpu.memory_space<hbm>> -> memref<100096x16xf32, #tpu.memory_space<hbm>>
    tpu.wait_indirect_dma semaphore(%arg14 : memref<!tpu.dma_semaphore, #tpu.memory_space<semaphore_mem>>) src(%dma_wait3A_262 : memref<100096x16xf32, #tpu.memory_space<hbm>>) dst(%dma_wait3A_252 : memref<80x16xf32, #tpu.memory_space<vmem>>)
    %dma_wait3A_263 = arith.constant 0 : i32
    %dma_wait3A_264 = arith.constant 0 : i32
    %dma_wait3A_265 = arith.constant 0 : i32
    %dma_wait3A_266 = tpu.memref_slice %arg10[%dma_wait3A_264, %dma_wait3A_265] : memref<400x16xf32, #tpu.memory_space<vmem>> -> memref<80x16xf32, #tpu.memory_space<vmem>>
    %dma_wait3A_267 = arith.constant 0 : i32
    %dma_wait3A_268 = tpu.memref_slice %arg6[%dma_wait3A_263, %dma_wait3A_267] : memref<20x80xi32, #tpu.memory_space<vmem>> -> memref<1x80xi32, #tpu.memory_space<vmem>>
    %dma_wait3A_269 = tpu.memref_squeeze %dma_wait3A_268 : memref<1x80xi32, #tpu.memory_space<vmem>> -> memref<80xi32, #tpu.memory_space<vmem>>
    %dma_wait3A_270 = arith.constant 0 : i32
    %dma_wait3A_271 = arith.constant 0 : i32
    %dma_wait3A_272 = tpu.memref_slice %arg2[%arg0, %dma_wait3A_270, %dma_wait3A_271] : memref<2x100096x16xf32, #tpu.memory_space<hbm>> -> memref<1x100096x16xf32, #tpu.memory_space<hbm>>
    %dma_wait3A_273 = tpu.memref_squeeze %dma_wait3A_272 : memref<1x100096x16xf32, #tpu.memory_space<hbm>> -> memref<100096x16xf32, #tpu.memory_space<hbm>>
    %dma_wait3A_274 = arith.constant 0 : i32
    %dma_wait3A_275 = arith.constant 0 : i32
    %dma_wait3A_276 = tpu.memref_slice %dma_wait3A_273[%dma_wait3A_274, %dma_wait3A_275] : memref<100096x16xf32, #tpu.memory_space<hbm>> -> memref<100096x16xf32, #tpu.memory_space<hbm>>
    tpu.wait_indirect_dma semaphore(%arg14 : memref<!tpu.dma_semaphore, #tpu.memory_space<semaphore_mem>>) src(%dma_wait3A_276 : memref<100096x16xf32, #tpu.memory_space<hbm>>) dst(%dma_wait3A_266 : memref<80x16xf32, #tpu.memory_space<vmem>>)
    %dma_start3A_277 = arith.constant 0 : i32
    %dma_start3A_278 = arith.constant 0 : i32
    %dma_start3A_279 = arith.constant 0 : i32
    %dma_start3A_280 = tpu.memref_slice %arg8[%dma_start3A_278, %dma_start3A_279] : memref<400x16xf32, #tpu.memory_space<vmem>> -> memref<80x16xf32, #tpu.memory_space<vmem>>
    %dma_start3A_281 = arith.constant 0 : i32
    %dma_start3A_282 = tpu.memref_slice %arg6[%dma_start3A_277, %dma_start3A_281] : memref<20x80xi32, #tpu.memory_space<vmem>> -> memref<1x80xi32, #tpu.memory_space<vmem>>
    %dma_start3A_283 = tpu.memref_squeeze %dma_start3A_282 : memref<1x80xi32, #tpu.memory_space<vmem>> -> memref<80xi32, #tpu.memory_space<vmem>>
    %dma_start3A_284 = arith.constant 0 : i32
    %dma_start3A_285 = arith.constant 0 : i32
    %dma_start3A_286 = tpu.memref_slice %arg12[%dma_start3A_284, %dma_start3A_285] : memref<100096x16xf32, #tpu.memory_space<vmem_shared>> -> memref<100096x16xf32, #tpu.memory_space<vmem_shared>>
    tpu.enqueue_indirect_dma source(%dma_start3A_280 : memref<80x16xf32, #tpu.memory_space<vmem>>) target(%dma_start3A_286 : memref<100096x16xf32, #tpu.memory_space<vmem_shared>>) offsets(%dma_start3A_283 : memref<80xi32, #tpu.memory_space<vmem>>) semaphore(%arg15 : memref<!tpu.dma_semaphore, #tpu.memory_space<semaphore_mem>>) {add = true}
    %dma_start3A_287 = arith.constant 0 : i32
    %dma_start3A_288 = arith.constant 0 : i32
    %dma_start3A_289 = arith.constant 0 : i32
    %dma_start3A_290 = tpu.memref_slice %arg10[%dma_start3A_288, %dma_start3A_289] : memref<400x16xf32, #tpu.memory_space<vmem>> -> memref<80x16xf32, #tpu.memory_space<vmem>>
    %dma_start3A_291 = arith.constant 0 : i32
    %dma_start3A_292 = tpu.memref_slice %arg7[%dma_start3A_287, %dma_start3A_291] : memref<20x80xi32, #tpu.memory_space<vmem>> -> memref<1x80xi32, #tpu.memory_space<vmem>>
    %dma_start3A_293 = tpu.memref_squeeze %dma_start3A_292 : memref<1x80xi32, #tpu.memory_space<vmem>> -> memref<80xi32, #tpu.memory_space<vmem>>
    %dma_start3A_294 = arith.constant 0 : i32
    %dma_start3A_295 = arith.constant 0 : i32
    %dma_start3A_296 = tpu.memref_slice %arg12[%dma_start3A_294, %dma_start3A_295] : memref<100096x16xf32, #tpu.memory_space<vmem_shared>> -> memref<100096x16xf32, #tpu.memory_space<vmem_shared>>
    tpu.enqueue_indirect_dma source(%dma_start3A_290 : memref<80x16xf32, #tpu.memory_space<vmem>>) target(%dma_start3A_296 : memref<100096x16xf32, #tpu.memory_space<vmem_shared>>) offsets(%dma_start3A_293 : memref<80xi32, #tpu.memory_space<vmem>>) semaphore(%arg15 : memref<!tpu.dma_semaphore, #tpu.memory_space<semaphore_mem>>) {add = true}
    %dma_wait3A_297 = arith.constant 1 : i32
    %dma_wait3A_298 = arith.constant 80 : i32
    %dma_wait3A_299 = arith.constant 0 : i32
    %dma_wait3A_300 = tpu.memref_slice %arg8[%dma_wait3A_298, %dma_wait3A_299] : memref<400x16xf32, #tpu.memory_space<vmem>> -> memref<80x16xf32, #tpu.memory_space<vmem>>
    %dma_wait3A_301 = arith.constant 0 : i32
    %dma_wait3A_302 = tpu.memref_slice %arg7[%dma_wait3A_297, %dma_wait3A_301] : memref<20x80xi32, #tpu.memory_space<vmem>> -> memref<1x80xi32, #tpu.memory_space<vmem>>
    %dma_wait3A_303 = tpu.memref_squeeze %dma_wait3A_302 : memref<1x80xi32, #tpu.memory_space<vmem>> -> memref<80xi32, #tpu.memory_space<vmem>>
    %dma_wait3A_304 = arith.constant 0 : i32
    %dma_wait3A_305 = arith.constant 0 : i32
    %dma_wait3A_306 = tpu.memref_slice %arg2[%arg0, %dma_wait3A_304, %dma_wait3A_305] : memref<2x100096x16xf32, #tpu.memory_space<hbm>> -> memref<1x100096x16xf32, #tpu.memory_space<hbm>>
    %dma_wait3A_307 = tpu.memref_squeeze %dma_wait3A_306 : memref<1x100096x16xf32, #tpu.memory_space<hbm>> -> memref<100096x16xf32, #tpu.memory_space<hbm>>
    %dma_wait3A_308 = arith.constant 0 : i32
    %dma_wait3A_309 = arith.constant 0 : i32
    %dma_wait3A_310 = tpu.memref_slice %dma_wait3A_307[%dma_wait3A_308, %dma_wait3A_309] : memref<100096x16xf32, #tpu.memory_space<hbm>> -> memref<100096x16xf32, #tpu.memory_space<hbm>>
    tpu.wait_indirect_dma semaphore(%arg14 : memref<!tpu.dma_semaphore, #tpu.memory_space<semaphore_mem>>) src(%dma_wait3A_310 : memref<100096x16xf32, #tpu.memory_space<hbm>>) dst(%dma_wait3A_300 : memref<80x16xf32, #tpu.memory_space<vmem>>)
    %dma_wait3A_311 = arith.constant 1 : i32
    %dma_wait3A_312 = arith.constant 80 : i32
    %dma_wait3A_313 = arith.constant 0 : i32
    %dma_wait3A_314 = tpu.memref_slice %arg10[%dma_wait3A_312, %dma_wait3A_313] : memref<400x16xf32, #tpu.memory_space<vmem>> -> memref<80x16xf32, #tpu.memory_space<vmem>>
    %dma_wait3A_315 = arith.constant 0 : i32
    %dma_wait3A_316 = tpu.memref_slice %arg6[%dma_wait3A_311, %dma_wait3A_315] : memref<20x80xi32, #tpu.memory_space<vmem>> -> memref<1x80xi32, #tpu.memory_space<vmem>>
    %dma_wait3A_317 = tpu.memref_squeeze %dma_wait3A_316 : memref<1x80xi32, #tpu.memory_space<vmem>> -> memref<80xi32, #tpu.memory_space<vmem>>
    %dma_wait3A_318 = arith.constant 0 : i32
    %dma_wait3A_319 = arith.constant 0 : i32
    %dma_wait3A_320 = tpu.memref_slice %arg2[%arg0, %dma_wait3A_318, %dma_wait3A_319] : memref<2x100096x16xf32, #tpu.memory_space<hbm>> -> memref<1x100096x16xf32, #tpu.memory_space<hbm>>
    %dma_wait3A_321 = tpu.memref_squeeze %dma_wait3A_320 : memref<1x100096x16xf32, #tpu.memory_space<hbm>> -> memref<100096x16xf32, #tpu.memory_space<hbm>>
    %dma_wait3A_322 = arith.constant 0 : i32
    %dma_wait3A_323 = arith.constant 0 : i32
    %dma_wait3A_324 = tpu.memref_slice %dma_wait3A_321[%dma_wait3A_322, %dma_wait3A_323] : memref<100096x16xf32, #tpu.memory_space<hbm>> -> memref<100096x16xf32, #tpu.memory_space<hbm>>
    tpu.wait_indirect_dma semaphore(%arg14 : memref<!tpu.dma_semaphore, #tpu.memory_space<semaphore_mem>>) src(%dma_wait3A_324 : memref<100096x16xf32, #tpu.memory_space<hbm>>) dst(%dma_wait3A_314 : memref<80x16xf32, #tpu.memory_space<vmem>>)
    %dma_start3A_325 = arith.constant 1 : i32
    %dma_start3A_326 = arith.constant 80 : i32
    %dma_start3A_327 = arith.constant 0 : i32
    %dma_start3A_328 = tpu.memref_slice %arg8[%dma_start3A_326, %dma_start3A_327] : memref<400x16xf32, #tpu.memory_space<vmem>> -> memref<80x16xf32, #tpu.memory_space<vmem>>
    %dma_start3A_329 = arith.constant 0 : i32
    %dma_start3A_330 = tpu.memref_slice %arg6[%dma_start3A_325, %dma_start3A_329] : memref<20x80xi32, #tpu.memory_space<vmem>> -> memref<1x80xi32, #tpu.memory_space<vmem>>
    %dma_start3A_331 = tpu.memref_squeeze %dma_start3A_330 : memref<1x80xi32, #tpu.memory_space<vmem>> -> memref<80xi32, #tpu.memory_space<vmem>>
    %dma_start3A_332 = arith.constant 0 : i32
    %dma_start3A_333 = arith.constant 0 : i32
    %dma_start3A_334 = tpu.memref_slice %arg12[%dma_start3A_332, %dma_start3A_333] : memref<100096x16xf32, #tpu.memory_space<vmem_shared>> -> memref<100096x16xf32, #tpu.memory_space<vmem_shared>>
    tpu.enqueue_indirect_dma source(%dma_start3A_328 : memref<80x16xf32, #tpu.memory_space<vmem>>) target(%dma_start3A_334 : memref<100096x16xf32, #tpu.memory_space<vmem_shared>>) offsets(%dma_start3A_331 : memref<80xi32, #tpu.memory_space<vmem>>) semaphore(%arg15 : memref<!tpu.dma_semaphore, #tpu.memory_space<semaphore_mem>>) {add = true}
    %dma_start3A_335 = arith.constant 1 : i32
    %dma_start3A_336 = arith.constant 80 : i32
    %dma_start3A_337 = arith.constant 0 : i32
    %dma_start3A_338 = tpu.memref_slice %arg10[%dma_start3A_336, %dma_start3A_337] : memref<400x16xf32, #tpu.memory_space<vmem>> -> memref<80x16xf32, #tpu.memory_space<vmem>>
    %dma_start3A_339 = arith.constant 0 : i32
    %dma_start3A_340 = tpu.memref_slice %arg7[%dma_start3A_335, %dma_start3A_339] : memref<20x80xi32, #tpu.memory_space<vmem>> -> memref<1x80xi32, #tpu.memory_space<vmem>>
    %dma_start3A_341 = tpu.memref_squeeze %dma_start3A_340 : memref<1x80xi32, #tpu.memory_space<vmem>> -> memref<80xi32, #tpu.memory_space<vmem>>
    %dma_start3A_342 = arith.constant 0 : i32
    %dma_start3A_343 = arith.constant 0 : i32
    %dma_start3A_344 = tpu.memref_slice %arg12[%dma_start3A_342, %dma_start3A_343] : memref<100096x16xf32, #tpu.memory_space<vmem_shared>> -> memref<100096x16xf32, #tpu.memory_space<vmem_shared>>
    tpu.enqueue_indirect_dma source(%dma_start3A_338 : memref<80x16xf32, #tpu.memory_space<vmem>>) target(%dma_start3A_344 : memref<100096x16xf32, #tpu.memory_space<vmem_shared>>) offsets(%dma_start3A_341 : memref<80xi32, #tpu.memory_space<vmem>>) semaphore(%arg15 : memref<!tpu.dma_semaphore, #tpu.memory_space<semaphore_mem>>) {add = true}
    %dma_wait3A_345 = arith.constant 2 : i32
    %dma_wait3A_346 = arith.constant 160 : i32
    %dma_wait3A_347 = arith.constant 0 : i32
    %dma_wait3A_348 = tpu.memref_slice %arg8[%dma_wait3A_346, %dma_wait3A_347] : memref<400x16xf32, #tpu.memory_space<vmem>> -> memref<80x16xf32, #tpu.memory_space<vmem>>
    %dma_wait3A_349 = arith.constant 0 : i32
    %dma_wait3A_350 = tpu.memref_slice %arg7[%dma_wait3A_345, %dma_wait3A_349] : memref<20x80xi32, #tpu.memory_space<vmem>> -> memref<1x80xi32, #tpu.memory_space<vmem>>
    %dma_wait3A_351 = tpu.memref_squeeze %dma_wait3A_350 : memref<1x80xi32, #tpu.memory_space<vmem>> -> memref<80xi32, #tpu.memory_space<vmem>>
    %dma_wait3A_352 = arith.constant 0 : i32
    %dma_wait3A_353 = arith.constant 0 : i32
    %dma_wait3A_354 = tpu.memref_slice %arg2[%arg0, %dma_wait3A_352, %dma_wait3A_353] : memref<2x100096x16xf32, #tpu.memory_space<hbm>> -> memref<1x100096x16xf32, #tpu.memory_space<hbm>>
    %dma_wait3A_355 = tpu.memref_squeeze %dma_wait3A_354 : memref<1x100096x16xf32, #tpu.memory_space<hbm>> -> memref<100096x16xf32, #tpu.memory_space<hbm>>
    %dma_wait3A_356 = arith.constant 0 : i32
    %dma_wait3A_357 = arith.constant 0 : i32
    %dma_wait3A_358 = tpu.memref_slice %dma_wait3A_355[%dma_wait3A_356, %dma_wait3A_357] : memref<100096x16xf32, #tpu.memory_space<hbm>> -> memref<100096x16xf32, #tpu.memory_space<hbm>>
    tpu.wait_indirect_dma semaphore(%arg14 : memref<!tpu.dma_semaphore, #tpu.memory_space<semaphore_mem>>) src(%dma_wait3A_358 : memref<100096x16xf32, #tpu.memory_space<hbm>>) dst(%dma_wait3A_348 : memref<80x16xf32, #tpu.memory_space<vmem>>)
    %dma_wait3A_359 = arith.constant 2 : i32
    %dma_wait3A_360 = arith.constant 160 : i32
    %dma_wait3A_361 = arith.constant 0 : i32
    %dma_wait3A_362 = tpu.memref_slice %arg10[%dma_wait3A_360, %dma_wait3A_361] : memref<400x16xf32, #tpu.memory_space<vmem>> -> memref<80x16xf32, #tpu.memory_space<vmem>>
    %dma_wait3A_363 = arith.constant 0 : i32
    %dma_wait3A_364 = tpu.memref_slice %arg6[%dma_wait3A_359, %dma_wait3A_363] : memref<20x80xi32, #tpu.memory_space<vmem>> -> memref<1x80xi32, #tpu.memory_space<vmem>>
    %dma_wait3A_365 = tpu.memref_squeeze %dma_wait3A_364 : memref<1x80xi32, #tpu.memory_space<vmem>> -> memref<80xi32, #tpu.memory_space<vmem>>
    %dma_wait3A_366 = arith.constant 0 : i32
    %dma_wait3A_367 = arith.constant 0 : i32
    %dma_wait3A_368 = tpu.memref_slice %arg2[%arg0, %dma_wait3A_366, %dma_wait3A_367] : memref<2x100096x16xf32, #tpu.memory_space<hbm>> -> memref<1x100096x16xf32, #tpu.memory_space<hbm>>
    %dma_wait3A_369 = tpu.memref_squeeze %dma_wait3A_368 : memref<1x100096x16xf32, #tpu.memory_space<hbm>> -> memref<100096x16xf32, #tpu.memory_space<hbm>>
    %dma_wait3A_370 = arith.constant 0 : i32
    %dma_wait3A_371 = arith.constant 0 : i32
    %dma_wait3A_372 = tpu.memref_slice %dma_wait3A_369[%dma_wait3A_370, %dma_wait3A_371] : memref<100096x16xf32, #tpu.memory_space<hbm>> -> memref<100096x16xf32, #tpu.memory_space<hbm>>
    tpu.wait_indirect_dma semaphore(%arg14 : memref<!tpu.dma_semaphore, #tpu.memory_space<semaphore_mem>>) src(%dma_wait3A_372 : memref<100096x16xf32, #tpu.memory_space<hbm>>) dst(%dma_wait3A_362 : memref<80x16xf32, #tpu.memory_space<vmem>>)
    %dma_start3A_373 = arith.constant 2 : i32
    %dma_start3A_374 = arith.constant 160 : i32
    %dma_start3A_375 = arith.constant 0 : i32
    %dma_start3A_376 = tpu.memref_slice %arg8[%dma_start3A_374, %dma_start3A_375] : memref<400x16xf32, #tpu.memory_space<vmem>> -> memref<80x16xf32, #tpu.memory_space<vmem>>
    %dma_start3A_377 = arith.constant 0 : i32
    %dma_start3A_378 = tpu.memref_slice %arg6[%dma_start3A_373, %dma_start3A_377] : memref<20x80xi32, #tpu.memory_space<vmem>> -> memref<1x80xi32, #tpu.memory_space<vmem>>
    %dma_start3A_379 = tpu.memref_squeeze %dma_start3A_378 : memref<1x80xi32, #tpu.memory_space<vmem>> -> memref<80xi32, #tpu.memory_space<vmem>>
    %dma_start3A_380 = arith.constant 0 : i32
    %dma_start3A_381 = arith.constant 0 : i32
    %dma_start3A_382 = tpu.memref_slice %arg12[%dma_start3A_380, %dma_start3A_381] : memref<100096x16xf32, #tpu.memory_space<vmem_shared>> -> memref<100096x16xf32, #tpu.memory_space<vmem_shared>>
    tpu.enqueue_indirect_dma source(%dma_start3A_376 : memref<80x16xf32, #tpu.memory_space<vmem>>) target(%dma_start3A_382 : memref<100096x16xf32, #tpu.memory_space<vmem_shared>>) offsets(%dma_start3A_379 : memref<80xi32, #tpu.memory_space<vmem>>) semaphore(%arg15 : memref<!tpu.dma_semaphore, #tpu.memory_space<semaphore_mem>>) {add = true}
    %dma_start3A_383 = arith.constant 2 : i32
    %dma_start3A_384 = arith.constant 160 : i32
    %dma_start3A_385 = arith.constant 0 : i32
    %dma_start3A_386 = tpu.memref_slice %arg10[%dma_start3A_384, %dma_start3A_385] : memref<400x16xf32, #tpu.memory_space<vmem>> -> memref<80x16xf32, #tpu.memory_space<vmem>>
    %dma_start3A_387 = arith.constant 0 : i32
    %dma_start3A_388 = tpu.memref_slice %arg7[%dma_start3A_383, %dma_start3A_387] : memref<20x80xi32, #tpu.memory_space<vmem>> -> memref<1x80xi32, #tpu.memory_space<vmem>>
    %dma_start3A_389 = tpu.memref_squeeze %dma_start3A_388 : memref<1x80xi32, #tpu.memory_space<vmem>> -> memref<80xi32, #tpu.memory_space<vmem>>
    %dma_start3A_390 = arith.constant 0 : i32
    %dma_start3A_391 = arith.constant 0 : i32
    %dma_start3A_392 = tpu.memref_slice %arg12[%dma_start3A_390, %dma_start3A_391] : memref<100096x16xf32, #tpu.memory_space<vmem_shared>> -> memref<100096x16xf32, #tpu.memory_space<vmem_shared>>
    tpu.enqueue_indirect_dma source(%dma_start3A_386 : memref<80x16xf32, #tpu.memory_space<vmem>>) target(%dma_start3A_392 : memref<100096x16xf32, #tpu.memory_space<vmem_shared>>) offsets(%dma_start3A_389 : memref<80xi32, #tpu.memory_space<vmem>>) semaphore(%arg15 : memref<!tpu.dma_semaphore, #tpu.memory_space<semaphore_mem>>) {add = true}
    %dma_wait3A_393 = arith.constant 3 : i32
    %dma_wait3A_394 = arith.constant 240 : i32
    %dma_wait3A_395 = arith.constant 0 : i32
    %dma_wait3A_396 = tpu.memref_slice %arg8[%dma_wait3A_394, %dma_wait3A_395] : memref<400x16xf32, #tpu.memory_space<vmem>> -> memref<80x16xf32, #tpu.memory_space<vmem>>
    %dma_wait3A_397 = arith.constant 0 : i32
    %dma_wait3A_398 = tpu.memref_slice %arg7[%dma_wait3A_393, %dma_wait3A_397] : memref<20x80xi32, #tpu.memory_space<vmem>> -> memref<1x80xi32, #tpu.memory_space<vmem>>
    %dma_wait3A_399 = tpu.memref_squeeze %dma_wait3A_398 : memref<1x80xi32, #tpu.memory_space<vmem>> -> memref<80xi32, #tpu.memory_space<vmem>>
    %dma_wait3A_400 = arith.constant 0 : i32
    %dma_wait3A_401 = arith.constant 0 : i32
    %dma_wait3A_402 = tpu.memref_slice %arg2[%arg0, %dma_wait3A_400, %dma_wait3A_401] : memref<2x100096x16xf32, #tpu.memory_space<hbm>> -> memref<1x100096x16xf32, #tpu.memory_space<hbm>>
    %dma_wait3A_403 = tpu.memref_squeeze %dma_wait3A_402 : memref<1x100096x16xf32, #tpu.memory_space<hbm>> -> memref<100096x16xf32, #tpu.memory_space<hbm>>
    %dma_wait3A_404 = arith.constant 0 : i32
    %dma_wait3A_405 = arith.constant 0 : i32
    %dma_wait3A_406 = tpu.memref_slice %dma_wait3A_403[%dma_wait3A_404, %dma_wait3A_405] : memref<100096x16xf32, #tpu.memory_space<hbm>> -> memref<100096x16xf32, #tpu.memory_space<hbm>>
    tpu.wait_indirect_dma semaphore(%arg14 : memref<!tpu.dma_semaphore, #tpu.memory_space<semaphore_mem>>) src(%dma_wait3A_406 : memref<100096x16xf32, #tpu.memory_space<hbm>>) dst(%dma_wait3A_396 : memref<80x16xf32, #tpu.memory_space<vmem>>)
    %dma_wait3A_407 = arith.constant 3 : i32
    %dma_wait3A_408 = arith.constant 240 : i32
    %dma_wait3A_409 = arith.constant 0 : i32
    %dma_wait3A_410 = tpu.memref_slice %arg10[%dma_wait3A_408, %dma_wait3A_409] : memref<400x16xf32, #tpu.memory_space<vmem>> -> memref<80x16xf32, #tpu.memory_space<vmem>>
    %dma_wait3A_411 = arith.constant 0 : i32
    %dma_wait3A_412 = tpu.memref_slice %arg6[%dma_wait3A_407, %dma_wait3A_411] : memref<20x80xi32, #tpu.memory_space<vmem>> -> memref<1x80xi32, #tpu.memory_space<vmem>>
    %dma_wait3A_413 = tpu.memref_squeeze %dma_wait3A_412 : memref<1x80xi32, #tpu.memory_space<vmem>> -> memref<80xi32, #tpu.memory_space<vmem>>
    %dma_wait3A_414 = arith.constant 0 : i32
    %dma_wait3A_415 = arith.constant 0 : i32
    %dma_wait3A_416 = tpu.memref_slice %arg2[%arg0, %dma_wait3A_414, %dma_wait3A_415] : memref<2x100096x16xf32, #tpu.memory_space<hbm>> -> memref<1x100096x16xf32, #tpu.memory_space<hbm>>
    %dma_wait3A_417 = tpu.memref_squeeze %dma_wait3A_416 : memref<1x100096x16xf32, #tpu.memory_space<hbm>> -> memref<100096x16xf32, #tpu.memory_space<hbm>>
    %dma_wait3A_418 = arith.constant 0 : i32
    %dma_wait3A_419 = arith.constant 0 : i32
    %dma_wait3A_420 = tpu.memref_slice %dma_wait3A_417[%dma_wait3A_418, %dma_wait3A_419] : memref<100096x16xf32, #tpu.memory_space<hbm>> -> memref<100096x16xf32, #tpu.memory_space<hbm>>
    tpu.wait_indirect_dma semaphore(%arg14 : memref<!tpu.dma_semaphore, #tpu.memory_space<semaphore_mem>>) src(%dma_wait3A_420 : memref<100096x16xf32, #tpu.memory_space<hbm>>) dst(%dma_wait3A_410 : memref<80x16xf32, #tpu.memory_space<vmem>>)
    %dma_start3A_421 = arith.constant 3 : i32
    %dma_start3A_422 = arith.constant 240 : i32
    %dma_start3A_423 = arith.constant 0 : i32
    %dma_start3A_424 = tpu.memref_slice %arg8[%dma_start3A_422, %dma_start3A_423] : memref<400x16xf32, #tpu.memory_space<vmem>> -> memref<80x16xf32, #tpu.memory_space<vmem>>
    %dma_start3A_425 = arith.constant 0 : i32
    %dma_start3A_426 = tpu.memref_slice %arg6[%dma_start3A_421, %dma_start3A_425] : memref<20x80xi32, #tpu.memory_space<vmem>> -> memref<1x80xi32, #tpu.memory_space<vmem>>
    %dma_start3A_427 = tpu.memref_squeeze %dma_start3A_426 : memref<1x80xi32, #tpu.memory_space<vmem>> -> memref<80xi32, #tpu.memory_space<vmem>>
    %dma_start3A_428 = arith.constant 0 : i32
    %dma_start3A_429 = arith.constant 0 : i32
    %dma_start3A_430 = tpu.memref_slice %arg12[%dma_start3A_428, %dma_start3A_429] : memref<100096x16xf32, #tpu.memory_space<vmem_shared>> -> memref<100096x16xf32, #tpu.memory_space<vmem_shared>>
    tpu.enqueue_indirect_dma source(%dma_start3A_424 : memref<80x16xf32, #tpu.memory_space<vmem>>) target(%dma_start3A_430 : memref<100096x16xf32, #tpu.memory_space<vmem_shared>>) offsets(%dma_start3A_427 : memref<80xi32, #tpu.memory_space<vmem>>) semaphore(%arg15 : memref<!tpu.dma_semaphore, #tpu.memory_space<semaphore_mem>>) {add = true}
    %dma_start3A_431 = arith.constant 3 : i32
    %dma_start3A_432 = arith.constant 240 : i32
    %dma_start3A_433 = arith.constant 0 : i32
    %dma_start3A_434 = tpu.memref_slice %arg10[%dma_start3A_432, %dma_start3A_433] : memref<400x16xf32, #tpu.memory_space<vmem>> -> memref<80x16xf32, #tpu.memory_space<vmem>>
    %dma_start3A_435 = arith.constant 0 : i32
    %dma_start3A_436 = tpu.memref_slice %arg7[%dma_start3A_431, %dma_start3A_435] : memref<20x80xi32, #tpu.memory_space<vmem>> -> memref<1x80xi32, #tpu.memory_space<vmem>>
    %dma_start3A_437 = tpu.memref_squeeze %dma_start3A_436 : memref<1x80xi32, #tpu.memory_space<vmem>> -> memref<80xi32, #tpu.memory_space<vmem>>
    %dma_start3A_438 = arith.constant 0 : i32
    %dma_start3A_439 = arith.constant 0 : i32
    %dma_start3A_440 = tpu.memref_slice %arg12[%dma_start3A_438, %dma_start3A_439] : memref<100096x16xf32, #tpu.memory_space<vmem_shared>> -> memref<100096x16xf32, #tpu.memory_space<vmem_shared>>
    tpu.enqueue_indirect_dma source(%dma_start3A_434 : memref<80x16xf32, #tpu.memory_space<vmem>>) target(%dma_start3A_440 : memref<100096x16xf32, #tpu.memory_space<vmem_shared>>) offsets(%dma_start3A_437 : memref<80xi32, #tpu.memory_space<vmem>>) semaphore(%arg15 : memref<!tpu.dma_semaphore, #tpu.memory_space<semaphore_mem>>) {add = true}
    %dma_wait3A_441 = arith.constant 4 : i32
    %dma_wait3A_442 = arith.constant 320 : i32
    %dma_wait3A_443 = arith.constant 0 : i32
    %dma_wait3A_444 = tpu.memref_slice %arg8[%dma_wait3A_442, %dma_wait3A_443] : memref<400x16xf32, #tpu.memory_space<vmem>> -> memref<80x16xf32, #tpu.memory_space<vmem>>
    %dma_wait3A_445 = arith.constant 0 : i32
    %dma_wait3A_446 = tpu.memref_slice %arg7[%dma_wait3A_441, %dma_wait3A_445] : memref<20x80xi32, #tpu.memory_space<vmem>> -> memref<1x80xi32, #tpu.memory_space<vmem>>
    %dma_wait3A_447 = tpu.memref_squeeze %dma_wait3A_446 : memref<1x80xi32, #tpu.memory_space<vmem>> -> memref<80xi32, #tpu.memory_space<vmem>>
    %dma_wait3A_448 = arith.constant 0 : i32
    %dma_wait3A_449 = arith.constant 0 : i32
    %dma_wait3A_450 = tpu.memref_slice %arg2[%arg0, %dma_wait3A_448, %dma_wait3A_449] : memref<2x100096x16xf32, #tpu.memory_space<hbm>> -> memref<1x100096x16xf32, #tpu.memory_space<hbm>>
    %dma_wait3A_451 = tpu.memref_squeeze %dma_wait3A_450 : memref<1x100096x16xf32, #tpu.memory_space<hbm>> -> memref<100096x16xf32, #tpu.memory_space<hbm>>
    %dma_wait3A_452 = arith.constant 0 : i32
    %dma_wait3A_453 = arith.constant 0 : i32
    %dma_wait3A_454 = tpu.memref_slice %dma_wait3A_451[%dma_wait3A_452, %dma_wait3A_453] : memref<100096x16xf32, #tpu.memory_space<hbm>> -> memref<100096x16xf32, #tpu.memory_space<hbm>>
    tpu.wait_indirect_dma semaphore(%arg14 : memref<!tpu.dma_semaphore, #tpu.memory_space<semaphore_mem>>) src(%dma_wait3A_454 : memref<100096x16xf32, #tpu.memory_space<hbm>>) dst(%dma_wait3A_444 : memref<80x16xf32, #tpu.memory_space<vmem>>)
    %dma_wait3A_455 = arith.constant 4 : i32
    %dma_wait3A_456 = arith.constant 320 : i32
    %dma_wait3A_457 = arith.constant 0 : i32
    %dma_wait3A_458 = tpu.memref_slice %arg10[%dma_wait3A_456, %dma_wait3A_457] : memref<400x16xf32, #tpu.memory_space<vmem>> -> memref<80x16xf32, #tpu.memory_space<vmem>>
    %dma_wait3A_459 = arith.constant 0 : i32
    %dma_wait3A_460 = tpu.memref_slice %arg6[%dma_wait3A_455, %dma_wait3A_459] : memref<20x80xi32, #tpu.memory_space<vmem>> -> memref<1x80xi32, #tpu.memory_space<vmem>>
    %dma_wait3A_461 = tpu.memref_squeeze %dma_wait3A_460 : memref<1x80xi32, #tpu.memory_space<vmem>> -> memref<80xi32, #tpu.memory_space<vmem>>
    %dma_wait3A_462 = arith.constant 0 : i32
    %dma_wait3A_463 = arith.constant 0 : i32
    %dma_wait3A_464 = tpu.memref_slice %arg2[%arg0, %dma_wait3A_462, %dma_wait3A_463] : memref<2x100096x16xf32, #tpu.memory_space<hbm>> -> memref<1x100096x16xf32, #tpu.memory_space<hbm>>
    %dma_wait3A_465 = tpu.memref_squeeze %dma_wait3A_464 : memref<1x100096x16xf32, #tpu.memory_space<hbm>> -> memref<100096x16xf32, #tpu.memory_space<hbm>>
    %dma_wait3A_466 = arith.constant 0 : i32
    %dma_wait3A_467 = arith.constant 0 : i32
    %dma_wait3A_468 = tpu.memref_slice %dma_wait3A_465[%dma_wait3A_466, %dma_wait3A_467] : memref<100096x16xf32, #tpu.memory_space<hbm>> -> memref<100096x16xf32, #tpu.memory_space<hbm>>
    tpu.wait_indirect_dma semaphore(%arg14 : memref<!tpu.dma_semaphore, #tpu.memory_space<semaphore_mem>>) src(%dma_wait3A_468 : memref<100096x16xf32, #tpu.memory_space<hbm>>) dst(%dma_wait3A_458 : memref<80x16xf32, #tpu.memory_space<vmem>>)
    %dma_start3A_469 = arith.constant 4 : i32
    %dma_start3A_470 = arith.constant 320 : i32
    %dma_start3A_471 = arith.constant 0 : i32
    %dma_start3A_472 = tpu.memref_slice %arg8[%dma_start3A_470, %dma_start3A_471] : memref<400x16xf32, #tpu.memory_space<vmem>> -> memref<80x16xf32, #tpu.memory_space<vmem>>
    %dma_start3A_473 = arith.constant 0 : i32
    %dma_start3A_474 = tpu.memref_slice %arg6[%dma_start3A_469, %dma_start3A_473] : memref<20x80xi32, #tpu.memory_space<vmem>> -> memref<1x80xi32, #tpu.memory_space<vmem>>
    %dma_start3A_475 = tpu.memref_squeeze %dma_start3A_474 : memref<1x80xi32, #tpu.memory_space<vmem>> -> memref<80xi32, #tpu.memory_space<vmem>>
    %dma_start3A_476 = arith.constant 0 : i32
    %dma_start3A_477 = arith.constant 0 : i32
    %dma_start3A_478 = tpu.memref_slice %arg12[%dma_start3A_476, %dma_start3A_477] : memref<100096x16xf32, #tpu.memory_space<vmem_shared>> -> memref<100096x16xf32, #tpu.memory_space<vmem_shared>>
    tpu.enqueue_indirect_dma source(%dma_start3A_472 : memref<80x16xf32, #tpu.memory_space<vmem>>) target(%dma_start3A_478 : memref<100096x16xf32, #tpu.memory_space<vmem_shared>>) offsets(%dma_start3A_475 : memref<80xi32, #tpu.memory_space<vmem>>) semaphore(%arg15 : memref<!tpu.dma_semaphore, #tpu.memory_space<semaphore_mem>>) {add = true}
    %dma_start3A_479 = arith.constant 4 : i32
    %dma_start3A_480 = arith.constant 320 : i32
    %dma_start3A_481 = arith.constant 0 : i32
    %dma_start3A_482 = tpu.memref_slice %arg10[%dma_start3A_480, %dma_start3A_481] : memref<400x16xf32, #tpu.memory_space<vmem>> -> memref<80x16xf32, #tpu.memory_space<vmem>>
    %dma_start3A_483 = arith.constant 0 : i32
    %dma_start3A_484 = tpu.memref_slice %arg7[%dma_start3A_479, %dma_start3A_483] : memref<20x80xi32, #tpu.memory_space<vmem>> -> memref<1x80xi32, #tpu.memory_space<vmem>>
    %dma_start3A_485 = tpu.memref_squeeze %dma_start3A_484 : memref<1x80xi32, #tpu.memory_space<vmem>> -> memref<80xi32, #tpu.memory_space<vmem>>
    %dma_start3A_486 = arith.constant 0 : i32
    %dma_start3A_487 = arith.constant 0 : i32
    %dma_start3A_488 = tpu.memref_slice %arg12[%dma_start3A_486, %dma_start3A_487] : memref<100096x16xf32, #tpu.memory_space<vmem_shared>> -> memref<100096x16xf32, #tpu.memory_space<vmem_shared>>
    tpu.enqueue_indirect_dma source(%dma_start3A_482 : memref<80x16xf32, #tpu.memory_space<vmem>>) target(%dma_start3A_488 : memref<100096x16xf32, #tpu.memory_space<vmem_shared>>) offsets(%dma_start3A_485 : memref<80xi32, #tpu.memory_space<vmem>>) semaphore(%arg15 : memref<!tpu.dma_semaphore, #tpu.memory_space<semaphore_mem>>) {add = true}
    %dma_wait3A_489 = arith.constant 0 : i32
    %dma_wait3A_490 = arith.constant 0 : i32
    %dma_wait3A_491 = tpu.memref_slice %arg6[%dma_wait3A_489, %dma_wait3A_490] : memref<20x80xi32, #tpu.memory_space<vmem>> -> memref<5x80xi32, #tpu.memory_space<vmem>>
    %dma_wait3A_492 = arith.constant 0 : i32
    %dma_wait3A_493 = arith.constant 0 : i32
    %dma_wait3A_494 = tpu.memref_slice %arg3[%dma_wait3A_492, %dma_wait3A_493] : memref<20000x80xi32, #tpu.memory_space<hbm>> -> memref<5x80xi32, #tpu.memory_space<hbm>>
    %dma_wait3A_495 = arith.constant 0 : i32
    %dma_wait3A_496 = arith.constant 0 : i32
    %dma_wait3A_497 = tpu.memref_slice %arg6[%dma_wait3A_495, %dma_wait3A_496] : memref<20x80xi32, #tpu.memory_space<vmem>> -> memref<5x80xi32, #tpu.memory_space<vmem>>
    %dma_wait3A_498 = arith.constant 0 : i32
    %dma_wait3A_499 = arith.constant 0 : i32
    %dma_wait3A_500 = tpu.memref_slice %arg3[%dma_wait3A_498, %dma_wait3A_499] : memref<20000x80xi32, #tpu.memory_space<hbm>> -> memref<5x80xi32, #tpu.memory_space<hbm>>
    tpu.wait_dma2 semaphore(%arg13 : memref<!tpu.dma_semaphore, #tpu.memory_space<semaphore_mem>>) src(%dma_wait3A_500 : memref<5x80xi32, #tpu.memory_space<hbm>>) dst(%dma_wait3A_497 : memref<5x80xi32, #tpu.memory_space<vmem>>)
    %dma_wait3A_501 = arith.constant 0 : i32
    %dma_wait3A_502 = arith.constant 0 : i32
    %dma_wait3A_503 = tpu.memref_slice %arg7[%dma_wait3A_501, %dma_wait3A_502] : memref<20x80xi32, #tpu.memory_space<vmem>> -> memref<5x80xi32, #tpu.memory_space<vmem>>
    %dma_wait3A_504 = arith.constant 0 : i32
    %dma_wait3A_505 = arith.constant 0 : i32
    %dma_wait3A_506 = tpu.memref_slice %arg4[%dma_wait3A_504, %dma_wait3A_505] : memref<20000x80xi32, #tpu.memory_space<hbm>> -> memref<5x80xi32, #tpu.memory_space<hbm>>
    %dma_wait3A_507 = arith.constant 0 : i32
    %dma_wait3A_508 = arith.constant 0 : i32
    %dma_wait3A_509 = tpu.memref_slice %arg7[%dma_wait3A_507, %dma_wait3A_508] : memref<20x80xi32, #tpu.memory_space<vmem>> -> memref<5x80xi32, #tpu.memory_space<vmem>>
    %dma_wait3A_510 = arith.constant 0 : i32
    %dma_wait3A_511 = arith.constant 0 : i32
    %dma_wait3A_512 = tpu.memref_slice %arg4[%dma_wait3A_510, %dma_wait3A_511] : memref<20000x80xi32, #tpu.memory_space<hbm>> -> memref<5x80xi32, #tpu.memory_space<hbm>>
    tpu.wait_dma2 semaphore(%arg13 : memref<!tpu.dma_semaphore, #tpu.memory_space<semaphore_mem>>) src(%dma_wait3A_512 : memref<5x80xi32, #tpu.memory_space<hbm>>) dst(%dma_wait3A_509 : memref<5x80xi32, #tpu.memory_space<vmem>>)
    %dma_start3A_513 = arith.constant 5 : i32
    %dma_start3A_514 = arith.constant 0 : i32
    %dma_start3A_515 = arith.constant 0 : i32
    %dma_start3A_516 = tpu.memref_slice %arg9[%dma_start3A_514, %dma_start3A_515] : memref<400x16xf32, #tpu.memory_space<vmem>> -> memref<80x16xf32, #tpu.memory_space<vmem>>
    %dma_start3A_517 = arith.constant 0 : i32
    %dma_start3A_518 = tpu.memref_slice %arg7[%dma_start3A_513, %dma_start3A_517] : memref<20x80xi32, #tpu.memory_space<vmem>> -> memref<1x80xi32, #tpu.memory_space<vmem>>
    %dma_start3A_519 = tpu.memref_squeeze %dma_start3A_518 : memref<1x80xi32, #tpu.memory_space<vmem>> -> memref<80xi32, #tpu.memory_space<vmem>>
    %dma_start3A_520 = arith.constant 0 : i32
    %dma_start3A_521 = arith.constant 0 : i32
    %dma_start3A_522 = tpu.memref_slice %arg2[%arg0, %dma_start3A_520, %dma_start3A_521] : memref<2x100096x16xf32, #tpu.memory_space<hbm>> -> memref<1x100096x16xf32, #tpu.memory_space<hbm>>
    %dma_start3A_523 = tpu.memref_squeeze %dma_start3A_522 : memref<1x100096x16xf32, #tpu.memory_space<hbm>> -> memref<100096x16xf32, #tpu.memory_space<hbm>>
    %dma_start3A_524 = arith.constant 0 : i32
    %dma_start3A_525 = arith.constant 0 : i32
    %dma_start3A_526 = tpu.memref_slice %dma_start3A_523[%dma_start3A_524, %dma_start3A_525] : memref<100096x16xf32, #tpu.memory_space<hbm>> -> memref<100096x16xf32, #tpu.memory_space<hbm>>
    tpu.enqueue_indirect_dma source(%dma_start3A_526 : memref<100096x16xf32, #tpu.memory_space<hbm>>) target(%dma_start3A_516 : memref<80x16xf32, #tpu.memory_space<vmem>>) offsets(%dma_start3A_519 : memref<80xi32, #tpu.memory_space<vmem>>) semaphore(%arg14 : memref<!tpu.dma_semaphore, #tpu.memory_space<semaphore_mem>>)
    %dma_start3A_527 = arith.constant 5 : i32
    %dma_start3A_528 = arith.constant 0 : i32
    %dma_start3A_529 = arith.constant 0 : i32
    %dma_start3A_530 = tpu.memref_slice %arg11[%dma_start3A_528, %dma_start3A_529] : memref<400x16xf32, #tpu.memory_space<vmem>> -> memref<80x16xf32, #tpu.memory_space<vmem>>
    %dma_start3A_531 = arith.constant 0 : i32
    %dma_start3A_532 = tpu.memref_slice %arg6[%dma_start3A_527, %dma_start3A_531] : memref<20x80xi32, #tpu.memory_space<vmem>> -> memref<1x80xi32, #tpu.memory_space<vmem>>
    %dma_start3A_533 = tpu.memref_squeeze %dma_start3A_532 : memref<1x80xi32, #tpu.memory_space<vmem>> -> memref<80xi32, #tpu.memory_space<vmem>>
    %dma_start3A_534 = arith.constant 0 : i32
    %dma_start3A_535 = arith.constant 0 : i32
    %dma_start3A_536 = tpu.memref_slice %arg2[%arg0, %dma_start3A_534, %dma_start3A_535] : memref<2x100096x16xf32, #tpu.memory_space<hbm>> -> memref<1x100096x16xf32, #tpu.memory_space<hbm>>
    %dma_start3A_537 = tpu.memref_squeeze %dma_start3A_536 : memref<1x100096x16xf32, #tpu.memory_space<hbm>> -> memref<100096x16xf32, #tpu.memory_space<hbm>>
    %dma_start3A_538 = arith.constant 0 : i32
    %dma_start3A_539 = arith.constant 0 : i32
    %dma_start3A_540 = tpu.memref_slice %dma_start3A_537[%dma_start3A_538, %dma_start3A_539] : memref<100096x16xf32, #tpu.memory_space<hbm>> -> memref<100096x16xf32, #tpu.memory_space<hbm>>
    tpu.enqueue_indirect_dma source(%dma_start3A_540 : memref<100096x16xf32, #tpu.memory_space<hbm>>) target(%dma_start3A_530 : memref<80x16xf32, #tpu.memory_space<vmem>>) offsets(%dma_start3A_533 : memref<80xi32, #tpu.memory_space<vmem>>) semaphore(%arg14 : memref<!tpu.dma_semaphore, #tpu.memory_space<semaphore_mem>>)
    %dma_start3A_541 = arith.constant 6 : i32
    %dma_start3A_542 = arith.constant 80 : i32
    %dma_start3A_543 = arith.constant 0 : i32
    %dma_start3A_544 = tpu.memref_slice %arg9[%dma_start3A_542, %dma_start3A_543] : memref<400x16xf32, #tpu.memory_space<vmem>> -> memref<80x16xf32, #tpu.memory_space<vmem>>
    %dma_start3A_545 = arith.constant 0 : i32
    %dma_start3A_546 = tpu.memref_slice %arg7[%dma_start3A_541, %dma_start3A_545] : memref<20x80xi32, #tpu.memory_space<vmem>> -> memref<1x80xi32, #tpu.memory_space<vmem>>
    %dma_start3A_547 = tpu.memref_squeeze %dma_start3A_546 : memref<1x80xi32, #tpu.memory_space<vmem>> -> memref<80xi32, #tpu.memory_space<vmem>>
    %dma_start3A_548 = arith.constant 0 : i32
    %dma_start3A_549 = arith.constant 0 : i32
    %dma_start3A_550 = tpu.memref_slice %arg2[%arg0, %dma_start3A_548, %dma_start3A_549] : memref<2x100096x16xf32, #tpu.memory_space<hbm>> -> memref<1x100096x16xf32, #tpu.memory_space<hbm>>
    %dma_start3A_551 = tpu.memref_squeeze %dma_start3A_550 : memref<1x100096x16xf32, #tpu.memory_space<hbm>> -> memref<100096x16xf32, #tpu.memory_space<hbm>>
    %dma_start3A_552 = arith.constant 0 : i32
    %dma_start3A_553 = arith.constant 0 : i32
    %dma_start3A_554 = tpu.memref_slice %dma_start3A_551[%dma_start3A_552, %dma_start3A_553] : memref<100096x16xf32, #tpu.memory_space<hbm>> -> memref<100096x16xf32, #tpu.memory_space<hbm>>
    tpu.enqueue_indirect_dma source(%dma_start3A_554 : memref<100096x16xf32, #tpu.memory_space<hbm>>) target(%dma_start3A_544 : memref<80x16xf32, #tpu.memory_space<vmem>>) offsets(%dma_start3A_547 : memref<80xi32, #tpu.memory_space<vmem>>) semaphore(%arg14 : memref<!tpu.dma_semaphore, #tpu.memory_space<semaphore_mem>>)
    %dma_start3A_555 = arith.constant 6 : i32
    %dma_start3A_556 = arith.constant 80 : i32
    %dma_start3A_557 = arith.constant 0 : i32
    %dma_start3A_558 = tpu.memref_slice %arg11[%dma_start3A_556, %dma_start3A_557] : memref<400x16xf32, #tpu.memory_space<vmem>> -> memref<80x16xf32, #tpu.memory_space<vmem>>
    %dma_start3A_559 = arith.constant 0 : i32
    %dma_start3A_560 = tpu.memref_slice %arg6[%dma_start3A_555, %dma_start3A_559] : memref<20x80xi32, #tpu.memory_space<vmem>> -> memref<1x80xi32, #tpu.memory_space<vmem>>
    %dma_start3A_561 = tpu.memref_squeeze %dma_start3A_560 : memref<1x80xi32, #tpu.memory_space<vmem>> -> memref<80xi32, #tpu.memory_space<vmem>>
    %dma_start3A_562 = arith.constant 0 : i32
    %dma_start3A_563 = arith.constant 0 : i32
    %dma_start3A_564 = tpu.memref_slice %arg2[%arg0, %dma_start3A_562, %dma_start3A_563] : memref<2x100096x16xf32, #tpu.memory_space<hbm>> -> memref<1x100096x16xf32, #tpu.memory_space<hbm>>
    %dma_start3A_565 = tpu.memref_squeeze %dma_start3A_564 : memref<1x100096x16xf32, #tpu.memory_space<hbm>> -> memref<100096x16xf32, #tpu.memory_space<hbm>>
    %dma_start3A_566 = arith.constant 0 : i32
    %dma_start3A_567 = arith.constant 0 : i32
    %dma_start3A_568 = tpu.memref_slice %dma_start3A_565[%dma_start3A_566, %dma_start3A_567] : memref<100096x16xf32, #tpu.memory_space<hbm>> -> memref<100096x16xf32, #tpu.memory_space<hbm>>
    tpu.enqueue_indirect_dma source(%dma_start3A_568 : memref<100096x16xf32, #tpu.memory_space<hbm>>) target(%dma_start3A_558 : memref<80x16xf32, #tpu.memory_space<vmem>>) offsets(%dma_start3A_561 : memref<80xi32, #tpu.memory_space<vmem>>) semaphore(%arg14 : memref<!tpu.dma_semaphore, #tpu.memory_space<semaphore_mem>>)
    %dma_start3A_569 = arith.constant 7 : i32
    %dma_start3A_570 = arith.constant 160 : i32
    %dma_start3A_571 = arith.constant 0 : i32
    %dma_start3A_572 = tpu.memref_slice %arg9[%dma_start3A_570, %dma_start3A_571] : memref<400x16xf32, #tpu.memory_space<vmem>> -> memref<80x16xf32, #tpu.memory_space<vmem>>
    %dma_start3A_573 = arith.constant 0 : i32
    %dma_start3A_574 = tpu.memref_slice %arg7[%dma_start3A_569, %dma_start3A_573] : memref<20x80xi32, #tpu.memory_space<vmem>> -> memref<1x80xi32, #tpu.memory_space<vmem>>
    %dma_start3A_575 = tpu.memref_squeeze %dma_start3A_574 : memref<1x80xi32, #tpu.memory_space<vmem>> -> memref<80xi32, #tpu.memory_space<vmem>>
    %dma_start3A_576 = arith.constant 0 : i32
    %dma_start3A_577 = arith.constant 0 : i32
    %dma_start3A_578 = tpu.memref_slice %arg2[%arg0, %dma_start3A_576, %dma_start3A_577] : memref<2x100096x16xf32, #tpu.memory_space<hbm>> -> memref<1x100096x16xf32, #tpu.memory_space<hbm>>
    %dma_start3A_579 = tpu.memref_squeeze %dma_start3A_578 : memref<1x100096x16xf32, #tpu.memory_space<hbm>> -> memref<100096x16xf32, #tpu.memory_space<hbm>>
    %dma_start3A_580 = arith.constant 0 : i32
    %dma_start3A_581 = arith.constant 0 : i32
    %dma_start3A_582 = tpu.memref_slice %dma_start3A_579[%dma_start3A_580, %dma_start3A_581] : memref<100096x16xf32, #tpu.memory_space<hbm>> -> memref<100096x16xf32, #tpu.memory_space<hbm>>
    tpu.enqueue_indirect_dma source(%dma_start3A_582 : memref<100096x16xf32, #tpu.memory_space<hbm>>) target(%dma_start3A_572 : memref<80x16xf32, #tpu.memory_space<vmem>>) offsets(%dma_start3A_575 : memref<80xi32, #tpu.memory_space<vmem>>) semaphore(%arg14 : memref<!tpu.dma_semaphore, #tpu.memory_space<semaphore_mem>>)
    %dma_start3A_583 = arith.constant 7 : i32
    %dma_start3A_584 = arith.constant 160 : i32
    %dma_start3A_585 = arith.constant 0 : i32
    %dma_start3A_586 = tpu.memref_slice %arg11[%dma_start3A_584, %dma_start3A_585] : memref<400x16xf32, #tpu.memory_space<vmem>> -> memref<80x16xf32, #tpu.memory_space<vmem>>
    %dma_start3A_587 = arith.constant 0 : i32
    %dma_start3A_588 = tpu.memref_slice %arg6[%dma_start3A_583, %dma_start3A_587] : memref<20x80xi32, #tpu.memory_space<vmem>> -> memref<1x80xi32, #tpu.memory_space<vmem>>
    %dma_start3A_589 = tpu.memref_squeeze %dma_start3A_588 : memref<1x80xi32, #tpu.memory_space<vmem>> -> memref<80xi32, #tpu.memory_space<vmem>>
    %dma_start3A_590 = arith.constant 0 : i32
    %dma_start3A_591 = arith.constant 0 : i32
    %dma_start3A_592 = tpu.memref_slice %arg2[%arg0, %dma_start3A_590, %dma_start3A_591] : memref<2x100096x16xf32, #tpu.memory_space<hbm>> -> memref<1x100096x16xf32, #tpu.memory_space<hbm>>
    %dma_start3A_593 = tpu.memref_squeeze %dma_start3A_592 : memref<1x100096x16xf32, #tpu.memory_space<hbm>> -> memref<100096x16xf32, #tpu.memory_space<hbm>>
    %dma_start3A_594 = arith.constant 0 : i32
    %dma_start3A_595 = arith.constant 0 : i32
    %dma_start3A_596 = tpu.memref_slice %dma_start3A_593[%dma_start3A_594, %dma_start3A_595] : memref<100096x16xf32, #tpu.memory_space<hbm>> -> memref<100096x16xf32, #tpu.memory_space<hbm>>
    tpu.enqueue_indirect_dma source(%dma_start3A_596 : memref<100096x16xf32, #tpu.memory_space<hbm>>) target(%dma_start3A_586 : memref<80x16xf32, #tpu.memory_space<vmem>>) offsets(%dma_start3A_589 : memref<80xi32, #tpu.memory_space<vmem>>) semaphore(%arg14 : memref<!tpu.dma_semaphore, #tpu.memory_space<semaphore_mem>>)
    %dma_start3A_597 = arith.constant 8 : i32
    %dma_start3A_598 = arith.constant 240 : i32
    %dma_start3A_599 = arith.constant 0 : i32
    %dma_start3A_600 = tpu.memref_slice %arg9[%dma_start3A_598, %dma_start3A_599] : memref<400x16xf32, #tpu.memory_space<vmem>> -> memref<80x16xf32, #tpu.memory_space<vmem>>
    %dma_start3A_601 = arith.constant 0 : i32
    %dma_start3A_602 = tpu.memref_slice %arg7[%dma_start3A_597, %dma_start3A_601] : memref<20x80xi32, #tpu.memory_space<vmem>> -> memref<1x80xi32, #tpu.memory_space<vmem>>
    %dma_start3A_603 = tpu.memref_squeeze %dma_start3A_602 : memref<1x80xi32, #tpu.memory_space<vmem>> -> memref<80xi32, #tpu.memory_space<vmem>>
    %dma_start3A_604 = arith.constant 0 : i32
    %dma_start3A_605 = arith.constant 0 : i32
    %dma_start3A_606 = tpu.memref_slice %arg2[%arg0, %dma_start3A_604, %dma_start3A_605] : memref<2x100096x16xf32, #tpu.memory_space<hbm>> -> memref<1x100096x16xf32, #tpu.memory_space<hbm>>
    %dma_start3A_607 = tpu.memref_squeeze %dma_start3A_606 : memref<1x100096x16xf32, #tpu.memory_space<hbm>> -> memref<100096x16xf32, #tpu.memory_space<hbm>>
    %dma_start3A_608 = arith.constant 0 : i32
    %dma_start3A_609 = arith.constant 0 : i32
    %dma_start3A_610 = tpu.memref_slice %dma_start3A_607[%dma_start3A_608, %dma_start3A_609] : memref<100096x16xf32, #tpu.memory_space<hbm>> -> memref<100096x16xf32, #tpu.memory_space<hbm>>
    tpu.enqueue_indirect_dma source(%dma_start3A_610 : memref<100096x16xf32, #tpu.memory_space<hbm>>) target(%dma_start3A_600 : memref<80x16xf32, #tpu.memory_space<vmem>>) offsets(%dma_start3A_603 : memref<80xi32, #tpu.memory_space<vmem>>) semaphore(%arg14 : memref<!tpu.dma_semaphore, #tpu.memory_space<semaphore_mem>>)
    %dma_start3A_611 = arith.constant 8 : i32
    %dma_start3A_612 = arith.constant 240 : i32
    %dma_start3A_613 = arith.constant 0 : i32
    %dma_start3A_614 = tpu.memref_slice %arg11[%dma_start3A_612, %dma_start3A_613] : memref<400x16xf32, #tpu.memory_space<vmem>> -> memref<80x16xf32, #tpu.memory_space<vmem>>
    %dma_start3A_615 = arith.constant 0 : i32
    %dma_start3A_616 = tpu.memref_slice %arg6[%dma_start3A_611, %dma_start3A_615] : memref<20x80xi32, #tpu.memory_space<vmem>> -> memref<1x80xi32, #tpu.memory_space<vmem>>
    %dma_start3A_617 = tpu.memref_squeeze %dma_start3A_616 : memref<1x80xi32, #tpu.memory_space<vmem>> -> memref<80xi32, #tpu.memory_space<vmem>>
    %dma_start3A_618 = arith.constant 0 : i32
    %dma_start3A_619 = arith.constant 0 : i32
    %dma_start3A_620 = tpu.memref_slice %arg2[%arg0, %dma_start3A_618, %dma_start3A_619] : memref<2x100096x16xf32, #tpu.memory_space<hbm>> -> memref<1x100096x16xf32, #tpu.memory_space<hbm>>
    %dma_start3A_621 = tpu.memref_squeeze %dma_start3A_620 : memref<1x100096x16xf32, #tpu.memory_space<hbm>> -> memref<100096x16xf32, #tpu.memory_space<hbm>>
    %dma_start3A_622 = arith.constant 0 : i32
    %dma_start3A_623 = arith.constant 0 : i32
    %dma_start3A_624 = tpu.memref_slice %dma_start3A_621[%dma_start3A_622, %dma_start3A_623] : memref<100096x16xf32, #tpu.memory_space<hbm>> -> memref<100096x16xf32, #tpu.memory_space<hbm>>
    tpu.enqueue_indirect_dma source(%dma_start3A_624 : memref<100096x16xf32, #tpu.memory_space<hbm>>) target(%dma_start3A_614 : memref<80x16xf32, #tpu.memory_space<vmem>>) offsets(%dma_start3A_617 : memref<80xi32, #tpu.memory_space<vmem>>) semaphore(%arg14 : memref<!tpu.dma_semaphore, #tpu.memory_space<semaphore_mem>>)
    %dma_start3A_625 = arith.constant 9 : i32
    %dma_start3A_626 = arith.constant 320 : i32
    %dma_start3A_627 = arith.constant 0 : i32
    %dma_start3A_628 = tpu.memref_slice %arg9[%dma_start3A_626, %dma_start3A_627] : memref<400x16xf32, #tpu.memory_space<vmem>> -> memref<80x16xf32, #tpu.memory_space<vmem>>
    %dma_start3A_629 = arith.constant 0 : i32
    %dma_start3A_630 = tpu.memref_slice %arg7[%dma_start3A_625, %dma_start3A_629] : memref<20x80xi32, #tpu.memory_space<vmem>> -> memref<1x80xi32, #tpu.memory_space<vmem>>
    %dma_start3A_631 = tpu.memref_squeeze %dma_start3A_630 : memref<1x80xi32, #tpu.memory_space<vmem>> -> memref<80xi32, #tpu.memory_space<vmem>>
    %dma_start3A_632 = arith.constant 0 : i32
    %dma_start3A_633 = arith.constant 0 : i32
    %dma_start3A_634 = tpu.memref_slice %arg2[%arg0, %dma_start3A_632, %dma_start3A_633] : memref<2x100096x16xf32, #tpu.memory_space<hbm>> -> memref<1x100096x16xf32, #tpu.memory_space<hbm>>
    %dma_start3A_635 = tpu.memref_squeeze %dma_start3A_634 : memref<1x100096x16xf32, #tpu.memory_space<hbm>> -> memref<100096x16xf32, #tpu.memory_space<hbm>>
    %dma_start3A_636 = arith.constant 0 : i32
    %dma_start3A_637 = arith.constant 0 : i32
    %dma_start3A_638 = tpu.memref_slice %dma_start3A_635[%dma_start3A_636, %dma_start3A_637] : memref<100096x16xf32, #tpu.memory_space<hbm>> -> memref<100096x16xf32, #tpu.memory_space<hbm>>
    tpu.enqueue_indirect_dma source(%dma_start3A_638 : memref<100096x16xf32, #tpu.memory_space<hbm>>) target(%dma_start3A_628 : memref<80x16xf32, #tpu.memory_space<vmem>>) offsets(%dma_start3A_631 : memref<80xi32, #tpu.memory_space<vmem>>) semaphore(%arg14 : memref<!tpu.dma_semaphore, #tpu.memory_space<semaphore_mem>>)
    %dma_start3A_639 = arith.constant 9 : i32
    %dma_start3A_640 = arith.constant 320 : i32
    %dma_start3A_641 = arith.constant 0 : i32
    %dma_start3A_642 = tpu.memref_slice %arg11[%dma_start3A_640, %dma_start3A_641] : memref<400x16xf32, #tpu.memory_space<vmem>> -> memref<80x16xf32, #tpu.memory_space<vmem>>
    %dma_start3A_643 = arith.constant 0 : i32
    %dma_start3A_644 = tpu.memref_slice %arg6[%dma_start3A_639, %dma_start3A_643] : memref<20x80xi32, #tpu.memory_space<vmem>> -> memref<1x80xi32, #tpu.memory_space<vmem>>
    %dma_start3A_645 = tpu.memref_squeeze %dma_start3A_644 : memref<1x80xi32, #tpu.memory_space<vmem>> -> memref<80xi32, #tpu.memory_space<vmem>>
    %dma_start3A_646 = arith.constant 0 : i32
    %dma_start3A_647 = arith.constant 0 : i32
    %dma_start3A_648 = tpu.memref_slice %arg2[%arg0, %dma_start3A_646, %dma_start3A_647] : memref<2x100096x16xf32, #tpu.memory_space<hbm>> -> memref<1x100096x16xf32, #tpu.memory_space<hbm>>
    %dma_start3A_649 = tpu.memref_squeeze %dma_start3A_648 : memref<1x100096x16xf32, #tpu.memory_space<hbm>> -> memref<100096x16xf32, #tpu.memory_space<hbm>>
    %dma_start3A_650 = arith.constant 0 : i32
    %dma_start3A_651 = arith.constant 0 : i32
    %dma_start3A_652 = tpu.memref_slice %dma_start3A_649[%dma_start3A_650, %dma_start3A_651] : memref<100096x16xf32, #tpu.memory_space<hbm>> -> memref<100096x16xf32, #tpu.memory_space<hbm>>
    tpu.enqueue_indirect_dma source(%dma_start3A_652 : memref<100096x16xf32, #tpu.memory_space<hbm>>) target(%dma_start3A_642 : memref<80x16xf32, #tpu.memory_space<vmem>>) offsets(%dma_start3A_645 : memref<80xi32, #tpu.memory_space<vmem>>) semaphore(%arg14 : memref<!tpu.dma_semaphore, #tpu.memory_space<semaphore_mem>>)
    %mul3A_653 = arith.constant 1250 : i32
    %mul3A_654 = arith.muli %arg1, %mul3A_653 : i32
    %add3A_655 = arith.constant 15 : i32
    %add3A_656 = arith.addi %mul3A_654, %add3A_655 : i32
    %min3A_657 = arith.constant 19995 : i32
    %min3A_658 = arith.minsi %add3A_656, %min3A_657 : i32
    %dma_start3A_659 = arith.constant 15 : i32
    %dma_start3A_660 = arith.constant 0 : i32
    %dma_start3A_661 = tpu.memref_slice %arg6[%dma_start3A_659, %dma_start3A_660] : memref<20x80xi32, #tpu.memory_space<vmem>> -> memref<5x80xi32, #tpu.memory_space<vmem>>
    %dma_start3A_662 = arith.constant 0 : i32
    %dma_start3A_663 = tpu.memref_slice %arg3[%min3A_658, %dma_start3A_662] : memref<20000x80xi32, #tpu.memory_space<hbm>> -> memref<5x80xi32, #tpu.memory_space<hbm>>
    %dma_start3A_664 = arith.constant 15 : i32
    %dma_start3A_665 = arith.constant 0 : i32
    %dma_start3A_666 = tpu.memref_slice %arg6[%dma_start3A_664, %dma_start3A_665] : memref<20x80xi32, #tpu.memory_space<vmem>> -> memref<5x80xi32, #tpu.memory_space<vmem>>
    %dma_start3A_667 = arith.constant 0 : i32
    %dma_start3A_668 = tpu.memref_slice %arg3[%min3A_658, %dma_start3A_667] : memref<20000x80xi32, #tpu.memory_space<hbm>> -> memref<5x80xi32, #tpu.memory_space<hbm>>
    tpu.enqueue_dma source(%dma_start3A_668 : memref<5x80xi32, #tpu.memory_space<hbm>>) target(%dma_start3A_666 : memref<5x80xi32, #tpu.memory_space<vmem>>) target_semaphore(%arg13 : memref<!tpu.dma_semaphore, #tpu.memory_space<semaphore_mem>>)
    %dma_start3A_669 = arith.constant 15 : i32
    %dma_start3A_670 = arith.constant 0 : i32
    %dma_start3A_671 = tpu.memref_slice %arg7[%dma_start3A_669, %dma_start3A_670] : memref<20x80xi32, #tpu.memory_space<vmem>> -> memref<5x80xi32, #tpu.memory_space<vmem>>
    %dma_start3A_672 = arith.constant 0 : i32
    %dma_start3A_673 = tpu.memref_slice %arg4[%min3A_658, %dma_start3A_672] : memref<20000x80xi32, #tpu.memory_space<hbm>> -> memref<5x80xi32, #tpu.memory_space<hbm>>
    %dma_start3A_674 = arith.constant 15 : i32
    %dma_start3A_675 = arith.constant 0 : i32
    %dma_start3A_676 = tpu.memref_slice %arg7[%dma_start3A_674, %dma_start3A_675] : memref<20x80xi32, #tpu.memory_space<vmem>> -> memref<5x80xi32, #tpu.memory_space<vmem>>
    %dma_start3A_677 = arith.constant 0 : i32
    %dma_start3A_678 = tpu.memref_slice %arg4[%min3A_658, %dma_start3A_677] : memref<20000x80xi32, #tpu.memory_space<hbm>> -> memref<5x80xi32, #tpu.memory_space<hbm>>
    tpu.enqueue_dma source(%dma_start3A_678 : memref<5x80xi32, #tpu.memory_space<hbm>>) target(%dma_start3A_676 : memref<5x80xi32, #tpu.memory_space<vmem>>) target_semaphore(%arg13 : memref<!tpu.dma_semaphore, #tpu.memory_space<semaphore_mem>>)
    %dma_wait3A_679 = arith.constant 5 : i32
    %dma_wait3A_680 = arith.constant 0 : i32
    %dma_wait3A_681 = arith.constant 0 : i32
    %dma_wait3A_682 = tpu.memref_slice %arg9[%dma_wait3A_680, %dma_wait3A_681] : memref<400x16xf32, #tpu.memory_space<vmem>> -> memref<80x16xf32, #tpu.memory_space<vmem>>
    %dma_wait3A_683 = arith.constant 0 : i32
    %dma_wait3A_684 = tpu.memref_slice %arg7[%dma_wait3A_679, %dma_wait3A_683] : memref<20x80xi32, #tpu.memory_space<vmem>> -> memref<1x80xi32, #tpu.memory_space<vmem>>
    %dma_wait3A_685 = tpu.memref_squeeze %dma_wait3A_684 : memref<1x80xi32, #tpu.memory_space<vmem>> -> memref<80xi32, #tpu.memory_space<vmem>>
    %dma_wait3A_686 = arith.constant 0 : i32
    %dma_wait3A_687 = arith.constant 0 : i32
    %dma_wait3A_688 = tpu.memref_slice %arg2[%arg0, %dma_wait3A_686, %dma_wait3A_687] : memref<2x100096x16xf32, #tpu.memory_space<hbm>> -> memref<1x100096x16xf32, #tpu.memory_space<hbm>>
    %dma_wait3A_689 = tpu.memref_squeeze %dma_wait3A_688 : memref<1x100096x16xf32, #tpu.memory_space<hbm>> -> memref<100096x16xf32, #tpu.memory_space<hbm>>
    %dma_wait3A_690 = arith.constant 0 : i32
    %dma_wait3A_691 = arith.constant 0 : i32
    %dma_wait3A_692 = tpu.memref_slice %dma_wait3A_689[%dma_wait3A_690, %dma_wait3A_691] : memref<100096x16xf32, #tpu.memory_space<hbm>> -> memref<100096x16xf32, #tpu.memory_space<hbm>>
    tpu.wait_indirect_dma semaphore(%arg14 : memref<!tpu.dma_semaphore, #tpu.memory_space<semaphore_mem>>) src(%dma_wait3A_692 : memref<100096x16xf32, #tpu.memory_space<hbm>>) dst(%dma_wait3A_682 : memref<80x16xf32, #tpu.memory_space<vmem>>)
    %dma_wait3A_693 = arith.constant 5 : i32
    %dma_wait3A_694 = arith.constant 0 : i32
    %dma_wait3A_695 = arith.constant 0 : i32
    %dma_wait3A_696 = tpu.memref_slice %arg11[%dma_wait3A_694, %dma_wait3A_695] : memref<400x16xf32, #tpu.memory_space<vmem>> -> memref<80x16xf32, #tpu.memory_space<vmem>>
    %dma_wait3A_697 = arith.constant 0 : i32
    %dma_wait3A_698 = tpu.memref_slice %arg6[%dma_wait3A_693, %dma_wait3A_697] : memref<20x80xi32, #tpu.memory_space<vmem>> -> memref<1x80xi32, #tpu.memory_space<vmem>>
    %dma_wait3A_699 = tpu.memref_squeeze %dma_wait3A_698 : memref<1x80xi32, #tpu.memory_space<vmem>> -> memref<80xi32, #tpu.memory_space<vmem>>
    %dma_wait3A_700 = arith.constant 0 : i32
    %dma_wait3A_701 = arith.constant 0 : i32
    %dma_wait3A_702 = tpu.memref_slice %arg2[%arg0, %dma_wait3A_700, %dma_wait3A_701] : memref<2x100096x16xf32, #tpu.memory_space<hbm>> -> memref<1x100096x16xf32, #tpu.memory_space<hbm>>
    %dma_wait3A_703 = tpu.memref_squeeze %dma_wait3A_702 : memref<1x100096x16xf32, #tpu.memory_space<hbm>> -> memref<100096x16xf32, #tpu.memory_space<hbm>>
    %dma_wait3A_704 = arith.constant 0 : i32
    %dma_wait3A_705 = arith.constant 0 : i32
    %dma_wait3A_706 = tpu.memref_slice %dma_wait3A_703[%dma_wait3A_704, %dma_wait3A_705] : memref<100096x16xf32, #tpu.memory_space<hbm>> -> memref<100096x16xf32, #tpu.memory_space<hbm>>
    tpu.wait_indirect_dma semaphore(%arg14 : memref<!tpu.dma_semaphore, #tpu.memory_space<semaphore_mem>>) src(%dma_wait3A_706 : memref<100096x16xf32, #tpu.memory_space<hbm>>) dst(%dma_wait3A_696 : memref<80x16xf32, #tpu.memory_space<vmem>>)
    %dma_start3A_707 = arith.constant 5 : i32
    %dma_start3A_708 = arith.constant 0 : i32
    %dma_start3A_709 = arith.constant 0 : i32
    %dma_start3A_710 = tpu.memref_slice %arg9[%dma_start3A_708, %dma_start3A_709] : memref<400x16xf32, #tpu.memory_space<vmem>> -> memref<80x16xf32, #tpu.memory_space<vmem>>
    %dma_start3A_711 = arith.constant 0 : i32
    %dma_start3A_712 = tpu.memref_slice %arg6[%dma_start3A_707, %dma_start3A_711] : memref<20x80xi32, #tpu.memory_space<vmem>> -> memref<1x80xi32, #tpu.memory_space<vmem>>
    %dma_start3A_713 = tpu.memref_squeeze %dma_start3A_712 : memref<1x80xi32, #tpu.memory_space<vmem>> -> memref<80xi32, #tpu.memory_space<vmem>>
    %dma_start3A_714 = arith.constant 0 : i32
    %dma_start3A_715 = arith.constant 0 : i32
    %dma_start3A_716 = tpu.memref_slice %arg12[%dma_start3A_714, %dma_start3A_715] : memref<100096x16xf32, #tpu.memory_space<vmem_shared>> -> memref<100096x16xf32, #tpu.memory_space<vmem_shared>>
    tpu.enqueue_indirect_dma source(%dma_start3A_710 : memref<80x16xf32, #tpu.memory_space<vmem>>) target(%dma_start3A_716 : memref<100096x16xf32, #tpu.memory_space<vmem_shared>>) offsets(%dma_start3A_713 : memref<80xi32, #tpu.memory_space<vmem>>) semaphore(%arg16 : memref<!tpu.dma_semaphore, #tpu.memory_space<semaphore_mem>>) {add = true}
    %dma_start3A_717 = arith.constant 5 : i32
    %dma_start3A_718 = arith.constant 0 : i32
    %dma_start3A_719 = arith.constant 0 : i32
    %dma_start3A_720 = tpu.memref_slice %arg11[%dma_start3A_718, %dma_start3A_719] : memref<400x16xf32, #tpu.memory_space<vmem>> -> memref<80x16xf32, #tpu.memory_space<vmem>>
    %dma_start3A_721 = arith.constant 0 : i32
    %dma_start3A_722 = tpu.memref_slice %arg7[%dma_start3A_717, %dma_start3A_721] : memref<20x80xi32, #tpu.memory_space<vmem>> -> memref<1x80xi32, #tpu.memory_space<vmem>>
    %dma_start3A_723 = tpu.memref_squeeze %dma_start3A_722 : memref<1x80xi32, #tpu.memory_space<vmem>> -> memref<80xi32, #tpu.memory_space<vmem>>
    %dma_start3A_724 = arith.constant 0 : i32
    %dma_start3A_725 = arith.constant 0 : i32
    %dma_start3A_726 = tpu.memref_slice %arg12[%dma_start3A_724, %dma_start3A_725] : memref<100096x16xf32, #tpu.memory_space<vmem_shared>> -> memref<100096x16xf32, #tpu.memory_space<vmem_shared>>
    tpu.enqueue_indirect_dma source(%dma_start3A_720 : memref<80x16xf32, #tpu.memory_space<vmem>>) target(%dma_start3A_726 : memref<100096x16xf32, #tpu.memory_space<vmem_shared>>) offsets(%dma_start3A_723 : memref<80xi32, #tpu.memory_space<vmem>>) semaphore(%arg16 : memref<!tpu.dma_semaphore, #tpu.memory_space<semaphore_mem>>) {add = true}
    %dma_wait3A_727 = arith.constant 6 : i32
    %dma_wait3A_728 = arith.constant 80 : i32
    %dma_wait3A_729 = arith.constant 0 : i32
    %dma_wait3A_730 = tpu.memref_slice %arg9[%dma_wait3A_728, %dma_wait3A_729] : memref<400x16xf32, #tpu.memory_space<vmem>> -> memref<80x16xf32, #tpu.memory_space<vmem>>
    %dma_wait3A_731 = arith.constant 0 : i32
    %dma_wait3A_732 = tpu.memref_slice %arg7[%dma_wait3A_727, %dma_wait3A_731] : memref<20x80xi32, #tpu.memory_space<vmem>> -> memref<1x80xi32, #tpu.memory_space<vmem>>
    %dma_wait3A_733 = tpu.memref_squeeze %dma_wait3A_732 : memref<1x80xi32, #tpu.memory_space<vmem>> -> memref<80xi32, #tpu.memory_space<vmem>>
    %dma_wait3A_734 = arith.constant 0 : i32
    %dma_wait3A_735 = arith.constant 0 : i32
    %dma_wait3A_736 = tpu.memref_slice %arg2[%arg0, %dma_wait3A_734, %dma_wait3A_735] : memref<2x100096x16xf32, #tpu.memory_space<hbm>> -> memref<1x100096x16xf32, #tpu.memory_space<hbm>>
    %dma_wait3A_737 = tpu.memref_squeeze %dma_wait3A_736 : memref<1x100096x16xf32, #tpu.memory_space<hbm>> -> memref<100096x16xf32, #tpu.memory_space<hbm>>
    %dma_wait3A_738 = arith.constant 0 : i32
    %dma_wait3A_739 = arith.constant 0 : i32
    %dma_wait3A_740 = tpu.memref_slice %dma_wait3A_737[%dma_wait3A_738, %dma_wait3A_739] : memref<100096x16xf32, #tpu.memory_space<hbm>> -> memref<100096x16xf32, #tpu.memory_space<hbm>>
    tpu.wait_indirect_dma semaphore(%arg14 : memref<!tpu.dma_semaphore, #tpu.memory_space<semaphore_mem>>) src(%dma_wait3A_740 : memref<100096x16xf32, #tpu.memory_space<hbm>>) dst(%dma_wait3A_730 : memref<80x16xf32, #tpu.memory_space<vmem>>)
    %dma_wait3A_741 = arith.constant 6 : i32
    %dma_wait3A_742 = arith.constant 80 : i32
    %dma_wait3A_743 = arith.constant 0 : i32
    %dma_wait3A_744 = tpu.memref_slice %arg11[%dma_wait3A_742, %dma_wait3A_743] : memref<400x16xf32, #tpu.memory_space<vmem>> -> memref<80x16xf32, #tpu.memory_space<vmem>>
    %dma_wait3A_745 = arith.constant 0 : i32
    %dma_wait3A_746 = tpu.memref_slice %arg6[%dma_wait3A_741, %dma_wait3A_745] : memref<20x80xi32, #tpu.memory_space<vmem>> -> memref<1x80xi32, #tpu.memory_space<vmem>>
    %dma_wait3A_747 = tpu.memref_squeeze %dma_wait3A_746 : memref<1x80xi32, #tpu.memory_space<vmem>> -> memref<80xi32, #tpu.memory_space<vmem>>
    %dma_wait3A_748 = arith.constant 0 : i32
    %dma_wait3A_749 = arith.constant 0 : i32
    %dma_wait3A_750 = tpu.memref_slice %arg2[%arg0, %dma_wait3A_748, %dma_wait3A_749] : memref<2x100096x16xf32, #tpu.memory_space<hbm>> -> memref<1x100096x16xf32, #tpu.memory_space<hbm>>
    %dma_wait3A_751 = tpu.memref_squeeze %dma_wait3A_750 : memref<1x100096x16xf32, #tpu.memory_space<hbm>> -> memref<100096x16xf32, #tpu.memory_space<hbm>>
    %dma_wait3A_752 = arith.constant 0 : i32
    %dma_wait3A_753 = arith.constant 0 : i32
    %dma_wait3A_754 = tpu.memref_slice %dma_wait3A_751[%dma_wait3A_752, %dma_wait3A_753] : memref<100096x16xf32, #tpu.memory_space<hbm>> -> memref<100096x16xf32, #tpu.memory_space<hbm>>
    tpu.wait_indirect_dma semaphore(%arg14 : memref<!tpu.dma_semaphore, #tpu.memory_space<semaphore_mem>>) src(%dma_wait3A_754 : memref<100096x16xf32, #tpu.memory_space<hbm>>) dst(%dma_wait3A_744 : memref<80x16xf32, #tpu.memory_space<vmem>>)
    %dma_start3A_755 = arith.constant 6 : i32
    %dma_start3A_756 = arith.constant 80 : i32
    %dma_start3A_757 = arith.constant 0 : i32
    %dma_start3A_758 = tpu.memref_slice %arg9[%dma_start3A_756, %dma_start3A_757] : memref<400x16xf32, #tpu.memory_space<vmem>> -> memref<80x16xf32, #tpu.memory_space<vmem>>
    %dma_start3A_759 = arith.constant 0 : i32
    %dma_start3A_760 = tpu.memref_slice %arg6[%dma_start3A_755, %dma_start3A_759] : memref<20x80xi32, #tpu.memory_space<vmem>> -> memref<1x80xi32, #tpu.memory_space<vmem>>
    %dma_start3A_761 = tpu.memref_squeeze %dma_start3A_760 : memref<1x80xi32, #tpu.memory_space<vmem>> -> memref<80xi32, #tpu.memory_space<vmem>>
    %dma_start3A_762 = arith.constant 0 : i32
    %dma_start3A_763 = arith.constant 0 : i32
    %dma_start3A_764 = tpu.memref_slice %arg12[%dma_start3A_762, %dma_start3A_763] : memref<100096x16xf32, #tpu.memory_space<vmem_shared>> -> memref<100096x16xf32, #tpu.memory_space<vmem_shared>>
    tpu.enqueue_indirect_dma source(%dma_start3A_758 : memref<80x16xf32, #tpu.memory_space<vmem>>) target(%dma_start3A_764 : memref<100096x16xf32, #tpu.memory_space<vmem_shared>>) offsets(%dma_start3A_761 : memref<80xi32, #tpu.memory_space<vmem>>) semaphore(%arg16 : memref<!tpu.dma_semaphore, #tpu.memory_space<semaphore_mem>>) {add = true}
    %dma_start3A_765 = arith.constant 6 : i32
    %dma_start3A_766 = arith.constant 80 : i32
    %dma_start3A_767 = arith.constant 0 : i32
    %dma_start3A_768 = tpu.memref_slice %arg11[%dma_start3A_766, %dma_start3A_767] : memref<400x16xf32, #tpu.memory_space<vmem>> -> memref<80x16xf32, #tpu.memory_space<vmem>>
    %dma_start3A_769 = arith.constant 0 : i32
    %dma_start3A_770 = tpu.memref_slice %arg7[%dma_start3A_765, %dma_start3A_769] : memref<20x80xi32, #tpu.memory_space<vmem>> -> memref<1x80xi32, #tpu.memory_space<vmem>>
    %dma_start3A_771 = tpu.memref_squeeze %dma_start3A_770 : memref<1x80xi32, #tpu.memory_space<vmem>> -> memref<80xi32, #tpu.memory_space<vmem>>
    %dma_start3A_772 = arith.constant 0 : i32
    %dma_start3A_773 = arith.constant 0 : i32
    %dma_start3A_774 = tpu.memref_slice %arg12[%dma_start3A_772, %dma_start3A_773] : memref<100096x16xf32, #tpu.memory_space<vmem_shared>> -> memref<100096x16xf32, #tpu.memory_space<vmem_shared>>
    tpu.enqueue_indirect_dma source(%dma_start3A_768 : memref<80x16xf32, #tpu.memory_space<vmem>>) target(%dma_start3A_774 : memref<100096x16xf32, #tpu.memory_space<vmem_shared>>) offsets(%dma_start3A_771 : memref<80xi32, #tpu.memory_space<vmem>>) semaphore(%arg16 : memref<!tpu.dma_semaphore, #tpu.memory_space<semaphore_mem>>) {add = true}
    %dma_wait3A_775 = arith.constant 7 : i32
    %dma_wait3A_776 = arith.constant 160 : i32
    %dma_wait3A_777 = arith.constant 0 : i32
    %dma_wait3A_778 = tpu.memref_slice %arg9[%dma_wait3A_776, %dma_wait3A_777] : memref<400x16xf32, #tpu.memory_space<vmem>> -> memref<80x16xf32, #tpu.memory_space<vmem>>
    %dma_wait3A_779 = arith.constant 0 : i32
    %dma_wait3A_780 = tpu.memref_slice %arg7[%dma_wait3A_775, %dma_wait3A_779] : memref<20x80xi32, #tpu.memory_space<vmem>> -> memref<1x80xi32, #tpu.memory_space<vmem>>
    %dma_wait3A_781 = tpu.memref_squeeze %dma_wait3A_780 : memref<1x80xi32, #tpu.memory_space<vmem>> -> memref<80xi32, #tpu.memory_space<vmem>>
    %dma_wait3A_782 = arith.constant 0 : i32
    %dma_wait3A_783 = arith.constant 0 : i32
    %dma_wait3A_784 = tpu.memref_slice %arg2[%arg0, %dma_wait3A_782, %dma_wait3A_783] : memref<2x100096x16xf32, #tpu.memory_space<hbm>> -> memref<1x100096x16xf32, #tpu.memory_space<hbm>>
    %dma_wait3A_785 = tpu.memref_squeeze %dma_wait3A_784 : memref<1x100096x16xf32, #tpu.memory_space<hbm>> -> memref<100096x16xf32, #tpu.memory_space<hbm>>
    %dma_wait3A_786 = arith.constant 0 : i32
    %dma_wait3A_787 = arith.constant 0 : i32
    %dma_wait3A_788 = tpu.memref_slice %dma_wait3A_785[%dma_wait3A_786, %dma_wait3A_787] : memref<100096x16xf32, #tpu.memory_space<hbm>> -> memref<100096x16xf32, #tpu.memory_space<hbm>>
    tpu.wait_indirect_dma semaphore(%arg14 : memref<!tpu.dma_semaphore, #tpu.memory_space<semaphore_mem>>) src(%dma_wait3A_788 : memref<100096x16xf32, #tpu.memory_space<hbm>>) dst(%dma_wait3A_778 : memref<80x16xf32, #tpu.memory_space<vmem>>)
    %dma_wait3A_789 = arith.constant 7 : i32
    %dma_wait3A_790 = arith.constant 160 : i32
    %dma_wait3A_791 = arith.constant 0 : i32
    %dma_wait3A_792 = tpu.memref_slice %arg11[%dma_wait3A_790, %dma_wait3A_791] : memref<400x16xf32, #tpu.memory_space<vmem>> -> memref<80x16xf32, #tpu.memory_space<vmem>>
    %dma_wait3A_793 = arith.constant 0 : i32
    %dma_wait3A_794 = tpu.memref_slice %arg6[%dma_wait3A_789, %dma_wait3A_793] : memref<20x80xi32, #tpu.memory_space<vmem>> -> memref<1x80xi32, #tpu.memory_space<vmem>>
    %dma_wait3A_795 = tpu.memref_squeeze %dma_wait3A_794 : memref<1x80xi32, #tpu.memory_space<vmem>> -> memref<80xi32, #tpu.memory_space<vmem>>
    %dma_wait3A_796 = arith.constant 0 : i32
    %dma_wait3A_797 = arith.constant 0 : i32
    %dma_wait3A_798 = tpu.memref_slice %arg2[%arg0, %dma_wait3A_796, %dma_wait3A_797] : memref<2x100096x16xf32, #tpu.memory_space<hbm>> -> memref<1x100096x16xf32, #tpu.memory_space<hbm>>
    %dma_wait3A_799 = tpu.memref_squeeze %dma_wait3A_798 : memref<1x100096x16xf32, #tpu.memory_space<hbm>> -> memref<100096x16xf32, #tpu.memory_space<hbm>>
    %dma_wait3A_800 = arith.constant 0 : i32
    %dma_wait3A_801 = arith.constant 0 : i32
    %dma_wait3A_802 = tpu.memref_slice %dma_wait3A_799[%dma_wait3A_800, %dma_wait3A_801] : memref<100096x16xf32, #tpu.memory_space<hbm>> -> memref<100096x16xf32, #tpu.memory_space<hbm>>
    tpu.wait_indirect_dma semaphore(%arg14 : memref<!tpu.dma_semaphore, #tpu.memory_space<semaphore_mem>>) src(%dma_wait3A_802 : memref<100096x16xf32, #tpu.memory_space<hbm>>) dst(%dma_wait3A_792 : memref<80x16xf32, #tpu.memory_space<vmem>>)
    %dma_start3A_803 = arith.constant 7 : i32
    %dma_start3A_804 = arith.constant 160 : i32
    %dma_start3A_805 = arith.constant 0 : i32
    %dma_start3A_806 = tpu.memref_slice %arg9[%dma_start3A_804, %dma_start3A_805] : memref<400x16xf32, #tpu.memory_space<vmem>> -> memref<80x16xf32, #tpu.memory_space<vmem>>
    %dma_start3A_807 = arith.constant 0 : i32
    %dma_start3A_808 = tpu.memref_slice %arg6[%dma_start3A_803, %dma_start3A_807] : memref<20x80xi32, #tpu.memory_space<vmem>> -> memref<1x80xi32, #tpu.memory_space<vmem>>
    %dma_start3A_809 = tpu.memref_squeeze %dma_start3A_808 : memref<1x80xi32, #tpu.memory_space<vmem>> -> memref<80xi32, #tpu.memory_space<vmem>>
    %dma_start3A_810 = arith.constant 0 : i32
    %dma_start3A_811 = arith.constant 0 : i32
    %dma_start3A_812 = tpu.memref_slice %arg12[%dma_start3A_810, %dma_start3A_811] : memref<100096x16xf32, #tpu.memory_space<vmem_shared>> -> memref<100096x16xf32, #tpu.memory_space<vmem_shared>>
    tpu.enqueue_indirect_dma source(%dma_start3A_806 : memref<80x16xf32, #tpu.memory_space<vmem>>) target(%dma_start3A_812 : memref<100096x16xf32, #tpu.memory_space<vmem_shared>>) offsets(%dma_start3A_809 : memref<80xi32, #tpu.memory_space<vmem>>) semaphore(%arg16 : memref<!tpu.dma_semaphore, #tpu.memory_space<semaphore_mem>>) {add = true}
    %dma_start3A_813 = arith.constant 7 : i32
    %dma_start3A_814 = arith.constant 160 : i32
    %dma_start3A_815 = arith.constant 0 : i32
    %dma_start3A_816 = tpu.memref_slice %arg11[%dma_start3A_814, %dma_start3A_815] : memref<400x16xf32, #tpu.memory_space<vmem>> -> memref<80x16xf32, #tpu.memory_space<vmem>>
    %dma_start3A_817 = arith.constant 0 : i32
    %dma_start3A_818 = tpu.memref_slice %arg7[%dma_start3A_813, %dma_start3A_817] : memref<20x80xi32, #tpu.memory_space<vmem>> -> memref<1x80xi32, #tpu.memory_space<vmem>>
    %dma_start3A_819 = tpu.memref_squeeze %dma_start3A_818 : memref<1x80xi32, #tpu.memory_space<vmem>> -> memref<80xi32, #tpu.memory_space<vmem>>
    %dma_start3A_820 = arith.constant 0 : i32
    %dma_start3A_821 = arith.constant 0 : i32
    %dma_start3A_822 = tpu.memref_slice %arg12[%dma_start3A_820, %dma_start3A_821] : memref<100096x16xf32, #tpu.memory_space<vmem_shared>> -> memref<100096x16xf32, #tpu.memory_space<vmem_shared>>
    tpu.enqueue_indirect_dma source(%dma_start3A_816 : memref<80x16xf32, #tpu.memory_space<vmem>>) target(%dma_start3A_822 : memref<100096x16xf32, #tpu.memory_space<vmem_shared>>) offsets(%dma_start3A_819 : memref<80xi32, #tpu.memory_space<vmem>>) semaphore(%arg16 : memref<!tpu.dma_semaphore, #tpu.memory_space<semaphore_mem>>) {add = true}
    %dma_wait3A_823 = arith.constant 8 : i32
    %dma_wait3A_824 = arith.constant 240 : i32
    %dma_wait3A_825 = arith.constant 0 : i32
    %dma_wait3A_826 = tpu.memref_slice %arg9[%dma_wait3A_824, %dma_wait3A_825] : memref<400x16xf32, #tpu.memory_space<vmem>> -> memref<80x16xf32, #tpu.memory_space<vmem>>
    %dma_wait3A_827 = arith.constant 0 : i32
    %dma_wait3A_828 = tpu.memref_slice %arg7[%dma_wait3A_823, %dma_wait3A_827] : memref<20x80xi32, #tpu.memory_space<vmem>> -> memref<1x80xi32, #tpu.memory_space<vmem>>
    %dma_wait3A_829 = tpu.memref_squeeze %dma_wait3A_828 : memref<1x80xi32, #tpu.memory_space<vmem>> -> memref<80xi32, #tpu.memory_space<vmem>>
    %dma_wait3A_830 = arith.constant 0 : i32
    %dma_wait3A_831 = arith.constant 0 : i32
    %dma_wait3A_832 = tpu.memref_slice %arg2[%arg0, %dma_wait3A_830, %dma_wait3A_831] : memref<2x100096x16xf32, #tpu.memory_space<hbm>> -> memref<1x100096x16xf32, #tpu.memory_space<hbm>>
    %dma_wait3A_833 = tpu.memref_squeeze %dma_wait3A_832 : memref<1x100096x16xf32, #tpu.memory_space<hbm>> -> memref<100096x16xf32, #tpu.memory_space<hbm>>
    %dma_wait3A_834 = arith.constant 0 : i32
    %dma_wait3A_835 = arith.constant 0 : i32
    %dma_wait3A_836 = tpu.memref_slice %dma_wait3A_833[%dma_wait3A_834, %dma_wait3A_835] : memref<100096x16xf32, #tpu.memory_space<hbm>> -> memref<100096x16xf32, #tpu.memory_space<hbm>>
    tpu.wait_indirect_dma semaphore(%arg14 : memref<!tpu.dma_semaphore, #tpu.memory_space<semaphore_mem>>) src(%dma_wait3A_836 : memref<100096x16xf32, #tpu.memory_space<hbm>>) dst(%dma_wait3A_826 : memref<80x16xf32, #tpu.memory_space<vmem>>)
    %dma_wait3A_837 = arith.constant 8 : i32
    %dma_wait3A_838 = arith.constant 240 : i32
    %dma_wait3A_839 = arith.constant 0 : i32
    %dma_wait3A_840 = tpu.memref_slice %arg11[%dma_wait3A_838, %dma_wait3A_839] : memref<400x16xf32, #tpu.memory_space<vmem>> -> memref<80x16xf32, #tpu.memory_space<vmem>>
    %dma_wait3A_841 = arith.constant 0 : i32
    %dma_wait3A_842 = tpu.memref_slice %arg6[%dma_wait3A_837, %dma_wait3A_841] : memref<20x80xi32, #tpu.memory_space<vmem>> -> memref<1x80xi32, #tpu.memory_space<vmem>>
    %dma_wait3A_843 = tpu.memref_squeeze %dma_wait3A_842 : memref<1x80xi32, #tpu.memory_space<vmem>> -> memref<80xi32, #tpu.memory_space<vmem>>
    %dma_wait3A_844 = arith.constant 0 : i32
    %dma_wait3A_845 = arith.constant 0 : i32
    %dma_wait3A_846 = tpu.memref_slice %arg2[%arg0, %dma_wait3A_844, %dma_wait3A_845] : memref<2x100096x16xf32, #tpu.memory_space<hbm>> -> memref<1x100096x16xf32, #tpu.memory_space<hbm>>
    %dma_wait3A_847 = tpu.memref_squeeze %dma_wait3A_846 : memref<1x100096x16xf32, #tpu.memory_space<hbm>> -> memref<100096x16xf32, #tpu.memory_space<hbm>>
    %dma_wait3A_848 = arith.constant 0 : i32
    %dma_wait3A_849 = arith.constant 0 : i32
    %dma_wait3A_850 = tpu.memref_slice %dma_wait3A_847[%dma_wait3A_848, %dma_wait3A_849] : memref<100096x16xf32, #tpu.memory_space<hbm>> -> memref<100096x16xf32, #tpu.memory_space<hbm>>
    tpu.wait_indirect_dma semaphore(%arg14 : memref<!tpu.dma_semaphore, #tpu.memory_space<semaphore_mem>>) src(%dma_wait3A_850 : memref<100096x16xf32, #tpu.memory_space<hbm>>) dst(%dma_wait3A_840 : memref<80x16xf32, #tpu.memory_space<vmem>>)
    %dma_start3A_851 = arith.constant 8 : i32
    %dma_start3A_852 = arith.constant 240 : i32
    %dma_start3A_853 = arith.constant 0 : i32
    %dma_start3A_854 = tpu.memref_slice %arg9[%dma_start3A_852, %dma_start3A_853] : memref<400x16xf32, #tpu.memory_space<vmem>> -> memref<80x16xf32, #tpu.memory_space<vmem>>
    %dma_start3A_855 = arith.constant 0 : i32
    %dma_start3A_856 = tpu.memref_slice %arg6[%dma_start3A_851, %dma_start3A_855] : memref<20x80xi32, #tpu.memory_space<vmem>> -> memref<1x80xi32, #tpu.memory_space<vmem>>
    %dma_start3A_857 = tpu.memref_squeeze %dma_start3A_856 : memref<1x80xi32, #tpu.memory_space<vmem>> -> memref<80xi32, #tpu.memory_space<vmem>>
    %dma_start3A_858 = arith.constant 0 : i32
    %dma_start3A_859 = arith.constant 0 : i32
    %dma_start3A_860 = tpu.memref_slice %arg12[%dma_start3A_858, %dma_start3A_859] : memref<100096x16xf32, #tpu.memory_space<vmem_shared>> -> memref<100096x16xf32, #tpu.memory_space<vmem_shared>>
    tpu.enqueue_indirect_dma source(%dma_start3A_854 : memref<80x16xf32, #tpu.memory_space<vmem>>) target(%dma_start3A_860 : memref<100096x16xf32, #tpu.memory_space<vmem_shared>>) offsets(%dma_start3A_857 : memref<80xi32, #tpu.memory_space<vmem>>) semaphore(%arg16 : memref<!tpu.dma_semaphore, #tpu.memory_space<semaphore_mem>>) {add = true}
    %dma_start3A_861 = arith.constant 8 : i32
    %dma_start3A_862 = arith.constant 240 : i32
    %dma_start3A_863 = arith.constant 0 : i32
    %dma_start3A_864 = tpu.memref_slice %arg11[%dma_start3A_862, %dma_start3A_863] : memref<400x16xf32, #tpu.memory_space<vmem>> -> memref<80x16xf32, #tpu.memory_space<vmem>>
    %dma_start3A_865 = arith.constant 0 : i32
    %dma_start3A_866 = tpu.memref_slice %arg7[%dma_start3A_861, %dma_start3A_865] : memref<20x80xi32, #tpu.memory_space<vmem>> -> memref<1x80xi32, #tpu.memory_space<vmem>>
    %dma_start3A_867 = tpu.memref_squeeze %dma_start3A_866 : memref<1x80xi32, #tpu.memory_space<vmem>> -> memref<80xi32, #tpu.memory_space<vmem>>
    %dma_start3A_868 = arith.constant 0 : i32
    %dma_start3A_869 = arith.constant 0 : i32
    %dma_start3A_870 = tpu.memref_slice %arg12[%dma_start3A_868, %dma_start3A_869] : memref<100096x16xf32, #tpu.memory_space<vmem_shared>> -> memref<100096x16xf32, #tpu.memory_space<vmem_shared>>
    tpu.enqueue_indirect_dma source(%dma_start3A_864 : memref<80x16xf32, #tpu.memory_space<vmem>>) target(%dma_start3A_870 : memref<100096x16xf32, #tpu.memory_space<vmem_shared>>) offsets(%dma_start3A_867 : memref<80xi32, #tpu.memory_space<vmem>>) semaphore(%arg16 : memref<!tpu.dma_semaphore, #tpu.memory_space<semaphore_mem>>) {add = true}
    %dma_wait3A_871 = arith.constant 9 : i32
    %dma_wait3A_872 = arith.constant 320 : i32
    %dma_wait3A_873 = arith.constant 0 : i32
    %dma_wait3A_874 = tpu.memref_slice %arg9[%dma_wait3A_872, %dma_wait3A_873] : memref<400x16xf32, #tpu.memory_space<vmem>> -> memref<80x16xf32, #tpu.memory_space<vmem>>
    %dma_wait3A_875 = arith.constant 0 : i32
    %dma_wait3A_876 = tpu.memref_slice %arg7[%dma_wait3A_871, %dma_wait3A_875] : memref<20x80xi32, #tpu.memory_space<vmem>> -> memref<1x80xi32, #tpu.memory_space<vmem>>
    %dma_wait3A_877 = tpu.memref_squeeze %dma_wait3A_876 : memref<1x80xi32, #tpu.memory_space<vmem>> -> memref<80xi32, #tpu.memory_space<vmem>>
    %dma_wait3A_878 = arith.constant 0 : i32
    %dma_wait3A_879 = arith.constant 0 : i32
    %dma_wait3A_880 = tpu.memref_slice %arg2[%arg0, %dma_wait3A_878, %dma_wait3A_879] : memref<2x100096x16xf32, #tpu.memory_space<hbm>> -> memref<1x100096x16xf32, #tpu.memory_space<hbm>>
    %dma_wait3A_881 = tpu.memref_squeeze %dma_wait3A_880 : memref<1x100096x16xf32, #tpu.memory_space<hbm>> -> memref<100096x16xf32, #tpu.memory_space<hbm>>
    %dma_wait3A_882 = arith.constant 0 : i32
    %dma_wait3A_883 = arith.constant 0 : i32
    %dma_wait3A_884 = tpu.memref_slice %dma_wait3A_881[%dma_wait3A_882, %dma_wait3A_883] : memref<100096x16xf32, #tpu.memory_space<hbm>> -> memref<100096x16xf32, #tpu.memory_space<hbm>>
    tpu.wait_indirect_dma semaphore(%arg14 : memref<!tpu.dma_semaphore, #tpu.memory_space<semaphore_mem>>) src(%dma_wait3A_884 : memref<100096x16xf32, #tpu.memory_space<hbm>>) dst(%dma_wait3A_874 : memref<80x16xf32, #tpu.memory_space<vmem>>)
    %dma_wait3A_885 = arith.constant 9 : i32
    %dma_wait3A_886 = arith.constant 320 : i32
    %dma_wait3A_887 = arith.constant 0 : i32
    %dma_wait3A_888 = tpu.memref_slice %arg11[%dma_wait3A_886, %dma_wait3A_887] : memref<400x16xf32, #tpu.memory_space<vmem>> -> memref<80x16xf32, #tpu.memory_space<vmem>>
    %dma_wait3A_889 = arith.constant 0 : i32
    %dma_wait3A_890 = tpu.memref_slice %arg6[%dma_wait3A_885, %dma_wait3A_889] : memref<20x80xi32, #tpu.memory_space<vmem>> -> memref<1x80xi32, #tpu.memory_space<vmem>>
    %dma_wait3A_891 = tpu.memref_squeeze %dma_wait3A_890 : memref<1x80xi32, #tpu.memory_space<vmem>> -> memref<80xi32, #tpu.memory_space<vmem>>
    %dma_wait3A_892 = arith.constant 0 : i32
    %dma_wait3A_893 = arith.constant 0 : i32
    %dma_wait3A_894 = tpu.memref_slice %arg2[%arg0, %dma_wait3A_892, %dma_wait3A_893] : memref<2x100096x16xf32, #tpu.memory_space<hbm>> -> memref<1x100096x16xf32, #tpu.memory_space<hbm>>
    %dma_wait3A_895 = tpu.memref_squeeze %dma_wait3A_894 : memref<1x100096x16xf32, #tpu.memory_space<hbm>> -> memref<100096x16xf32, #tpu.memory_space<hbm>>
    %dma_wait3A_896 = arith.constant 0 : i32
    %dma_wait3A_897 = arith.constant 0 : i32
    %dma_wait3A_898 = tpu.memref_slice %dma_wait3A_895[%dma_wait3A_896, %dma_wait3A_897] : memref<100096x16xf32, #tpu.memory_space<hbm>> -> memref<100096x16xf32, #tpu.memory_space<hbm>>
    tpu.wait_indirect_dma semaphore(%arg14 : memref<!tpu.dma_semaphore, #tpu.memory_space<semaphore_mem>>) src(%dma_wait3A_898 : memref<100096x16xf32, #tpu.memory_space<hbm>>) dst(%dma_wait3A_888 : memref<80x16xf32, #tpu.memory_space<vmem>>)
    %dma_start3A_899 = arith.constant 9 : i32
    %dma_start3A_900 = arith.constant 320 : i32
    %dma_start3A_901 = arith.constant 0 : i32
    %dma_start3A_902 = tpu.memref_slice %arg9[%dma_start3A_900, %dma_start3A_901] : memref<400x16xf32, #tpu.memory_space<vmem>> -> memref<80x16xf32, #tpu.memory_space<vmem>>
    %dma_start3A_903 = arith.constant 0 : i32
    %dma_start3A_904 = tpu.memref_slice %arg6[%dma_start3A_899, %dma_start3A_903] : memref<20x80xi32, #tpu.memory_space<vmem>> -> memref<1x80xi32, #tpu.memory_space<vmem>>
    %dma_start3A_905 = tpu.memref_squeeze %dma_start3A_904 : memref<1x80xi32, #tpu.memory_space<vmem>> -> memref<80xi32, #tpu.memory_space<vmem>>
    %dma_start3A_906 = arith.constant 0 : i32
    %dma_start3A_907 = arith.constant 0 : i32
    %dma_start3A_908 = tpu.memref_slice %arg12[%dma_start3A_906, %dma_start3A_907] : memref<100096x16xf32, #tpu.memory_space<vmem_shared>> -> memref<100096x16xf32, #tpu.memory_space<vmem_shared>>
    tpu.enqueue_indirect_dma source(%dma_start3A_902 : memref<80x16xf32, #tpu.memory_space<vmem>>) target(%dma_start3A_908 : memref<100096x16xf32, #tpu.memory_space<vmem_shared>>) offsets(%dma_start3A_905 : memref<80xi32, #tpu.memory_space<vmem>>) semaphore(%arg16 : memref<!tpu.dma_semaphore, #tpu.memory_space<semaphore_mem>>) {add = true}
    %dma_start3A_909 = arith.constant 9 : i32
    %dma_start3A_910 = arith.constant 320 : i32
    %dma_start3A_911 = arith.constant 0 : i32
    %dma_start3A_912 = tpu.memref_slice %arg11[%dma_start3A_910, %dma_start3A_911] : memref<400x16xf32, #tpu.memory_space<vmem>> -> memref<80x16xf32, #tpu.memory_space<vmem>>
    %dma_start3A_913 = arith.constant 0 : i32
    %dma_start3A_914 = tpu.memref_slice %arg7[%dma_start3A_909, %dma_start3A_913] : memref<20x80xi32, #tpu.memory_space<vmem>> -> memref<1x80xi32, #tpu.memory_space<vmem>>
    %dma_start3A_915 = tpu.memref_squeeze %dma_start3A_914 : memref<1x80xi32, #tpu.memory_space<vmem>> -> memref<80xi32, #tpu.memory_space<vmem>>
    %dma_start3A_916 = arith.constant 0 : i32
    %dma_start3A_917 = arith.constant 0 : i32
    %dma_start3A_918 = tpu.memref_slice %arg12[%dma_start3A_916, %dma_start3A_917] : memref<100096x16xf32, #tpu.memory_space<vmem_shared>> -> memref<100096x16xf32, #tpu.memory_space<vmem_shared>>
    tpu.enqueue_indirect_dma source(%dma_start3A_912 : memref<80x16xf32, #tpu.memory_space<vmem>>) target(%dma_start3A_918 : memref<100096x16xf32, #tpu.memory_space<vmem_shared>>) offsets(%dma_start3A_915 : memref<80xi32, #tpu.memory_space<vmem>>) semaphore(%arg16 : memref<!tpu.dma_semaphore, #tpu.memory_space<semaphore_mem>>) {add = true}
    %scan3A_919 = arith.constant 0 : i32
    %scan3A_920 = arith.constant 0 : i32
    %scan3A_921 = arith.constant 62 : i32
    %scan3A_922 = arith.addi %scan3A_920, %scan3A_921 : i32
    %scan3A_923 = arith.constant 1 : i32
    scf.for %scan3A_1036 = %scan3A_920 to %scan3A_922 step %scan3A_923  : i32 {
      %mul3A_1037 = arith.constant 4 : i32
      %mul3A_1038 = arith.muli %scan3A_1036, %mul3A_1037 : i32
      %add3A_1039 = arith.constant 2 : i32
      %add3A_1040 = arith.addi %add3A_1039, %mul3A_1038 : i32
      %add3A_1041 = arith.constant 0 : i32
      %add3A_1042 = arith.addi %add3A_1040, %add3A_1041 : i32
      %dma_wait3A_1043 = arith.constant 0 : i32
      %dma_wait3A_1044 = arith.constant 0 : i32
      %dma_wait3A_1045 = tpu.memref_slice %arg2[%arg0, %dma_wait3A_1043, %dma_wait3A_1044] : memref<2x100096x16xf32, #tpu.memory_space<hbm>> -> memref<1x100096x16xf32, #tpu.memory_space<hbm>>
      %dma_wait3A_1046 = tpu.memref_squeeze %dma_wait3A_1045 : memref<1x100096x16xf32, #tpu.memory_space<hbm>> -> memref<100096x16xf32, #tpu.memory_space<hbm>>
      %dma_wait3A_1047 = arith.constant 0 : i32
      %dma_wait3A_1048 = arith.constant 0 : i32
      %dma_wait3A_1049 = tpu.memref_slice %dma_wait3A_1046[%dma_wait3A_1047, %dma_wait3A_1048] : memref<100096x16xf32, #tpu.memory_space<hbm>> -> memref<400x16xf32, #tpu.memory_space<hbm>>
      %dma_wait3A_1050 = arith.constant 0 : i32
      %dma_wait3A_1051 = arith.constant 0 : i32
      %dma_wait3A_1052 = tpu.memref_slice %arg2[%arg0, %dma_wait3A_1050, %dma_wait3A_1051] : memref<2x100096x16xf32, #tpu.memory_space<hbm>> -> memref<1x100096x16xf32, #tpu.memory_space<hbm>>
      %dma_wait3A_1053 = tpu.memref_squeeze %dma_wait3A_1052 : memref<1x100096x16xf32, #tpu.memory_space<hbm>> -> memref<100096x16xf32, #tpu.memory_space<hbm>>
      %dma_wait3A_1054 = arith.constant 0 : i32
      %dma_wait3A_1055 = arith.constant 0 : i32
      %dma_wait3A_1056 = tpu.memref_slice %dma_wait3A_1053[%dma_wait3A_1054, %dma_wait3A_1055] : memref<100096x16xf32, #tpu.memory_space<hbm>> -> memref<400x16xf32, #tpu.memory_space<hbm>>
      tpu.wait_dma2 semaphore(%arg15 : memref<!tpu.dma_semaphore, #tpu.memory_space<semaphore_mem>>) src(%dma_wait3A_1056 : memref<400x16xf32, #tpu.memory_space<hbm>>) dst(%arg8 : memref<400x16xf32, #tpu.memory_space<vmem>>)
      %dma_wait3A_1057 = arith.constant 0 : i32
      %dma_wait3A_1058 = arith.constant 0 : i32
      %dma_wait3A_1059 = tpu.memref_slice %arg2[%arg0, %dma_wait3A_1057, %dma_wait3A_1058] : memref<2x100096x16xf32, #tpu.memory_space<hbm>> -> memref<1x100096x16xf32, #tpu.memory_space<hbm>>
      %dma_wait3A_1060 = tpu.memref_squeeze %dma_wait3A_1059 : memref<1x100096x16xf32, #tpu.memory_space<hbm>> -> memref<100096x16xf32, #tpu.memory_space<hbm>>
      %dma_wait3A_1061 = arith.constant 0 : i32
      %dma_wait3A_1062 = arith.constant 0 : i32
      %dma_wait3A_1063 = tpu.memref_slice %dma_wait3A_1060[%dma_wait3A_1061, %dma_wait3A_1062] : memref<100096x16xf32, #tpu.memory_space<hbm>> -> memref<400x16xf32, #tpu.memory_space<hbm>>
      %dma_wait3A_1064 = arith.constant 0 : i32
      %dma_wait3A_1065 = arith.constant 0 : i32
      %dma_wait3A_1066 = tpu.memref_slice %arg2[%arg0, %dma_wait3A_1064, %dma_wait3A_1065] : memref<2x100096x16xf32, #tpu.memory_space<hbm>> -> memref<1x100096x16xf32, #tpu.memory_space<hbm>>
      %dma_wait3A_1067 = tpu.memref_squeeze %dma_wait3A_1066 : memref<1x100096x16xf32, #tpu.memory_space<hbm>> -> memref<100096x16xf32, #tpu.memory_space<hbm>>
      %dma_wait3A_1068 = arith.constant 0 : i32
      %dma_wait3A_1069 = arith.constant 0 : i32
      %dma_wait3A_1070 = tpu.memref_slice %dma_wait3A_1067[%dma_wait3A_1068, %dma_wait3A_1069] : memref<100096x16xf32, #tpu.memory_space<hbm>> -> memref<400x16xf32, #tpu.memory_space<hbm>>
      tpu.wait_dma2 semaphore(%arg15 : memref<!tpu.dma_semaphore, #tpu.memory_space<semaphore_mem>>) src(%dma_wait3A_1070 : memref<400x16xf32, #tpu.memory_space<hbm>>) dst(%arg10 : memref<400x16xf32, #tpu.memory_space<vmem>>)
      %dma_wait3A_1071 = arith.constant 0 : i32
      %dma_wait3A_1072 = arith.constant 0 : i32
      %dma_wait3A_1073 = tpu.memref_slice %arg6[%dma_wait3A_1071, %dma_wait3A_1072] : memref<20x80xi32, #tpu.memory_space<vmem>> -> memref<5x80xi32, #tpu.memory_space<vmem>>
      %dma_wait3A_1074 = arith.constant 0 : i32
      %dma_wait3A_1075 = arith.constant 0 : i32
      %dma_wait3A_1076 = tpu.memref_slice %arg3[%dma_wait3A_1074, %dma_wait3A_1075] : memref<20000x80xi32, #tpu.memory_space<hbm>> -> memref<5x80xi32, #tpu.memory_space<hbm>>
      %dma_wait3A_1077 = arith.constant 0 : i32
      %dma_wait3A_1078 = arith.constant 0 : i32
      %dma_wait3A_1079 = tpu.memref_slice %arg6[%dma_wait3A_1077, %dma_wait3A_1078] : memref<20x80xi32, #tpu.memory_space<vmem>> -> memref<5x80xi32, #tpu.memory_space<vmem>>
      %dma_wait3A_1080 = arith.constant 0 : i32
      %dma_wait3A_1081 = arith.constant 0 : i32
      %dma_wait3A_1082 = tpu.memref_slice %arg3[%dma_wait3A_1080, %dma_wait3A_1081] : memref<20000x80xi32, #tpu.memory_space<hbm>> -> memref<5x80xi32, #tpu.memory_space<hbm>>
      tpu.wait_dma2 semaphore(%arg13 : memref<!tpu.dma_semaphore, #tpu.memory_space<semaphore_mem>>) src(%dma_wait3A_1082 : memref<5x80xi32, #tpu.memory_space<hbm>>) dst(%dma_wait3A_1079 : memref<5x80xi32, #tpu.memory_space<vmem>>)
      %dma_wait3A_1083 = arith.constant 0 : i32
      %dma_wait3A_1084 = arith.constant 0 : i32
      %dma_wait3A_1085 = tpu.memref_slice %arg7[%dma_wait3A_1083, %dma_wait3A_1084] : memref<20x80xi32, #tpu.memory_space<vmem>> -> memref<5x80xi32, #tpu.memory_space<vmem>>
      %dma_wait3A_1086 = arith.constant 0 : i32
      %dma_wait3A_1087 = arith.constant 0 : i32
      %dma_wait3A_1088 = tpu.memref_slice %arg4[%dma_wait3A_1086, %dma_wait3A_1087] : memref<20000x80xi32, #tpu.memory_space<hbm>> -> memref<5x80xi32, #tpu.memory_space<hbm>>
      %dma_wait3A_1089 = arith.constant 0 : i32
      %dma_wait3A_1090 = arith.constant 0 : i32
      %dma_wait3A_1091 = tpu.memref_slice %arg7[%dma_wait3A_1089, %dma_wait3A_1090] : memref<20x80xi32, #tpu.memory_space<vmem>> -> memref<5x80xi32, #tpu.memory_space<vmem>>
      %dma_wait3A_1092 = arith.constant 0 : i32
      %dma_wait3A_1093 = arith.constant 0 : i32
      %dma_wait3A_1094 = tpu.memref_slice %arg4[%dma_wait3A_1092, %dma_wait3A_1093] : memref<20000x80xi32, #tpu.memory_space<hbm>> -> memref<5x80xi32, #tpu.memory_space<hbm>>
      tpu.wait_dma2 semaphore(%arg13 : memref<!tpu.dma_semaphore, #tpu.memory_space<semaphore_mem>>) src(%dma_wait3A_1094 : memref<5x80xi32, #tpu.memory_space<hbm>>) dst(%dma_wait3A_1091 : memref<5x80xi32, #tpu.memory_space<vmem>>)
      %dma_start3A_1095 = arith.constant 10 : i32
      %dma_start3A_1096 = arith.constant 0 : i32
      %dma_start3A_1097 = arith.constant 0 : i32
      %dma_start3A_1098 = tpu.memref_slice %arg8[%dma_start3A_1096, %dma_start3A_1097] : memref<400x16xf32, #tpu.memory_space<vmem>> -> memref<80x16xf32, #tpu.memory_space<vmem>>
      %dma_start3A_1099 = arith.constant 0 : i32
      %dma_start3A_1100 = tpu.memref_slice %arg7[%dma_start3A_1095, %dma_start3A_1099] : memref<20x80xi32, #tpu.memory_space<vmem>> -> memref<1x80xi32, #tpu.memory_space<vmem>>
      %dma_start3A_1101 = tpu.memref_squeeze %dma_start3A_1100 : memref<1x80xi32, #tpu.memory_space<vmem>> -> memref<80xi32, #tpu.memory_space<vmem>>
      %dma_start3A_1102 = arith.constant 0 : i32
      %dma_start3A_1103 = arith.constant 0 : i32
      %dma_start3A_1104 = tpu.memref_slice %arg2[%arg0, %dma_start3A_1102, %dma_start3A_1103] : memref<2x100096x16xf32, #tpu.memory_space<hbm>> -> memref<1x100096x16xf32, #tpu.memory_space<hbm>>
      %dma_start3A_1105 = tpu.memref_squeeze %dma_start3A_1104 : memref<1x100096x16xf32, #tpu.memory_space<hbm>> -> memref<100096x16xf32, #tpu.memory_space<hbm>>
      %dma_start3A_1106 = arith.constant 0 : i32
      %dma_start3A_1107 = arith.constant 0 : i32
      %dma_start3A_1108 = tpu.memref_slice %dma_start3A_1105[%dma_start3A_1106, %dma_start3A_1107] : memref<100096x16xf32, #tpu.memory_space<hbm>> -> memref<100096x16xf32, #tpu.memory_space<hbm>>
      tpu.enqueue_indirect_dma source(%dma_start3A_1108 : memref<100096x16xf32, #tpu.memory_space<hbm>>) target(%dma_start3A_1098 : memref<80x16xf32, #tpu.memory_space<vmem>>) offsets(%dma_start3A_1101 : memref<80xi32, #tpu.memory_space<vmem>>) semaphore(%arg14 : memref<!tpu.dma_semaphore, #tpu.memory_space<semaphore_mem>>)
      %dma_start3A_1109 = arith.constant 10 : i32
      %dma_start3A_1110 = arith.constant 0 : i32
      %dma_start3A_1111 = arith.constant 0 : i32
      %dma_start3A_1112 = tpu.memref_slice %arg10[%dma_start3A_1110, %dma_start3A_1111] : memref<400x16xf32, #tpu.memory_space<vmem>> -> memref<80x16xf32, #tpu.memory_space<vmem>>
      %dma_start3A_1113 = arith.constant 0 : i32
      %dma_start3A_1114 = tpu.memref_slice %arg6[%dma_start3A_1109, %dma_start3A_1113] : memref<20x80xi32, #tpu.memory_space<vmem>> -> memref<1x80xi32, #tpu.memory_space<vmem>>
      %dma_start3A_1115 = tpu.memref_squeeze %dma_start3A_1114 : memref<1x80xi32, #tpu.memory_space<vmem>> -> memref<80xi32, #tpu.memory_space<vmem>>
      %dma_start3A_1116 = arith.constant 0 : i32
      %dma_start3A_1117 = arith.constant 0 : i32
      %dma_start3A_1118 = tpu.memref_slice %arg2[%arg0, %dma_start3A_1116, %dma_start3A_1117] : memref<2x100096x16xf32, #tpu.memory_space<hbm>> -> memref<1x100096x16xf32, #tpu.memory_space<hbm>>
      %dma_start3A_1119 = tpu.memref_squeeze %dma_start3A_1118 : memref<1x100096x16xf32, #tpu.memory_space<hbm>> -> memref<100096x16xf32, #tpu.memory_space<hbm>>
      %dma_start3A_1120 = arith.constant 0 : i32
      %dma_start3A_1121 = arith.constant 0 : i32
      %dma_start3A_1122 = tpu.memref_slice %dma_start3A_1119[%dma_start3A_1120, %dma_start3A_1121] : memref<100096x16xf32, #tpu.memory_space<hbm>> -> memref<100096x16xf32, #tpu.memory_space<hbm>>
      tpu.enqueue_indirect_dma source(%dma_start3A_1122 : memref<100096x16xf32, #tpu.memory_space<hbm>>) target(%dma_start3A_1112 : memref<80x16xf32, #tpu.memory_space<vmem>>) offsets(%dma_start3A_1115 : memref<80xi32, #tpu.memory_space<vmem>>) semaphore(%arg14 : memref<!tpu.dma_semaphore, #tpu.memory_space<semaphore_mem>>)
      %dma_start3A_1123 = arith.constant 11 : i32
      %dma_start3A_1124 = arith.constant 80 : i32
      %dma_start3A_1125 = arith.constant 0 : i32
      %dma_start3A_1126 = tpu.memref_slice %arg8[%dma_start3A_1124, %dma_start3A_1125] : memref<400x16xf32, #tpu.memory_space<vmem>> -> memref<80x16xf32, #tpu.memory_space<vmem>>
      %dma_start3A_1127 = arith.constant 0 : i32
      %dma_start3A_1128 = tpu.memref_slice %arg7[%dma_start3A_1123, %dma_start3A_1127] : memref<20x80xi32, #tpu.memory_space<vmem>> -> memref<1x80xi32, #tpu.memory_space<vmem>>
      %dma_start3A_1129 = tpu.memref_squeeze %dma_start3A_1128 : memref<1x80xi32, #tpu.memory_space<vmem>> -> memref<80xi32, #tpu.memory_space<vmem>>
      %dma_start3A_1130 = arith.constant 0 : i32
      %dma_start3A_1131 = arith.constant 0 : i32
      %dma_start3A_1132 = tpu.memref_slice %arg2[%arg0, %dma_start3A_1130, %dma_start3A_1131] : memref<2x100096x16xf32, #tpu.memory_space<hbm>> -> memref<1x100096x16xf32, #tpu.memory_space<hbm>>
      %dma_start3A_1133 = tpu.memref_squeeze %dma_start3A_1132 : memref<1x100096x16xf32, #tpu.memory_space<hbm>> -> memref<100096x16xf32, #tpu.memory_space<hbm>>
      %dma_start3A_1134 = arith.constant 0 : i32
      %dma_start3A_1135 = arith.constant 0 : i32
      %dma_start3A_1136 = tpu.memref_slice %dma_start3A_1133[%dma_start3A_1134, %dma_start3A_1135] : memref<100096x16xf32, #tpu.memory_space<hbm>> -> memref<100096x16xf32, #tpu.memory_space<hbm>>
      tpu.enqueue_indirect_dma source(%dma_start3A_1136 : memref<100096x16xf32, #tpu.memory_space<hbm>>) target(%dma_start3A_1126 : memref<80x16xf32, #tpu.memory_space<vmem>>) offsets(%dma_start3A_1129 : memref<80xi32, #tpu.memory_space<vmem>>) semaphore(%arg14 : memref<!tpu.dma_semaphore, #tpu.memory_space<semaphore_mem>>)
      %dma_start3A_1137 = arith.constant 11 : i32
      %dma_start3A_1138 = arith.constant 80 : i32
      %dma_start3A_1139 = arith.constant 0 : i32
      %dma_start3A_1140 = tpu.memref_slice %arg10[%dma_start3A_1138, %dma_start3A_1139] : memref<400x16xf32, #tpu.memory_space<vmem>> -> memref<80x16xf32, #tpu.memory_space<vmem>>
      %dma_start3A_1141 = arith.constant 0 : i32
      %dma_start3A_1142 = tpu.memref_slice %arg6[%dma_start3A_1137, %dma_start3A_1141] : memref<20x80xi32, #tpu.memory_space<vmem>> -> memref<1x80xi32, #tpu.memory_space<vmem>>
      %dma_start3A_1143 = tpu.memref_squeeze %dma_start3A_1142 : memref<1x80xi32, #tpu.memory_space<vmem>> -> memref<80xi32, #tpu.memory_space<vmem>>
      %dma_start3A_1144 = arith.constant 0 : i32
      %dma_start3A_1145 = arith.constant 0 : i32
      %dma_start3A_1146 = tpu.memref_slice %arg2[%arg0, %dma_start3A_1144, %dma_start3A_1145] : memref<2x100096x16xf32, #tpu.memory_space<hbm>> -> memref<1x100096x16xf32, #tpu.memory_space<hbm>>
      %dma_start3A_1147 = tpu.memref_squeeze %dma_start3A_1146 : memref<1x100096x16xf32, #tpu.memory_space<hbm>> -> memref<100096x16xf32, #tpu.memory_space<hbm>>
      %dma_start3A_1148 = arith.constant 0 : i32
      %dma_start3A_1149 = arith.constant 0 : i32
      %dma_start3A_1150 = tpu.memref_slice %dma_start3A_1147[%dma_start3A_1148, %dma_start3A_1149] : memref<100096x16xf32, #tpu.memory_space<hbm>> -> memref<100096x16xf32, #tpu.memory_space<hbm>>
      tpu.enqueue_indirect_dma source(%dma_start3A_1150 : memref<100096x16xf32, #tpu.memory_space<hbm>>) target(%dma_start3A_1140 : memref<80x16xf32, #tpu.memory_space<vmem>>) offsets(%dma_start3A_1143 : memref<80xi32, #tpu.memory_space<vmem>>) semaphore(%arg14 : memref<!tpu.dma_semaphore, #tpu.memory_space<semaphore_mem>>)
      %dma_start3A_1151 = arith.constant 12 : i32
      %dma_start3A_1152 = arith.constant 160 : i32
      %dma_start3A_1153 = arith.constant 0 : i32
      %dma_start3A_1154 = tpu.memref_slice %arg8[%dma_start3A_1152, %dma_start3A_1153] : memref<400x16xf32, #tpu.memory_space<vmem>> -> memref<80x16xf32, #tpu.memory_space<vmem>>
      %dma_start3A_1155 = arith.constant 0 : i32
      %dma_start3A_1156 = tpu.memref_slice %arg7[%dma_start3A_1151, %dma_start3A_1155] : memref<20x80xi32, #tpu.memory_space<vmem>> -> memref<1x80xi32, #tpu.memory_space<vmem>>
      %dma_start3A_1157 = tpu.memref_squeeze %dma_start3A_1156 : memref<1x80xi32, #tpu.memory_space<vmem>> -> memref<80xi32, #tpu.memory_space<vmem>>
      %dma_start3A_1158 = arith.constant 0 : i32
      %dma_start3A_1159 = arith.constant 0 : i32
      %dma_start3A_1160 = tpu.memref_slice %arg2[%arg0, %dma_start3A_1158, %dma_start3A_1159] : memref<2x100096x16xf32, #tpu.memory_space<hbm>> -> memref<1x100096x16xf32, #tpu.memory_space<hbm>>
      %dma_start3A_1161 = tpu.memref_squeeze %dma_start3A_1160 : memref<1x100096x16xf32, #tpu.memory_space<hbm>> -> memref<100096x16xf32, #tpu.memory_space<hbm>>
      %dma_start3A_1162 = arith.constant 0 : i32
      %dma_start3A_1163 = arith.constant 0 : i32
      %dma_start3A_1164 = tpu.memref_slice %dma_start3A_1161[%dma_start3A_1162, %dma_start3A_1163] : memref<100096x16xf32, #tpu.memory_space<hbm>> -> memref<100096x16xf32, #tpu.memory_space<hbm>>
      tpu.enqueue_indirect_dma source(%dma_start3A_1164 : memref<100096x16xf32, #tpu.memory_space<hbm>>) target(%dma_start3A_1154 : memref<80x16xf32, #tpu.memory_space<vmem>>) offsets(%dma_start3A_1157 : memref<80xi32, #tpu.memory_space<vmem>>) semaphore(%arg14 : memref<!tpu.dma_semaphore, #tpu.memory_space<semaphore_mem>>)
      %dma_start3A_1165 = arith.constant 12 : i32
      %dma_start3A_1166 = arith.constant 160 : i32
      %dma_start3A_1167 = arith.constant 0 : i32
      %dma_start3A_1168 = tpu.memref_slice %arg10[%dma_start3A_1166, %dma_start3A_1167] : memref<400x16xf32, #tpu.memory_space<vmem>> -> memref<80x16xf32, #tpu.memory_space<vmem>>
      %dma_start3A_1169 = arith.constant 0 : i32
      %dma_start3A_1170 = tpu.memref_slice %arg6[%dma_start3A_1165, %dma_start3A_1169] : memref<20x80xi32, #tpu.memory_space<vmem>> -> memref<1x80xi32, #tpu.memory_space<vmem>>
      %dma_start3A_1171 = tpu.memref_squeeze %dma_start3A_1170 : memref<1x80xi32, #tpu.memory_space<vmem>> -> memref<80xi32, #tpu.memory_space<vmem>>
      %dma_start3A_1172 = arith.constant 0 : i32
      %dma_start3A_1173 = arith.constant 0 : i32
      %dma_start3A_1174 = tpu.memref_slice %arg2[%arg0, %dma_start3A_1172, %dma_start3A_1173] : memref<2x100096x16xf32, #tpu.memory_space<hbm>> -> memref<1x100096x16xf32, #tpu.memory_space<hbm>>
      %dma_start3A_1175 = tpu.memref_squeeze %dma_start3A_1174 : memref<1x100096x16xf32, #tpu.memory_space<hbm>> -> memref<100096x16xf32, #tpu.memory_space<hbm>>
      %dma_start3A_1176 = arith.constant 0 : i32
      %dma_start3A_1177 = arith.constant 0 : i32
      %dma_start3A_1178 = tpu.memref_slice %dma_start3A_1175[%dma_start3A_1176, %dma_start3A_1177] : memref<100096x16xf32, #tpu.memory_space<hbm>> -> memref<100096x16xf32, #tpu.memory_space<hbm>>
      tpu.enqueue_indirect_dma source(%dma_start3A_1178 : memref<100096x16xf32, #tpu.memory_space<hbm>>) target(%dma_start3A_1168 : memref<80x16xf32, #tpu.memory_space<vmem>>) offsets(%dma_start3A_1171 : memref<80xi32, #tpu.memory_space<vmem>>) semaphore(%arg14 : memref<!tpu.dma_semaphore, #tpu.memory_space<semaphore_mem>>)
      %dma_start3A_1179 = arith.constant 13 : i32
      %dma_start3A_1180 = arith.constant 240 : i32
      %dma_start3A_1181 = arith.constant 0 : i32
      %dma_start3A_1182 = tpu.memref_slice %arg8[%dma_start3A_1180, %dma_start3A_1181] : memref<400x16xf32, #tpu.memory_space<vmem>> -> memref<80x16xf32, #tpu.memory_space<vmem>>
      %dma_start3A_1183 = arith.constant 0 : i32
      %dma_start3A_1184 = tpu.memref_slice %arg7[%dma_start3A_1179, %dma_start3A_1183] : memref<20x80xi32, #tpu.memory_space<vmem>> -> memref<1x80xi32, #tpu.memory_space<vmem>>
      %dma_start3A_1185 = tpu.memref_squeeze %dma_start3A_1184 : memref<1x80xi32, #tpu.memory_space<vmem>> -> memref<80xi32, #tpu.memory_space<vmem>>
      %dma_start3A_1186 = arith.constant 0 : i32
      %dma_start3A_1187 = arith.constant 0 : i32
      %dma_start3A_1188 = tpu.memref_slice %arg2[%arg0, %dma_start3A_1186, %dma_start3A_1187] : memref<2x100096x16xf32, #tpu.memory_space<hbm>> -> memref<1x100096x16xf32, #tpu.memory_space<hbm>>
      %dma_start3A_1189 = tpu.memref_squeeze %dma_start3A_1188 : memref<1x100096x16xf32, #tpu.memory_space<hbm>> -> memref<100096x16xf32, #tpu.memory_space<hbm>>
      %dma_start3A_1190 = arith.constant 0 : i32
      %dma_start3A_1191 = arith.constant 0 : i32
      %dma_start3A_1192 = tpu.memref_slice %dma_start3A_1189[%dma_start3A_1190, %dma_start3A_1191] : memref<100096x16xf32, #tpu.memory_space<hbm>> -> memref<100096x16xf32, #tpu.memory_space<hbm>>
      tpu.enqueue_indirect_dma source(%dma_start3A_1192 : memref<100096x16xf32, #tpu.memory_space<hbm>>) target(%dma_start3A_1182 : memref<80x16xf32, #tpu.memory_space<vmem>>) offsets(%dma_start3A_1185 : memref<80xi32, #tpu.memory_space<vmem>>) semaphore(%arg14 : memref<!tpu.dma_semaphore, #tpu.memory_space<semaphore_mem>>)
      %dma_start3A_1193 = arith.constant 13 : i32
      %dma_start3A_1194 = arith.constant 240 : i32
      %dma_start3A_1195 = arith.constant 0 : i32
      %dma_start3A_1196 = tpu.memref_slice %arg10[%dma_start3A_1194, %dma_start3A_1195] : memref<400x16xf32, #tpu.memory_space<vmem>> -> memref<80x16xf32, #tpu.memory_space<vmem>>
      %dma_start3A_1197 = arith.constant 0 : i32
      %dma_start3A_1198 = tpu.memref_slice %arg6[%dma_start3A_1193, %dma_start3A_1197] : memref<20x80xi32, #tpu.memory_space<vmem>> -> memref<1x80xi32, #tpu.memory_space<vmem>>
      %dma_start3A_1199 = tpu.memref_squeeze %dma_start3A_1198 : memref<1x80xi32, #tpu.memory_space<vmem>> -> memref<80xi32, #tpu.memory_space<vmem>>
      %dma_start3A_1200 = arith.constant 0 : i32
      %dma_start3A_1201 = arith.constant 0 : i32
      %dma_start3A_1202 = tpu.memref_slice %arg2[%arg0, %dma_start3A_1200, %dma_start3A_1201] : memref<2x100096x16xf32, #tpu.memory_space<hbm>> -> memref<1x100096x16xf32, #tpu.memory_space<hbm>>
      %dma_start3A_1203 = tpu.memref_squeeze %dma_start3A_1202 : memref<1x100096x16xf32, #tpu.memory_space<hbm>> -> memref<100096x16xf32, #tpu.memory_space<hbm>>
      %dma_start3A_1204 = arith.constant 0 : i32
      %dma_start3A_1205 = arith.constant 0 : i32
      %dma_start3A_1206 = tpu.memref_slice %dma_start3A_1203[%dma_start3A_1204, %dma_start3A_1205] : memref<100096x16xf32, #tpu.memory_space<hbm>> -> memref<100096x16xf32, #tpu.memory_space<hbm>>
      tpu.enqueue_indirect_dma source(%dma_start3A_1206 : memref<100096x16xf32, #tpu.memory_space<hbm>>) target(%dma_start3A_1196 : memref<80x16xf32, #tpu.memory_space<vmem>>) offsets(%dma_start3A_1199 : memref<80xi32, #tpu.memory_space<vmem>>) semaphore(%arg14 : memref<!tpu.dma_semaphore, #tpu.memory_space<semaphore_mem>>)
      %dma_start3A_1207 = arith.constant 14 : i32
      %dma_start3A_1208 = arith.constant 320 : i32
      %dma_start3A_1209 = arith.constant 0 : i32
      %dma_start3A_1210 = tpu.memref_slice %arg8[%dma_start3A_1208, %dma_start3A_1209] : memref<400x16xf32, #tpu.memory_space<vmem>> -> memref<80x16xf32, #tpu.memory_space<vmem>>
      %dma_start3A_1211 = arith.constant 0 : i32
      %dma_start3A_1212 = tpu.memref_slice %arg7[%dma_start3A_1207, %dma_start3A_1211] : memref<20x80xi32, #tpu.memory_space<vmem>> -> memref<1x80xi32, #tpu.memory_space<vmem>>
      %dma_start3A_1213 = tpu.memref_squeeze %dma_start3A_1212 : memref<1x80xi32, #tpu.memory_space<vmem>> -> memref<80xi32, #tpu.memory_space<vmem>>
      %dma_start3A_1214 = arith.constant 0 : i32
      %dma_start3A_1215 = arith.constant 0 : i32
      %dma_start3A_1216 = tpu.memref_slice %arg2[%arg0, %dma_start3A_1214, %dma_start3A_1215] : memref<2x100096x16xf32, #tpu.memory_space<hbm>> -> memref<1x100096x16xf32, #tpu.memory_space<hbm>>
      %dma_start3A_1217 = tpu.memref_squeeze %dma_start3A_1216 : memref<1x100096x16xf32, #tpu.memory_space<hbm>> -> memref<100096x16xf32, #tpu.memory_space<hbm>>
      %dma_start3A_1218 = arith.constant 0 : i32
      %dma_start3A_1219 = arith.constant 0 : i32
      %dma_start3A_1220 = tpu.memref_slice %dma_start3A_1217[%dma_start3A_1218, %dma_start3A_1219] : memref<100096x16xf32, #tpu.memory_space<hbm>> -> memref<100096x16xf32, #tpu.memory_space<hbm>>
      tpu.enqueue_indirect_dma source(%dma_start3A_1220 : memref<100096x16xf32, #tpu.memory_space<hbm>>) target(%dma_start3A_1210 : memref<80x16xf32, #tpu.memory_space<vmem>>) offsets(%dma_start3A_1213 : memref<80xi32, #tpu.memory_space<vmem>>) semaphore(%arg14 : memref<!tpu.dma_semaphore, #tpu.memory_space<semaphore_mem>>)
      %dma_start3A_1221 = arith.constant 14 : i32
      %dma_start3A_1222 = arith.constant 320 : i32
      %dma_start3A_1223 = arith.constant 0 : i32
      %dma_start3A_1224 = tpu.memref_slice %arg10[%dma_start3A_1222, %dma_start3A_1223] : memref<400x16xf32, #tpu.memory_space<vmem>> -> memref<80x16xf32, #tpu.memory_space<vmem>>
      %dma_start3A_1225 = arith.constant 0 : i32
      %dma_start3A_1226 = tpu.memref_slice %arg6[%dma_start3A_1221, %dma_start3A_1225] : memref<20x80xi32, #tpu.memory_space<vmem>> -> memref<1x80xi32, #tpu.memory_space<vmem>>
      %dma_start3A_1227 = tpu.memref_squeeze %dma_start3A_1226 : memref<1x80xi32, #tpu.memory_space<vmem>> -> memref<80xi32, #tpu.memory_space<vmem>>
      %dma_start3A_1228 = arith.constant 0 : i32
      %dma_start3A_1229 = arith.constant 0 : i32
      %dma_start3A_1230 = tpu.memref_slice %arg2[%arg0, %dma_start3A_1228, %dma_start3A_1229] : memref<2x100096x16xf32, #tpu.memory_space<hbm>> -> memref<1x100096x16xf32, #tpu.memory_space<hbm>>
      %dma_start3A_1231 = tpu.memref_squeeze %dma_start3A_1230 : memref<1x100096x16xf32, #tpu.memory_space<hbm>> -> memref<100096x16xf32, #tpu.memory_space<hbm>>
      %dma_start3A_1232 = arith.constant 0 : i32
      %dma_start3A_1233 = arith.constant 0 : i32
      %dma_start3A_1234 = tpu.memref_slice %dma_start3A_1231[%dma_start3A_1232, %dma_start3A_1233] : memref<100096x16xf32, #tpu.memory_space<hbm>> -> memref<100096x16xf32, #tpu.memory_space<hbm>>
      tpu.enqueue_indirect_dma source(%dma_start3A_1234 : memref<100096x16xf32, #tpu.memory_space<hbm>>) target(%dma_start3A_1224 : memref<80x16xf32, #tpu.memory_space<vmem>>) offsets(%dma_start3A_1227 : memref<80xi32, #tpu.memory_space<vmem>>) semaphore(%arg14 : memref<!tpu.dma_semaphore, #tpu.memory_space<semaphore_mem>>)
      %add3A_1235 = arith.constant 2 : i32
      %add3A_1236 = arith.addi %add3A_1042, %add3A_1235 : i32
      %mul3A_1237 = arith.constant 1250 : i32
      %mul3A_1238 = arith.muli %arg1, %mul3A_1237 : i32
      %mul3A_1239 = arith.constant 5 : i32
      %mul3A_1240 = arith.muli %add3A_1236, %mul3A_1239 : i32
      %add3A_1241 = arith.addi %mul3A_1238, %mul3A_1240 : i32
      %min3A_1242 = arith.constant 19995 : i32
      %min3A_1243 = arith.minsi %add3A_1241, %min3A_1242 : i32
      %dma_start3A_1244 = arith.constant 0 : i32
      %dma_start3A_1245 = arith.constant 0 : i32
      %dma_start3A_1246 = tpu.memref_slice %arg6[%dma_start3A_1244, %dma_start3A_1245] : memref<20x80xi32, #tpu.memory_space<vmem>> -> memref<5x80xi32, #tpu.memory_space<vmem>>
      %dma_start3A_1247 = arith.constant 0 : i32
      %dma_start3A_1248 = tpu.memref_slice %arg3[%min3A_1243, %dma_start3A_1247] : memref<20000x80xi32, #tpu.memory_space<hbm>> -> memref<5x80xi32, #tpu.memory_space<hbm>>
      %dma_start3A_1249 = arith.constant 0 : i32
      %dma_start3A_1250 = arith.constant 0 : i32
      %dma_start3A_1251 = tpu.memref_slice %arg6[%dma_start3A_1249, %dma_start3A_1250] : memref<20x80xi32, #tpu.memory_space<vmem>> -> memref<5x80xi32, #tpu.memory_space<vmem>>
      %dma_start3A_1252 = arith.constant 0 : i32
      %dma_start3A_1253 = tpu.memref_slice %arg3[%min3A_1243, %dma_start3A_1252] : memref<20000x80xi32, #tpu.memory_space<hbm>> -> memref<5x80xi32, #tpu.memory_space<hbm>>
      tpu.enqueue_dma source(%dma_start3A_1253 : memref<5x80xi32, #tpu.memory_space<hbm>>) target(%dma_start3A_1251 : memref<5x80xi32, #tpu.memory_space<vmem>>) target_semaphore(%arg13 : memref<!tpu.dma_semaphore, #tpu.memory_space<semaphore_mem>>)
      %dma_start3A_1254 = arith.constant 0 : i32
      %dma_start3A_1255 = arith.constant 0 : i32
      %dma_start3A_1256 = tpu.memref_slice %arg7[%dma_start3A_1254, %dma_start3A_1255] : memref<20x80xi32, #tpu.memory_space<vmem>> -> memref<5x80xi32, #tpu.memory_space<vmem>>
      %dma_start3A_1257 = arith.constant 0 : i32
      %dma_start3A_1258 = tpu.memref_slice %arg4[%min3A_1243, %dma_start3A_1257] : memref<20000x80xi32, #tpu.memory_space<hbm>> -> memref<5x80xi32, #tpu.memory_space<hbm>>
      %dma_start3A_1259 = arith.constant 0 : i32
      %dma_start3A_1260 = arith.constant 0 : i32
      %dma_start3A_1261 = tpu.memref_slice %arg7[%dma_start3A_1259, %dma_start3A_1260] : memref<20x80xi32, #tpu.memory_space<vmem>> -> memref<5x80xi32, #tpu.memory_space<vmem>>
      %dma_start3A_1262 = arith.constant 0 : i32
      %dma_start3A_1263 = tpu.memref_slice %arg4[%min3A_1243, %dma_start3A_1262] : memref<20000x80xi32, #tpu.memory_space<hbm>> -> memref<5x80xi32, #tpu.memory_space<hbm>>
      tpu.enqueue_dma source(%dma_start3A_1263 : memref<5x80xi32, #tpu.memory_space<hbm>>) target(%dma_start3A_1261 : memref<5x80xi32, #tpu.memory_space<vmem>>) target_semaphore(%arg13 : memref<!tpu.dma_semaphore, #tpu.memory_space<semaphore_mem>>)
      %dma_wait3A_1264 = arith.constant 10 : i32
      %dma_wait3A_1265 = arith.constant 0 : i32
      %dma_wait3A_1266 = arith.constant 0 : i32
      %dma_wait3A_1267 = tpu.memref_slice %arg8[%dma_wait3A_1265, %dma_wait3A_1266] : memref<400x16xf32, #tpu.memory_space<vmem>> -> memref<80x16xf32, #tpu.memory_space<vmem>>
      %dma_wait3A_1268 = arith.constant 0 : i32
      %dma_wait3A_1269 = tpu.memref_slice %arg7[%dma_wait3A_1264, %dma_wait3A_1268] : memref<20x80xi32, #tpu.memory_space<vmem>> -> memref<1x80xi32, #tpu.memory_space<vmem>>
      %dma_wait3A_1270 = tpu.memref_squeeze %dma_wait3A_1269 : memref<1x80xi32, #tpu.memory_space<vmem>> -> memref<80xi32, #tpu.memory_space<vmem>>
      %dma_wait3A_1271 = arith.constant 0 : i32
      %dma_wait3A_1272 = arith.constant 0 : i32
      %dma_wait3A_1273 = tpu.memref_slice %arg2[%arg0, %dma_wait3A_1271, %dma_wait3A_1272] : memref<2x100096x16xf32, #tpu.memory_space<hbm>> -> memref<1x100096x16xf32, #tpu.memory_space<hbm>>
      %dma_wait3A_1274 = tpu.memref_squeeze %dma_wait3A_1273 : memref<1x100096x16xf32, #tpu.memory_space<hbm>> -> memref<100096x16xf32, #tpu.memory_space<hbm>>
      %dma_wait3A_1275 = arith.constant 0 : i32
      %dma_wait3A_1276 = arith.constant 0 : i32
      %dma_wait3A_1277 = tpu.memref_slice %dma_wait3A_1274[%dma_wait3A_1275, %dma_wait3A_1276] : memref<100096x16xf32, #tpu.memory_space<hbm>> -> memref<100096x16xf32, #tpu.memory_space<hbm>>
      tpu.wait_indirect_dma semaphore(%arg14 : memref<!tpu.dma_semaphore, #tpu.memory_space<semaphore_mem>>) src(%dma_wait3A_1277 : memref<100096x16xf32, #tpu.memory_space<hbm>>) dst(%dma_wait3A_1267 : memref<80x16xf32, #tpu.memory_space<vmem>>)
      %dma_wait3A_1278 = arith.constant 10 : i32
      %dma_wait3A_1279 = arith.constant 0 : i32
      %dma_wait3A_1280 = arith.constant 0 : i32
      %dma_wait3A_1281 = tpu.memref_slice %arg10[%dma_wait3A_1279, %dma_wait3A_1280] : memref<400x16xf32, #tpu.memory_space<vmem>> -> memref<80x16xf32, #tpu.memory_space<vmem>>
      %dma_wait3A_1282 = arith.constant 0 : i32
      %dma_wait3A_1283 = tpu.memref_slice %arg6[%dma_wait3A_1278, %dma_wait3A_1282] : memref<20x80xi32, #tpu.memory_space<vmem>> -> memref<1x80xi32, #tpu.memory_space<vmem>>
      %dma_wait3A_1284 = tpu.memref_squeeze %dma_wait3A_1283 : memref<1x80xi32, #tpu.memory_space<vmem>> -> memref<80xi32, #tpu.memory_space<vmem>>
      %dma_wait3A_1285 = arith.constant 0 : i32
      %dma_wait3A_1286 = arith.constant 0 : i32
      %dma_wait3A_1287 = tpu.memref_slice %arg2[%arg0, %dma_wait3A_1285, %dma_wait3A_1286] : memref<2x100096x16xf32, #tpu.memory_space<hbm>> -> memref<1x100096x16xf32, #tpu.memory_space<hbm>>
      %dma_wait3A_1288 = tpu.memref_squeeze %dma_wait3A_1287 : memref<1x100096x16xf32, #tpu.memory_space<hbm>> -> memref<100096x16xf32, #tpu.memory_space<hbm>>
      %dma_wait3A_1289 = arith.constant 0 : i32
      %dma_wait3A_1290 = arith.constant 0 : i32
      %dma_wait3A_1291 = tpu.memref_slice %dma_wait3A_1288[%dma_wait3A_1289, %dma_wait3A_1290] : memref<100096x16xf32, #tpu.memory_space<hbm>> -> memref<100096x16xf32, #tpu.memory_space<hbm>>
      tpu.wait_indirect_dma semaphore(%arg14 : memref<!tpu.dma_semaphore, #tpu.memory_space<semaphore_mem>>) src(%dma_wait3A_1291 : memref<100096x16xf32, #tpu.memory_space<hbm>>) dst(%dma_wait3A_1281 : memref<80x16xf32, #tpu.memory_space<vmem>>)
      %dma_start3A_1292 = arith.constant 10 : i32
      %dma_start3A_1293 = arith.constant 0 : i32
      %dma_start3A_1294 = arith.constant 0 : i32
      %dma_start3A_1295 = tpu.memref_slice %arg8[%dma_start3A_1293, %dma_start3A_1294] : memref<400x16xf32, #tpu.memory_space<vmem>> -> memref<80x16xf32, #tpu.memory_space<vmem>>
      %dma_start3A_1296 = arith.constant 0 : i32
      %dma_start3A_1297 = tpu.memref_slice %arg6[%dma_start3A_1292, %dma_start3A_1296] : memref<20x80xi32, #tpu.memory_space<vmem>> -> memref<1x80xi32, #tpu.memory_space<vmem>>
      %dma_start3A_1298 = tpu.memref_squeeze %dma_start3A_1297 : memref<1x80xi32, #tpu.memory_space<vmem>> -> memref<80xi32, #tpu.memory_space<vmem>>
      %dma_start3A_1299 = arith.constant 0 : i32
      %dma_start3A_1300 = arith.constant 0 : i32
      %dma_start3A_1301 = tpu.memref_slice %arg12[%dma_start3A_1299, %dma_start3A_1300] : memref<100096x16xf32, #tpu.memory_space<vmem_shared>> -> memref<100096x16xf32, #tpu.memory_space<vmem_shared>>
      tpu.enqueue_indirect_dma source(%dma_start3A_1295 : memref<80x16xf32, #tpu.memory_space<vmem>>) target(%dma_start3A_1301 : memref<100096x16xf32, #tpu.memory_space<vmem_shared>>) offsets(%dma_start3A_1298 : memref<80xi32, #tpu.memory_space<vmem>>) semaphore(%arg15 : memref<!tpu.dma_semaphore, #tpu.memory_space<semaphore_mem>>) {add = true}
      %dma_start3A_1302 = arith.constant 10 : i32
      %dma_start3A_1303 = arith.constant 0 : i32
      %dma_start3A_1304 = arith.constant 0 : i32
      %dma_start3A_1305 = tpu.memref_slice %arg10[%dma_start3A_1303, %dma_start3A_1304] : memref<400x16xf32, #tpu.memory_space<vmem>> -> memref<80x16xf32, #tpu.memory_space<vmem>>
      %dma_start3A_1306 = arith.constant 0 : i32
      %dma_start3A_1307 = tpu.memref_slice %arg7[%dma_start3A_1302, %dma_start3A_1306] : memref<20x80xi32, #tpu.memory_space<vmem>> -> memref<1x80xi32, #tpu.memory_space<vmem>>
      %dma_start3A_1308 = tpu.memref_squeeze %dma_start3A_1307 : memref<1x80xi32, #tpu.memory_space<vmem>> -> memref<80xi32, #tpu.memory_space<vmem>>
      %dma_start3A_1309 = arith.constant 0 : i32
      %dma_start3A_1310 = arith.constant 0 : i32
      %dma_start3A_1311 = tpu.memref_slice %arg12[%dma_start3A_1309, %dma_start3A_1310] : memref<100096x16xf32, #tpu.memory_space<vmem_shared>> -> memref<100096x16xf32, #tpu.memory_space<vmem_shared>>
      tpu.enqueue_indirect_dma source(%dma_start3A_1305 : memref<80x16xf32, #tpu.memory_space<vmem>>) target(%dma_start3A_1311 : memref<100096x16xf32, #tpu.memory_space<vmem_shared>>) offsets(%dma_start3A_1308 : memref<80xi32, #tpu.memory_space<vmem>>) semaphore(%arg15 : memref<!tpu.dma_semaphore, #tpu.memory_space<semaphore_mem>>) {add = true}
      %dma_wait3A_1312 = arith.constant 11 : i32
      %dma_wait3A_1313 = arith.constant 80 : i32
      %dma_wait3A_1314 = arith.constant 0 : i32
      %dma_wait3A_1315 = tpu.memref_slice %arg8[%dma_wait3A_1313, %dma_wait3A_1314] : memref<400x16xf32, #tpu.memory_space<vmem>> -> memref<80x16xf32, #tpu.memory_space<vmem>>
      %dma_wait3A_1316 = arith.constant 0 : i32
      %dma_wait3A_1317 = tpu.memref_slice %arg7[%dma_wait3A_1312, %dma_wait3A_1316] : memref<20x80xi32, #tpu.memory_space<vmem>> -> memref<1x80xi32, #tpu.memory_space<vmem>>
      %dma_wait3A_1318 = tpu.memref_squeeze %dma_wait3A_1317 : memref<1x80xi32, #tpu.memory_space<vmem>> -> memref<80xi32, #tpu.memory_space<vmem>>
      %dma_wait3A_1319 = arith.constant 0 : i32
      %dma_wait3A_1320 = arith.constant 0 : i32
      %dma_wait3A_1321 = tpu.memref_slice %arg2[%arg0, %dma_wait3A_1319, %dma_wait3A_1320] : memref<2x100096x16xf32, #tpu.memory_space<hbm>> -> memref<1x100096x16xf32, #tpu.memory_space<hbm>>
      %dma_wait3A_1322 = tpu.memref_squeeze %dma_wait3A_1321 : memref<1x100096x16xf32, #tpu.memory_space<hbm>> -> memref<100096x16xf32, #tpu.memory_space<hbm>>
      %dma_wait3A_1323 = arith.constant 0 : i32
      %dma_wait3A_1324 = arith.constant 0 : i32
      %dma_wait3A_1325 = tpu.memref_slice %dma_wait3A_1322[%dma_wait3A_1323, %dma_wait3A_1324] : memref<100096x16xf32, #tpu.memory_space<hbm>> -> memref<100096x16xf32, #tpu.memory_space<hbm>>
      tpu.wait_indirect_dma semaphore(%arg14 : memref<!tpu.dma_semaphore, #tpu.memory_space<semaphore_mem>>) src(%dma_wait3A_1325 : memref<100096x16xf32, #tpu.memory_space<hbm>>) dst(%dma_wait3A_1315 : memref<80x16xf32, #tpu.memory_space<vmem>>)
      %dma_wait3A_1326 = arith.constant 11 : i32
      %dma_wait3A_1327 = arith.constant 80 : i32
      %dma_wait3A_1328 = arith.constant 0 : i32
      %dma_wait3A_1329 = tpu.memref_slice %arg10[%dma_wait3A_1327, %dma_wait3A_1328] : memref<400x16xf32, #tpu.memory_space<vmem>> -> memref<80x16xf32, #tpu.memory_space<vmem>>
      %dma_wait3A_1330 = arith.constant 0 : i32
      %dma_wait3A_1331 = tpu.memref_slice %arg6[%dma_wait3A_1326, %dma_wait3A_1330] : memref<20x80xi32, #tpu.memory_space<vmem>> -> memref<1x80xi32, #tpu.memory_space<vmem>>
      %dma_wait3A_1332 = tpu.memref_squeeze %dma_wait3A_1331 : memref<1x80xi32, #tpu.memory_space<vmem>> -> memref<80xi32, #tpu.memory_space<vmem>>
      %dma_wait3A_1333 = arith.constant 0 : i32
      %dma_wait3A_1334 = arith.constant 0 : i32
      %dma_wait3A_1335 = tpu.memref_slice %arg2[%arg0, %dma_wait3A_1333, %dma_wait3A_1334] : memref<2x100096x16xf32, #tpu.memory_space<hbm>> -> memref<1x100096x16xf32, #tpu.memory_space<hbm>>
      %dma_wait3A_1336 = tpu.memref_squeeze %dma_wait3A_1335 : memref<1x100096x16xf32, #tpu.memory_space<hbm>> -> memref<100096x16xf32, #tpu.memory_space<hbm>>
      %dma_wait3A_1337 = arith.constant 0 : i32
      %dma_wait3A_1338 = arith.constant 0 : i32
      %dma_wait3A_1339 = tpu.memref_slice %dma_wait3A_1336[%dma_wait3A_1337, %dma_wait3A_1338] : memref<100096x16xf32, #tpu.memory_space<hbm>> -> memref<100096x16xf32, #tpu.memory_space<hbm>>
      tpu.wait_indirect_dma semaphore(%arg14 : memref<!tpu.dma_semaphore, #tpu.memory_space<semaphore_mem>>) src(%dma_wait3A_1339 : memref<100096x16xf32, #tpu.memory_space<hbm>>) dst(%dma_wait3A_1329 : memref<80x16xf32, #tpu.memory_space<vmem>>)
      %dma_start3A_1340 = arith.constant 11 : i32
      %dma_start3A_1341 = arith.constant 80 : i32
      %dma_start3A_1342 = arith.constant 0 : i32
      %dma_start3A_1343 = tpu.memref_slice %arg8[%dma_start3A_1341, %dma_start3A_1342] : memref<400x16xf32, #tpu.memory_space<vmem>> -> memref<80x16xf32, #tpu.memory_space<vmem>>
      %dma_start3A_1344 = arith.constant 0 : i32
      %dma_start3A_1345 = tpu.memref_slice %arg6[%dma_start3A_1340, %dma_start3A_1344] : memref<20x80xi32, #tpu.memory_space<vmem>> -> memref<1x80xi32, #tpu.memory_space<vmem>>
      %dma_start3A_1346 = tpu.memref_squeeze %dma_start3A_1345 : memref<1x80xi32, #tpu.memory_space<vmem>> -> memref<80xi32, #tpu.memory_space<vmem>>
      %dma_start3A_1347 = arith.constant 0 : i32
      %dma_start3A_1348 = arith.constant 0 : i32
      %dma_start3A_1349 = tpu.memref_slice %arg12[%dma_start3A_1347, %dma_start3A_1348] : memref<100096x16xf32, #tpu.memory_space<vmem_shared>> -> memref<100096x16xf32, #tpu.memory_space<vmem_shared>>
      tpu.enqueue_indirect_dma source(%dma_start3A_1343 : memref<80x16xf32, #tpu.memory_space<vmem>>) target(%dma_start3A_1349 : memref<100096x16xf32, #tpu.memory_space<vmem_shared>>) offsets(%dma_start3A_1346 : memref<80xi32, #tpu.memory_space<vmem>>) semaphore(%arg15 : memref<!tpu.dma_semaphore, #tpu.memory_space<semaphore_mem>>) {add = true}
      %dma_start3A_1350 = arith.constant 11 : i32
      %dma_start3A_1351 = arith.constant 80 : i32
      %dma_start3A_1352 = arith.constant 0 : i32
      %dma_start3A_1353 = tpu.memref_slice %arg10[%dma_start3A_1351, %dma_start3A_1352] : memref<400x16xf32, #tpu.memory_space<vmem>> -> memref<80x16xf32, #tpu.memory_space<vmem>>
      %dma_start3A_1354 = arith.constant 0 : i32
      %dma_start3A_1355 = tpu.memref_slice %arg7[%dma_start3A_1350, %dma_start3A_1354] : memref<20x80xi32, #tpu.memory_space<vmem>> -> memref<1x80xi32, #tpu.memory_space<vmem>>
      %dma_start3A_1356 = tpu.memref_squeeze %dma_start3A_1355 : memref<1x80xi32, #tpu.memory_space<vmem>> -> memref<80xi32, #tpu.memory_space<vmem>>
      %dma_start3A_1357 = arith.constant 0 : i32
      %dma_start3A_1358 = arith.constant 0 : i32
      %dma_start3A_1359 = tpu.memref_slice %arg12[%dma_start3A_1357, %dma_start3A_1358] : memref<100096x16xf32, #tpu.memory_space<vmem_shared>> -> memref<100096x16xf32, #tpu.memory_space<vmem_shared>>
      tpu.enqueue_indirect_dma source(%dma_start3A_1353 : memref<80x16xf32, #tpu.memory_space<vmem>>) target(%dma_start3A_1359 : memref<100096x16xf32, #tpu.memory_space<vmem_shared>>) offsets(%dma_start3A_1356 : memref<80xi32, #tpu.memory_space<vmem>>) semaphore(%arg15 : memref<!tpu.dma_semaphore, #tpu.memory_space<semaphore_mem>>) {add = true}
      %dma_wait3A_1360 = arith.constant 12 : i32
      %dma_wait3A_1361 = arith.constant 160 : i32
      %dma_wait3A_1362 = arith.constant 0 : i32
      %dma_wait3A_1363 = tpu.memref_slice %arg8[%dma_wait3A_1361, %dma_wait3A_1362] : memref<400x16xf32, #tpu.memory_space<vmem>> -> memref<80x16xf32, #tpu.memory_space<vmem>>
      %dma_wait3A_1364 = arith.constant 0 : i32
      %dma_wait3A_1365 = tpu.memref_slice %arg7[%dma_wait3A_1360, %dma_wait3A_1364] : memref<20x80xi32, #tpu.memory_space<vmem>> -> memref<1x80xi32, #tpu.memory_space<vmem>>
      %dma_wait3A_1366 = tpu.memref_squeeze %dma_wait3A_1365 : memref<1x80xi32, #tpu.memory_space<vmem>> -> memref<80xi32, #tpu.memory_space<vmem>>
      %dma_wait3A_1367 = arith.constant 0 : i32
      %dma_wait3A_1368 = arith.constant 0 : i32
      %dma_wait3A_1369 = tpu.memref_slice %arg2[%arg0, %dma_wait3A_1367, %dma_wait3A_1368] : memref<2x100096x16xf32, #tpu.memory_space<hbm>> -> memref<1x100096x16xf32, #tpu.memory_space<hbm>>
      %dma_wait3A_1370 = tpu.memref_squeeze %dma_wait3A_1369 : memref<1x100096x16xf32, #tpu.memory_space<hbm>> -> memref<100096x16xf32, #tpu.memory_space<hbm>>
      %dma_wait3A_1371 = arith.constant 0 : i32
      %dma_wait3A_1372 = arith.constant 0 : i32
      %dma_wait3A_1373 = tpu.memref_slice %dma_wait3A_1370[%dma_wait3A_1371, %dma_wait3A_1372] : memref<100096x16xf32, #tpu.memory_space<hbm>> -> memref<100096x16xf32, #tpu.memory_space<hbm>>
      tpu.wait_indirect_dma semaphore(%arg14 : memref<!tpu.dma_semaphore, #tpu.memory_space<semaphore_mem>>) src(%dma_wait3A_1373 : memref<100096x16xf32, #tpu.memory_space<hbm>>) dst(%dma_wait3A_1363 : memref<80x16xf32, #tpu.memory_space<vmem>>)
      %dma_wait3A_1374 = arith.constant 12 : i32
      %dma_wait3A_1375 = arith.constant 160 : i32
      %dma_wait3A_1376 = arith.constant 0 : i32
      %dma_wait3A_1377 = tpu.memref_slice %arg10[%dma_wait3A_1375, %dma_wait3A_1376] : memref<400x16xf32, #tpu.memory_space<vmem>> -> memref<80x16xf32, #tpu.memory_space<vmem>>
      %dma_wait3A_1378 = arith.constant 0 : i32
      %dma_wait3A_1379 = tpu.memref_slice %arg6[%dma_wait3A_1374, %dma_wait3A_1378] : memref<20x80xi32, #tpu.memory_space<vmem>> -> memref<1x80xi32, #tpu.memory_space<vmem>>
      %dma_wait3A_1380 = tpu.memref_squeeze %dma_wait3A_1379 : memref<1x80xi32, #tpu.memory_space<vmem>> -> memref<80xi32, #tpu.memory_space<vmem>>
      %dma_wait3A_1381 = arith.constant 0 : i32
      %dma_wait3A_1382 = arith.constant 0 : i32
      %dma_wait3A_1383 = tpu.memref_slice %arg2[%arg0, %dma_wait3A_1381, %dma_wait3A_1382] : memref<2x100096x16xf32, #tpu.memory_space<hbm>> -> memref<1x100096x16xf32, #tpu.memory_space<hbm>>
      %dma_wait3A_1384 = tpu.memref_squeeze %dma_wait3A_1383 : memref<1x100096x16xf32, #tpu.memory_space<hbm>> -> memref<100096x16xf32, #tpu.memory_space<hbm>>
      %dma_wait3A_1385 = arith.constant 0 : i32
      %dma_wait3A_1386 = arith.constant 0 : i32
      %dma_wait3A_1387 = tpu.memref_slice %dma_wait3A_1384[%dma_wait3A_1385, %dma_wait3A_1386] : memref<100096x16xf32, #tpu.memory_space<hbm>> -> memref<100096x16xf32, #tpu.memory_space<hbm>>
      tpu.wait_indirect_dma semaphore(%arg14 : memref<!tpu.dma_semaphore, #tpu.memory_space<semaphore_mem>>) src(%dma_wait3A_1387 : memref<100096x16xf32, #tpu.memory_space<hbm>>) dst(%dma_wait3A_1377 : memref<80x16xf32, #tpu.memory_space<vmem>>)
      %dma_start3A_1388 = arith.constant 12 : i32
      %dma_start3A_1389 = arith.constant 160 : i32
      %dma_start3A_1390 = arith.constant 0 : i32
      %dma_start3A_1391 = tpu.memref_slice %arg8[%dma_start3A_1389, %dma_start3A_1390] : memref<400x16xf32, #tpu.memory_space<vmem>> -> memref<80x16xf32, #tpu.memory_space<vmem>>
      %dma_start3A_1392 = arith.constant 0 : i32
      %dma_start3A_1393 = tpu.memref_slice %arg6[%dma_start3A_1388, %dma_start3A_1392] : memref<20x80xi32, #tpu.memory_space<vmem>> -> memref<1x80xi32, #tpu.memory_space<vmem>>
      %dma_start3A_1394 = tpu.memref_squeeze %dma_start3A_1393 : memref<1x80xi32, #tpu.memory_space<vmem>> -> memref<80xi32, #tpu.memory_space<vmem>>
      %dma_start3A_1395 = arith.constant 0 : i32
      %dma_start3A_1396 = arith.constant 0 : i32
      %dma_start3A_1397 = tpu.memref_slice %arg12[%dma_start3A_1395, %dma_start3A_1396] : memref<100096x16xf32, #tpu.memory_space<vmem_shared>> -> memref<100096x16xf32, #tpu.memory_space<vmem_shared>>
      tpu.enqueue_indirect_dma source(%dma_start3A_1391 : memref<80x16xf32, #tpu.memory_space<vmem>>) target(%dma_start3A_1397 : memref<100096x16xf32, #tpu.memory_space<vmem_shared>>) offsets(%dma_start3A_1394 : memref<80xi32, #tpu.memory_space<vmem>>) semaphore(%arg15 : memref<!tpu.dma_semaphore, #tpu.memory_space<semaphore_mem>>) {add = true}
      %dma_start3A_1398 = arith.constant 12 : i32
      %dma_start3A_1399 = arith.constant 160 : i32
      %dma_start3A_1400 = arith.constant 0 : i32
      %dma_start3A_1401 = tpu.memref_slice %arg10[%dma_start3A_1399, %dma_start3A_1400] : memref<400x16xf32, #tpu.memory_space<vmem>> -> memref<80x16xf32, #tpu.memory_space<vmem>>
      %dma_start3A_1402 = arith.constant 0 : i32
      %dma_start3A_1403 = tpu.memref_slice %arg7[%dma_start3A_1398, %dma_start3A_1402] : memref<20x80xi32, #tpu.memory_space<vmem>> -> memref<1x80xi32, #tpu.memory_space<vmem>>
      %dma_start3A_1404 = tpu.memref_squeeze %dma_start3A_1403 : memref<1x80xi32, #tpu.memory_space<vmem>> -> memref<80xi32, #tpu.memory_space<vmem>>
      %dma_start3A_1405 = arith.constant 0 : i32
      %dma_start3A_1406 = arith.constant 0 : i32
      %dma_start3A_1407 = tpu.memref_slice %arg12[%dma_start3A_1405, %dma_start3A_1406] : memref<100096x16xf32, #tpu.memory_space<vmem_shared>> -> memref<100096x16xf32, #tpu.memory_space<vmem_shared>>
      tpu.enqueue_indirect_dma source(%dma_start3A_1401 : memref<80x16xf32, #tpu.memory_space<vmem>>) target(%dma_start3A_1407 : memref<100096x16xf32, #tpu.memory_space<vmem_shared>>) offsets(%dma_start3A_1404 : memref<80xi32, #tpu.memory_space<vmem>>) semaphore(%arg15 : memref<!tpu.dma_semaphore, #tpu.memory_space<semaphore_mem>>) {add = true}
      %dma_wait3A_1408 = arith.constant 13 : i32
      %dma_wait3A_1409 = arith.constant 240 : i32
      %dma_wait3A_1410 = arith.constant 0 : i32
      %dma_wait3A_1411 = tpu.memref_slice %arg8[%dma_wait3A_1409, %dma_wait3A_1410] : memref<400x16xf32, #tpu.memory_space<vmem>> -> memref<80x16xf32, #tpu.memory_space<vmem>>
      %dma_wait3A_1412 = arith.constant 0 : i32
      %dma_wait3A_1413 = tpu.memref_slice %arg7[%dma_wait3A_1408, %dma_wait3A_1412] : memref<20x80xi32, #tpu.memory_space<vmem>> -> memref<1x80xi32, #tpu.memory_space<vmem>>
      %dma_wait3A_1414 = tpu.memref_squeeze %dma_wait3A_1413 : memref<1x80xi32, #tpu.memory_space<vmem>> -> memref<80xi32, #tpu.memory_space<vmem>>
      %dma_wait3A_1415 = arith.constant 0 : i32
      %dma_wait3A_1416 = arith.constant 0 : i32
      %dma_wait3A_1417 = tpu.memref_slice %arg2[%arg0, %dma_wait3A_1415, %dma_wait3A_1416] : memref<2x100096x16xf32, #tpu.memory_space<hbm>> -> memref<1x100096x16xf32, #tpu.memory_space<hbm>>
      %dma_wait3A_1418 = tpu.memref_squeeze %dma_wait3A_1417 : memref<1x100096x16xf32, #tpu.memory_space<hbm>> -> memref<100096x16xf32, #tpu.memory_space<hbm>>
      %dma_wait3A_1419 = arith.constant 0 : i32
      %dma_wait3A_1420 = arith.constant 0 : i32
      %dma_wait3A_1421 = tpu.memref_slice %dma_wait3A_1418[%dma_wait3A_1419, %dma_wait3A_1420] : memref<100096x16xf32, #tpu.memory_space<hbm>> -> memref<100096x16xf32, #tpu.memory_space<hbm>>
      tpu.wait_indirect_dma semaphore(%arg14 : memref<!tpu.dma_semaphore, #tpu.memory_space<semaphore_mem>>) src(%dma_wait3A_1421 : memref<100096x16xf32, #tpu.memory_space<hbm>>) dst(%dma_wait3A_1411 : memref<80x16xf32, #tpu.memory_space<vmem>>)
      %dma_wait3A_1422 = arith.constant 13 : i32
      %dma_wait3A_1423 = arith.constant 240 : i32
      %dma_wait3A_1424 = arith.constant 0 : i32
      %dma_wait3A_1425 = tpu.memref_slice %arg10[%dma_wait3A_1423, %dma_wait3A_1424] : memref<400x16xf32, #tpu.memory_space<vmem>> -> memref<80x16xf32, #tpu.memory_space<vmem>>
      %dma_wait3A_1426 = arith.constant 0 : i32
      %dma_wait3A_1427 = tpu.memref_slice %arg6[%dma_wait3A_1422, %dma_wait3A_1426] : memref<20x80xi32, #tpu.memory_space<vmem>> -> memref<1x80xi32, #tpu.memory_space<vmem>>
      %dma_wait3A_1428 = tpu.memref_squeeze %dma_wait3A_1427 : memref<1x80xi32, #tpu.memory_space<vmem>> -> memref<80xi32, #tpu.memory_space<vmem>>
      %dma_wait3A_1429 = arith.constant 0 : i32
      %dma_wait3A_1430 = arith.constant 0 : i32
      %dma_wait3A_1431 = tpu.memref_slice %arg2[%arg0, %dma_wait3A_1429, %dma_wait3A_1430] : memref<2x100096x16xf32, #tpu.memory_space<hbm>> -> memref<1x100096x16xf32, #tpu.memory_space<hbm>>
      %dma_wait3A_1432 = tpu.memref_squeeze %dma_wait3A_1431 : memref<1x100096x16xf32, #tpu.memory_space<hbm>> -> memref<100096x16xf32, #tpu.memory_space<hbm>>
      %dma_wait3A_1433 = arith.constant 0 : i32
      %dma_wait3A_1434 = arith.constant 0 : i32
      %dma_wait3A_1435 = tpu.memref_slice %dma_wait3A_1432[%dma_wait3A_1433, %dma_wait3A_1434] : memref<100096x16xf32, #tpu.memory_space<hbm>> -> memref<100096x16xf32, #tpu.memory_space<hbm>>
      tpu.wait_indirect_dma semaphore(%arg14 : memref<!tpu.dma_semaphore, #tpu.memory_space<semaphore_mem>>) src(%dma_wait3A_1435 : memref<100096x16xf32, #tpu.memory_space<hbm>>) dst(%dma_wait3A_1425 : memref<80x16xf32, #tpu.memory_space<vmem>>)
      %dma_start3A_1436 = arith.constant 13 : i32
      %dma_start3A_1437 = arith.constant 240 : i32
      %dma_start3A_1438 = arith.constant 0 : i32
      %dma_start3A_1439 = tpu.memref_slice %arg8[%dma_start3A_1437, %dma_start3A_1438] : memref<400x16xf32, #tpu.memory_space<vmem>> -> memref<80x16xf32, #tpu.memory_space<vmem>>
      %dma_start3A_1440 = arith.constant 0 : i32
      %dma_start3A_1441 = tpu.memref_slice %arg6[%dma_start3A_1436, %dma_start3A_1440] : memref<20x80xi32, #tpu.memory_space<vmem>> -> memref<1x80xi32, #tpu.memory_space<vmem>>
      %dma_start3A_1442 = tpu.memref_squeeze %dma_start3A_1441 : memref<1x80xi32, #tpu.memory_space<vmem>> -> memref<80xi32, #tpu.memory_space<vmem>>
      %dma_start3A_1443 = arith.constant 0 : i32
      %dma_start3A_1444 = arith.constant 0 : i32
      %dma_start3A_1445 = tpu.memref_slice %arg12[%dma_start3A_1443, %dma_start3A_1444] : memref<100096x16xf32, #tpu.memory_space<vmem_shared>> -> memref<100096x16xf32, #tpu.memory_space<vmem_shared>>
      tpu.enqueue_indirect_dma source(%dma_start3A_1439 : memref<80x16xf32, #tpu.memory_space<vmem>>) target(%dma_start3A_1445 : memref<100096x16xf32, #tpu.memory_space<vmem_shared>>) offsets(%dma_start3A_1442 : memref<80xi32, #tpu.memory_space<vmem>>) semaphore(%arg15 : memref<!tpu.dma_semaphore, #tpu.memory_space<semaphore_mem>>) {add = true}
      %dma_start3A_1446 = arith.constant 13 : i32
      %dma_start3A_1447 = arith.constant 240 : i32
      %dma_start3A_1448 = arith.constant 0 : i32
      %dma_start3A_1449 = tpu.memref_slice %arg10[%dma_start3A_1447, %dma_start3A_1448] : memref<400x16xf32, #tpu.memory_space<vmem>> -> memref<80x16xf32, #tpu.memory_space<vmem>>
      %dma_start3A_1450 = arith.constant 0 : i32
      %dma_start3A_1451 = tpu.memref_slice %arg7[%dma_start3A_1446, %dma_start3A_1450] : memref<20x80xi32, #tpu.memory_space<vmem>> -> memref<1x80xi32, #tpu.memory_space<vmem>>
      %dma_start3A_1452 = tpu.memref_squeeze %dma_start3A_1451 : memref<1x80xi32, #tpu.memory_space<vmem>> -> memref<80xi32, #tpu.memory_space<vmem>>
      %dma_start3A_1453 = arith.constant 0 : i32
      %dma_start3A_1454 = arith.constant 0 : i32
      %dma_start3A_1455 = tpu.memref_slice %arg12[%dma_start3A_1453, %dma_start3A_1454] : memref<100096x16xf32, #tpu.memory_space<vmem_shared>> -> memref<100096x16xf32, #tpu.memory_space<vmem_shared>>
      tpu.enqueue_indirect_dma source(%dma_start3A_1449 : memref<80x16xf32, #tpu.memory_space<vmem>>) target(%dma_start3A_1455 : memref<100096x16xf32, #tpu.memory_space<vmem_shared>>) offsets(%dma_start3A_1452 : memref<80xi32, #tpu.memory_space<vmem>>) semaphore(%arg15 : memref<!tpu.dma_semaphore, #tpu.memory_space<semaphore_mem>>) {add = true}
      %dma_wait3A_1456 = arith.constant 14 : i32
      %dma_wait3A_1457 = arith.constant 320 : i32
      %dma_wait3A_1458 = arith.constant 0 : i32
      %dma_wait3A_1459 = tpu.memref_slice %arg8[%dma_wait3A_1457, %dma_wait3A_1458] : memref<400x16xf32, #tpu.memory_space<vmem>> -> memref<80x16xf32, #tpu.memory_space<vmem>>
      %dma_wait3A_1460 = arith.constant 0 : i32
      %dma_wait3A_1461 = tpu.memref_slice %arg7[%dma_wait3A_1456, %dma_wait3A_1460] : memref<20x80xi32, #tpu.memory_space<vmem>> -> memref<1x80xi32, #tpu.memory_space<vmem>>
      %dma_wait3A_1462 = tpu.memref_squeeze %dma_wait3A_1461 : memref<1x80xi32, #tpu.memory_space<vmem>> -> memref<80xi32, #tpu.memory_space<vmem>>
      %dma_wait3A_1463 = arith.constant 0 : i32
      %dma_wait3A_1464 = arith.constant 0 : i32
      %dma_wait3A_1465 = tpu.memref_slice %arg2[%arg0, %dma_wait3A_1463, %dma_wait3A_1464] : memref<2x100096x16xf32, #tpu.memory_space<hbm>> -> memref<1x100096x16xf32, #tpu.memory_space<hbm>>
      %dma_wait3A_1466 = tpu.memref_squeeze %dma_wait3A_1465 : memref<1x100096x16xf32, #tpu.memory_space<hbm>> -> memref<100096x16xf32, #tpu.memory_space<hbm>>
      %dma_wait3A_1467 = arith.constant 0 : i32
      %dma_wait3A_1468 = arith.constant 0 : i32
      %dma_wait3A_1469 = tpu.memref_slice %dma_wait3A_1466[%dma_wait3A_1467, %dma_wait3A_1468] : memref<100096x16xf32, #tpu.memory_space<hbm>> -> memref<100096x16xf32, #tpu.memory_space<hbm>>
      tpu.wait_indirect_dma semaphore(%arg14 : memref<!tpu.dma_semaphore, #tpu.memory_space<semaphore_mem>>) src(%dma_wait3A_1469 : memref<100096x16xf32, #tpu.memory_space<hbm>>) dst(%dma_wait3A_1459 : memref<80x16xf32, #tpu.memory_space<vmem>>)
      %dma_wait3A_1470 = arith.constant 14 : i32
      %dma_wait3A_1471 = arith.constant 320 : i32
      %dma_wait3A_1472 = arith.constant 0 : i32
      %dma_wait3A_1473 = tpu.memref_slice %arg10[%dma_wait3A_1471, %dma_wait3A_1472] : memref<400x16xf32, #tpu.memory_space<vmem>> -> memref<80x16xf32, #tpu.memory_space<vmem>>
      %dma_wait3A_1474 = arith.constant 0 : i32
      %dma_wait3A_1475 = tpu.memref_slice %arg6[%dma_wait3A_1470, %dma_wait3A_1474] : memref<20x80xi32, #tpu.memory_space<vmem>> -> memref<1x80xi32, #tpu.memory_space<vmem>>
      %dma_wait3A_1476 = tpu.memref_squeeze %dma_wait3A_1475 : memref<1x80xi32, #tpu.memory_space<vmem>> -> memref<80xi32, #tpu.memory_space<vmem>>
      %dma_wait3A_1477 = arith.constant 0 : i32
      %dma_wait3A_1478 = arith.constant 0 : i32
      %dma_wait3A_1479 = tpu.memref_slice %arg2[%arg0, %dma_wait3A_1477, %dma_wait3A_1478] : memref<2x100096x16xf32, #tpu.memory_space<hbm>> -> memref<1x100096x16xf32, #tpu.memory_space<hbm>>
      %dma_wait3A_1480 = tpu.memref_squeeze %dma_wait3A_1479 : memref<1x100096x16xf32, #tpu.memory_space<hbm>> -> memref<100096x16xf32, #tpu.memory_space<hbm>>
      %dma_wait3A_1481 = arith.constant 0 : i32
      %dma_wait3A_1482 = arith.constant 0 : i32
      %dma_wait3A_1483 = tpu.memref_slice %dma_wait3A_1480[%dma_wait3A_1481, %dma_wait3A_1482] : memref<100096x16xf32, #tpu.memory_space<hbm>> -> memref<100096x16xf32, #tpu.memory_space<hbm>>
      tpu.wait_indirect_dma semaphore(%arg14 : memref<!tpu.dma_semaphore, #tpu.memory_space<semaphore_mem>>) src(%dma_wait3A_1483 : memref<100096x16xf32, #tpu.memory_space<hbm>>) dst(%dma_wait3A_1473 : memref<80x16xf32, #tpu.memory_space<vmem>>)
      %dma_start3A_1484 = arith.constant 14 : i32
      %dma_start3A_1485 = arith.constant 320 : i32
      %dma_start3A_1486 = arith.constant 0 : i32
      %dma_start3A_1487 = tpu.memref_slice %arg8[%dma_start3A_1485, %dma_start3A_1486] : memref<400x16xf32, #tpu.memory_space<vmem>> -> memref<80x16xf32, #tpu.memory_space<vmem>>
      %dma_start3A_1488 = arith.constant 0 : i32
      %dma_start3A_1489 = tpu.memref_slice %arg6[%dma_start3A_1484, %dma_start3A_1488] : memref<20x80xi32, #tpu.memory_space<vmem>> -> memref<1x80xi32, #tpu.memory_space<vmem>>
      %dma_start3A_1490 = tpu.memref_squeeze %dma_start3A_1489 : memref<1x80xi32, #tpu.memory_space<vmem>> -> memref<80xi32, #tpu.memory_space<vmem>>
      %dma_start3A_1491 = arith.constant 0 : i32
      %dma_start3A_1492 = arith.constant 0 : i32
      %dma_start3A_1493 = tpu.memref_slice %arg12[%dma_start3A_1491, %dma_start3A_1492] : memref<100096x16xf32, #tpu.memory_space<vmem_shared>> -> memref<100096x16xf32, #tpu.memory_space<vmem_shared>>
      tpu.enqueue_indirect_dma source(%dma_start3A_1487 : memref<80x16xf32, #tpu.memory_space<vmem>>) target(%dma_start3A_1493 : memref<100096x16xf32, #tpu.memory_space<vmem_shared>>) offsets(%dma_start3A_1490 : memref<80xi32, #tpu.memory_space<vmem>>) semaphore(%arg15 : memref<!tpu.dma_semaphore, #tpu.memory_space<semaphore_mem>>) {add = true}
      %dma_start3A_1494 = arith.constant 14 : i32
      %dma_start3A_1495 = arith.constant 320 : i32
      %dma_start3A_1496 = arith.constant 0 : i32
      %dma_start3A_1497 = tpu.memref_slice %arg10[%dma_start3A_1495, %dma_start3A_1496] : memref<400x16xf32, #tpu.memory_space<vmem>> -> memref<80x16xf32, #tpu.memory_space<vmem>>
      %dma_start3A_1498 = arith.constant 0 : i32
      %dma_start3A_1499 = tpu.memref_slice %arg7[%dma_start3A_1494, %dma_start3A_1498] : memref<20x80xi32, #tpu.memory_space<vmem>> -> memref<1x80xi32, #tpu.memory_space<vmem>>
      %dma_start3A_1500 = tpu.memref_squeeze %dma_start3A_1499 : memref<1x80xi32, #tpu.memory_space<vmem>> -> memref<80xi32, #tpu.memory_space<vmem>>
      %dma_start3A_1501 = arith.constant 0 : i32
      %dma_start3A_1502 = arith.constant 0 : i32
      %dma_start3A_1503 = tpu.memref_slice %arg12[%dma_start3A_1501, %dma_start3A_1502] : memref<100096x16xf32, #tpu.memory_space<vmem_shared>> -> memref<100096x16xf32, #tpu.memory_space<vmem_shared>>
      tpu.enqueue_indirect_dma source(%dma_start3A_1497 : memref<80x16xf32, #tpu.memory_space<vmem>>) target(%dma_start3A_1503 : memref<100096x16xf32, #tpu.memory_space<vmem_shared>>) offsets(%dma_start3A_1500 : memref<80xi32, #tpu.memory_space<vmem>>) semaphore(%arg15 : memref<!tpu.dma_semaphore, #tpu.memory_space<semaphore_mem>>) {add = true}
      %add3A_1504 = arith.constant 1 : i32
      %add3A_1505 = arith.addi %add3A_1040, %add3A_1504 : i32
      %dma_wait3A_1506 = arith.constant 0 : i32
      %dma_wait3A_1507 = arith.constant 0 : i32
      %dma_wait3A_1508 = tpu.memref_slice %arg2[%arg0, %dma_wait3A_1506, %dma_wait3A_1507] : memref<2x100096x16xf32, #tpu.memory_space<hbm>> -> memref<1x100096x16xf32, #tpu.memory_space<hbm>>
      %dma_wait3A_1509 = tpu.memref_squeeze %dma_wait3A_1508 : memref<1x100096x16xf32, #tpu.memory_space<hbm>> -> memref<100096x16xf32, #tpu.memory_space<hbm>>
      %dma_wait3A_1510 = arith.constant 0 : i32
      %dma_wait3A_1511 = arith.constant 0 : i32
      %dma_wait3A_1512 = tpu.memref_slice %dma_wait3A_1509[%dma_wait3A_1510, %dma_wait3A_1511] : memref<100096x16xf32, #tpu.memory_space<hbm>> -> memref<400x16xf32, #tpu.memory_space<hbm>>
      %dma_wait3A_1513 = arith.constant 0 : i32
      %dma_wait3A_1514 = arith.constant 0 : i32
      %dma_wait3A_1515 = tpu.memref_slice %arg2[%arg0, %dma_wait3A_1513, %dma_wait3A_1514] : memref<2x100096x16xf32, #tpu.memory_space<hbm>> -> memref<1x100096x16xf32, #tpu.memory_space<hbm>>
      %dma_wait3A_1516 = tpu.memref_squeeze %dma_wait3A_1515 : memref<1x100096x16xf32, #tpu.memory_space<hbm>> -> memref<100096x16xf32, #tpu.memory_space<hbm>>
      %dma_wait3A_1517 = arith.constant 0 : i32
      %dma_wait3A_1518 = arith.constant 0 : i32
      %dma_wait3A_1519 = tpu.memref_slice %dma_wait3A_1516[%dma_wait3A_1517, %dma_wait3A_1518] : memref<100096x16xf32, #tpu.memory_space<hbm>> -> memref<400x16xf32, #tpu.memory_space<hbm>>
      tpu.wait_dma2 semaphore(%arg16 : memref<!tpu.dma_semaphore, #tpu.memory_space<semaphore_mem>>) src(%dma_wait3A_1519 : memref<400x16xf32, #tpu.memory_space<hbm>>) dst(%arg9 : memref<400x16xf32, #tpu.memory_space<vmem>>)
      %dma_wait3A_1520 = arith.constant 0 : i32
      %dma_wait3A_1521 = arith.constant 0 : i32
      %dma_wait3A_1522 = tpu.memref_slice %arg2[%arg0, %dma_wait3A_1520, %dma_wait3A_1521] : memref<2x100096x16xf32, #tpu.memory_space<hbm>> -> memref<1x100096x16xf32, #tpu.memory_space<hbm>>
      %dma_wait3A_1523 = tpu.memref_squeeze %dma_wait3A_1522 : memref<1x100096x16xf32, #tpu.memory_space<hbm>> -> memref<100096x16xf32, #tpu.memory_space<hbm>>
      %dma_wait3A_1524 = arith.constant 0 : i32
      %dma_wait3A_1525 = arith.constant 0 : i32
      %dma_wait3A_1526 = tpu.memref_slice %dma_wait3A_1523[%dma_wait3A_1524, %dma_wait3A_1525] : memref<100096x16xf32, #tpu.memory_space<hbm>> -> memref<400x16xf32, #tpu.memory_space<hbm>>
      %dma_wait3A_1527 = arith.constant 0 : i32
      %dma_wait3A_1528 = arith.constant 0 : i32
      %dma_wait3A_1529 = tpu.memref_slice %arg2[%arg0, %dma_wait3A_1527, %dma_wait3A_1528] : memref<2x100096x16xf32, #tpu.memory_space<hbm>> -> memref<1x100096x16xf32, #tpu.memory_space<hbm>>
      %dma_wait3A_1530 = tpu.memref_squeeze %dma_wait3A_1529 : memref<1x100096x16xf32, #tpu.memory_space<hbm>> -> memref<100096x16xf32, #tpu.memory_space<hbm>>
      %dma_wait3A_1531 = arith.constant 0 : i32
      %dma_wait3A_1532 = arith.constant 0 : i32
      %dma_wait3A_1533 = tpu.memref_slice %dma_wait3A_1530[%dma_wait3A_1531, %dma_wait3A_1532] : memref<100096x16xf32, #tpu.memory_space<hbm>> -> memref<400x16xf32, #tpu.memory_space<hbm>>
      tpu.wait_dma2 semaphore(%arg16 : memref<!tpu.dma_semaphore, #tpu.memory_space<semaphore_mem>>) src(%dma_wait3A_1533 : memref<400x16xf32, #tpu.memory_space<hbm>>) dst(%arg11 : memref<400x16xf32, #tpu.memory_space<vmem>>)
      %dma_wait3A_1534 = arith.constant 0 : i32
      %dma_wait3A_1535 = arith.constant 0 : i32
      %dma_wait3A_1536 = tpu.memref_slice %arg6[%dma_wait3A_1534, %dma_wait3A_1535] : memref<20x80xi32, #tpu.memory_space<vmem>> -> memref<5x80xi32, #tpu.memory_space<vmem>>
      %dma_wait3A_1537 = arith.constant 0 : i32
      %dma_wait3A_1538 = arith.constant 0 : i32
      %dma_wait3A_1539 = tpu.memref_slice %arg3[%dma_wait3A_1537, %dma_wait3A_1538] : memref<20000x80xi32, #tpu.memory_space<hbm>> -> memref<5x80xi32, #tpu.memory_space<hbm>>
      %dma_wait3A_1540 = arith.constant 0 : i32
      %dma_wait3A_1541 = arith.constant 0 : i32
      %dma_wait3A_1542 = tpu.memref_slice %arg6[%dma_wait3A_1540, %dma_wait3A_1541] : memref<20x80xi32, #tpu.memory_space<vmem>> -> memref<5x80xi32, #tpu.memory_space<vmem>>
      %dma_wait3A_1543 = arith.constant 0 : i32
      %dma_wait3A_1544 = arith.constant 0 : i32
      %dma_wait3A_1545 = tpu.memref_slice %arg3[%dma_wait3A_1543, %dma_wait3A_1544] : memref<20000x80xi32, #tpu.memory_space<hbm>> -> memref<5x80xi32, #tpu.memory_space<hbm>>
      tpu.wait_dma2 semaphore(%arg13 : memref<!tpu.dma_semaphore, #tpu.memory_space<semaphore_mem>>) src(%dma_wait3A_1545 : memref<5x80xi32, #tpu.memory_space<hbm>>) dst(%dma_wait3A_1542 : memref<5x80xi32, #tpu.memory_space<vmem>>)
      %dma_wait3A_1546 = arith.constant 0 : i32
      %dma_wait3A_1547 = arith.constant 0 : i32
      %dma_wait3A_1548 = tpu.memref_slice %arg7[%dma_wait3A_1546, %dma_wait3A_1547] : memref<20x80xi32, #tpu.memory_space<vmem>> -> memref<5x80xi32, #tpu.memory_space<vmem>>
      %dma_wait3A_1549 = arith.constant 0 : i32
      %dma_wait3A_1550 = arith.constant 0 : i32
      %dma_wait3A_1551 = tpu.memref_slice %arg4[%dma_wait3A_1549, %dma_wait3A_1550] : memref<20000x80xi32, #tpu.memory_space<hbm>> -> memref<5x80xi32, #tpu.memory_space<hbm>>
      %dma_wait3A_1552 = arith.constant 0 : i32
      %dma_wait3A_1553 = arith.constant 0 : i32
      %dma_wait3A_1554 = tpu.memref_slice %arg7[%dma_wait3A_1552, %dma_wait3A_1553] : memref<20x80xi32, #tpu.memory_space<vmem>> -> memref<5x80xi32, #tpu.memory_space<vmem>>
      %dma_wait3A_1555 = arith.constant 0 : i32
      %dma_wait3A_1556 = arith.constant 0 : i32
      %dma_wait3A_1557 = tpu.memref_slice %arg4[%dma_wait3A_1555, %dma_wait3A_1556] : memref<20000x80xi32, #tpu.memory_space<hbm>> -> memref<5x80xi32, #tpu.memory_space<hbm>>
      tpu.wait_dma2 semaphore(%arg13 : memref<!tpu.dma_semaphore, #tpu.memory_space<semaphore_mem>>) src(%dma_wait3A_1557 : memref<5x80xi32, #tpu.memory_space<hbm>>) dst(%dma_wait3A_1554 : memref<5x80xi32, #tpu.memory_space<vmem>>)
      %dma_start3A_1558 = arith.constant 15 : i32
      %dma_start3A_1559 = arith.constant 0 : i32
      %dma_start3A_1560 = arith.constant 0 : i32
      %dma_start3A_1561 = tpu.memref_slice %arg9[%dma_start3A_1559, %dma_start3A_1560] : memref<400x16xf32, #tpu.memory_space<vmem>> -> memref<80x16xf32, #tpu.memory_space<vmem>>
      %dma_start3A_1562 = arith.constant 0 : i32
      %dma_start3A_1563 = tpu.memref_slice %arg7[%dma_start3A_1558, %dma_start3A_1562] : memref<20x80xi32, #tpu.memory_space<vmem>> -> memref<1x80xi32, #tpu.memory_space<vmem>>
      %dma_start3A_1564 = tpu.memref_squeeze %dma_start3A_1563 : memref<1x80xi32, #tpu.memory_space<vmem>> -> memref<80xi32, #tpu.memory_space<vmem>>
      %dma_start3A_1565 = arith.constant 0 : i32
      %dma_start3A_1566 = arith.constant 0 : i32
      %dma_start3A_1567 = tpu.memref_slice %arg2[%arg0, %dma_start3A_1565, %dma_start3A_1566] : memref<2x100096x16xf32, #tpu.memory_space<hbm>> -> memref<1x100096x16xf32, #tpu.memory_space<hbm>>
      %dma_start3A_1568 = tpu.memref_squeeze %dma_start3A_1567 : memref<1x100096x16xf32, #tpu.memory_space<hbm>> -> memref<100096x16xf32, #tpu.memory_space<hbm>>
      %dma_start3A_1569 = arith.constant 0 : i32
      %dma_start3A_1570 = arith.constant 0 : i32
      %dma_start3A_1571 = tpu.memref_slice %dma_start3A_1568[%dma_start3A_1569, %dma_start3A_1570] : memref<100096x16xf32, #tpu.memory_space<hbm>> -> memref<100096x16xf32, #tpu.memory_space<hbm>>
      tpu.enqueue_indirect_dma source(%dma_start3A_1571 : memref<100096x16xf32, #tpu.memory_space<hbm>>) target(%dma_start3A_1561 : memref<80x16xf32, #tpu.memory_space<vmem>>) offsets(%dma_start3A_1564 : memref<80xi32, #tpu.memory_space<vmem>>) semaphore(%arg14 : memref<!tpu.dma_semaphore, #tpu.memory_space<semaphore_mem>>)
      %dma_start3A_1572 = arith.constant 15 : i32
      %dma_start3A_1573 = arith.constant 0 : i32
      %dma_start3A_1574 = arith.constant 0 : i32
      %dma_start3A_1575 = tpu.memref_slice %arg11[%dma_start3A_1573, %dma_start3A_1574] : memref<400x16xf32, #tpu.memory_space<vmem>> -> memref<80x16xf32, #tpu.memory_space<vmem>>
      %dma_start3A_1576 = arith.constant 0 : i32
      %dma_start3A_1577 = tpu.memref_slice %arg6[%dma_start3A_1572, %dma_start3A_1576] : memref<20x80xi32, #tpu.memory_space<vmem>> -> memref<1x80xi32, #tpu.memory_space<vmem>>
      %dma_start3A_1578 = tpu.memref_squeeze %dma_start3A_1577 : memref<1x80xi32, #tpu.memory_space<vmem>> -> memref<80xi32, #tpu.memory_space<vmem>>
      %dma_start3A_1579 = arith.constant 0 : i32
      %dma_start3A_1580 = arith.constant 0 : i32
      %dma_start3A_1581 = tpu.memref_slice %arg2[%arg0, %dma_start3A_1579, %dma_start3A_1580] : memref<2x100096x16xf32, #tpu.memory_space<hbm>> -> memref<1x100096x16xf32, #tpu.memory_space<hbm>>
      %dma_start3A_1582 = tpu.memref_squeeze %dma_start3A_1581 : memref<1x100096x16xf32, #tpu.memory_space<hbm>> -> memref<100096x16xf32, #tpu.memory_space<hbm>>
      %dma_start3A_1583 = arith.constant 0 : i32
      %dma_start3A_1584 = arith.constant 0 : i32
      %dma_start3A_1585 = tpu.memref_slice %dma_start3A_1582[%dma_start3A_1583, %dma_start3A_1584] : memref<100096x16xf32, #tpu.memory_space<hbm>> -> memref<100096x16xf32, #tpu.memory_space<hbm>>
      tpu.enqueue_indirect_dma source(%dma_start3A_1585 : memref<100096x16xf32, #tpu.memory_space<hbm>>) target(%dma_start3A_1575 : memref<80x16xf32, #tpu.memory_space<vmem>>) offsets(%dma_start3A_1578 : memref<80xi32, #tpu.memory_space<vmem>>) semaphore(%arg14 : memref<!tpu.dma_semaphore, #tpu.memory_space<semaphore_mem>>)
      %dma_start3A_1586 = arith.constant 16 : i32
      %dma_start3A_1587 = arith.constant 80 : i32
      %dma_start3A_1588 = arith.constant 0 : i32
      %dma_start3A_1589 = tpu.memref_slice %arg9[%dma_start3A_1587, %dma_start3A_1588] : memref<400x16xf32, #tpu.memory_space<vmem>> -> memref<80x16xf32, #tpu.memory_space<vmem>>
      %dma_start3A_1590 = arith.constant 0 : i32
      %dma_start3A_1591 = tpu.memref_slice %arg7[%dma_start3A_1586, %dma_start3A_1590] : memref<20x80xi32, #tpu.memory_space<vmem>> -> memref<1x80xi32, #tpu.memory_space<vmem>>
      %dma_start3A_1592 = tpu.memref_squeeze %dma_start3A_1591 : memref<1x80xi32, #tpu.memory_space<vmem>> -> memref<80xi32, #tpu.memory_space<vmem>>
      %dma_start3A_1593 = arith.constant 0 : i32
      %dma_start3A_1594 = arith.constant 0 : i32
      %dma_start3A_1595 = tpu.memref_slice %arg2[%arg0, %dma_start3A_1593, %dma_start3A_1594] : memref<2x100096x16xf32, #tpu.memory_space<hbm>> -> memref<1x100096x16xf32, #tpu.memory_space<hbm>>
      %dma_start3A_1596 = tpu.memref_squeeze %dma_start3A_1595 : memref<1x100096x16xf32, #tpu.memory_space<hbm>> -> memref<100096x16xf32, #tpu.memory_space<hbm>>
      %dma_start3A_1597 = arith.constant 0 : i32
      %dma_start3A_1598 = arith.constant 0 : i32
      %dma_start3A_1599 = tpu.memref_slice %dma_start3A_1596[%dma_start3A_1597, %dma_start3A_1598] : memref<100096x16xf32, #tpu.memory_space<hbm>> -> memref<100096x16xf32, #tpu.memory_space<hbm>>
      tpu.enqueue_indirect_dma source(%dma_start3A_1599 : memref<100096x16xf32, #tpu.memory_space<hbm>>) target(%dma_start3A_1589 : memref<80x16xf32, #tpu.memory_space<vmem>>) offsets(%dma_start3A_1592 : memref<80xi32, #tpu.memory_space<vmem>>) semaphore(%arg14 : memref<!tpu.dma_semaphore, #tpu.memory_space<semaphore_mem>>)
      %dma_start3A_1600 = arith.constant 16 : i32
      %dma_start3A_1601 = arith.constant 80 : i32
      %dma_start3A_1602 = arith.constant 0 : i32
      %dma_start3A_1603 = tpu.memref_slice %arg11[%dma_start3A_1601, %dma_start3A_1602] : memref<400x16xf32, #tpu.memory_space<vmem>> -> memref<80x16xf32, #tpu.memory_space<vmem>>
      %dma_start3A_1604 = arith.constant 0 : i32
      %dma_start3A_1605 = tpu.memref_slice %arg6[%dma_start3A_1600, %dma_start3A_1604] : memref<20x80xi32, #tpu.memory_space<vmem>> -> memref<1x80xi32, #tpu.memory_space<vmem>>
      %dma_start3A_1606 = tpu.memref_squeeze %dma_start3A_1605 : memref<1x80xi32, #tpu.memory_space<vmem>> -> memref<80xi32, #tpu.memory_space<vmem>>
      %dma_start3A_1607 = arith.constant 0 : i32
      %dma_start3A_1608 = arith.constant 0 : i32
      %dma_start3A_1609 = tpu.memref_slice %arg2[%arg0, %dma_start3A_1607, %dma_start3A_1608] : memref<2x100096x16xf32, #tpu.memory_space<hbm>> -> memref<1x100096x16xf32, #tpu.memory_space<hbm>>
      %dma_start3A_1610 = tpu.memref_squeeze %dma_start3A_1609 : memref<1x100096x16xf32, #tpu.memory_space<hbm>> -> memref<100096x16xf32, #tpu.memory_space<hbm>>
      %dma_start3A_1611 = arith.constant 0 : i32
      %dma_start3A_1612 = arith.constant 0 : i32
      %dma_start3A_1613 = tpu.memref_slice %dma_start3A_1610[%dma_start3A_1611, %dma_start3A_1612] : memref<100096x16xf32, #tpu.memory_space<hbm>> -> memref<100096x16xf32, #tpu.memory_space<hbm>>
      tpu.enqueue_indirect_dma source(%dma_start3A_1613 : memref<100096x16xf32, #tpu.memory_space<hbm>>) target(%dma_start3A_1603 : memref<80x16xf32, #tpu.memory_space<vmem>>) offsets(%dma_start3A_1606 : memref<80xi32, #tpu.memory_space<vmem>>) semaphore(%arg14 : memref<!tpu.dma_semaphore, #tpu.memory_space<semaphore_mem>>)
      %dma_start3A_1614 = arith.constant 17 : i32
      %dma_start3A_1615 = arith.constant 160 : i32
      %dma_start3A_1616 = arith.constant 0 : i32
      %dma_start3A_1617 = tpu.memref_slice %arg9[%dma_start3A_1615, %dma_start3A_1616] : memref<400x16xf32, #tpu.memory_space<vmem>> -> memref<80x16xf32, #tpu.memory_space<vmem>>
      %dma_start3A_1618 = arith.constant 0 : i32
      %dma_start3A_1619 = tpu.memref_slice %arg7[%dma_start3A_1614, %dma_start3A_1618] : memref<20x80xi32, #tpu.memory_space<vmem>> -> memref<1x80xi32, #tpu.memory_space<vmem>>
      %dma_start3A_1620 = tpu.memref_squeeze %dma_start3A_1619 : memref<1x80xi32, #tpu.memory_space<vmem>> -> memref<80xi32, #tpu.memory_space<vmem>>
      %dma_start3A_1621 = arith.constant 0 : i32
      %dma_start3A_1622 = arith.constant 0 : i32
      %dma_start3A_1623 = tpu.memref_slice %arg2[%arg0, %dma_start3A_1621, %dma_start3A_1622] : memref<2x100096x16xf32, #tpu.memory_space<hbm>> -> memref<1x100096x16xf32, #tpu.memory_space<hbm>>
      %dma_start3A_1624 = tpu.memref_squeeze %dma_start3A_1623 : memref<1x100096x16xf32, #tpu.memory_space<hbm>> -> memref<100096x16xf32, #tpu.memory_space<hbm>>
      %dma_start3A_1625 = arith.constant 0 : i32
      %dma_start3A_1626 = arith.constant 0 : i32
      %dma_start3A_1627 = tpu.memref_slice %dma_start3A_1624[%dma_start3A_1625, %dma_start3A_1626] : memref<100096x16xf32, #tpu.memory_space<hbm>> -> memref<100096x16xf32, #tpu.memory_space<hbm>>
      tpu.enqueue_indirect_dma source(%dma_start3A_1627 : memref<100096x16xf32, #tpu.memory_space<hbm>>) target(%dma_start3A_1617 : memref<80x16xf32, #tpu.memory_space<vmem>>) offsets(%dma_start3A_1620 : memref<80xi32, #tpu.memory_space<vmem>>) semaphore(%arg14 : memref<!tpu.dma_semaphore, #tpu.memory_space<semaphore_mem>>)
      %dma_start3A_1628 = arith.constant 17 : i32
      %dma_start3A_1629 = arith.constant 160 : i32
      %dma_start3A_1630 = arith.constant 0 : i32
      %dma_start3A_1631 = tpu.memref_slice %arg11[%dma_start3A_1629, %dma_start3A_1630] : memref<400x16xf32, #tpu.memory_space<vmem>> -> memref<80x16xf32, #tpu.memory_space<vmem>>
      %dma_start3A_1632 = arith.constant 0 : i32
      %dma_start3A_1633 = tpu.memref_slice %arg6[%dma_start3A_1628, %dma_start3A_1632] : memref<20x80xi32, #tpu.memory_space<vmem>> -> memref<1x80xi32, #tpu.memory_space<vmem>>
      %dma_start3A_1634 = tpu.memref_squeeze %dma_start3A_1633 : memref<1x80xi32, #tpu.memory_space<vmem>> -> memref<80xi32, #tpu.memory_space<vmem>>
      %dma_start3A_1635 = arith.constant 0 : i32
      %dma_start3A_1636 = arith.constant 0 : i32
      %dma_start3A_1637 = tpu.memref_slice %arg2[%arg0, %dma_start3A_1635, %dma_start3A_1636] : memref<2x100096x16xf32, #tpu.memory_space<hbm>> -> memref<1x100096x16xf32, #tpu.memory_space<hbm>>
      %dma_start3A_1638 = tpu.memref_squeeze %dma_start3A_1637 : memref<1x100096x16xf32, #tpu.memory_space<hbm>> -> memref<100096x16xf32, #tpu.memory_space<hbm>>
      %dma_start3A_1639 = arith.constant 0 : i32
      %dma_start3A_1640 = arith.constant 0 : i32
      %dma_start3A_1641 = tpu.memref_slice %dma_start3A_1638[%dma_start3A_1639, %dma_start3A_1640] : memref<100096x16xf32, #tpu.memory_space<hbm>> -> memref<100096x16xf32, #tpu.memory_space<hbm>>
      tpu.enqueue_indirect_dma source(%dma_start3A_1641 : memref<100096x16xf32, #tpu.memory_space<hbm>>) target(%dma_start3A_1631 : memref<80x16xf32, #tpu.memory_space<vmem>>) offsets(%dma_start3A_1634 : memref<80xi32, #tpu.memory_space<vmem>>) semaphore(%arg14 : memref<!tpu.dma_semaphore, #tpu.memory_space<semaphore_mem>>)
      %dma_start3A_1642 = arith.constant 18 : i32
      %dma_start3A_1643 = arith.constant 240 : i32
      %dma_start3A_1644 = arith.constant 0 : i32
      %dma_start3A_1645 = tpu.memref_slice %arg9[%dma_start3A_1643, %dma_start3A_1644] : memref<400x16xf32, #tpu.memory_space<vmem>> -> memref<80x16xf32, #tpu.memory_space<vmem>>
      %dma_start3A_1646 = arith.constant 0 : i32
      %dma_start3A_1647 = tpu.memref_slice %arg7[%dma_start3A_1642, %dma_start3A_1646] : memref<20x80xi32, #tpu.memory_space<vmem>> -> memref<1x80xi32, #tpu.memory_space<vmem>>
      %dma_start3A_1648 = tpu.memref_squeeze %dma_start3A_1647 : memref<1x80xi32, #tpu.memory_space<vmem>> -> memref<80xi32, #tpu.memory_space<vmem>>
      %dma_start3A_1649 = arith.constant 0 : i32
      %dma_start3A_1650 = arith.constant 0 : i32
      %dma_start3A_1651 = tpu.memref_slice %arg2[%arg0, %dma_start3A_1649, %dma_start3A_1650] : memref<2x100096x16xf32, #tpu.memory_space<hbm>> -> memref<1x100096x16xf32, #tpu.memory_space<hbm>>
      %dma_start3A_1652 = tpu.memref_squeeze %dma_start3A_1651 : memref<1x100096x16xf32, #tpu.memory_space<hbm>> -> memref<100096x16xf32, #tpu.memory_space<hbm>>
      %dma_start3A_1653 = arith.constant 0 : i32
      %dma_start3A_1654 = arith.constant 0 : i32
      %dma_start3A_1655 = tpu.memref_slice %dma_start3A_1652[%dma_start3A_1653, %dma_start3A_1654] : memref<100096x16xf32, #tpu.memory_space<hbm>> -> memref<100096x16xf32, #tpu.memory_space<hbm>>
      tpu.enqueue_indirect_dma source(%dma_start3A_1655 : memref<100096x16xf32, #tpu.memory_space<hbm>>) target(%dma_start3A_1645 : memref<80x16xf32, #tpu.memory_space<vmem>>) offsets(%dma_start3A_1648 : memref<80xi32, #tpu.memory_space<vmem>>) semaphore(%arg14 : memref<!tpu.dma_semaphore, #tpu.memory_space<semaphore_mem>>)
      %dma_start3A_1656 = arith.constant 18 : i32
      %dma_start3A_1657 = arith.constant 240 : i32
      %dma_start3A_1658 = arith.constant 0 : i32
      %dma_start3A_1659 = tpu.memref_slice %arg11[%dma_start3A_1657, %dma_start3A_1658] : memref<400x16xf32, #tpu.memory_space<vmem>> -> memref<80x16xf32, #tpu.memory_space<vmem>>
      %dma_start3A_1660 = arith.constant 0 : i32
      %dma_start3A_1661 = tpu.memref_slice %arg6[%dma_start3A_1656, %dma_start3A_1660] : memref<20x80xi32, #tpu.memory_space<vmem>> -> memref<1x80xi32, #tpu.memory_space<vmem>>
      %dma_start3A_1662 = tpu.memref_squeeze %dma_start3A_1661 : memref<1x80xi32, #tpu.memory_space<vmem>> -> memref<80xi32, #tpu.memory_space<vmem>>
      %dma_start3A_1663 = arith.constant 0 : i32
      %dma_start3A_1664 = arith.constant 0 : i32
      %dma_start3A_1665 = tpu.memref_slice %arg2[%arg0, %dma_start3A_1663, %dma_start3A_1664] : memref<2x100096x16xf32, #tpu.memory_space<hbm>> -> memref<1x100096x16xf32, #tpu.memory_space<hbm>>
      %dma_start3A_1666 = tpu.memref_squeeze %dma_start3A_1665 : memref<1x100096x16xf32, #tpu.memory_space<hbm>> -> memref<100096x16xf32, #tpu.memory_space<hbm>>
      %dma_start3A_1667 = arith.constant 0 : i32
      %dma_start3A_1668 = arith.constant 0 : i32
      %dma_start3A_1669 = tpu.memref_slice %dma_start3A_1666[%dma_start3A_1667, %dma_start3A_1668] : memref<100096x16xf32, #tpu.memory_space<hbm>> -> memref<100096x16xf32, #tpu.memory_space<hbm>>
      tpu.enqueue_indirect_dma source(%dma_start3A_1669 : memref<100096x16xf32, #tpu.memory_space<hbm>>) target(%dma_start3A_1659 : memref<80x16xf32, #tpu.memory_space<vmem>>) offsets(%dma_start3A_1662 : memref<80xi32, #tpu.memory_space<vmem>>) semaphore(%arg14 : memref<!tpu.dma_semaphore, #tpu.memory_space<semaphore_mem>>)
      %dma_start3A_1670 = arith.constant 19 : i32
      %dma_start3A_1671 = arith.constant 320 : i32
      %dma_start3A_1672 = arith.constant 0 : i32
      %dma_start3A_1673 = tpu.memref_slice %arg9[%dma_start3A_1671, %dma_start3A_1672] : memref<400x16xf32, #tpu.memory_space<vmem>> -> memref<80x16xf32, #tpu.memory_space<vmem>>
      %dma_start3A_1674 = arith.constant 0 : i32
      %dma_start3A_1675 = tpu.memref_slice %arg7[%dma_start3A_1670, %dma_start3A_1674] : memref<20x80xi32, #tpu.memory_space<vmem>> -> memref<1x80xi32, #tpu.memory_space<vmem>>
      %dma_start3A_1676 = tpu.memref_squeeze %dma_start3A_1675 : memref<1x80xi32, #tpu.memory_space<vmem>> -> memref<80xi32, #tpu.memory_space<vmem>>
      %dma_start3A_1677 = arith.constant 0 : i32
      %dma_start3A_1678 = arith.constant 0 : i32
      %dma_start3A_1679 = tpu.memref_slice %arg2[%arg0, %dma_start3A_1677, %dma_start3A_1678] : memref<2x100096x16xf32, #tpu.memory_space<hbm>> -> memref<1x100096x16xf32, #tpu.memory_space<hbm>>
      %dma_start3A_1680 = tpu.memref_squeeze %dma_start3A_1679 : memref<1x100096x16xf32, #tpu.memory_space<hbm>> -> memref<100096x16xf32, #tpu.memory_space<hbm>>
      %dma_start3A_1681 = arith.constant 0 : i32
      %dma_start3A_1682 = arith.constant 0 : i32
      %dma_start3A_1683 = tpu.memref_slice %dma_start3A_1680[%dma_start3A_1681, %dma_start3A_1682] : memref<100096x16xf32, #tpu.memory_space<hbm>> -> memref<100096x16xf32, #tpu.memory_space<hbm>>
      tpu.enqueue_indirect_dma source(%dma_start3A_1683 : memref<100096x16xf32, #tpu.memory_space<hbm>>) target(%dma_start3A_1673 : memref<80x16xf32, #tpu.memory_space<vmem>>) offsets(%dma_start3A_1676 : memref<80xi32, #tpu.memory_space<vmem>>) semaphore(%arg14 : memref<!tpu.dma_semaphore, #tpu.memory_space<semaphore_mem>>)
      %dma_start3A_1684 = arith.constant 19 : i32
      %dma_start3A_1685 = arith.constant 320 : i32
      %dma_start3A_1686 = arith.constant 0 : i32
      %dma_start3A_1687 = tpu.memref_slice %arg11[%dma_start3A_1685, %dma_start3A_1686] : memref<400x16xf32, #tpu.memory_space<vmem>> -> memref<80x16xf32, #tpu.memory_space<vmem>>
      %dma_start3A_1688 = arith.constant 0 : i32
      %dma_start3A_1689 = tpu.memref_slice %arg6[%dma_start3A_1684, %dma_start3A_1688] : memref<20x80xi32, #tpu.memory_space<vmem>> -> memref<1x80xi32, #tpu.memory_space<vmem>>
      %dma_start3A_1690 = tpu.memref_squeeze %dma_start3A_1689 : memref<1x80xi32, #tpu.memory_space<vmem>> -> memref<80xi32, #tpu.memory_space<vmem>>
      %dma_start3A_1691 = arith.constant 0 : i32
      %dma_start3A_1692 = arith.constant 0 : i32
      %dma_start3A_1693 = tpu.memref_slice %arg2[%arg0, %dma_start3A_1691, %dma_start3A_1692] : memref<2x100096x16xf32, #tpu.memory_space<hbm>> -> memref<1x100096x16xf32, #tpu.memory_space<hbm>>
      %dma_start3A_1694 = tpu.memref_squeeze %dma_start3A_1693 : memref<1x100096x16xf32, #tpu.memory_space<hbm>> -> memref<100096x16xf32, #tpu.memory_space<hbm>>
      %dma_start3A_1695 = arith.constant 0 : i32
      %dma_start3A_1696 = arith.constant 0 : i32
      %dma_start3A_1697 = tpu.memref_slice %dma_start3A_1694[%dma_start3A_1695, %dma_start3A_1696] : memref<100096x16xf32, #tpu.memory_space<hbm>> -> memref<100096x16xf32, #tpu.memory_space<hbm>>
      tpu.enqueue_indirect_dma source(%dma_start3A_1697 : memref<100096x16xf32, #tpu.memory_space<hbm>>) target(%dma_start3A_1687 : memref<80x16xf32, #tpu.memory_space<vmem>>) offsets(%dma_start3A_1690 : memref<80xi32, #tpu.memory_space<vmem>>) semaphore(%arg14 : memref<!tpu.dma_semaphore, #tpu.memory_space<semaphore_mem>>)
      %add3A_1698 = arith.constant 2 : i32
      %add3A_1699 = arith.addi %add3A_1505, %add3A_1698 : i32
      %mul3A_1700 = arith.constant 1250 : i32
      %mul3A_1701 = arith.muli %arg1, %mul3A_1700 : i32
      %mul3A_1702 = arith.constant 5 : i32
      %mul3A_1703 = arith.muli %add3A_1699, %mul3A_1702 : i32
      %add3A_1704 = arith.addi %mul3A_1701, %mul3A_1703 : i32
      %min3A_1705 = arith.constant 19995 : i32
      %min3A_1706 = arith.minsi %add3A_1704, %min3A_1705 : i32
      %dma_start3A_1707 = arith.constant 5 : i32
      %dma_start3A_1708 = arith.constant 0 : i32
      %dma_start3A_1709 = tpu.memref_slice %arg6[%dma_start3A_1707, %dma_start3A_1708] : memref<20x80xi32, #tpu.memory_space<vmem>> -> memref<5x80xi32, #tpu.memory_space<vmem>>
      %dma_start3A_1710 = arith.constant 0 : i32
      %dma_start3A_1711 = tpu.memref_slice %arg3[%min3A_1706, %dma_start3A_1710] : memref<20000x80xi32, #tpu.memory_space<hbm>> -> memref<5x80xi32, #tpu.memory_space<hbm>>
      %dma_start3A_1712 = arith.constant 5 : i32
      %dma_start3A_1713 = arith.constant 0 : i32
      %dma_start3A_1714 = tpu.memref_slice %arg6[%dma_start3A_1712, %dma_start3A_1713] : memref<20x80xi32, #tpu.memory_space<vmem>> -> memref<5x80xi32, #tpu.memory_space<vmem>>
      %dma_start3A_1715 = arith.constant 0 : i32
      %dma_start3A_1716 = tpu.memref_slice %arg3[%min3A_1706, %dma_start3A_1715] : memref<20000x80xi32, #tpu.memory_space<hbm>> -> memref<5x80xi32, #tpu.memory_space<hbm>>
      tpu.enqueue_dma source(%dma_start3A_1716 : memref<5x80xi32, #tpu.memory_space<hbm>>) target(%dma_start3A_1714 : memref<5x80xi32, #tpu.memory_space<vmem>>) target_semaphore(%arg13 : memref<!tpu.dma_semaphore, #tpu.memory_space<semaphore_mem>>)
      %dma_start3A_1717 = arith.constant 5 : i32
      %dma_start3A_1718 = arith.constant 0 : i32
      %dma_start3A_1719 = tpu.memref_slice %arg7[%dma_start3A_1717, %dma_start3A_1718] : memref<20x80xi32, #tpu.memory_space<vmem>> -> memref<5x80xi32, #tpu.memory_space<vmem>>
      %dma_start3A_1720 = arith.constant 0 : i32
      %dma_start3A_1721 = tpu.memref_slice %arg4[%min3A_1706, %dma_start3A_1720] : memref<20000x80xi32, #tpu.memory_space<hbm>> -> memref<5x80xi32, #tpu.memory_space<hbm>>
      %dma_start3A_1722 = arith.constant 5 : i32
      %dma_start3A_1723 = arith.constant 0 : i32
      %dma_start3A_1724 = tpu.memref_slice %arg7[%dma_start3A_1722, %dma_start3A_1723] : memref<20x80xi32, #tpu.memory_space<vmem>> -> memref<5x80xi32, #tpu.memory_space<vmem>>
      %dma_start3A_1725 = arith.constant 0 : i32
      %dma_start3A_1726 = tpu.memref_slice %arg4[%min3A_1706, %dma_start3A_1725] : memref<20000x80xi32, #tpu.memory_space<hbm>> -> memref<5x80xi32, #tpu.memory_space<hbm>>
      tpu.enqueue_dma source(%dma_start3A_1726 : memref<5x80xi32, #tpu.memory_space<hbm>>) target(%dma_start3A_1724 : memref<5x80xi32, #tpu.memory_space<vmem>>) target_semaphore(%arg13 : memref<!tpu.dma_semaphore, #tpu.memory_space<semaphore_mem>>)
      %dma_wait3A_1727 = arith.constant 15 : i32
      %dma_wait3A_1728 = arith.constant 0 : i32
      %dma_wait3A_1729 = arith.constant 0 : i32
      %dma_wait3A_1730 = tpu.memref_slice %arg9[%dma_wait3A_1728, %dma_wait3A_1729] : memref<400x16xf32, #tpu.memory_space<vmem>> -> memref<80x16xf32, #tpu.memory_space<vmem>>
      %dma_wait3A_1731 = arith.constant 0 : i32
      %dma_wait3A_1732 = tpu.memref_slice %arg7[%dma_wait3A_1727, %dma_wait3A_1731] : memref<20x80xi32, #tpu.memory_space<vmem>> -> memref<1x80xi32, #tpu.memory_space<vmem>>
      %dma_wait3A_1733 = tpu.memref_squeeze %dma_wait3A_1732 : memref<1x80xi32, #tpu.memory_space<vmem>> -> memref<80xi32, #tpu.memory_space<vmem>>
      %dma_wait3A_1734 = arith.constant 0 : i32
      %dma_wait3A_1735 = arith.constant 0 : i32
      %dma_wait3A_1736 = tpu.memref_slice %arg2[%arg0, %dma_wait3A_1734, %dma_wait3A_1735] : memref<2x100096x16xf32, #tpu.memory_space<hbm>> -> memref<1x100096x16xf32, #tpu.memory_space<hbm>>
      %dma_wait3A_1737 = tpu.memref_squeeze %dma_wait3A_1736 : memref<1x100096x16xf32, #tpu.memory_space<hbm>> -> memref<100096x16xf32, #tpu.memory_space<hbm>>
      %dma_wait3A_1738 = arith.constant 0 : i32
      %dma_wait3A_1739 = arith.constant 0 : i32
      %dma_wait3A_1740 = tpu.memref_slice %dma_wait3A_1737[%dma_wait3A_1738, %dma_wait3A_1739] : memref<100096x16xf32, #tpu.memory_space<hbm>> -> memref<100096x16xf32, #tpu.memory_space<hbm>>
      tpu.wait_indirect_dma semaphore(%arg14 : memref<!tpu.dma_semaphore, #tpu.memory_space<semaphore_mem>>) src(%dma_wait3A_1740 : memref<100096x16xf32, #tpu.memory_space<hbm>>) dst(%dma_wait3A_1730 : memref<80x16xf32, #tpu.memory_space<vmem>>)
      %dma_wait3A_1741 = arith.constant 15 : i32
      %dma_wait3A_1742 = arith.constant 0 : i32
      %dma_wait3A_1743 = arith.constant 0 : i32
      %dma_wait3A_1744 = tpu.memref_slice %arg11[%dma_wait3A_1742, %dma_wait3A_1743] : memref<400x16xf32, #tpu.memory_space<vmem>> -> memref<80x16xf32, #tpu.memory_space<vmem>>
      %dma_wait3A_1745 = arith.constant 0 : i32
      %dma_wait3A_1746 = tpu.memref_slice %arg6[%dma_wait3A_1741, %dma_wait3A_1745] : memref<20x80xi32, #tpu.memory_space<vmem>> -> memref<1x80xi32, #tpu.memory_space<vmem>>
      %dma_wait3A_1747 = tpu.memref_squeeze %dma_wait3A_1746 : memref<1x80xi32, #tpu.memory_space<vmem>> -> memref<80xi32, #tpu.memory_space<vmem>>
      %dma_wait3A_1748 = arith.constant 0 : i32
      %dma_wait3A_1749 = arith.constant 0 : i32
      %dma_wait3A_1750 = tpu.memref_slice %arg2[%arg0, %dma_wait3A_1748, %dma_wait3A_1749] : memref<2x100096x16xf32, #tpu.memory_space<hbm>> -> memref<1x100096x16xf32, #tpu.memory_space<hbm>>
      %dma_wait3A_1751 = tpu.memref_squeeze %dma_wait3A_1750 : memref<1x100096x16xf32, #tpu.memory_space<hbm>> -> memref<100096x16xf32, #tpu.memory_space<hbm>>
      %dma_wait3A_1752 = arith.constant 0 : i32
      %dma_wait3A_1753 = arith.constant 0 : i32
      %dma_wait3A_1754 = tpu.memref_slice %dma_wait3A_1751[%dma_wait3A_1752, %dma_wait3A_1753] : memref<100096x16xf32, #tpu.memory_space<hbm>> -> memref<100096x16xf32, #tpu.memory_space<hbm>>
      tpu.wait_indirect_dma semaphore(%arg14 : memref<!tpu.dma_semaphore, #tpu.memory_space<semaphore_mem>>) src(%dma_wait3A_1754 : memref<100096x16xf32, #tpu.memory_space<hbm>>) dst(%dma_wait3A_1744 : memref<80x16xf32, #tpu.memory_space<vmem>>)
      %dma_start3A_1755 = arith.constant 15 : i32
      %dma_start3A_1756 = arith.constant 0 : i32
      %dma_start3A_1757 = arith.constant 0 : i32
      %dma_start3A_1758 = tpu.memref_slice %arg9[%dma_start3A_1756, %dma_start3A_1757] : memref<400x16xf32, #tpu.memory_space<vmem>> -> memref<80x16xf32, #tpu.memory_space<vmem>>
      %dma_start3A_1759 = arith.constant 0 : i32
      %dma_start3A_1760 = tpu.memref_slice %arg6[%dma_start3A_1755, %dma_start3A_1759] : memref<20x80xi32, #tpu.memory_space<vmem>> -> memref<1x80xi32, #tpu.memory_space<vmem>>
      %dma_start3A_1761 = tpu.memref_squeeze %dma_start3A_1760 : memref<1x80xi32, #tpu.memory_space<vmem>> -> memref<80xi32, #tpu.memory_space<vmem>>
      %dma_start3A_1762 = arith.constant 0 : i32
      %dma_start3A_1763 = arith.constant 0 : i32
      %dma_start3A_1764 = tpu.memref_slice %arg12[%dma_start3A_1762, %dma_start3A_1763] : memref<100096x16xf32, #tpu.memory_space<vmem_shared>> -> memref<100096x16xf32, #tpu.memory_space<vmem_shared>>
      tpu.enqueue_indirect_dma source(%dma_start3A_1758 : memref<80x16xf32, #tpu.memory_space<vmem>>) target(%dma_start3A_1764 : memref<100096x16xf32, #tpu.memory_space<vmem_shared>>) offsets(%dma_start3A_1761 : memref<80xi32, #tpu.memory_space<vmem>>) semaphore(%arg16 : memref<!tpu.dma_semaphore, #tpu.memory_space<semaphore_mem>>) {add = true}
      %dma_start3A_1765 = arith.constant 15 : i32
      %dma_start3A_1766 = arith.constant 0 : i32
      %dma_start3A_1767 = arith.constant 0 : i32
      %dma_start3A_1768 = tpu.memref_slice %arg11[%dma_start3A_1766, %dma_start3A_1767] : memref<400x16xf32, #tpu.memory_space<vmem>> -> memref<80x16xf32, #tpu.memory_space<vmem>>
      %dma_start3A_1769 = arith.constant 0 : i32
      %dma_start3A_1770 = tpu.memref_slice %arg7[%dma_start3A_1765, %dma_start3A_1769] : memref<20x80xi32, #tpu.memory_space<vmem>> -> memref<1x80xi32, #tpu.memory_space<vmem>>
      %dma_start3A_1771 = tpu.memref_squeeze %dma_start3A_1770 : memref<1x80xi32, #tpu.memory_space<vmem>> -> memref<80xi32, #tpu.memory_space<vmem>>
      %dma_start3A_1772 = arith.constant 0 : i32
      %dma_start3A_1773 = arith.constant 0 : i32
      %dma_start3A_1774 = tpu.memref_slice %arg12[%dma_start3A_1772, %dma_start3A_1773] : memref<100096x16xf32, #tpu.memory_space<vmem_shared>> -> memref<100096x16xf32, #tpu.memory_space<vmem_shared>>
      tpu.enqueue_indirect_dma source(%dma_start3A_1768 : memref<80x16xf32, #tpu.memory_space<vmem>>) target(%dma_start3A_1774 : memref<100096x16xf32, #tpu.memory_space<vmem_shared>>) offsets(%dma_start3A_1771 : memref<80xi32, #tpu.memory_space<vmem>>) semaphore(%arg16 : memref<!tpu.dma_semaphore, #tpu.memory_space<semaphore_mem>>) {add = true}
      %dma_wait3A_1775 = arith.constant 16 : i32
      %dma_wait3A_1776 = arith.constant 80 : i32
      %dma_wait3A_1777 = arith.constant 0 : i32
      %dma_wait3A_1778 = tpu.memref_slice %arg9[%dma_wait3A_1776, %dma_wait3A_1777] : memref<400x16xf32, #tpu.memory_space<vmem>> -> memref<80x16xf32, #tpu.memory_space<vmem>>
      %dma_wait3A_1779 = arith.constant 0 : i32
      %dma_wait3A_1780 = tpu.memref_slice %arg7[%dma_wait3A_1775, %dma_wait3A_1779] : memref<20x80xi32, #tpu.memory_space<vmem>> -> memref<1x80xi32, #tpu.memory_space<vmem>>
      %dma_wait3A_1781 = tpu.memref_squeeze %dma_wait3A_1780 : memref<1x80xi32, #tpu.memory_space<vmem>> -> memref<80xi32, #tpu.memory_space<vmem>>
      %dma_wait3A_1782 = arith.constant 0 : i32
      %dma_wait3A_1783 = arith.constant 0 : i32
      %dma_wait3A_1784 = tpu.memref_slice %arg2[%arg0, %dma_wait3A_1782, %dma_wait3A_1783] : memref<2x100096x16xf32, #tpu.memory_space<hbm>> -> memref<1x100096x16xf32, #tpu.memory_space<hbm>>
      %dma_wait3A_1785 = tpu.memref_squeeze %dma_wait3A_1784 : memref<1x100096x16xf32, #tpu.memory_space<hbm>> -> memref<100096x16xf32, #tpu.memory_space<hbm>>
      %dma_wait3A_1786 = arith.constant 0 : i32
      %dma_wait3A_1787 = arith.constant 0 : i32
      %dma_wait3A_1788 = tpu.memref_slice %dma_wait3A_1785[%dma_wait3A_1786, %dma_wait3A_1787] : memref<100096x16xf32, #tpu.memory_space<hbm>> -> memref<100096x16xf32, #tpu.memory_space<hbm>>
      tpu.wait_indirect_dma semaphore(%arg14 : memref<!tpu.dma_semaphore, #tpu.memory_space<semaphore_mem>>) src(%dma_wait3A_1788 : memref<100096x16xf32, #tpu.memory_space<hbm>>) dst(%dma_wait3A_1778 : memref<80x16xf32, #tpu.memory_space<vmem>>)
      %dma_wait3A_1789 = arith.constant 16 : i32
      %dma_wait3A_1790 = arith.constant 80 : i32
      %dma_wait3A_1791 = arith.constant 0 : i32
      %dma_wait3A_1792 = tpu.memref_slice %arg11[%dma_wait3A_1790, %dma_wait3A_1791] : memref<400x16xf32, #tpu.memory_space<vmem>> -> memref<80x16xf32, #tpu.memory_space<vmem>>
      %dma_wait3A_1793 = arith.constant 0 : i32
      %dma_wait3A_1794 = tpu.memref_slice %arg6[%dma_wait3A_1789, %dma_wait3A_1793] : memref<20x80xi32, #tpu.memory_space<vmem>> -> memref<1x80xi32, #tpu.memory_space<vmem>>
      %dma_wait3A_1795 = tpu.memref_squeeze %dma_wait3A_1794 : memref<1x80xi32, #tpu.memory_space<vmem>> -> memref<80xi32, #tpu.memory_space<vmem>>
      %dma_wait3A_1796 = arith.constant 0 : i32
      %dma_wait3A_1797 = arith.constant 0 : i32
      %dma_wait3A_1798 = tpu.memref_slice %arg2[%arg0, %dma_wait3A_1796, %dma_wait3A_1797] : memref<2x100096x16xf32, #tpu.memory_space<hbm>> -> memref<1x100096x16xf32, #tpu.memory_space<hbm>>
      %dma_wait3A_1799 = tpu.memref_squeeze %dma_wait3A_1798 : memref<1x100096x16xf32, #tpu.memory_space<hbm>> -> memref<100096x16xf32, #tpu.memory_space<hbm>>
      %dma_wait3A_1800 = arith.constant 0 : i32
      %dma_wait3A_1801 = arith.constant 0 : i32
      %dma_wait3A_1802 = tpu.memref_slice %dma_wait3A_1799[%dma_wait3A_1800, %dma_wait3A_1801] : memref<100096x16xf32, #tpu.memory_space<hbm>> -> memref<100096x16xf32, #tpu.memory_space<hbm>>
      tpu.wait_indirect_dma semaphore(%arg14 : memref<!tpu.dma_semaphore, #tpu.memory_space<semaphore_mem>>) src(%dma_wait3A_1802 : memref<100096x16xf32, #tpu.memory_space<hbm>>) dst(%dma_wait3A_1792 : memref<80x16xf32, #tpu.memory_space<vmem>>)
      %dma_start3A_1803 = arith.constant 16 : i32
      %dma_start3A_1804 = arith.constant 80 : i32
      %dma_start3A_1805 = arith.constant 0 : i32
      %dma_start3A_1806 = tpu.memref_slice %arg9[%dma_start3A_1804, %dma_start3A_1805] : memref<400x16xf32, #tpu.memory_space<vmem>> -> memref<80x16xf32, #tpu.memory_space<vmem>>
      %dma_start3A_1807 = arith.constant 0 : i32
      %dma_start3A_1808 = tpu.memref_slice %arg6[%dma_start3A_1803, %dma_start3A_1807] : memref<20x80xi32, #tpu.memory_space<vmem>> -> memref<1x80xi32, #tpu.memory_space<vmem>>
      %dma_start3A_1809 = tpu.memref_squeeze %dma_start3A_1808 : memref<1x80xi32, #tpu.memory_space<vmem>> -> memref<80xi32, #tpu.memory_space<vmem>>
      %dma_start3A_1810 = arith.constant 0 : i32
      %dma_start3A_1811 = arith.constant 0 : i32
      %dma_start3A_1812 = tpu.memref_slice %arg12[%dma_start3A_1810, %dma_start3A_1811] : memref<100096x16xf32, #tpu.memory_space<vmem_shared>> -> memref<100096x16xf32, #tpu.memory_space<vmem_shared>>
      tpu.enqueue_indirect_dma source(%dma_start3A_1806 : memref<80x16xf32, #tpu.memory_space<vmem>>) target(%dma_start3A_1812 : memref<100096x16xf32, #tpu.memory_space<vmem_shared>>) offsets(%dma_start3A_1809 : memref<80xi32, #tpu.memory_space<vmem>>) semaphore(%arg16 : memref<!tpu.dma_semaphore, #tpu.memory_space<semaphore_mem>>) {add = true}
      %dma_start3A_1813 = arith.constant 16 : i32
      %dma_start3A_1814 = arith.constant 80 : i32
      %dma_start3A_1815 = arith.constant 0 : i32
      %dma_start3A_1816 = tpu.memref_slice %arg11[%dma_start3A_1814, %dma_start3A_1815] : memref<400x16xf32, #tpu.memory_space<vmem>> -> memref<80x16xf32, #tpu.memory_space<vmem>>
      %dma_start3A_1817 = arith.constant 0 : i32
      %dma_start3A_1818 = tpu.memref_slice %arg7[%dma_start3A_1813, %dma_start3A_1817] : memref<20x80xi32, #tpu.memory_space<vmem>> -> memref<1x80xi32, #tpu.memory_space<vmem>>
      %dma_start3A_1819 = tpu.memref_squeeze %dma_start3A_1818 : memref<1x80xi32, #tpu.memory_space<vmem>> -> memref<80xi32, #tpu.memory_space<vmem>>
      %dma_start3A_1820 = arith.constant 0 : i32
      %dma_start3A_1821 = arith.constant 0 : i32
      %dma_start3A_1822 = tpu.memref_slice %arg12[%dma_start3A_1820, %dma_start3A_1821] : memref<100096x16xf32, #tpu.memory_space<vmem_shared>> -> memref<100096x16xf32, #tpu.memory_space<vmem_shared>>
      tpu.enqueue_indirect_dma source(%dma_start3A_1816 : memref<80x16xf32, #tpu.memory_space<vmem>>) target(%dma_start3A_1822 : memref<100096x16xf32, #tpu.memory_space<vmem_shared>>) offsets(%dma_start3A_1819 : memref<80xi32, #tpu.memory_space<vmem>>) semaphore(%arg16 : memref<!tpu.dma_semaphore, #tpu.memory_space<semaphore_mem>>) {add = true}
      %dma_wait3A_1823 = arith.constant 17 : i32
      %dma_wait3A_1824 = arith.constant 160 : i32
      %dma_wait3A_1825 = arith.constant 0 : i32
      %dma_wait3A_1826 = tpu.memref_slice %arg9[%dma_wait3A_1824, %dma_wait3A_1825] : memref<400x16xf32, #tpu.memory_space<vmem>> -> memref<80x16xf32, #tpu.memory_space<vmem>>
      %dma_wait3A_1827 = arith.constant 0 : i32
      %dma_wait3A_1828 = tpu.memref_slice %arg7[%dma_wait3A_1823, %dma_wait3A_1827] : memref<20x80xi32, #tpu.memory_space<vmem>> -> memref<1x80xi32, #tpu.memory_space<vmem>>
      %dma_wait3A_1829 = tpu.memref_squeeze %dma_wait3A_1828 : memref<1x80xi32, #tpu.memory_space<vmem>> -> memref<80xi32, #tpu.memory_space<vmem>>
      %dma_wait3A_1830 = arith.constant 0 : i32
      %dma_wait3A_1831 = arith.constant 0 : i32
      %dma_wait3A_1832 = tpu.memref_slice %arg2[%arg0, %dma_wait3A_1830, %dma_wait3A_1831] : memref<2x100096x16xf32, #tpu.memory_space<hbm>> -> memref<1x100096x16xf32, #tpu.memory_space<hbm>>
      %dma_wait3A_1833 = tpu.memref_squeeze %dma_wait3A_1832 : memref<1x100096x16xf32, #tpu.memory_space<hbm>> -> memref<100096x16xf32, #tpu.memory_space<hbm>>
      %dma_wait3A_1834 = arith.constant 0 : i32
      %dma_wait3A_1835 = arith.constant 0 : i32
      %dma_wait3A_1836 = tpu.memref_slice %dma_wait3A_1833[%dma_wait3A_1834, %dma_wait3A_1835] : memref<100096x16xf32, #tpu.memory_space<hbm>> -> memref<100096x16xf32, #tpu.memory_space<hbm>>
      tpu.wait_indirect_dma semaphore(%arg14 : memref<!tpu.dma_semaphore, #tpu.memory_space<semaphore_mem>>) src(%dma_wait3A_1836 : memref<100096x16xf32, #tpu.memory_space<hbm>>) dst(%dma_wait3A_1826 : memref<80x16xf32, #tpu.memory_space<vmem>>)
      %dma_wait3A_1837 = arith.constant 17 : i32
      %dma_wait3A_1838 = arith.constant 160 : i32
      %dma_wait3A_1839 = arith.constant 0 : i32
      %dma_wait3A_1840 = tpu.memref_slice %arg11[%dma_wait3A_1838, %dma_wait3A_1839] : memref<400x16xf32, #tpu.memory_space<vmem>> -> memref<80x16xf32, #tpu.memory_space<vmem>>
      %dma_wait3A_1841 = arith.constant 0 : i32
      %dma_wait3A_1842 = tpu.memref_slice %arg6[%dma_wait3A_1837, %dma_wait3A_1841] : memref<20x80xi32, #tpu.memory_space<vmem>> -> memref<1x80xi32, #tpu.memory_space<vmem>>
      %dma_wait3A_1843 = tpu.memref_squeeze %dma_wait3A_1842 : memref<1x80xi32, #tpu.memory_space<vmem>> -> memref<80xi32, #tpu.memory_space<vmem>>
      %dma_wait3A_1844 = arith.constant 0 : i32
      %dma_wait3A_1845 = arith.constant 0 : i32
      %dma_wait3A_1846 = tpu.memref_slice %arg2[%arg0, %dma_wait3A_1844, %dma_wait3A_1845] : memref<2x100096x16xf32, #tpu.memory_space<hbm>> -> memref<1x100096x16xf32, #tpu.memory_space<hbm>>
      %dma_wait3A_1847 = tpu.memref_squeeze %dma_wait3A_1846 : memref<1x100096x16xf32, #tpu.memory_space<hbm>> -> memref<100096x16xf32, #tpu.memory_space<hbm>>
      %dma_wait3A_1848 = arith.constant 0 : i32
      %dma_wait3A_1849 = arith.constant 0 : i32
      %dma_wait3A_1850 = tpu.memref_slice %dma_wait3A_1847[%dma_wait3A_1848, %dma_wait3A_1849] : memref<100096x16xf32, #tpu.memory_space<hbm>> -> memref<100096x16xf32, #tpu.memory_space<hbm>>
      tpu.wait_indirect_dma semaphore(%arg14 : memref<!tpu.dma_semaphore, #tpu.memory_space<semaphore_mem>>) src(%dma_wait3A_1850 : memref<100096x16xf32, #tpu.memory_space<hbm>>) dst(%dma_wait3A_1840 : memref<80x16xf32, #tpu.memory_space<vmem>>)
      %dma_start3A_1851 = arith.constant 17 : i32
      %dma_start3A_1852 = arith.constant 160 : i32
      %dma_start3A_1853 = arith.constant 0 : i32
      %dma_start3A_1854 = tpu.memref_slice %arg9[%dma_start3A_1852, %dma_start3A_1853] : memref<400x16xf32, #tpu.memory_space<vmem>> -> memref<80x16xf32, #tpu.memory_space<vmem>>
      %dma_start3A_1855 = arith.constant 0 : i32
      %dma_start3A_1856 = tpu.memref_slice %arg6[%dma_start3A_1851, %dma_start3A_1855] : memref<20x80xi32, #tpu.memory_space<vmem>> -> memref<1x80xi32, #tpu.memory_space<vmem>>
      %dma_start3A_1857 = tpu.memref_squeeze %dma_start3A_1856 : memref<1x80xi32, #tpu.memory_space<vmem>> -> memref<80xi32, #tpu.memory_space<vmem>>
      %dma_start3A_1858 = arith.constant 0 : i32
      %dma_start3A_1859 = arith.constant 0 : i32
      %dma_start3A_1860 = tpu.memref_slice %arg12[%dma_start3A_1858, %dma_start3A_1859] : memref<100096x16xf32, #tpu.memory_space<vmem_shared>> -> memref<100096x16xf32, #tpu.memory_space<vmem_shared>>
      tpu.enqueue_indirect_dma source(%dma_start3A_1854 : memref<80x16xf32, #tpu.memory_space<vmem>>) target(%dma_start3A_1860 : memref<100096x16xf32, #tpu.memory_space<vmem_shared>>) offsets(%dma_start3A_1857 : memref<80xi32, #tpu.memory_space<vmem>>) semaphore(%arg16 : memref<!tpu.dma_semaphore, #tpu.memory_space<semaphore_mem>>) {add = true}
      %dma_start3A_1861 = arith.constant 17 : i32
      %dma_start3A_1862 = arith.constant 160 : i32
      %dma_start3A_1863 = arith.constant 0 : i32
      %dma_start3A_1864 = tpu.memref_slice %arg11[%dma_start3A_1862, %dma_start3A_1863] : memref<400x16xf32, #tpu.memory_space<vmem>> -> memref<80x16xf32, #tpu.memory_space<vmem>>
      %dma_start3A_1865 = arith.constant 0 : i32
      %dma_start3A_1866 = tpu.memref_slice %arg7[%dma_start3A_1861, %dma_start3A_1865] : memref<20x80xi32, #tpu.memory_space<vmem>> -> memref<1x80xi32, #tpu.memory_space<vmem>>
      %dma_start3A_1867 = tpu.memref_squeeze %dma_start3A_1866 : memref<1x80xi32, #tpu.memory_space<vmem>> -> memref<80xi32, #tpu.memory_space<vmem>>
      %dma_start3A_1868 = arith.constant 0 : i32
      %dma_start3A_1869 = arith.constant 0 : i32
      %dma_start3A_1870 = tpu.memref_slice %arg12[%dma_start3A_1868, %dma_start3A_1869] : memref<100096x16xf32, #tpu.memory_space<vmem_shared>> -> memref<100096x16xf32, #tpu.memory_space<vmem_shared>>
      tpu.enqueue_indirect_dma source(%dma_start3A_1864 : memref<80x16xf32, #tpu.memory_space<vmem>>) target(%dma_start3A_1870 : memref<100096x16xf32, #tpu.memory_space<vmem_shared>>) offsets(%dma_start3A_1867 : memref<80xi32, #tpu.memory_space<vmem>>) semaphore(%arg16 : memref<!tpu.dma_semaphore, #tpu.memory_space<semaphore_mem>>) {add = true}
      %dma_wait3A_1871 = arith.constant 18 : i32
      %dma_wait3A_1872 = arith.constant 240 : i32
      %dma_wait3A_1873 = arith.constant 0 : i32
      %dma_wait3A_1874 = tpu.memref_slice %arg9[%dma_wait3A_1872, %dma_wait3A_1873] : memref<400x16xf32, #tpu.memory_space<vmem>> -> memref<80x16xf32, #tpu.memory_space<vmem>>
      %dma_wait3A_1875 = arith.constant 0 : i32
      %dma_wait3A_1876 = tpu.memref_slice %arg7[%dma_wait3A_1871, %dma_wait3A_1875] : memref<20x80xi32, #tpu.memory_space<vmem>> -> memref<1x80xi32, #tpu.memory_space<vmem>>
      %dma_wait3A_1877 = tpu.memref_squeeze %dma_wait3A_1876 : memref<1x80xi32, #tpu.memory_space<vmem>> -> memref<80xi32, #tpu.memory_space<vmem>>
      %dma_wait3A_1878 = arith.constant 0 : i32
      %dma_wait3A_1879 = arith.constant 0 : i32
      %dma_wait3A_1880 = tpu.memref_slice %arg2[%arg0, %dma_wait3A_1878, %dma_wait3A_1879] : memref<2x100096x16xf32, #tpu.memory_space<hbm>> -> memref<1x100096x16xf32, #tpu.memory_space<hbm>>
      %dma_wait3A_1881 = tpu.memref_squeeze %dma_wait3A_1880 : memref<1x100096x16xf32, #tpu.memory_space<hbm>> -> memref<100096x16xf32, #tpu.memory_space<hbm>>
      %dma_wait3A_1882 = arith.constant 0 : i32
      %dma_wait3A_1883 = arith.constant 0 : i32
      %dma_wait3A_1884 = tpu.memref_slice %dma_wait3A_1881[%dma_wait3A_1882, %dma_wait3A_1883] : memref<100096x16xf32, #tpu.memory_space<hbm>> -> memref<100096x16xf32, #tpu.memory_space<hbm>>
      tpu.wait_indirect_dma semaphore(%arg14 : memref<!tpu.dma_semaphore, #tpu.memory_space<semaphore_mem>>) src(%dma_wait3A_1884 : memref<100096x16xf32, #tpu.memory_space<hbm>>) dst(%dma_wait3A_1874 : memref<80x16xf32, #tpu.memory_space<vmem>>)
      %dma_wait3A_1885 = arith.constant 18 : i32
      %dma_wait3A_1886 = arith.constant 240 : i32
      %dma_wait3A_1887 = arith.constant 0 : i32
      %dma_wait3A_1888 = tpu.memref_slice %arg11[%dma_wait3A_1886, %dma_wait3A_1887] : memref<400x16xf32, #tpu.memory_space<vmem>> -> memref<80x16xf32, #tpu.memory_space<vmem>>
      %dma_wait3A_1889 = arith.constant 0 : i32
      %dma_wait3A_1890 = tpu.memref_slice %arg6[%dma_wait3A_1885, %dma_wait3A_1889] : memref<20x80xi32, #tpu.memory_space<vmem>> -> memref<1x80xi32, #tpu.memory_space<vmem>>
      %dma_wait3A_1891 = tpu.memref_squeeze %dma_wait3A_1890 : memref<1x80xi32, #tpu.memory_space<vmem>> -> memref<80xi32, #tpu.memory_space<vmem>>
      %dma_wait3A_1892 = arith.constant 0 : i32
      %dma_wait3A_1893 = arith.constant 0 : i32
      %dma_wait3A_1894 = tpu.memref_slice %arg2[%arg0, %dma_wait3A_1892, %dma_wait3A_1893] : memref<2x100096x16xf32, #tpu.memory_space<hbm>> -> memref<1x100096x16xf32, #tpu.memory_space<hbm>>
      %dma_wait3A_1895 = tpu.memref_squeeze %dma_wait3A_1894 : memref<1x100096x16xf32, #tpu.memory_space<hbm>> -> memref<100096x16xf32, #tpu.memory_space<hbm>>
      %dma_wait3A_1896 = arith.constant 0 : i32
      %dma_wait3A_1897 = arith.constant 0 : i32
      %dma_wait3A_1898 = tpu.memref_slice %dma_wait3A_1895[%dma_wait3A_1896, %dma_wait3A_1897] : memref<100096x16xf32, #tpu.memory_space<hbm>> -> memref<100096x16xf32, #tpu.memory_space<hbm>>
      tpu.wait_indirect_dma semaphore(%arg14 : memref<!tpu.dma_semaphore, #tpu.memory_space<semaphore_mem>>) src(%dma_wait3A_1898 : memref<100096x16xf32, #tpu.memory_space<hbm>>) dst(%dma_wait3A_1888 : memref<80x16xf32, #tpu.memory_space<vmem>>)
      %dma_start3A_1899 = arith.constant 18 : i32
      %dma_start3A_1900 = arith.constant 240 : i32
      %dma_start3A_1901 = arith.constant 0 : i32
      %dma_start3A_1902 = tpu.memref_slice %arg9[%dma_start3A_1900, %dma_start3A_1901] : memref<400x16xf32, #tpu.memory_space<vmem>> -> memref<80x16xf32, #tpu.memory_space<vmem>>
      %dma_start3A_1903 = arith.constant 0 : i32
      %dma_start3A_1904 = tpu.memref_slice %arg6[%dma_start3A_1899, %dma_start3A_1903] : memref<20x80xi32, #tpu.memory_space<vmem>> -> memref<1x80xi32, #tpu.memory_space<vmem>>
      %dma_start3A_1905 = tpu.memref_squeeze %dma_start3A_1904 : memref<1x80xi32, #tpu.memory_space<vmem>> -> memref<80xi32, #tpu.memory_space<vmem>>
      %dma_start3A_1906 = arith.constant 0 : i32
      %dma_start3A_1907 = arith.constant 0 : i32
      %dma_start3A_1908 = tpu.memref_slice %arg12[%dma_start3A_1906, %dma_start3A_1907] : memref<100096x16xf32, #tpu.memory_space<vmem_shared>> -> memref<100096x16xf32, #tpu.memory_space<vmem_shared>>
      tpu.enqueue_indirect_dma source(%dma_start3A_1902 : memref<80x16xf32, #tpu.memory_space<vmem>>) target(%dma_start3A_1908 : memref<100096x16xf32, #tpu.memory_space<vmem_shared>>) offsets(%dma_start3A_1905 : memref<80xi32, #tpu.memory_space<vmem>>) semaphore(%arg16 : memref<!tpu.dma_semaphore, #tpu.memory_space<semaphore_mem>>) {add = true}
      %dma_start3A_1909 = arith.constant 18 : i32
      %dma_start3A_1910 = arith.constant 240 : i32
      %dma_start3A_1911 = arith.constant 0 : i32
      %dma_start3A_1912 = tpu.memref_slice %arg11[%dma_start3A_1910, %dma_start3A_1911] : memref<400x16xf32, #tpu.memory_space<vmem>> -> memref<80x16xf32, #tpu.memory_space<vmem>>
      %dma_start3A_1913 = arith.constant 0 : i32
      %dma_start3A_1914 = tpu.memref_slice %arg7[%dma_start3A_1909, %dma_start3A_1913] : memref<20x80xi32, #tpu.memory_space<vmem>> -> memref<1x80xi32, #tpu.memory_space<vmem>>
      %dma_start3A_1915 = tpu.memref_squeeze %dma_start3A_1914 : memref<1x80xi32, #tpu.memory_space<vmem>> -> memref<80xi32, #tpu.memory_space<vmem>>
      %dma_start3A_1916 = arith.constant 0 : i32
      %dma_start3A_1917 = arith.constant 0 : i32
      %dma_start3A_1918 = tpu.memref_slice %arg12[%dma_start3A_1916, %dma_start3A_1917] : memref<100096x16xf32, #tpu.memory_space<vmem_shared>> -> memref<100096x16xf32, #tpu.memory_space<vmem_shared>>
      tpu.enqueue_indirect_dma source(%dma_start3A_1912 : memref<80x16xf32, #tpu.memory_space<vmem>>) target(%dma_start3A_1918 : memref<100096x16xf32, #tpu.memory_space<vmem_shared>>) offsets(%dma_start3A_1915 : memref<80xi32, #tpu.memory_space<vmem>>) semaphore(%arg16 : memref<!tpu.dma_semaphore, #tpu.memory_space<semaphore_mem>>) {add = true}
      %dma_wait3A_1919 = arith.constant 19 : i32
      %dma_wait3A_1920 = arith.constant 320 : i32
      %dma_wait3A_1921 = arith.constant 0 : i32
      %dma_wait3A_1922 = tpu.memref_slice %arg9[%dma_wait3A_1920, %dma_wait3A_1921] : memref<400x16xf32, #tpu.memory_space<vmem>> -> memref<80x16xf32, #tpu.memory_space<vmem>>
      %dma_wait3A_1923 = arith.constant 0 : i32
      %dma_wait3A_1924 = tpu.memref_slice %arg7[%dma_wait3A_1919, %dma_wait3A_1923] : memref<20x80xi32, #tpu.memory_space<vmem>> -> memref<1x80xi32, #tpu.memory_space<vmem>>
      %dma_wait3A_1925 = tpu.memref_squeeze %dma_wait3A_1924 : memref<1x80xi32, #tpu.memory_space<vmem>> -> memref<80xi32, #tpu.memory_space<vmem>>
      %dma_wait3A_1926 = arith.constant 0 : i32
      %dma_wait3A_1927 = arith.constant 0 : i32
      %dma_wait3A_1928 = tpu.memref_slice %arg2[%arg0, %dma_wait3A_1926, %dma_wait3A_1927] : memref<2x100096x16xf32, #tpu.memory_space<hbm>> -> memref<1x100096x16xf32, #tpu.memory_space<hbm>>
      %dma_wait3A_1929 = tpu.memref_squeeze %dma_wait3A_1928 : memref<1x100096x16xf32, #tpu.memory_space<hbm>> -> memref<100096x16xf32, #tpu.memory_space<hbm>>
      %dma_wait3A_1930 = arith.constant 0 : i32
      %dma_wait3A_1931 = arith.constant 0 : i32
      %dma_wait3A_1932 = tpu.memref_slice %dma_wait3A_1929[%dma_wait3A_1930, %dma_wait3A_1931] : memref<100096x16xf32, #tpu.memory_space<hbm>> -> memref<100096x16xf32, #tpu.memory_space<hbm>>
      tpu.wait_indirect_dma semaphore(%arg14 : memref<!tpu.dma_semaphore, #tpu.memory_space<semaphore_mem>>) src(%dma_wait3A_1932 : memref<100096x16xf32, #tpu.memory_space<hbm>>) dst(%dma_wait3A_1922 : memref<80x16xf32, #tpu.memory_space<vmem>>)
      %dma_wait3A_1933 = arith.constant 19 : i32
      %dma_wait3A_1934 = arith.constant 320 : i32
      %dma_wait3A_1935 = arith.constant 0 : i32
      %dma_wait3A_1936 = tpu.memref_slice %arg11[%dma_wait3A_1934, %dma_wait3A_1935] : memref<400x16xf32, #tpu.memory_space<vmem>> -> memref<80x16xf32, #tpu.memory_space<vmem>>
      %dma_wait3A_1937 = arith.constant 0 : i32
      %dma_wait3A_1938 = tpu.memref_slice %arg6[%dma_wait3A_1933, %dma_wait3A_1937] : memref<20x80xi32, #tpu.memory_space<vmem>> -> memref<1x80xi32, #tpu.memory_space<vmem>>
      %dma_wait3A_1939 = tpu.memref_squeeze %dma_wait3A_1938 : memref<1x80xi32, #tpu.memory_space<vmem>> -> memref<80xi32, #tpu.memory_space<vmem>>
      %dma_wait3A_1940 = arith.constant 0 : i32
      %dma_wait3A_1941 = arith.constant 0 : i32
      %dma_wait3A_1942 = tpu.memref_slice %arg2[%arg0, %dma_wait3A_1940, %dma_wait3A_1941] : memref<2x100096x16xf32, #tpu.memory_space<hbm>> -> memref<1x100096x16xf32, #tpu.memory_space<hbm>>
      %dma_wait3A_1943 = tpu.memref_squeeze %dma_wait3A_1942 : memref<1x100096x16xf32, #tpu.memory_space<hbm>> -> memref<100096x16xf32, #tpu.memory_space<hbm>>
      %dma_wait3A_1944 = arith.constant 0 : i32
      %dma_wait3A_1945 = arith.constant 0 : i32
      %dma_wait3A_1946 = tpu.memref_slice %dma_wait3A_1943[%dma_wait3A_1944, %dma_wait3A_1945] : memref<100096x16xf32, #tpu.memory_space<hbm>> -> memref<100096x16xf32, #tpu.memory_space<hbm>>
      tpu.wait_indirect_dma semaphore(%arg14 : memref<!tpu.dma_semaphore, #tpu.memory_space<semaphore_mem>>) src(%dma_wait3A_1946 : memref<100096x16xf32, #tpu.memory_space<hbm>>) dst(%dma_wait3A_1936 : memref<80x16xf32, #tpu.memory_space<vmem>>)
      %dma_start3A_1947 = arith.constant 19 : i32
      %dma_start3A_1948 = arith.constant 320 : i32
      %dma_start3A_1949 = arith.constant 0 : i32
      %dma_start3A_1950 = tpu.memref_slice %arg9[%dma_start3A_1948, %dma_start3A_1949] : memref<400x16xf32, #tpu.memory_space<vmem>> -> memref<80x16xf32, #tpu.memory_space<vmem>>
      %dma_start3A_1951 = arith.constant 0 : i32
      %dma_start3A_1952 = tpu.memref_slice %arg6[%dma_start3A_1947, %dma_start3A_1951] : memref<20x80xi32, #tpu.memory_space<vmem>> -> memref<1x80xi32, #tpu.memory_space<vmem>>
      %dma_start3A_1953 = tpu.memref_squeeze %dma_start3A_1952 : memref<1x80xi32, #tpu.memory_space<vmem>> -> memref<80xi32, #tpu.memory_space<vmem>>
      %dma_start3A_1954 = arith.constant 0 : i32
      %dma_start3A_1955 = arith.constant 0 : i32
      %dma_start3A_1956 = tpu.memref_slice %arg12[%dma_start3A_1954, %dma_start3A_1955] : memref<100096x16xf32, #tpu.memory_space<vmem_shared>> -> memref<100096x16xf32, #tpu.memory_space<vmem_shared>>
      tpu.enqueue_indirect_dma source(%dma_start3A_1950 : memref<80x16xf32, #tpu.memory_space<vmem>>) target(%dma_start3A_1956 : memref<100096x16xf32, #tpu.memory_space<vmem_shared>>) offsets(%dma_start3A_1953 : memref<80xi32, #tpu.memory_space<vmem>>) semaphore(%arg16 : memref<!tpu.dma_semaphore, #tpu.memory_space<semaphore_mem>>) {add = true}
      %dma_start3A_1957 = arith.constant 19 : i32
      %dma_start3A_1958 = arith.constant 320 : i32
      %dma_start3A_1959 = arith.constant 0 : i32
      %dma_start3A_1960 = tpu.memref_slice %arg11[%dma_start3A_1958, %dma_start3A_1959] : memref<400x16xf32, #tpu.memory_space<vmem>> -> memref<80x16xf32, #tpu.memory_space<vmem>>
      %dma_start3A_1961 = arith.constant 0 : i32
      %dma_start3A_1962 = tpu.memref_slice %arg7[%dma_start3A_1957, %dma_start3A_1961] : memref<20x80xi32, #tpu.memory_space<vmem>> -> memref<1x80xi32, #tpu.memory_space<vmem>>
      %dma_start3A_1963 = tpu.memref_squeeze %dma_start3A_1962 : memref<1x80xi32, #tpu.memory_space<vmem>> -> memref<80xi32, #tpu.memory_space<vmem>>
      %dma_start3A_1964 = arith.constant 0 : i32
      %dma_start3A_1965 = arith.constant 0 : i32
      %dma_start3A_1966 = tpu.memref_slice %arg12[%dma_start3A_1964, %dma_start3A_1965] : memref<100096x16xf32, #tpu.memory_space<vmem_shared>> -> memref<100096x16xf32, #tpu.memory_space<vmem_shared>>
      tpu.enqueue_indirect_dma source(%dma_start3A_1960 : memref<80x16xf32, #tpu.memory_space<vmem>>) target(%dma_start3A_1966 : memref<100096x16xf32, #tpu.memory_space<vmem_shared>>) offsets(%dma_start3A_1963 : memref<80xi32, #tpu.memory_space<vmem>>) semaphore(%arg16 : memref<!tpu.dma_semaphore, #tpu.memory_space<semaphore_mem>>) {add = true}
      %add3A_1967 = arith.constant 2 : i32
      %add3A_1968 = arith.addi %add3A_1040, %add3A_1967 : i32
      %dma_wait3A_1969 = arith.constant 0 : i32
      %dma_wait3A_1970 = arith.constant 0 : i32
      %dma_wait3A_1971 = tpu.memref_slice %arg2[%arg0, %dma_wait3A_1969, %dma_wait3A_1970] : memref<2x100096x16xf32, #tpu.memory_space<hbm>> -> memref<1x100096x16xf32, #tpu.memory_space<hbm>>
      %dma_wait3A_1972 = tpu.memref_squeeze %dma_wait3A_1971 : memref<1x100096x16xf32, #tpu.memory_space<hbm>> -> memref<100096x16xf32, #tpu.memory_space<hbm>>
      %dma_wait3A_1973 = arith.constant 0 : i32
      %dma_wait3A_1974 = arith.constant 0 : i32
      %dma_wait3A_1975 = tpu.memref_slice %dma_wait3A_1972[%dma_wait3A_1973, %dma_wait3A_1974] : memref<100096x16xf32, #tpu.memory_space<hbm>> -> memref<400x16xf32, #tpu.memory_space<hbm>>
      %dma_wait3A_1976 = arith.constant 0 : i32
      %dma_wait3A_1977 = arith.constant 0 : i32
      %dma_wait3A_1978 = tpu.memref_slice %arg2[%arg0, %dma_wait3A_1976, %dma_wait3A_1977] : memref<2x100096x16xf32, #tpu.memory_space<hbm>> -> memref<1x100096x16xf32, #tpu.memory_space<hbm>>
      %dma_wait3A_1979 = tpu.memref_squeeze %dma_wait3A_1978 : memref<1x100096x16xf32, #tpu.memory_space<hbm>> -> memref<100096x16xf32, #tpu.memory_space<hbm>>
      %dma_wait3A_1980 = arith.constant 0 : i32
      %dma_wait3A_1981 = arith.constant 0 : i32
      %dma_wait3A_1982 = tpu.memref_slice %dma_wait3A_1979[%dma_wait3A_1980, %dma_wait3A_1981] : memref<100096x16xf32, #tpu.memory_space<hbm>> -> memref<400x16xf32, #tpu.memory_space<hbm>>
      tpu.wait_dma2 semaphore(%arg15 : memref<!tpu.dma_semaphore, #tpu.memory_space<semaphore_mem>>) src(%dma_wait3A_1982 : memref<400x16xf32, #tpu.memory_space<hbm>>) dst(%arg8 : memref<400x16xf32, #tpu.memory_space<vmem>>)
      %dma_wait3A_1983 = arith.constant 0 : i32
      %dma_wait3A_1984 = arith.constant 0 : i32
      %dma_wait3A_1985 = tpu.memref_slice %arg2[%arg0, %dma_wait3A_1983, %dma_wait3A_1984] : memref<2x100096x16xf32, #tpu.memory_space<hbm>> -> memref<1x100096x16xf32, #tpu.memory_space<hbm>>
      %dma_wait3A_1986 = tpu.memref_squeeze %dma_wait3A_1985 : memref<1x100096x16xf32, #tpu.memory_space<hbm>> -> memref<100096x16xf32, #tpu.memory_space<hbm>>
      %dma_wait3A_1987 = arith.constant 0 : i32
      %dma_wait3A_1988 = arith.constant 0 : i32
      %dma_wait3A_1989 = tpu.memref_slice %dma_wait3A_1986[%dma_wait3A_1987, %dma_wait3A_1988] : memref<100096x16xf32, #tpu.memory_space<hbm>> -> memref<400x16xf32, #tpu.memory_space<hbm>>
      %dma_wait3A_1990 = arith.constant 0 : i32
      %dma_wait3A_1991 = arith.constant 0 : i32
      %dma_wait3A_1992 = tpu.memref_slice %arg2[%arg0, %dma_wait3A_1990, %dma_wait3A_1991] : memref<2x100096x16xf32, #tpu.memory_space<hbm>> -> memref<1x100096x16xf32, #tpu.memory_space<hbm>>
      %dma_wait3A_1993 = tpu.memref_squeeze %dma_wait3A_1992 : memref<1x100096x16xf32, #tpu.memory_space<hbm>> -> memref<100096x16xf32, #tpu.memory_space<hbm>>
      %dma_wait3A_1994 = arith.constant 0 : i32
      %dma_wait3A_1995 = arith.constant 0 : i32
      %dma_wait3A_1996 = tpu.memref_slice %dma_wait3A_1993[%dma_wait3A_1994, %dma_wait3A_1995] : memref<100096x16xf32, #tpu.memory_space<hbm>> -> memref<400x16xf32, #tpu.memory_space<hbm>>
      tpu.wait_dma2 semaphore(%arg15 : memref<!tpu.dma_semaphore, #tpu.memory_space<semaphore_mem>>) src(%dma_wait3A_1996 : memref<400x16xf32, #tpu.memory_space<hbm>>) dst(%arg10 : memref<400x16xf32, #tpu.memory_space<vmem>>)
      %dma_wait3A_1997 = arith.constant 0 : i32
      %dma_wait3A_1998 = arith.constant 0 : i32
      %dma_wait3A_1999 = tpu.memref_slice %arg6[%dma_wait3A_1997, %dma_wait3A_1998] : memref<20x80xi32, #tpu.memory_space<vmem>> -> memref<5x80xi32, #tpu.memory_space<vmem>>
      %dma_wait3A_2000 = arith.constant 0 : i32
      %dma_wait3A_2001 = arith.constant 0 : i32
      %dma_wait3A_2002 = tpu.memref_slice %arg3[%dma_wait3A_2000, %dma_wait3A_2001] : memref<20000x80xi32, #tpu.memory_space<hbm>> -> memref<5x80xi32, #tpu.memory_space<hbm>>
      %dma_wait3A_2003 = arith.constant 0 : i32
      %dma_wait3A_2004 = arith.constant 0 : i32
      %dma_wait3A_2005 = tpu.memref_slice %arg6[%dma_wait3A_2003, %dma_wait3A_2004] : memref<20x80xi32, #tpu.memory_space<vmem>> -> memref<5x80xi32, #tpu.memory_space<vmem>>
      %dma_wait3A_2006 = arith.constant 0 : i32
      %dma_wait3A_2007 = arith.constant 0 : i32
      %dma_wait3A_2008 = tpu.memref_slice %arg3[%dma_wait3A_2006, %dma_wait3A_2007] : memref<20000x80xi32, #tpu.memory_space<hbm>> -> memref<5x80xi32, #tpu.memory_space<hbm>>
      tpu.wait_dma2 semaphore(%arg13 : memref<!tpu.dma_semaphore, #tpu.memory_space<semaphore_mem>>) src(%dma_wait3A_2008 : memref<5x80xi32, #tpu.memory_space<hbm>>) dst(%dma_wait3A_2005 : memref<5x80xi32, #tpu.memory_space<vmem>>)
      %dma_wait3A_2009 = arith.constant 0 : i32
      %dma_wait3A_2010 = arith.constant 0 : i32
      %dma_wait3A_2011 = tpu.memref_slice %arg7[%dma_wait3A_2009, %dma_wait3A_2010] : memref<20x80xi32, #tpu.memory_space<vmem>> -> memref<5x80xi32, #tpu.memory_space<vmem>>
      %dma_wait3A_2012 = arith.constant 0 : i32
      %dma_wait3A_2013 = arith.constant 0 : i32
      %dma_wait3A_2014 = tpu.memref_slice %arg4[%dma_wait3A_2012, %dma_wait3A_2013] : memref<20000x80xi32, #tpu.memory_space<hbm>> -> memref<5x80xi32, #tpu.memory_space<hbm>>
      %dma_wait3A_2015 = arith.constant 0 : i32
      %dma_wait3A_2016 = arith.constant 0 : i32
      %dma_wait3A_2017 = tpu.memref_slice %arg7[%dma_wait3A_2015, %dma_wait3A_2016] : memref<20x80xi32, #tpu.memory_space<vmem>> -> memref<5x80xi32, #tpu.memory_space<vmem>>
      %dma_wait3A_2018 = arith.constant 0 : i32
      %dma_wait3A_2019 = arith.constant 0 : i32
      %dma_wait3A_2020 = tpu.memref_slice %arg4[%dma_wait3A_2018, %dma_wait3A_2019] : memref<20000x80xi32, #tpu.memory_space<hbm>> -> memref<5x80xi32, #tpu.memory_space<hbm>>
      tpu.wait_dma2 semaphore(%arg13 : memref<!tpu.dma_semaphore, #tpu.memory_space<semaphore_mem>>) src(%dma_wait3A_2020 : memref<5x80xi32, #tpu.memory_space<hbm>>) dst(%dma_wait3A_2017 : memref<5x80xi32, #tpu.memory_space<vmem>>)
      %dma_start3A_2021 = arith.constant 0 : i32
      %dma_start3A_2022 = arith.constant 0 : i32
      %dma_start3A_2023 = arith.constant 0 : i32
      %dma_start3A_2024 = tpu.memref_slice %arg8[%dma_start3A_2022, %dma_start3A_2023] : memref<400x16xf32, #tpu.memory_space<vmem>> -> memref<80x16xf32, #tpu.memory_space<vmem>>
      %dma_start3A_2025 = arith.constant 0 : i32
      %dma_start3A_2026 = tpu.memref_slice %arg7[%dma_start3A_2021, %dma_start3A_2025] : memref<20x80xi32, #tpu.memory_space<vmem>> -> memref<1x80xi32, #tpu.memory_space<vmem>>
      %dma_start3A_2027 = tpu.memref_squeeze %dma_start3A_2026 : memref<1x80xi32, #tpu.memory_space<vmem>> -> memref<80xi32, #tpu.memory_space<vmem>>
      %dma_start3A_2028 = arith.constant 0 : i32
      %dma_start3A_2029 = arith.constant 0 : i32
      %dma_start3A_2030 = tpu.memref_slice %arg2[%arg0, %dma_start3A_2028, %dma_start3A_2029] : memref<2x100096x16xf32, #tpu.memory_space<hbm>> -> memref<1x100096x16xf32, #tpu.memory_space<hbm>>
      %dma_start3A_2031 = tpu.memref_squeeze %dma_start3A_2030 : memref<1x100096x16xf32, #tpu.memory_space<hbm>> -> memref<100096x16xf32, #tpu.memory_space<hbm>>
      %dma_start3A_2032 = arith.constant 0 : i32
      %dma_start3A_2033 = arith.constant 0 : i32
      %dma_start3A_2034 = tpu.memref_slice %dma_start3A_2031[%dma_start3A_2032, %dma_start3A_2033] : memref<100096x16xf32, #tpu.memory_space<hbm>> -> memref<100096x16xf32, #tpu.memory_space<hbm>>
      tpu.enqueue_indirect_dma source(%dma_start3A_2034 : memref<100096x16xf32, #tpu.memory_space<hbm>>) target(%dma_start3A_2024 : memref<80x16xf32, #tpu.memory_space<vmem>>) offsets(%dma_start3A_2027 : memref<80xi32, #tpu.memory_space<vmem>>) semaphore(%arg14 : memref<!tpu.dma_semaphore, #tpu.memory_space<semaphore_mem>>)
      %dma_start3A_2035 = arith.constant 0 : i32
      %dma_start3A_2036 = arith.constant 0 : i32
      %dma_start3A_2037 = arith.constant 0 : i32
      %dma_start3A_2038 = tpu.memref_slice %arg10[%dma_start3A_2036, %dma_start3A_2037] : memref<400x16xf32, #tpu.memory_space<vmem>> -> memref<80x16xf32, #tpu.memory_space<vmem>>
      %dma_start3A_2039 = arith.constant 0 : i32
      %dma_start3A_2040 = tpu.memref_slice %arg6[%dma_start3A_2035, %dma_start3A_2039] : memref<20x80xi32, #tpu.memory_space<vmem>> -> memref<1x80xi32, #tpu.memory_space<vmem>>
      %dma_start3A_2041 = tpu.memref_squeeze %dma_start3A_2040 : memref<1x80xi32, #tpu.memory_space<vmem>> -> memref<80xi32, #tpu.memory_space<vmem>>
      %dma_start3A_2042 = arith.constant 0 : i32
      %dma_start3A_2043 = arith.constant 0 : i32
      %dma_start3A_2044 = tpu.memref_slice %arg2[%arg0, %dma_start3A_2042, %dma_start3A_2043] : memref<2x100096x16xf32, #tpu.memory_space<hbm>> -> memref<1x100096x16xf32, #tpu.memory_space<hbm>>
      %dma_start3A_2045 = tpu.memref_squeeze %dma_start3A_2044 : memref<1x100096x16xf32, #tpu.memory_space<hbm>> -> memref<100096x16xf32, #tpu.memory_space<hbm>>
      %dma_start3A_2046 = arith.constant 0 : i32
      %dma_start3A_2047 = arith.constant 0 : i32
      %dma_start3A_2048 = tpu.memref_slice %dma_start3A_2045[%dma_start3A_2046, %dma_start3A_2047] : memref<100096x16xf32, #tpu.memory_space<hbm>> -> memref<100096x16xf32, #tpu.memory_space<hbm>>
      tpu.enqueue_indirect_dma source(%dma_start3A_2048 : memref<100096x16xf32, #tpu.memory_space<hbm>>) target(%dma_start3A_2038 : memref<80x16xf32, #tpu.memory_space<vmem>>) offsets(%dma_start3A_2041 : memref<80xi32, #tpu.memory_space<vmem>>) semaphore(%arg14 : memref<!tpu.dma_semaphore, #tpu.memory_space<semaphore_mem>>)
      %dma_start3A_2049 = arith.constant 1 : i32
      %dma_start3A_2050 = arith.constant 80 : i32
      %dma_start3A_2051 = arith.constant 0 : i32
      %dma_start3A_2052 = tpu.memref_slice %arg8[%dma_start3A_2050, %dma_start3A_2051] : memref<400x16xf32, #tpu.memory_space<vmem>> -> memref<80x16xf32, #tpu.memory_space<vmem>>
      %dma_start3A_2053 = arith.constant 0 : i32
      %dma_start3A_2054 = tpu.memref_slice %arg7[%dma_start3A_2049, %dma_start3A_2053] : memref<20x80xi32, #tpu.memory_space<vmem>> -> memref<1x80xi32, #tpu.memory_space<vmem>>
      %dma_start3A_2055 = tpu.memref_squeeze %dma_start3A_2054 : memref<1x80xi32, #tpu.memory_space<vmem>> -> memref<80xi32, #tpu.memory_space<vmem>>
      %dma_start3A_2056 = arith.constant 0 : i32
      %dma_start3A_2057 = arith.constant 0 : i32
      %dma_start3A_2058 = tpu.memref_slice %arg2[%arg0, %dma_start3A_2056, %dma_start3A_2057] : memref<2x100096x16xf32, #tpu.memory_space<hbm>> -> memref<1x100096x16xf32, #tpu.memory_space<hbm>>
      %dma_start3A_2059 = tpu.memref_squeeze %dma_start3A_2058 : memref<1x100096x16xf32, #tpu.memory_space<hbm>> -> memref<100096x16xf32, #tpu.memory_space<hbm>>
      %dma_start3A_2060 = arith.constant 0 : i32
      %dma_start3A_2061 = arith.constant 0 : i32
      %dma_start3A_2062 = tpu.memref_slice %dma_start3A_2059[%dma_start3A_2060, %dma_start3A_2061] : memref<100096x16xf32, #tpu.memory_space<hbm>> -> memref<100096x16xf32, #tpu.memory_space<hbm>>
      tpu.enqueue_indirect_dma source(%dma_start3A_2062 : memref<100096x16xf32, #tpu.memory_space<hbm>>) target(%dma_start3A_2052 : memref<80x16xf32, #tpu.memory_space<vmem>>) offsets(%dma_start3A_2055 : memref<80xi32, #tpu.memory_space<vmem>>) semaphore(%arg14 : memref<!tpu.dma_semaphore, #tpu.memory_space<semaphore_mem>>)
      %dma_start3A_2063 = arith.constant 1 : i32
      %dma_start3A_2064 = arith.constant 80 : i32
      %dma_start3A_2065 = arith.constant 0 : i32
      %dma_start3A_2066 = tpu.memref_slice %arg10[%dma_start3A_2064, %dma_start3A_2065] : memref<400x16xf32, #tpu.memory_space<vmem>> -> memref<80x16xf32, #tpu.memory_space<vmem>>
      %dma_start3A_2067 = arith.constant 0 : i32
      %dma_start3A_2068 = tpu.memref_slice %arg6[%dma_start3A_2063, %dma_start3A_2067] : memref<20x80xi32, #tpu.memory_space<vmem>> -> memref<1x80xi32, #tpu.memory_space<vmem>>
      %dma_start3A_2069 = tpu.memref_squeeze %dma_start3A_2068 : memref<1x80xi32, #tpu.memory_space<vmem>> -> memref<80xi32, #tpu.memory_space<vmem>>
      %dma_start3A_2070 = arith.constant 0 : i32
      %dma_start3A_2071 = arith.constant 0 : i32
      %dma_start3A_2072 = tpu.memref_slice %arg2[%arg0, %dma_start3A_2070, %dma_start3A_2071] : memref<2x100096x16xf32, #tpu.memory_space<hbm>> -> memref<1x100096x16xf32, #tpu.memory_space<hbm>>
      %dma_start3A_2073 = tpu.memref_squeeze %dma_start3A_2072 : memref<1x100096x16xf32, #tpu.memory_space<hbm>> -> memref<100096x16xf32, #tpu.memory_space<hbm>>
      %dma_start3A_2074 = arith.constant 0 : i32
      %dma_start3A_2075 = arith.constant 0 : i32
      %dma_start3A_2076 = tpu.memref_slice %dma_start3A_2073[%dma_start3A_2074, %dma_start3A_2075] : memref<100096x16xf32, #tpu.memory_space<hbm>> -> memref<100096x16xf32, #tpu.memory_space<hbm>>
      tpu.enqueue_indirect_dma source(%dma_start3A_2076 : memref<100096x16xf32, #tpu.memory_space<hbm>>) target(%dma_start3A_2066 : memref<80x16xf32, #tpu.memory_space<vmem>>) offsets(%dma_start3A_2069 : memref<80xi32, #tpu.memory_space<vmem>>) semaphore(%arg14 : memref<!tpu.dma_semaphore, #tpu.memory_space<semaphore_mem>>)
      %dma_start3A_2077 = arith.constant 2 : i32
      %dma_start3A_2078 = arith.constant 160 : i32
      %dma_start3A_2079 = arith.constant 0 : i32
      %dma_start3A_2080 = tpu.memref_slice %arg8[%dma_start3A_2078, %dma_start3A_2079] : memref<400x16xf32, #tpu.memory_space<vmem>> -> memref<80x16xf32, #tpu.memory_space<vmem>>
      %dma_start3A_2081 = arith.constant 0 : i32
      %dma_start3A_2082 = tpu.memref_slice %arg7[%dma_start3A_2077, %dma_start3A_2081] : memref<20x80xi32, #tpu.memory_space<vmem>> -> memref<1x80xi32, #tpu.memory_space<vmem>>
      %dma_start3A_2083 = tpu.memref_squeeze %dma_start3A_2082 : memref<1x80xi32, #tpu.memory_space<vmem>> -> memref<80xi32, #tpu.memory_space<vmem>>
      %dma_start3A_2084 = arith.constant 0 : i32
      %dma_start3A_2085 = arith.constant 0 : i32
      %dma_start3A_2086 = tpu.memref_slice %arg2[%arg0, %dma_start3A_2084, %dma_start3A_2085] : memref<2x100096x16xf32, #tpu.memory_space<hbm>> -> memref<1x100096x16xf32, #tpu.memory_space<hbm>>
      %dma_start3A_2087 = tpu.memref_squeeze %dma_start3A_2086 : memref<1x100096x16xf32, #tpu.memory_space<hbm>> -> memref<100096x16xf32, #tpu.memory_space<hbm>>
      %dma_start3A_2088 = arith.constant 0 : i32
      %dma_start3A_2089 = arith.constant 0 : i32
      %dma_start3A_2090 = tpu.memref_slice %dma_start3A_2087[%dma_start3A_2088, %dma_start3A_2089] : memref<100096x16xf32, #tpu.memory_space<hbm>> -> memref<100096x16xf32, #tpu.memory_space<hbm>>
      tpu.enqueue_indirect_dma source(%dma_start3A_2090 : memref<100096x16xf32, #tpu.memory_space<hbm>>) target(%dma_start3A_2080 : memref<80x16xf32, #tpu.memory_space<vmem>>) offsets(%dma_start3A_2083 : memref<80xi32, #tpu.memory_space<vmem>>) semaphore(%arg14 : memref<!tpu.dma_semaphore, #tpu.memory_space<semaphore_mem>>)
      %dma_start3A_2091 = arith.constant 2 : i32
      %dma_start3A_2092 = arith.constant 160 : i32
      %dma_start3A_2093 = arith.constant 0 : i32
      %dma_start3A_2094 = tpu.memref_slice %arg10[%dma_start3A_2092, %dma_start3A_2093] : memref<400x16xf32, #tpu.memory_space<vmem>> -> memref<80x16xf32, #tpu.memory_space<vmem>>
      %dma_start3A_2095 = arith.constant 0 : i32
      %dma_start3A_2096 = tpu.memref_slice %arg6[%dma_start3A_2091, %dma_start3A_2095] : memref<20x80xi32, #tpu.memory_space<vmem>> -> memref<1x80xi32, #tpu.memory_space<vmem>>
      %dma_start3A_2097 = tpu.memref_squeeze %dma_start3A_2096 : memref<1x80xi32, #tpu.memory_space<vmem>> -> memref<80xi32, #tpu.memory_space<vmem>>
      %dma_start3A_2098 = arith.constant 0 : i32
      %dma_start3A_2099 = arith.constant 0 : i32
      %dma_start3A_2100 = tpu.memref_slice %arg2[%arg0, %dma_start3A_2098, %dma_start3A_2099] : memref<2x100096x16xf32, #tpu.memory_space<hbm>> -> memref<1x100096x16xf32, #tpu.memory_space<hbm>>
      %dma_start3A_2101 = tpu.memref_squeeze %dma_start3A_2100 : memref<1x100096x16xf32, #tpu.memory_space<hbm>> -> memref<100096x16xf32, #tpu.memory_space<hbm>>
      %dma_start3A_2102 = arith.constant 0 : i32
      %dma_start3A_2103 = arith.constant 0 : i32
      %dma_start3A_2104 = tpu.memref_slice %dma_start3A_2101[%dma_start3A_2102, %dma_start3A_2103] : memref<100096x16xf32, #tpu.memory_space<hbm>> -> memref<100096x16xf32, #tpu.memory_space<hbm>>
      tpu.enqueue_indirect_dma source(%dma_start3A_2104 : memref<100096x16xf32, #tpu.memory_space<hbm>>) target(%dma_start3A_2094 : memref<80x16xf32, #tpu.memory_space<vmem>>) offsets(%dma_start3A_2097 : memref<80xi32, #tpu.memory_space<vmem>>) semaphore(%arg14 : memref<!tpu.dma_semaphore, #tpu.memory_space<semaphore_mem>>)
      %dma_start3A_2105 = arith.constant 3 : i32
      %dma_start3A_2106 = arith.constant 240 : i32
      %dma_start3A_2107 = arith.constant 0 : i32
      %dma_start3A_2108 = tpu.memref_slice %arg8[%dma_start3A_2106, %dma_start3A_2107] : memref<400x16xf32, #tpu.memory_space<vmem>> -> memref<80x16xf32, #tpu.memory_space<vmem>>
      %dma_start3A_2109 = arith.constant 0 : i32
      %dma_start3A_2110 = tpu.memref_slice %arg7[%dma_start3A_2105, %dma_start3A_2109] : memref<20x80xi32, #tpu.memory_space<vmem>> -> memref<1x80xi32, #tpu.memory_space<vmem>>
      %dma_start3A_2111 = tpu.memref_squeeze %dma_start3A_2110 : memref<1x80xi32, #tpu.memory_space<vmem>> -> memref<80xi32, #tpu.memory_space<vmem>>
      %dma_start3A_2112 = arith.constant 0 : i32
      %dma_start3A_2113 = arith.constant 0 : i32
      %dma_start3A_2114 = tpu.memref_slice %arg2[%arg0, %dma_start3A_2112, %dma_start3A_2113] : memref<2x100096x16xf32, #tpu.memory_space<hbm>> -> memref<1x100096x16xf32, #tpu.memory_space<hbm>>
      %dma_start3A_2115 = tpu.memref_squeeze %dma_start3A_2114 : memref<1x100096x16xf32, #tpu.memory_space<hbm>> -> memref<100096x16xf32, #tpu.memory_space<hbm>>
      %dma_start3A_2116 = arith.constant 0 : i32
      %dma_start3A_2117 = arith.constant 0 : i32
      %dma_start3A_2118 = tpu.memref_slice %dma_start3A_2115[%dma_start3A_2116, %dma_start3A_2117] : memref<100096x16xf32, #tpu.memory_space<hbm>> -> memref<100096x16xf32, #tpu.memory_space<hbm>>
      tpu.enqueue_indirect_dma source(%dma_start3A_2118 : memref<100096x16xf32, #tpu.memory_space<hbm>>) target(%dma_start3A_2108 : memref<80x16xf32, #tpu.memory_space<vmem>>) offsets(%dma_start3A_2111 : memref<80xi32, #tpu.memory_space<vmem>>) semaphore(%arg14 : memref<!tpu.dma_semaphore, #tpu.memory_space<semaphore_mem>>)
      %dma_start3A_2119 = arith.constant 3 : i32
      %dma_start3A_2120 = arith.constant 240 : i32
      %dma_start3A_2121 = arith.constant 0 : i32
      %dma_start3A_2122 = tpu.memref_slice %arg10[%dma_start3A_2120, %dma_start3A_2121] : memref<400x16xf32, #tpu.memory_space<vmem>> -> memref<80x16xf32, #tpu.memory_space<vmem>>
      %dma_start3A_2123 = arith.constant 0 : i32
      %dma_start3A_2124 = tpu.memref_slice %arg6[%dma_start3A_2119, %dma_start3A_2123] : memref<20x80xi32, #tpu.memory_space<vmem>> -> memref<1x80xi32, #tpu.memory_space<vmem>>
      %dma_start3A_2125 = tpu.memref_squeeze %dma_start3A_2124 : memref<1x80xi32, #tpu.memory_space<vmem>> -> memref<80xi32, #tpu.memory_space<vmem>>
      %dma_start3A_2126 = arith.constant 0 : i32
      %dma_start3A_2127 = arith.constant 0 : i32
      %dma_start3A_2128 = tpu.memref_slice %arg2[%arg0, %dma_start3A_2126, %dma_start3A_2127] : memref<2x100096x16xf32, #tpu.memory_space<hbm>> -> memref<1x100096x16xf32, #tpu.memory_space<hbm>>
      %dma_start3A_2129 = tpu.memref_squeeze %dma_start3A_2128 : memref<1x100096x16xf32, #tpu.memory_space<hbm>> -> memref<100096x16xf32, #tpu.memory_space<hbm>>
      %dma_start3A_2130 = arith.constant 0 : i32
      %dma_start3A_2131 = arith.constant 0 : i32
      %dma_start3A_2132 = tpu.memref_slice %dma_start3A_2129[%dma_start3A_2130, %dma_start3A_2131] : memref<100096x16xf32, #tpu.memory_space<hbm>> -> memref<100096x16xf32, #tpu.memory_space<hbm>>
      tpu.enqueue_indirect_dma source(%dma_start3A_2132 : memref<100096x16xf32, #tpu.memory_space<hbm>>) target(%dma_start3A_2122 : memref<80x16xf32, #tpu.memory_space<vmem>>) offsets(%dma_start3A_2125 : memref<80xi32, #tpu.memory_space<vmem>>) semaphore(%arg14 : memref<!tpu.dma_semaphore, #tpu.memory_space<semaphore_mem>>)
      %dma_start3A_2133 = arith.constant 4 : i32
      %dma_start3A_2134 = arith.constant 320 : i32
      %dma_start3A_2135 = arith.constant 0 : i32
      %dma_start3A_2136 = tpu.memref_slice %arg8[%dma_start3A_2134, %dma_start3A_2135] : memref<400x16xf32, #tpu.memory_space<vmem>> -> memref<80x16xf32, #tpu.memory_space<vmem>>
      %dma_start3A_2137 = arith.constant 0 : i32
      %dma_start3A_2138 = tpu.memref_slice %arg7[%dma_start3A_2133, %dma_start3A_2137] : memref<20x80xi32, #tpu.memory_space<vmem>> -> memref<1x80xi32, #tpu.memory_space<vmem>>
      %dma_start3A_2139 = tpu.memref_squeeze %dma_start3A_2138 : memref<1x80xi32, #tpu.memory_space<vmem>> -> memref<80xi32, #tpu.memory_space<vmem>>
      %dma_start3A_2140 = arith.constant 0 : i32
      %dma_start3A_2141 = arith.constant 0 : i32
      %dma_start3A_2142 = tpu.memref_slice %arg2[%arg0, %dma_start3A_2140, %dma_start3A_2141] : memref<2x100096x16xf32, #tpu.memory_space<hbm>> -> memref<1x100096x16xf32, #tpu.memory_space<hbm>>
      %dma_start3A_2143 = tpu.memref_squeeze %dma_start3A_2142 : memref<1x100096x16xf32, #tpu.memory_space<hbm>> -> memref<100096x16xf32, #tpu.memory_space<hbm>>
      %dma_start3A_2144 = arith.constant 0 : i32
      %dma_start3A_2145 = arith.constant 0 : i32
      %dma_start3A_2146 = tpu.memref_slice %dma_start3A_2143[%dma_start3A_2144, %dma_start3A_2145] : memref<100096x16xf32, #tpu.memory_space<hbm>> -> memref<100096x16xf32, #tpu.memory_space<hbm>>
      tpu.enqueue_indirect_dma source(%dma_start3A_2146 : memref<100096x16xf32, #tpu.memory_space<hbm>>) target(%dma_start3A_2136 : memref<80x16xf32, #tpu.memory_space<vmem>>) offsets(%dma_start3A_2139 : memref<80xi32, #tpu.memory_space<vmem>>) semaphore(%arg14 : memref<!tpu.dma_semaphore, #tpu.memory_space<semaphore_mem>>)
      %dma_start3A_2147 = arith.constant 4 : i32
      %dma_start3A_2148 = arith.constant 320 : i32
      %dma_start3A_2149 = arith.constant 0 : i32
      %dma_start3A_2150 = tpu.memref_slice %arg10[%dma_start3A_2148, %dma_start3A_2149] : memref<400x16xf32, #tpu.memory_space<vmem>> -> memref<80x16xf32, #tpu.memory_space<vmem>>
      %dma_start3A_2151 = arith.constant 0 : i32
      %dma_start3A_2152 = tpu.memref_slice %arg6[%dma_start3A_2147, %dma_start3A_2151] : memref<20x80xi32, #tpu.memory_space<vmem>> -> memref<1x80xi32, #tpu.memory_space<vmem>>
      %dma_start3A_2153 = tpu.memref_squeeze %dma_start3A_2152 : memref<1x80xi32, #tpu.memory_space<vmem>> -> memref<80xi32, #tpu.memory_space<vmem>>
      %dma_start3A_2154 = arith.constant 0 : i32
      %dma_start3A_2155 = arith.constant 0 : i32
      %dma_start3A_2156 = tpu.memref_slice %arg2[%arg0, %dma_start3A_2154, %dma_start3A_2155] : memref<2x100096x16xf32, #tpu.memory_space<hbm>> -> memref<1x100096x16xf32, #tpu.memory_space<hbm>>
      %dma_start3A_2157 = tpu.memref_squeeze %dma_start3A_2156 : memref<1x100096x16xf32, #tpu.memory_space<hbm>> -> memref<100096x16xf32, #tpu.memory_space<hbm>>
      %dma_start3A_2158 = arith.constant 0 : i32
      %dma_start3A_2159 = arith.constant 0 : i32
      %dma_start3A_2160 = tpu.memref_slice %dma_start3A_2157[%dma_start3A_2158, %dma_start3A_2159] : memref<100096x16xf32, #tpu.memory_space<hbm>> -> memref<100096x16xf32, #tpu.memory_space<hbm>>
      tpu.enqueue_indirect_dma source(%dma_start3A_2160 : memref<100096x16xf32, #tpu.memory_space<hbm>>) target(%dma_start3A_2150 : memref<80x16xf32, #tpu.memory_space<vmem>>) offsets(%dma_start3A_2153 : memref<80xi32, #tpu.memory_space<vmem>>) semaphore(%arg14 : memref<!tpu.dma_semaphore, #tpu.memory_space<semaphore_mem>>)
      %add3A_2161 = arith.constant 2 : i32
      %add3A_2162 = arith.addi %add3A_1968, %add3A_2161 : i32
      %mul3A_2163 = arith.constant 1250 : i32
      %mul3A_2164 = arith.muli %arg1, %mul3A_2163 : i32
      %mul3A_2165 = arith.constant 5 : i32
      %mul3A_2166 = arith.muli %add3A_2162, %mul3A_2165 : i32
      %add3A_2167 = arith.addi %mul3A_2164, %mul3A_2166 : i32
      %min3A_2168 = arith.constant 19995 : i32
      %min3A_2169 = arith.minsi %add3A_2167, %min3A_2168 : i32
      %dma_start3A_2170 = arith.constant 10 : i32
      %dma_start3A_2171 = arith.constant 0 : i32
      %dma_start3A_2172 = tpu.memref_slice %arg6[%dma_start3A_2170, %dma_start3A_2171] : memref<20x80xi32, #tpu.memory_space<vmem>> -> memref<5x80xi32, #tpu.memory_space<vmem>>
      %dma_start3A_2173 = arith.constant 0 : i32
      %dma_start3A_2174 = tpu.memref_slice %arg3[%min3A_2169, %dma_start3A_2173] : memref<20000x80xi32, #tpu.memory_space<hbm>> -> memref<5x80xi32, #tpu.memory_space<hbm>>
      %dma_start3A_2175 = arith.constant 10 : i32
      %dma_start3A_2176 = arith.constant 0 : i32
      %dma_start3A_2177 = tpu.memref_slice %arg6[%dma_start3A_2175, %dma_start3A_2176] : memref<20x80xi32, #tpu.memory_space<vmem>> -> memref<5x80xi32, #tpu.memory_space<vmem>>
      %dma_start3A_2178 = arith.constant 0 : i32
      %dma_start3A_2179 = tpu.memref_slice %arg3[%min3A_2169, %dma_start3A_2178] : memref<20000x80xi32, #tpu.memory_space<hbm>> -> memref<5x80xi32, #tpu.memory_space<hbm>>
      tpu.enqueue_dma source(%dma_start3A_2179 : memref<5x80xi32, #tpu.memory_space<hbm>>) target(%dma_start3A_2177 : memref<5x80xi32, #tpu.memory_space<vmem>>) target_semaphore(%arg13 : memref<!tpu.dma_semaphore, #tpu.memory_space<semaphore_mem>>)
      %dma_start3A_2180 = arith.constant 10 : i32
      %dma_start3A_2181 = arith.constant 0 : i32
      %dma_start3A_2182 = tpu.memref_slice %arg7[%dma_start3A_2180, %dma_start3A_2181] : memref<20x80xi32, #tpu.memory_space<vmem>> -> memref<5x80xi32, #tpu.memory_space<vmem>>
      %dma_start3A_2183 = arith.constant 0 : i32
      %dma_start3A_2184 = tpu.memref_slice %arg4[%min3A_2169, %dma_start3A_2183] : memref<20000x80xi32, #tpu.memory_space<hbm>> -> memref<5x80xi32, #tpu.memory_space<hbm>>
      %dma_start3A_2185 = arith.constant 10 : i32
      %dma_start3A_2186 = arith.constant 0 : i32
      %dma_start3A_2187 = tpu.memref_slice %arg7[%dma_start3A_2185, %dma_start3A_2186] : memref<20x80xi32, #tpu.memory_space<vmem>> -> memref<5x80xi32, #tpu.memory_space<vmem>>
      %dma_start3A_2188 = arith.constant 0 : i32
      %dma_start3A_2189 = tpu.memref_slice %arg4[%min3A_2169, %dma_start3A_2188] : memref<20000x80xi32, #tpu.memory_space<hbm>> -> memref<5x80xi32, #tpu.memory_space<hbm>>
      tpu.enqueue_dma source(%dma_start3A_2189 : memref<5x80xi32, #tpu.memory_space<hbm>>) target(%dma_start3A_2187 : memref<5x80xi32, #tpu.memory_space<vmem>>) target_semaphore(%arg13 : memref<!tpu.dma_semaphore, #tpu.memory_space<semaphore_mem>>)
      %dma_wait3A_2190 = arith.constant 0 : i32
      %dma_wait3A_2191 = arith.constant 0 : i32
      %dma_wait3A_2192 = arith.constant 0 : i32
      %dma_wait3A_2193 = tpu.memref_slice %arg8[%dma_wait3A_2191, %dma_wait3A_2192] : memref<400x16xf32, #tpu.memory_space<vmem>> -> memref<80x16xf32, #tpu.memory_space<vmem>>
      %dma_wait3A_2194 = arith.constant 0 : i32
      %dma_wait3A_2195 = tpu.memref_slice %arg7[%dma_wait3A_2190, %dma_wait3A_2194] : memref<20x80xi32, #tpu.memory_space<vmem>> -> memref<1x80xi32, #tpu.memory_space<vmem>>
      %dma_wait3A_2196 = tpu.memref_squeeze %dma_wait3A_2195 : memref<1x80xi32, #tpu.memory_space<vmem>> -> memref<80xi32, #tpu.memory_space<vmem>>
      %dma_wait3A_2197 = arith.constant 0 : i32
      %dma_wait3A_2198 = arith.constant 0 : i32
      %dma_wait3A_2199 = tpu.memref_slice %arg2[%arg0, %dma_wait3A_2197, %dma_wait3A_2198] : memref<2x100096x16xf32, #tpu.memory_space<hbm>> -> memref<1x100096x16xf32, #tpu.memory_space<hbm>>
      %dma_wait3A_2200 = tpu.memref_squeeze %dma_wait3A_2199 : memref<1x100096x16xf32, #tpu.memory_space<hbm>> -> memref<100096x16xf32, #tpu.memory_space<hbm>>
      %dma_wait3A_2201 = arith.constant 0 : i32
      %dma_wait3A_2202 = arith.constant 0 : i32
      %dma_wait3A_2203 = tpu.memref_slice %dma_wait3A_2200[%dma_wait3A_2201, %dma_wait3A_2202] : memref<100096x16xf32, #tpu.memory_space<hbm>> -> memref<100096x16xf32, #tpu.memory_space<hbm>>
      tpu.wait_indirect_dma semaphore(%arg14 : memref<!tpu.dma_semaphore, #tpu.memory_space<semaphore_mem>>) src(%dma_wait3A_2203 : memref<100096x16xf32, #tpu.memory_space<hbm>>) dst(%dma_wait3A_2193 : memref<80x16xf32, #tpu.memory_space<vmem>>)
      %dma_wait3A_2204 = arith.constant 0 : i32
      %dma_wait3A_2205 = arith.constant 0 : i32
      %dma_wait3A_2206 = arith.constant 0 : i32
      %dma_wait3A_2207 = tpu.memref_slice %arg10[%dma_wait3A_2205, %dma_wait3A_2206] : memref<400x16xf32, #tpu.memory_space<vmem>> -> memref<80x16xf32, #tpu.memory_space<vmem>>
      %dma_wait3A_2208 = arith.constant 0 : i32
      %dma_wait3A_2209 = tpu.memref_slice %arg6[%dma_wait3A_2204, %dma_wait3A_2208] : memref<20x80xi32, #tpu.memory_space<vmem>> -> memref<1x80xi32, #tpu.memory_space<vmem>>
      %dma_wait3A_2210 = tpu.memref_squeeze %dma_wait3A_2209 : memref<1x80xi32, #tpu.memory_space<vmem>> -> memref<80xi32, #tpu.memory_space<vmem>>
      %dma_wait3A_2211 = arith.constant 0 : i32
      %dma_wait3A_2212 = arith.constant 0 : i32
      %dma_wait3A_2213 = tpu.memref_slice %arg2[%arg0, %dma_wait3A_2211, %dma_wait3A_2212] : memref<2x100096x16xf32, #tpu.memory_space<hbm>> -> memref<1x100096x16xf32, #tpu.memory_space<hbm>>
      %dma_wait3A_2214 = tpu.memref_squeeze %dma_wait3A_2213 : memref<1x100096x16xf32, #tpu.memory_space<hbm>> -> memref<100096x16xf32, #tpu.memory_space<hbm>>
      %dma_wait3A_2215 = arith.constant 0 : i32
      %dma_wait3A_2216 = arith.constant 0 : i32
      %dma_wait3A_2217 = tpu.memref_slice %dma_wait3A_2214[%dma_wait3A_2215, %dma_wait3A_2216] : memref<100096x16xf32, #tpu.memory_space<hbm>> -> memref<100096x16xf32, #tpu.memory_space<hbm>>
      tpu.wait_indirect_dma semaphore(%arg14 : memref<!tpu.dma_semaphore, #tpu.memory_space<semaphore_mem>>) src(%dma_wait3A_2217 : memref<100096x16xf32, #tpu.memory_space<hbm>>) dst(%dma_wait3A_2207 : memref<80x16xf32, #tpu.memory_space<vmem>>)
      %dma_start3A_2218 = arith.constant 0 : i32
      %dma_start3A_2219 = arith.constant 0 : i32
      %dma_start3A_2220 = arith.constant 0 : i32
      %dma_start3A_2221 = tpu.memref_slice %arg8[%dma_start3A_2219, %dma_start3A_2220] : memref<400x16xf32, #tpu.memory_space<vmem>> -> memref<80x16xf32, #tpu.memory_space<vmem>>
      %dma_start3A_2222 = arith.constant 0 : i32
      %dma_start3A_2223 = tpu.memref_slice %arg6[%dma_start3A_2218, %dma_start3A_2222] : memref<20x80xi32, #tpu.memory_space<vmem>> -> memref<1x80xi32, #tpu.memory_space<vmem>>
      %dma_start3A_2224 = tpu.memref_squeeze %dma_start3A_2223 : memref<1x80xi32, #tpu.memory_space<vmem>> -> memref<80xi32, #tpu.memory_space<vmem>>
      %dma_start3A_2225 = arith.constant 0 : i32
      %dma_start3A_2226 = arith.constant 0 : i32
      %dma_start3A_2227 = tpu.memref_slice %arg12[%dma_start3A_2225, %dma_start3A_2226] : memref<100096x16xf32, #tpu.memory_space<vmem_shared>> -> memref<100096x16xf32, #tpu.memory_space<vmem_shared>>
      tpu.enqueue_indirect_dma source(%dma_start3A_2221 : memref<80x16xf32, #tpu.memory_space<vmem>>) target(%dma_start3A_2227 : memref<100096x16xf32, #tpu.memory_space<vmem_shared>>) offsets(%dma_start3A_2224 : memref<80xi32, #tpu.memory_space<vmem>>) semaphore(%arg15 : memref<!tpu.dma_semaphore, #tpu.memory_space<semaphore_mem>>) {add = true}
      %dma_start3A_2228 = arith.constant 0 : i32
      %dma_start3A_2229 = arith.constant 0 : i32
      %dma_start3A_2230 = arith.constant 0 : i32
      %dma_start3A_2231 = tpu.memref_slice %arg10[%dma_start3A_2229, %dma_start3A_2230] : memref<400x16xf32, #tpu.memory_space<vmem>> -> memref<80x16xf32, #tpu.memory_space<vmem>>
      %dma_start3A_2232 = arith.constant 0 : i32
      %dma_start3A_2233 = tpu.memref_slice %arg7[%dma_start3A_2228, %dma_start3A_2232] : memref<20x80xi32, #tpu.memory_space<vmem>> -> memref<1x80xi32, #tpu.memory_space<vmem>>
      %dma_start3A_2234 = tpu.memref_squeeze %dma_start3A_2233 : memref<1x80xi32, #tpu.memory_space<vmem>> -> memref<80xi32, #tpu.memory_space<vmem>>
      %dma_start3A_2235 = arith.constant 0 : i32
      %dma_start3A_2236 = arith.constant 0 : i32
      %dma_start3A_2237 = tpu.memref_slice %arg12[%dma_start3A_2235, %dma_start3A_2236] : memref<100096x16xf32, #tpu.memory_space<vmem_shared>> -> memref<100096x16xf32, #tpu.memory_space<vmem_shared>>
      tpu.enqueue_indirect_dma source(%dma_start3A_2231 : memref<80x16xf32, #tpu.memory_space<vmem>>) target(%dma_start3A_2237 : memref<100096x16xf32, #tpu.memory_space<vmem_shared>>) offsets(%dma_start3A_2234 : memref<80xi32, #tpu.memory_space<vmem>>) semaphore(%arg15 : memref<!tpu.dma_semaphore, #tpu.memory_space<semaphore_mem>>) {add = true}
      %dma_wait3A_2238 = arith.constant 1 : i32
      %dma_wait3A_2239 = arith.constant 80 : i32
      %dma_wait3A_2240 = arith.constant 0 : i32
      %dma_wait3A_2241 = tpu.memref_slice %arg8[%dma_wait3A_2239, %dma_wait3A_2240] : memref<400x16xf32, #tpu.memory_space<vmem>> -> memref<80x16xf32, #tpu.memory_space<vmem>>
      %dma_wait3A_2242 = arith.constant 0 : i32
      %dma_wait3A_2243 = tpu.memref_slice %arg7[%dma_wait3A_2238, %dma_wait3A_2242] : memref<20x80xi32, #tpu.memory_space<vmem>> -> memref<1x80xi32, #tpu.memory_space<vmem>>
      %dma_wait3A_2244 = tpu.memref_squeeze %dma_wait3A_2243 : memref<1x80xi32, #tpu.memory_space<vmem>> -> memref<80xi32, #tpu.memory_space<vmem>>
      %dma_wait3A_2245 = arith.constant 0 : i32
      %dma_wait3A_2246 = arith.constant 0 : i32
      %dma_wait3A_2247 = tpu.memref_slice %arg2[%arg0, %dma_wait3A_2245, %dma_wait3A_2246] : memref<2x100096x16xf32, #tpu.memory_space<hbm>> -> memref<1x100096x16xf32, #tpu.memory_space<hbm>>
      %dma_wait3A_2248 = tpu.memref_squeeze %dma_wait3A_2247 : memref<1x100096x16xf32, #tpu.memory_space<hbm>> -> memref<100096x16xf32, #tpu.memory_space<hbm>>
      %dma_wait3A_2249 = arith.constant 0 : i32
      %dma_wait3A_2250 = arith.constant 0 : i32
      %dma_wait3A_2251 = tpu.memref_slice %dma_wait3A_2248[%dma_wait3A_2249, %dma_wait3A_2250] : memref<100096x16xf32, #tpu.memory_space<hbm>> -> memref<100096x16xf32, #tpu.memory_space<hbm>>
      tpu.wait_indirect_dma semaphore(%arg14 : memref<!tpu.dma_semaphore, #tpu.memory_space<semaphore_mem>>) src(%dma_wait3A_2251 : memref<100096x16xf32, #tpu.memory_space<hbm>>) dst(%dma_wait3A_2241 : memref<80x16xf32, #tpu.memory_space<vmem>>)
      %dma_wait3A_2252 = arith.constant 1 : i32
      %dma_wait3A_2253 = arith.constant 80 : i32
      %dma_wait3A_2254 = arith.constant 0 : i32
      %dma_wait3A_2255 = tpu.memref_slice %arg10[%dma_wait3A_2253, %dma_wait3A_2254] : memref<400x16xf32, #tpu.memory_space<vmem>> -> memref<80x16xf32, #tpu.memory_space<vmem>>
      %dma_wait3A_2256 = arith.constant 0 : i32
      %dma_wait3A_2257 = tpu.memref_slice %arg6[%dma_wait3A_2252, %dma_wait3A_2256] : memref<20x80xi32, #tpu.memory_space<vmem>> -> memref<1x80xi32, #tpu.memory_space<vmem>>
      %dma_wait3A_2258 = tpu.memref_squeeze %dma_wait3A_2257 : memref<1x80xi32, #tpu.memory_space<vmem>> -> memref<80xi32, #tpu.memory_space<vmem>>
      %dma_wait3A_2259 = arith.constant 0 : i32
      %dma_wait3A_2260 = arith.constant 0 : i32
      %dma_wait3A_2261 = tpu.memref_slice %arg2[%arg0, %dma_wait3A_2259, %dma_wait3A_2260] : memref<2x100096x16xf32, #tpu.memory_space<hbm>> -> memref<1x100096x16xf32, #tpu.memory_space<hbm>>
      %dma_wait3A_2262 = tpu.memref_squeeze %dma_wait3A_2261 : memref<1x100096x16xf32, #tpu.memory_space<hbm>> -> memref<100096x16xf32, #tpu.memory_space<hbm>>
      %dma_wait3A_2263 = arith.constant 0 : i32
      %dma_wait3A_2264 = arith.constant 0 : i32
      %dma_wait3A_2265 = tpu.memref_slice %dma_wait3A_2262[%dma_wait3A_2263, %dma_wait3A_2264] : memref<100096x16xf32, #tpu.memory_space<hbm>> -> memref<100096x16xf32, #tpu.memory_space<hbm>>
      tpu.wait_indirect_dma semaphore(%arg14 : memref<!tpu.dma_semaphore, #tpu.memory_space<semaphore_mem>>) src(%dma_wait3A_2265 : memref<100096x16xf32, #tpu.memory_space<hbm>>) dst(%dma_wait3A_2255 : memref<80x16xf32, #tpu.memory_space<vmem>>)
      %dma_start3A_2266 = arith.constant 1 : i32
      %dma_start3A_2267 = arith.constant 80 : i32
      %dma_start3A_2268 = arith.constant 0 : i32
      %dma_start3A_2269 = tpu.memref_slice %arg8[%dma_start3A_2267, %dma_start3A_2268] : memref<400x16xf32, #tpu.memory_space<vmem>> -> memref<80x16xf32, #tpu.memory_space<vmem>>
      %dma_start3A_2270 = arith.constant 0 : i32
      %dma_start3A_2271 = tpu.memref_slice %arg6[%dma_start3A_2266, %dma_start3A_2270] : memref<20x80xi32, #tpu.memory_space<vmem>> -> memref<1x80xi32, #tpu.memory_space<vmem>>
      %dma_start3A_2272 = tpu.memref_squeeze %dma_start3A_2271 : memref<1x80xi32, #tpu.memory_space<vmem>> -> memref<80xi32, #tpu.memory_space<vmem>>
      %dma_start3A_2273 = arith.constant 0 : i32
      %dma_start3A_2274 = arith.constant 0 : i32
      %dma_start3A_2275 = tpu.memref_slice %arg12[%dma_start3A_2273, %dma_start3A_2274] : memref<100096x16xf32, #tpu.memory_space<vmem_shared>> -> memref<100096x16xf32, #tpu.memory_space<vmem_shared>>
      tpu.enqueue_indirect_dma source(%dma_start3A_2269 : memref<80x16xf32, #tpu.memory_space<vmem>>) target(%dma_start3A_2275 : memref<100096x16xf32, #tpu.memory_space<vmem_shared>>) offsets(%dma_start3A_2272 : memref<80xi32, #tpu.memory_space<vmem>>) semaphore(%arg15 : memref<!tpu.dma_semaphore, #tpu.memory_space<semaphore_mem>>) {add = true}
      %dma_start3A_2276 = arith.constant 1 : i32
      %dma_start3A_2277 = arith.constant 80 : i32
      %dma_start3A_2278 = arith.constant 0 : i32
      %dma_start3A_2279 = tpu.memref_slice %arg10[%dma_start3A_2277, %dma_start3A_2278] : memref<400x16xf32, #tpu.memory_space<vmem>> -> memref<80x16xf32, #tpu.memory_space<vmem>>
      %dma_start3A_2280 = arith.constant 0 : i32
      %dma_start3A_2281 = tpu.memref_slice %arg7[%dma_start3A_2276, %dma_start3A_2280] : memref<20x80xi32, #tpu.memory_space<vmem>> -> memref<1x80xi32, #tpu.memory_space<vmem>>
      %dma_start3A_2282 = tpu.memref_squeeze %dma_start3A_2281 : memref<1x80xi32, #tpu.memory_space<vmem>> -> memref<80xi32, #tpu.memory_space<vmem>>
      %dma_start3A_2283 = arith.constant 0 : i32
      %dma_start3A_2284 = arith.constant 0 : i32
      %dma_start3A_2285 = tpu.memref_slice %arg12[%dma_start3A_2283, %dma_start3A_2284] : memref<100096x16xf32, #tpu.memory_space<vmem_shared>> -> memref<100096x16xf32, #tpu.memory_space<vmem_shared>>
      tpu.enqueue_indirect_dma source(%dma_start3A_2279 : memref<80x16xf32, #tpu.memory_space<vmem>>) target(%dma_start3A_2285 : memref<100096x16xf32, #tpu.memory_space<vmem_shared>>) offsets(%dma_start3A_2282 : memref<80xi32, #tpu.memory_space<vmem>>) semaphore(%arg15 : memref<!tpu.dma_semaphore, #tpu.memory_space<semaphore_mem>>) {add = true}
      %dma_wait3A_2286 = arith.constant 2 : i32
      %dma_wait3A_2287 = arith.constant 160 : i32
      %dma_wait3A_2288 = arith.constant 0 : i32
      %dma_wait3A_2289 = tpu.memref_slice %arg8[%dma_wait3A_2287, %dma_wait3A_2288] : memref<400x16xf32, #tpu.memory_space<vmem>> -> memref<80x16xf32, #tpu.memory_space<vmem>>
      %dma_wait3A_2290 = arith.constant 0 : i32
      %dma_wait3A_2291 = tpu.memref_slice %arg7[%dma_wait3A_2286, %dma_wait3A_2290] : memref<20x80xi32, #tpu.memory_space<vmem>> -> memref<1x80xi32, #tpu.memory_space<vmem>>
      %dma_wait3A_2292 = tpu.memref_squeeze %dma_wait3A_2291 : memref<1x80xi32, #tpu.memory_space<vmem>> -> memref<80xi32, #tpu.memory_space<vmem>>
      %dma_wait3A_2293 = arith.constant 0 : i32
      %dma_wait3A_2294 = arith.constant 0 : i32
      %dma_wait3A_2295 = tpu.memref_slice %arg2[%arg0, %dma_wait3A_2293, %dma_wait3A_2294] : memref<2x100096x16xf32, #tpu.memory_space<hbm>> -> memref<1x100096x16xf32, #tpu.memory_space<hbm>>
      %dma_wait3A_2296 = tpu.memref_squeeze %dma_wait3A_2295 : memref<1x100096x16xf32, #tpu.memory_space<hbm>> -> memref<100096x16xf32, #tpu.memory_space<hbm>>
      %dma_wait3A_2297 = arith.constant 0 : i32
      %dma_wait3A_2298 = arith.constant 0 : i32
      %dma_wait3A_2299 = tpu.memref_slice %dma_wait3A_2296[%dma_wait3A_2297, %dma_wait3A_2298] : memref<100096x16xf32, #tpu.memory_space<hbm>> -> memref<100096x16xf32, #tpu.memory_space<hbm>>
      tpu.wait_indirect_dma semaphore(%arg14 : memref<!tpu.dma_semaphore, #tpu.memory_space<semaphore_mem>>) src(%dma_wait3A_2299 : memref<100096x16xf32, #tpu.memory_space<hbm>>) dst(%dma_wait3A_2289 : memref<80x16xf32, #tpu.memory_space<vmem>>)
      %dma_wait3A_2300 = arith.constant 2 : i32
      %dma_wait3A_2301 = arith.constant 160 : i32
      %dma_wait3A_2302 = arith.constant 0 : i32
      %dma_wait3A_2303 = tpu.memref_slice %arg10[%dma_wait3A_2301, %dma_wait3A_2302] : memref<400x16xf32, #tpu.memory_space<vmem>> -> memref<80x16xf32, #tpu.memory_space<vmem>>
      %dma_wait3A_2304 = arith.constant 0 : i32
      %dma_wait3A_2305 = tpu.memref_slice %arg6[%dma_wait3A_2300, %dma_wait3A_2304] : memref<20x80xi32, #tpu.memory_space<vmem>> -> memref<1x80xi32, #tpu.memory_space<vmem>>
      %dma_wait3A_2306 = tpu.memref_squeeze %dma_wait3A_2305 : memref<1x80xi32, #tpu.memory_space<vmem>> -> memref<80xi32, #tpu.memory_space<vmem>>
      %dma_wait3A_2307 = arith.constant 0 : i32
      %dma_wait3A_2308 = arith.constant 0 : i32
      %dma_wait3A_2309 = tpu.memref_slice %arg2[%arg0, %dma_wait3A_2307, %dma_wait3A_2308] : memref<2x100096x16xf32, #tpu.memory_space<hbm>> -> memref<1x100096x16xf32, #tpu.memory_space<hbm>>
      %dma_wait3A_2310 = tpu.memref_squeeze %dma_wait3A_2309 : memref<1x100096x16xf32, #tpu.memory_space<hbm>> -> memref<100096x16xf32, #tpu.memory_space<hbm>>
      %dma_wait3A_2311 = arith.constant 0 : i32
      %dma_wait3A_2312 = arith.constant 0 : i32
      %dma_wait3A_2313 = tpu.memref_slice %dma_wait3A_2310[%dma_wait3A_2311, %dma_wait3A_2312] : memref<100096x16xf32, #tpu.memory_space<hbm>> -> memref<100096x16xf32, #tpu.memory_space<hbm>>
      tpu.wait_indirect_dma semaphore(%arg14 : memref<!tpu.dma_semaphore, #tpu.memory_space<semaphore_mem>>) src(%dma_wait3A_2313 : memref<100096x16xf32, #tpu.memory_space<hbm>>) dst(%dma_wait3A_2303 : memref<80x16xf32, #tpu.memory_space<vmem>>)
      %dma_start3A_2314 = arith.constant 2 : i32
      %dma_start3A_2315 = arith.constant 160 : i32
      %dma_start3A_2316 = arith.constant 0 : i32
      %dma_start3A_2317 = tpu.memref_slice %arg8[%dma_start3A_2315, %dma_start3A_2316] : memref<400x16xf32, #tpu.memory_space<vmem>> -> memref<80x16xf32, #tpu.memory_space<vmem>>
      %dma_start3A_2318 = arith.constant 0 : i32
      %dma_start3A_2319 = tpu.memref_slice %arg6[%dma_start3A_2314, %dma_start3A_2318] : memref<20x80xi32, #tpu.memory_space<vmem>> -> memref<1x80xi32, #tpu.memory_space<vmem>>
      %dma_start3A_2320 = tpu.memref_squeeze %dma_start3A_2319 : memref<1x80xi32, #tpu.memory_space<vmem>> -> memref<80xi32, #tpu.memory_space<vmem>>
      %dma_start3A_2321 = arith.constant 0 : i32
      %dma_start3A_2322 = arith.constant 0 : i32
      %dma_start3A_2323 = tpu.memref_slice %arg12[%dma_start3A_2321, %dma_start3A_2322] : memref<100096x16xf32, #tpu.memory_space<vmem_shared>> -> memref<100096x16xf32, #tpu.memory_space<vmem_shared>>
      tpu.enqueue_indirect_dma source(%dma_start3A_2317 : memref<80x16xf32, #tpu.memory_space<vmem>>) target(%dma_start3A_2323 : memref<100096x16xf32, #tpu.memory_space<vmem_shared>>) offsets(%dma_start3A_2320 : memref<80xi32, #tpu.memory_space<vmem>>) semaphore(%arg15 : memref<!tpu.dma_semaphore, #tpu.memory_space<semaphore_mem>>) {add = true}
      %dma_start3A_2324 = arith.constant 2 : i32
      %dma_start3A_2325 = arith.constant 160 : i32
      %dma_start3A_2326 = arith.constant 0 : i32
      %dma_start3A_2327 = tpu.memref_slice %arg10[%dma_start3A_2325, %dma_start3A_2326] : memref<400x16xf32, #tpu.memory_space<vmem>> -> memref<80x16xf32, #tpu.memory_space<vmem>>
      %dma_start3A_2328 = arith.constant 0 : i32
      %dma_start3A_2329 = tpu.memref_slice %arg7[%dma_start3A_2324, %dma_start3A_2328] : memref<20x80xi32, #tpu.memory_space<vmem>> -> memref<1x80xi32, #tpu.memory_space<vmem>>
      %dma_start3A_2330 = tpu.memref_squeeze %dma_start3A_2329 : memref<1x80xi32, #tpu.memory_space<vmem>> -> memref<80xi32, #tpu.memory_space<vmem>>
      %dma_start3A_2331 = arith.constant 0 : i32
      %dma_start3A_2332 = arith.constant 0 : i32
      %dma_start3A_2333 = tpu.memref_slice %arg12[%dma_start3A_2331, %dma_start3A_2332] : memref<100096x16xf32, #tpu.memory_space<vmem_shared>> -> memref<100096x16xf32, #tpu.memory_space<vmem_shared>>
      tpu.enqueue_indirect_dma source(%dma_start3A_2327 : memref<80x16xf32, #tpu.memory_space<vmem>>) target(%dma_start3A_2333 : memref<100096x16xf32, #tpu.memory_space<vmem_shared>>) offsets(%dma_start3A_2330 : memref<80xi32, #tpu.memory_space<vmem>>) semaphore(%arg15 : memref<!tpu.dma_semaphore, #tpu.memory_space<semaphore_mem>>) {add = true}
      %dma_wait3A_2334 = arith.constant 3 : i32
      %dma_wait3A_2335 = arith.constant 240 : i32
      %dma_wait3A_2336 = arith.constant 0 : i32
      %dma_wait3A_2337 = tpu.memref_slice %arg8[%dma_wait3A_2335, %dma_wait3A_2336] : memref<400x16xf32, #tpu.memory_space<vmem>> -> memref<80x16xf32, #tpu.memory_space<vmem>>
      %dma_wait3A_2338 = arith.constant 0 : i32
      %dma_wait3A_2339 = tpu.memref_slice %arg7[%dma_wait3A_2334, %dma_wait3A_2338] : memref<20x80xi32, #tpu.memory_space<vmem>> -> memref<1x80xi32, #tpu.memory_space<vmem>>
      %dma_wait3A_2340 = tpu.memref_squeeze %dma_wait3A_2339 : memref<1x80xi32, #tpu.memory_space<vmem>> -> memref<80xi32, #tpu.memory_space<vmem>>
      %dma_wait3A_2341 = arith.constant 0 : i32
      %dma_wait3A_2342 = arith.constant 0 : i32
      %dma_wait3A_2343 = tpu.memref_slice %arg2[%arg0, %dma_wait3A_2341, %dma_wait3A_2342] : memref<2x100096x16xf32, #tpu.memory_space<hbm>> -> memref<1x100096x16xf32, #tpu.memory_space<hbm>>
      %dma_wait3A_2344 = tpu.memref_squeeze %dma_wait3A_2343 : memref<1x100096x16xf32, #tpu.memory_space<hbm>> -> memref<100096x16xf32, #tpu.memory_space<hbm>>
      %dma_wait3A_2345 = arith.constant 0 : i32
      %dma_wait3A_2346 = arith.constant 0 : i32
      %dma_wait3A_2347 = tpu.memref_slice %dma_wait3A_2344[%dma_wait3A_2345, %dma_wait3A_2346] : memref<100096x16xf32, #tpu.memory_space<hbm>> -> memref<100096x16xf32, #tpu.memory_space<hbm>>
      tpu.wait_indirect_dma semaphore(%arg14 : memref<!tpu.dma_semaphore, #tpu.memory_space<semaphore_mem>>) src(%dma_wait3A_2347 : memref<100096x16xf32, #tpu.memory_space<hbm>>) dst(%dma_wait3A_2337 : memref<80x16xf32, #tpu.memory_space<vmem>>)
      %dma_wait3A_2348 = arith.constant 3 : i32
      %dma_wait3A_2349 = arith.constant 240 : i32
      %dma_wait3A_2350 = arith.constant 0 : i32
      %dma_wait3A_2351 = tpu.memref_slice %arg10[%dma_wait3A_2349, %dma_wait3A_2350] : memref<400x16xf32, #tpu.memory_space<vmem>> -> memref<80x16xf32, #tpu.memory_space<vmem>>
      %dma_wait3A_2352 = arith.constant 0 : i32
      %dma_wait3A_2353 = tpu.memref_slice %arg6[%dma_wait3A_2348, %dma_wait3A_2352] : memref<20x80xi32, #tpu.memory_space<vmem>> -> memref<1x80xi32, #tpu.memory_space<vmem>>
      %dma_wait3A_2354 = tpu.memref_squeeze %dma_wait3A_2353 : memref<1x80xi32, #tpu.memory_space<vmem>> -> memref<80xi32, #tpu.memory_space<vmem>>
      %dma_wait3A_2355 = arith.constant 0 : i32
      %dma_wait3A_2356 = arith.constant 0 : i32
      %dma_wait3A_2357 = tpu.memref_slice %arg2[%arg0, %dma_wait3A_2355, %dma_wait3A_2356] : memref<2x100096x16xf32, #tpu.memory_space<hbm>> -> memref<1x100096x16xf32, #tpu.memory_space<hbm>>
      %dma_wait3A_2358 = tpu.memref_squeeze %dma_wait3A_2357 : memref<1x100096x16xf32, #tpu.memory_space<hbm>> -> memref<100096x16xf32, #tpu.memory_space<hbm>>
      %dma_wait3A_2359 = arith.constant 0 : i32
      %dma_wait3A_2360 = arith.constant 0 : i32
      %dma_wait3A_2361 = tpu.memref_slice %dma_wait3A_2358[%dma_wait3A_2359, %dma_wait3A_2360] : memref<100096x16xf32, #tpu.memory_space<hbm>> -> memref<100096x16xf32, #tpu.memory_space<hbm>>
      tpu.wait_indirect_dma semaphore(%arg14 : memref<!tpu.dma_semaphore, #tpu.memory_space<semaphore_mem>>) src(%dma_wait3A_2361 : memref<100096x16xf32, #tpu.memory_space<hbm>>) dst(%dma_wait3A_2351 : memref<80x16xf32, #tpu.memory_space<vmem>>)
      %dma_start3A_2362 = arith.constant 3 : i32
      %dma_start3A_2363 = arith.constant 240 : i32
      %dma_start3A_2364 = arith.constant 0 : i32
      %dma_start3A_2365 = tpu.memref_slice %arg8[%dma_start3A_2363, %dma_start3A_2364] : memref<400x16xf32, #tpu.memory_space<vmem>> -> memref<80x16xf32, #tpu.memory_space<vmem>>
      %dma_start3A_2366 = arith.constant 0 : i32
      %dma_start3A_2367 = tpu.memref_slice %arg6[%dma_start3A_2362, %dma_start3A_2366] : memref<20x80xi32, #tpu.memory_space<vmem>> -> memref<1x80xi32, #tpu.memory_space<vmem>>
      %dma_start3A_2368 = tpu.memref_squeeze %dma_start3A_2367 : memref<1x80xi32, #tpu.memory_space<vmem>> -> memref<80xi32, #tpu.memory_space<vmem>>
      %dma_start3A_2369 = arith.constant 0 : i32
      %dma_start3A_2370 = arith.constant 0 : i32
      %dma_start3A_2371 = tpu.memref_slice %arg12[%dma_start3A_2369, %dma_start3A_2370] : memref<100096x16xf32, #tpu.memory_space<vmem_shared>> -> memref<100096x16xf32, #tpu.memory_space<vmem_shared>>
      tpu.enqueue_indirect_dma source(%dma_start3A_2365 : memref<80x16xf32, #tpu.memory_space<vmem>>) target(%dma_start3A_2371 : memref<100096x16xf32, #tpu.memory_space<vmem_shared>>) offsets(%dma_start3A_2368 : memref<80xi32, #tpu.memory_space<vmem>>) semaphore(%arg15 : memref<!tpu.dma_semaphore, #tpu.memory_space<semaphore_mem>>) {add = true}
      %dma_start3A_2372 = arith.constant 3 : i32
      %dma_start3A_2373 = arith.constant 240 : i32
      %dma_start3A_2374 = arith.constant 0 : i32
      %dma_start3A_2375 = tpu.memref_slice %arg10[%dma_start3A_2373, %dma_start3A_2374] : memref<400x16xf32, #tpu.memory_space<vmem>> -> memref<80x16xf32, #tpu.memory_space<vmem>>
      %dma_start3A_2376 = arith.constant 0 : i32
      %dma_start3A_2377 = tpu.memref_slice %arg7[%dma_start3A_2372, %dma_start3A_2376] : memref<20x80xi32, #tpu.memory_space<vmem>> -> memref<1x80xi32, #tpu.memory_space<vmem>>
      %dma_start3A_2378 = tpu.memref_squeeze %dma_start3A_2377 : memref<1x80xi32, #tpu.memory_space<vmem>> -> memref<80xi32, #tpu.memory_space<vmem>>
      %dma_start3A_2379 = arith.constant 0 : i32
      %dma_start3A_2380 = arith.constant 0 : i32
      %dma_start3A_2381 = tpu.memref_slice %arg12[%dma_start3A_2379, %dma_start3A_2380] : memref<100096x16xf32, #tpu.memory_space<vmem_shared>> -> memref<100096x16xf32, #tpu.memory_space<vmem_shared>>
      tpu.enqueue_indirect_dma source(%dma_start3A_2375 : memref<80x16xf32, #tpu.memory_space<vmem>>) target(%dma_start3A_2381 : memref<100096x16xf32, #tpu.memory_space<vmem_shared>>) offsets(%dma_start3A_2378 : memref<80xi32, #tpu.memory_space<vmem>>) semaphore(%arg15 : memref<!tpu.dma_semaphore, #tpu.memory_space<semaphore_mem>>) {add = true}
      %dma_wait3A_2382 = arith.constant 4 : i32
      %dma_wait3A_2383 = arith.constant 320 : i32
      %dma_wait3A_2384 = arith.constant 0 : i32
      %dma_wait3A_2385 = tpu.memref_slice %arg8[%dma_wait3A_2383, %dma_wait3A_2384] : memref<400x16xf32, #tpu.memory_space<vmem>> -> memref<80x16xf32, #tpu.memory_space<vmem>>
      %dma_wait3A_2386 = arith.constant 0 : i32
      %dma_wait3A_2387 = tpu.memref_slice %arg7[%dma_wait3A_2382, %dma_wait3A_2386] : memref<20x80xi32, #tpu.memory_space<vmem>> -> memref<1x80xi32, #tpu.memory_space<vmem>>
      %dma_wait3A_2388 = tpu.memref_squeeze %dma_wait3A_2387 : memref<1x80xi32, #tpu.memory_space<vmem>> -> memref<80xi32, #tpu.memory_space<vmem>>
      %dma_wait3A_2389 = arith.constant 0 : i32
      %dma_wait3A_2390 = arith.constant 0 : i32
      %dma_wait3A_2391 = tpu.memref_slice %arg2[%arg0, %dma_wait3A_2389, %dma_wait3A_2390] : memref<2x100096x16xf32, #tpu.memory_space<hbm>> -> memref<1x100096x16xf32, #tpu.memory_space<hbm>>
      %dma_wait3A_2392 = tpu.memref_squeeze %dma_wait3A_2391 : memref<1x100096x16xf32, #tpu.memory_space<hbm>> -> memref<100096x16xf32, #tpu.memory_space<hbm>>
      %dma_wait3A_2393 = arith.constant 0 : i32
      %dma_wait3A_2394 = arith.constant 0 : i32
      %dma_wait3A_2395 = tpu.memref_slice %dma_wait3A_2392[%dma_wait3A_2393, %dma_wait3A_2394] : memref<100096x16xf32, #tpu.memory_space<hbm>> -> memref<100096x16xf32, #tpu.memory_space<hbm>>
      tpu.wait_indirect_dma semaphore(%arg14 : memref<!tpu.dma_semaphore, #tpu.memory_space<semaphore_mem>>) src(%dma_wait3A_2395 : memref<100096x16xf32, #tpu.memory_space<hbm>>) dst(%dma_wait3A_2385 : memref<80x16xf32, #tpu.memory_space<vmem>>)
      %dma_wait3A_2396 = arith.constant 4 : i32
      %dma_wait3A_2397 = arith.constant 320 : i32
      %dma_wait3A_2398 = arith.constant 0 : i32
      %dma_wait3A_2399 = tpu.memref_slice %arg10[%dma_wait3A_2397, %dma_wait3A_2398] : memref<400x16xf32, #tpu.memory_space<vmem>> -> memref<80x16xf32, #tpu.memory_space<vmem>>
      %dma_wait3A_2400 = arith.constant 0 : i32
      %dma_wait3A_2401 = tpu.memref_slice %arg6[%dma_wait3A_2396, %dma_wait3A_2400] : memref<20x80xi32, #tpu.memory_space<vmem>> -> memref<1x80xi32, #tpu.memory_space<vmem>>
      %dma_wait3A_2402 = tpu.memref_squeeze %dma_wait3A_2401 : memref<1x80xi32, #tpu.memory_space<vmem>> -> memref<80xi32, #tpu.memory_space<vmem>>
      %dma_wait3A_2403 = arith.constant 0 : i32
      %dma_wait3A_2404 = arith.constant 0 : i32
      %dma_wait3A_2405 = tpu.memref_slice %arg2[%arg0, %dma_wait3A_2403, %dma_wait3A_2404] : memref<2x100096x16xf32, #tpu.memory_space<hbm>> -> memref<1x100096x16xf32, #tpu.memory_space<hbm>>
      %dma_wait3A_2406 = tpu.memref_squeeze %dma_wait3A_2405 : memref<1x100096x16xf32, #tpu.memory_space<hbm>> -> memref<100096x16xf32, #tpu.memory_space<hbm>>
      %dma_wait3A_2407 = arith.constant 0 : i32
      %dma_wait3A_2408 = arith.constant 0 : i32
      %dma_wait3A_2409 = tpu.memref_slice %dma_wait3A_2406[%dma_wait3A_2407, %dma_wait3A_2408] : memref<100096x16xf32, #tpu.memory_space<hbm>> -> memref<100096x16xf32, #tpu.memory_space<hbm>>
      tpu.wait_indirect_dma semaphore(%arg14 : memref<!tpu.dma_semaphore, #tpu.memory_space<semaphore_mem>>) src(%dma_wait3A_2409 : memref<100096x16xf32, #tpu.memory_space<hbm>>) dst(%dma_wait3A_2399 : memref<80x16xf32, #tpu.memory_space<vmem>>)
      %dma_start3A_2410 = arith.constant 4 : i32
      %dma_start3A_2411 = arith.constant 320 : i32
      %dma_start3A_2412 = arith.constant 0 : i32
      %dma_start3A_2413 = tpu.memref_slice %arg8[%dma_start3A_2411, %dma_start3A_2412] : memref<400x16xf32, #tpu.memory_space<vmem>> -> memref<80x16xf32, #tpu.memory_space<vmem>>
      %dma_start3A_2414 = arith.constant 0 : i32
      %dma_start3A_2415 = tpu.memref_slice %arg6[%dma_start3A_2410, %dma_start3A_2414] : memref<20x80xi32, #tpu.memory_space<vmem>> -> memref<1x80xi32, #tpu.memory_space<vmem>>
      %dma_start3A_2416 = tpu.memref_squeeze %dma_start3A_2415 : memref<1x80xi32, #tpu.memory_space<vmem>> -> memref<80xi32, #tpu.memory_space<vmem>>
      %dma_start3A_2417 = arith.constant 0 : i32
      %dma_start3A_2418 = arith.constant 0 : i32
      %dma_start3A_2419 = tpu.memref_slice %arg12[%dma_start3A_2417, %dma_start3A_2418] : memref<100096x16xf32, #tpu.memory_space<vmem_shared>> -> memref<100096x16xf32, #tpu.memory_space<vmem_shared>>
      tpu.enqueue_indirect_dma source(%dma_start3A_2413 : memref<80x16xf32, #tpu.memory_space<vmem>>) target(%dma_start3A_2419 : memref<100096x16xf32, #tpu.memory_space<vmem_shared>>) offsets(%dma_start3A_2416 : memref<80xi32, #tpu.memory_space<vmem>>) semaphore(%arg15 : memref<!tpu.dma_semaphore, #tpu.memory_space<semaphore_mem>>) {add = true}
      %dma_start3A_2420 = arith.constant 4 : i32
      %dma_start3A_2421 = arith.constant 320 : i32
      %dma_start3A_2422 = arith.constant 0 : i32
      %dma_start3A_2423 = tpu.memref_slice %arg10[%dma_start3A_2421, %dma_start3A_2422] : memref<400x16xf32, #tpu.memory_space<vmem>> -> memref<80x16xf32, #tpu.memory_space<vmem>>
      %dma_start3A_2424 = arith.constant 0 : i32
      %dma_start3A_2425 = tpu.memref_slice %arg7[%dma_start3A_2420, %dma_start3A_2424] : memref<20x80xi32, #tpu.memory_space<vmem>> -> memref<1x80xi32, #tpu.memory_space<vmem>>
      %dma_start3A_2426 = tpu.memref_squeeze %dma_start3A_2425 : memref<1x80xi32, #tpu.memory_space<vmem>> -> memref<80xi32, #tpu.memory_space<vmem>>
      %dma_start3A_2427 = arith.constant 0 : i32
      %dma_start3A_2428 = arith.constant 0 : i32
      %dma_start3A_2429 = tpu.memref_slice %arg12[%dma_start3A_2427, %dma_start3A_2428] : memref<100096x16xf32, #tpu.memory_space<vmem_shared>> -> memref<100096x16xf32, #tpu.memory_space<vmem_shared>>
      tpu.enqueue_indirect_dma source(%dma_start3A_2423 : memref<80x16xf32, #tpu.memory_space<vmem>>) target(%dma_start3A_2429 : memref<100096x16xf32, #tpu.memory_space<vmem_shared>>) offsets(%dma_start3A_2426 : memref<80xi32, #tpu.memory_space<vmem>>) semaphore(%arg15 : memref<!tpu.dma_semaphore, #tpu.memory_space<semaphore_mem>>) {add = true}
      %add3A_2430 = arith.constant 3 : i32
      %add3A_2431 = arith.addi %add3A_1040, %add3A_2430 : i32
      %dma_wait3A_2432 = arith.constant 0 : i32
      %dma_wait3A_2433 = arith.constant 0 : i32
      %dma_wait3A_2434 = tpu.memref_slice %arg2[%arg0, %dma_wait3A_2432, %dma_wait3A_2433] : memref<2x100096x16xf32, #tpu.memory_space<hbm>> -> memref<1x100096x16xf32, #tpu.memory_space<hbm>>
      %dma_wait3A_2435 = tpu.memref_squeeze %dma_wait3A_2434 : memref<1x100096x16xf32, #tpu.memory_space<hbm>> -> memref<100096x16xf32, #tpu.memory_space<hbm>>
      %dma_wait3A_2436 = arith.constant 0 : i32
      %dma_wait3A_2437 = arith.constant 0 : i32
      %dma_wait3A_2438 = tpu.memref_slice %dma_wait3A_2435[%dma_wait3A_2436, %dma_wait3A_2437] : memref<100096x16xf32, #tpu.memory_space<hbm>> -> memref<400x16xf32, #tpu.memory_space<hbm>>
      %dma_wait3A_2439 = arith.constant 0 : i32
      %dma_wait3A_2440 = arith.constant 0 : i32
      %dma_wait3A_2441 = tpu.memref_slice %arg2[%arg0, %dma_wait3A_2439, %dma_wait3A_2440] : memref<2x100096x16xf32, #tpu.memory_space<hbm>> -> memref<1x100096x16xf32, #tpu.memory_space<hbm>>
      %dma_wait3A_2442 = tpu.memref_squeeze %dma_wait3A_2441 : memref<1x100096x16xf32, #tpu.memory_space<hbm>> -> memref<100096x16xf32, #tpu.memory_space<hbm>>
      %dma_wait3A_2443 = arith.constant 0 : i32
      %dma_wait3A_2444 = arith.constant 0 : i32
      %dma_wait3A_2445 = tpu.memref_slice %dma_wait3A_2442[%dma_wait3A_2443, %dma_wait3A_2444] : memref<100096x16xf32, #tpu.memory_space<hbm>> -> memref<400x16xf32, #tpu.memory_space<hbm>>
      tpu.wait_dma2 semaphore(%arg16 : memref<!tpu.dma_semaphore, #tpu.memory_space<semaphore_mem>>) src(%dma_wait3A_2445 : memref<400x16xf32, #tpu.memory_space<hbm>>) dst(%arg9 : memref<400x16xf32, #tpu.memory_space<vmem>>)
      %dma_wait3A_2446 = arith.constant 0 : i32
      %dma_wait3A_2447 = arith.constant 0 : i32
      %dma_wait3A_2448 = tpu.memref_slice %arg2[%arg0, %dma_wait3A_2446, %dma_wait3A_2447] : memref<2x100096x16xf32, #tpu.memory_space<hbm>> -> memref<1x100096x16xf32, #tpu.memory_space<hbm>>
      %dma_wait3A_2449 = tpu.memref_squeeze %dma_wait3A_2448 : memref<1x100096x16xf32, #tpu.memory_space<hbm>> -> memref<100096x16xf32, #tpu.memory_space<hbm>>
      %dma_wait3A_2450 = arith.constant 0 : i32
      %dma_wait3A_2451 = arith.constant 0 : i32
      %dma_wait3A_2452 = tpu.memref_slice %dma_wait3A_2449[%dma_wait3A_2450, %dma_wait3A_2451] : memref<100096x16xf32, #tpu.memory_space<hbm>> -> memref<400x16xf32, #tpu.memory_space<hbm>>
      %dma_wait3A_2453 = arith.constant 0 : i32
      %dma_wait3A_2454 = arith.constant 0 : i32
      %dma_wait3A_2455 = tpu.memref_slice %arg2[%arg0, %dma_wait3A_2453, %dma_wait3A_2454] : memref<2x100096x16xf32, #tpu.memory_space<hbm>> -> memref<1x100096x16xf32, #tpu.memory_space<hbm>>
      %dma_wait3A_2456 = tpu.memref_squeeze %dma_wait3A_2455 : memref<1x100096x16xf32, #tpu.memory_space<hbm>> -> memref<100096x16xf32, #tpu.memory_space<hbm>>
      %dma_wait3A_2457 = arith.constant 0 : i32
      %dma_wait3A_2458 = arith.constant 0 : i32
      %dma_wait3A_2459 = tpu.memref_slice %dma_wait3A_2456[%dma_wait3A_2457, %dma_wait3A_2458] : memref<100096x16xf32, #tpu.memory_space<hbm>> -> memref<400x16xf32, #tpu.memory_space<hbm>>
      tpu.wait_dma2 semaphore(%arg16 : memref<!tpu.dma_semaphore, #tpu.memory_space<semaphore_mem>>) src(%dma_wait3A_2459 : memref<400x16xf32, #tpu.memory_space<hbm>>) dst(%arg11 : memref<400x16xf32, #tpu.memory_space<vmem>>)
      %dma_wait3A_2460 = arith.constant 0 : i32
      %dma_wait3A_2461 = arith.constant 0 : i32
      %dma_wait3A_2462 = tpu.memref_slice %arg6[%dma_wait3A_2460, %dma_wait3A_2461] : memref<20x80xi32, #tpu.memory_space<vmem>> -> memref<5x80xi32, #tpu.memory_space<vmem>>
      %dma_wait3A_2463 = arith.constant 0 : i32
      %dma_wait3A_2464 = arith.constant 0 : i32
      %dma_wait3A_2465 = tpu.memref_slice %arg3[%dma_wait3A_2463, %dma_wait3A_2464] : memref<20000x80xi32, #tpu.memory_space<hbm>> -> memref<5x80xi32, #tpu.memory_space<hbm>>
      %dma_wait3A_2466 = arith.constant 0 : i32
      %dma_wait3A_2467 = arith.constant 0 : i32
      %dma_wait3A_2468 = tpu.memref_slice %arg6[%dma_wait3A_2466, %dma_wait3A_2467] : memref<20x80xi32, #tpu.memory_space<vmem>> -> memref<5x80xi32, #tpu.memory_space<vmem>>
      %dma_wait3A_2469 = arith.constant 0 : i32
      %dma_wait3A_2470 = arith.constant 0 : i32
      %dma_wait3A_2471 = tpu.memref_slice %arg3[%dma_wait3A_2469, %dma_wait3A_2470] : memref<20000x80xi32, #tpu.memory_space<hbm>> -> memref<5x80xi32, #tpu.memory_space<hbm>>
      tpu.wait_dma2 semaphore(%arg13 : memref<!tpu.dma_semaphore, #tpu.memory_space<semaphore_mem>>) src(%dma_wait3A_2471 : memref<5x80xi32, #tpu.memory_space<hbm>>) dst(%dma_wait3A_2468 : memref<5x80xi32, #tpu.memory_space<vmem>>)
      %dma_wait3A_2472 = arith.constant 0 : i32
      %dma_wait3A_2473 = arith.constant 0 : i32
      %dma_wait3A_2474 = tpu.memref_slice %arg7[%dma_wait3A_2472, %dma_wait3A_2473] : memref<20x80xi32, #tpu.memory_space<vmem>> -> memref<5x80xi32, #tpu.memory_space<vmem>>
      %dma_wait3A_2475 = arith.constant 0 : i32
      %dma_wait3A_2476 = arith.constant 0 : i32
      %dma_wait3A_2477 = tpu.memref_slice %arg4[%dma_wait3A_2475, %dma_wait3A_2476] : memref<20000x80xi32, #tpu.memory_space<hbm>> -> memref<5x80xi32, #tpu.memory_space<hbm>>
      %dma_wait3A_2478 = arith.constant 0 : i32
      %dma_wait3A_2479 = arith.constant 0 : i32
      %dma_wait3A_2480 = tpu.memref_slice %arg7[%dma_wait3A_2478, %dma_wait3A_2479] : memref<20x80xi32, #tpu.memory_space<vmem>> -> memref<5x80xi32, #tpu.memory_space<vmem>>
      %dma_wait3A_2481 = arith.constant 0 : i32
      %dma_wait3A_2482 = arith.constant 0 : i32
      %dma_wait3A_2483 = tpu.memref_slice %arg4[%dma_wait3A_2481, %dma_wait3A_2482] : memref<20000x80xi32, #tpu.memory_space<hbm>> -> memref<5x80xi32, #tpu.memory_space<hbm>>
      tpu.wait_dma2 semaphore(%arg13 : memref<!tpu.dma_semaphore, #tpu.memory_space<semaphore_mem>>) src(%dma_wait3A_2483 : memref<5x80xi32, #tpu.memory_space<hbm>>) dst(%dma_wait3A_2480 : memref<5x80xi32, #tpu.memory_space<vmem>>)
      %dma_start3A_2484 = arith.constant 5 : i32
      %dma_start3A_2485 = arith.constant 0 : i32
      %dma_start3A_2486 = arith.constant 0 : i32
      %dma_start3A_2487 = tpu.memref_slice %arg9[%dma_start3A_2485, %dma_start3A_2486] : memref<400x16xf32, #tpu.memory_space<vmem>> -> memref<80x16xf32, #tpu.memory_space<vmem>>
      %dma_start3A_2488 = arith.constant 0 : i32
      %dma_start3A_2489 = tpu.memref_slice %arg7[%dma_start3A_2484, %dma_start3A_2488] : memref<20x80xi32, #tpu.memory_space<vmem>> -> memref<1x80xi32, #tpu.memory_space<vmem>>
      %dma_start3A_2490 = tpu.memref_squeeze %dma_start3A_2489 : memref<1x80xi32, #tpu.memory_space<vmem>> -> memref<80xi32, #tpu.memory_space<vmem>>
      %dma_start3A_2491 = arith.constant 0 : i32
      %dma_start3A_2492 = arith.constant 0 : i32
      %dma_start3A_2493 = tpu.memref_slice %arg2[%arg0, %dma_start3A_2491, %dma_start3A_2492] : memref<2x100096x16xf32, #tpu.memory_space<hbm>> -> memref<1x100096x16xf32, #tpu.memory_space<hbm>>
      %dma_start3A_2494 = tpu.memref_squeeze %dma_start3A_2493 : memref<1x100096x16xf32, #tpu.memory_space<hbm>> -> memref<100096x16xf32, #tpu.memory_space<hbm>>
      %dma_start3A_2495 = arith.constant 0 : i32
      %dma_start3A_2496 = arith.constant 0 : i32
      %dma_start3A_2497 = tpu.memref_slice %dma_start3A_2494[%dma_start3A_2495, %dma_start3A_2496] : memref<100096x16xf32, #tpu.memory_space<hbm>> -> memref<100096x16xf32, #tpu.memory_space<hbm>>
      tpu.enqueue_indirect_dma source(%dma_start3A_2497 : memref<100096x16xf32, #tpu.memory_space<hbm>>) target(%dma_start3A_2487 : memref<80x16xf32, #tpu.memory_space<vmem>>) offsets(%dma_start3A_2490 : memref<80xi32, #tpu.memory_space<vmem>>) semaphore(%arg14 : memref<!tpu.dma_semaphore, #tpu.memory_space<semaphore_mem>>)
      %dma_start3A_2498 = arith.constant 5 : i32
      %dma_start3A_2499 = arith.constant 0 : i32
      %dma_start3A_2500 = arith.constant 0 : i32
      %dma_start3A_2501 = tpu.memref_slice %arg11[%dma_start3A_2499, %dma_start3A_2500] : memref<400x16xf32, #tpu.memory_space<vmem>> -> memref<80x16xf32, #tpu.memory_space<vmem>>
      %dma_start3A_2502 = arith.constant 0 : i32
      %dma_start3A_2503 = tpu.memref_slice %arg6[%dma_start3A_2498, %dma_start3A_2502] : memref<20x80xi32, #tpu.memory_space<vmem>> -> memref<1x80xi32, #tpu.memory_space<vmem>>
      %dma_start3A_2504 = tpu.memref_squeeze %dma_start3A_2503 : memref<1x80xi32, #tpu.memory_space<vmem>> -> memref<80xi32, #tpu.memory_space<vmem>>
      %dma_start3A_2505 = arith.constant 0 : i32
      %dma_start3A_2506 = arith.constant 0 : i32
      %dma_start3A_2507 = tpu.memref_slice %arg2[%arg0, %dma_start3A_2505, %dma_start3A_2506] : memref<2x100096x16xf32, #tpu.memory_space<hbm>> -> memref<1x100096x16xf32, #tpu.memory_space<hbm>>
      %dma_start3A_2508 = tpu.memref_squeeze %dma_start3A_2507 : memref<1x100096x16xf32, #tpu.memory_space<hbm>> -> memref<100096x16xf32, #tpu.memory_space<hbm>>
      %dma_start3A_2509 = arith.constant 0 : i32
      %dma_start3A_2510 = arith.constant 0 : i32
      %dma_start3A_2511 = tpu.memref_slice %dma_start3A_2508[%dma_start3A_2509, %dma_start3A_2510] : memref<100096x16xf32, #tpu.memory_space<hbm>> -> memref<100096x16xf32, #tpu.memory_space<hbm>>
      tpu.enqueue_indirect_dma source(%dma_start3A_2511 : memref<100096x16xf32, #tpu.memory_space<hbm>>) target(%dma_start3A_2501 : memref<80x16xf32, #tpu.memory_space<vmem>>) offsets(%dma_start3A_2504 : memref<80xi32, #tpu.memory_space<vmem>>) semaphore(%arg14 : memref<!tpu.dma_semaphore, #tpu.memory_space<semaphore_mem>>)
      %dma_start3A_2512 = arith.constant 6 : i32
      %dma_start3A_2513 = arith.constant 80 : i32
      %dma_start3A_2514 = arith.constant 0 : i32
      %dma_start3A_2515 = tpu.memref_slice %arg9[%dma_start3A_2513, %dma_start3A_2514] : memref<400x16xf32, #tpu.memory_space<vmem>> -> memref<80x16xf32, #tpu.memory_space<vmem>>
      %dma_start3A_2516 = arith.constant 0 : i32
      %dma_start3A_2517 = tpu.memref_slice %arg7[%dma_start3A_2512, %dma_start3A_2516] : memref<20x80xi32, #tpu.memory_space<vmem>> -> memref<1x80xi32, #tpu.memory_space<vmem>>
      %dma_start3A_2518 = tpu.memref_squeeze %dma_start3A_2517 : memref<1x80xi32, #tpu.memory_space<vmem>> -> memref<80xi32, #tpu.memory_space<vmem>>
      %dma_start3A_2519 = arith.constant 0 : i32
      %dma_start3A_2520 = arith.constant 0 : i32
      %dma_start3A_2521 = tpu.memref_slice %arg2[%arg0, %dma_start3A_2519, %dma_start3A_2520] : memref<2x100096x16xf32, #tpu.memory_space<hbm>> -> memref<1x100096x16xf32, #tpu.memory_space<hbm>>
      %dma_start3A_2522 = tpu.memref_squeeze %dma_start3A_2521 : memref<1x100096x16xf32, #tpu.memory_space<hbm>> -> memref<100096x16xf32, #tpu.memory_space<hbm>>
      %dma_start3A_2523 = arith.constant 0 : i32
      %dma_start3A_2524 = arith.constant 0 : i32
      %dma_start3A_2525 = tpu.memref_slice %dma_start3A_2522[%dma_start3A_2523, %dma_start3A_2524] : memref<100096x16xf32, #tpu.memory_space<hbm>> -> memref<100096x16xf32, #tpu.memory_space<hbm>>
      tpu.enqueue_indirect_dma source(%dma_start3A_2525 : memref<100096x16xf32, #tpu.memory_space<hbm>>) target(%dma_start3A_2515 : memref<80x16xf32, #tpu.memory_space<vmem>>) offsets(%dma_start3A_2518 : memref<80xi32, #tpu.memory_space<vmem>>) semaphore(%arg14 : memref<!tpu.dma_semaphore, #tpu.memory_space<semaphore_mem>>)
      %dma_start3A_2526 = arith.constant 6 : i32
      %dma_start3A_2527 = arith.constant 80 : i32
      %dma_start3A_2528 = arith.constant 0 : i32
      %dma_start3A_2529 = tpu.memref_slice %arg11[%dma_start3A_2527, %dma_start3A_2528] : memref<400x16xf32, #tpu.memory_space<vmem>> -> memref<80x16xf32, #tpu.memory_space<vmem>>
      %dma_start3A_2530 = arith.constant 0 : i32
      %dma_start3A_2531 = tpu.memref_slice %arg6[%dma_start3A_2526, %dma_start3A_2530] : memref<20x80xi32, #tpu.memory_space<vmem>> -> memref<1x80xi32, #tpu.memory_space<vmem>>
      %dma_start3A_2532 = tpu.memref_squeeze %dma_start3A_2531 : memref<1x80xi32, #tpu.memory_space<vmem>> -> memref<80xi32, #tpu.memory_space<vmem>>
      %dma_start3A_2533 = arith.constant 0 : i32
      %dma_start3A_2534 = arith.constant 0 : i32
      %dma_start3A_2535 = tpu.memref_slice %arg2[%arg0, %dma_start3A_2533, %dma_start3A_2534] : memref<2x100096x16xf32, #tpu.memory_space<hbm>> -> memref<1x100096x16xf32, #tpu.memory_space<hbm>>
      %dma_start3A_2536 = tpu.memref_squeeze %dma_start3A_2535 : memref<1x100096x16xf32, #tpu.memory_space<hbm>> -> memref<100096x16xf32, #tpu.memory_space<hbm>>
      %dma_start3A_2537 = arith.constant 0 : i32
      %dma_start3A_2538 = arith.constant 0 : i32
      %dma_start3A_2539 = tpu.memref_slice %dma_start3A_2536[%dma_start3A_2537, %dma_start3A_2538] : memref<100096x16xf32, #tpu.memory_space<hbm>> -> memref<100096x16xf32, #tpu.memory_space<hbm>>
      tpu.enqueue_indirect_dma source(%dma_start3A_2539 : memref<100096x16xf32, #tpu.memory_space<hbm>>) target(%dma_start3A_2529 : memref<80x16xf32, #tpu.memory_space<vmem>>) offsets(%dma_start3A_2532 : memref<80xi32, #tpu.memory_space<vmem>>) semaphore(%arg14 : memref<!tpu.dma_semaphore, #tpu.memory_space<semaphore_mem>>)
      %dma_start3A_2540 = arith.constant 7 : i32
      %dma_start3A_2541 = arith.constant 160 : i32
      %dma_start3A_2542 = arith.constant 0 : i32
      %dma_start3A_2543 = tpu.memref_slice %arg9[%dma_start3A_2541, %dma_start3A_2542] : memref<400x16xf32, #tpu.memory_space<vmem>> -> memref<80x16xf32, #tpu.memory_space<vmem>>
      %dma_start3A_2544 = arith.constant 0 : i32
      %dma_start3A_2545 = tpu.memref_slice %arg7[%dma_start3A_2540, %dma_start3A_2544] : memref<20x80xi32, #tpu.memory_space<vmem>> -> memref<1x80xi32, #tpu.memory_space<vmem>>
      %dma_start3A_2546 = tpu.memref_squeeze %dma_start3A_2545 : memref<1x80xi32, #tpu.memory_space<vmem>> -> memref<80xi32, #tpu.memory_space<vmem>>
      %dma_start3A_2547 = arith.constant 0 : i32
      %dma_start3A_2548 = arith.constant 0 : i32
      %dma_start3A_2549 = tpu.memref_slice %arg2[%arg0, %dma_start3A_2547, %dma_start3A_2548] : memref<2x100096x16xf32, #tpu.memory_space<hbm>> -> memref<1x100096x16xf32, #tpu.memory_space<hbm>>
      %dma_start3A_2550 = tpu.memref_squeeze %dma_start3A_2549 : memref<1x100096x16xf32, #tpu.memory_space<hbm>> -> memref<100096x16xf32, #tpu.memory_space<hbm>>
      %dma_start3A_2551 = arith.constant 0 : i32
      %dma_start3A_2552 = arith.constant 0 : i32
      %dma_start3A_2553 = tpu.memref_slice %dma_start3A_2550[%dma_start3A_2551, %dma_start3A_2552] : memref<100096x16xf32, #tpu.memory_space<hbm>> -> memref<100096x16xf32, #tpu.memory_space<hbm>>
      tpu.enqueue_indirect_dma source(%dma_start3A_2553 : memref<100096x16xf32, #tpu.memory_space<hbm>>) target(%dma_start3A_2543 : memref<80x16xf32, #tpu.memory_space<vmem>>) offsets(%dma_start3A_2546 : memref<80xi32, #tpu.memory_space<vmem>>) semaphore(%arg14 : memref<!tpu.dma_semaphore, #tpu.memory_space<semaphore_mem>>)
      %dma_start3A_2554 = arith.constant 7 : i32
      %dma_start3A_2555 = arith.constant 160 : i32
      %dma_start3A_2556 = arith.constant 0 : i32
      %dma_start3A_2557 = tpu.memref_slice %arg11[%dma_start3A_2555, %dma_start3A_2556] : memref<400x16xf32, #tpu.memory_space<vmem>> -> memref<80x16xf32, #tpu.memory_space<vmem>>
      %dma_start3A_2558 = arith.constant 0 : i32
      %dma_start3A_2559 = tpu.memref_slice %arg6[%dma_start3A_2554, %dma_start3A_2558] : memref<20x80xi32, #tpu.memory_space<vmem>> -> memref<1x80xi32, #tpu.memory_space<vmem>>
      %dma_start3A_2560 = tpu.memref_squeeze %dma_start3A_2559 : memref<1x80xi32, #tpu.memory_space<vmem>> -> memref<80xi32, #tpu.memory_space<vmem>>
      %dma_start3A_2561 = arith.constant 0 : i32
      %dma_start3A_2562 = arith.constant 0 : i32
      %dma_start3A_2563 = tpu.memref_slice %arg2[%arg0, %dma_start3A_2561, %dma_start3A_2562] : memref<2x100096x16xf32, #tpu.memory_space<hbm>> -> memref<1x100096x16xf32, #tpu.memory_space<hbm>>
      %dma_start3A_2564 = tpu.memref_squeeze %dma_start3A_2563 : memref<1x100096x16xf32, #tpu.memory_space<hbm>> -> memref<100096x16xf32, #tpu.memory_space<hbm>>
      %dma_start3A_2565 = arith.constant 0 : i32
      %dma_start3A_2566 = arith.constant 0 : i32
      %dma_start3A_2567 = tpu.memref_slice %dma_start3A_2564[%dma_start3A_2565, %dma_start3A_2566] : memref<100096x16xf32, #tpu.memory_space<hbm>> -> memref<100096x16xf32, #tpu.memory_space<hbm>>
      tpu.enqueue_indirect_dma source(%dma_start3A_2567 : memref<100096x16xf32, #tpu.memory_space<hbm>>) target(%dma_start3A_2557 : memref<80x16xf32, #tpu.memory_space<vmem>>) offsets(%dma_start3A_2560 : memref<80xi32, #tpu.memory_space<vmem>>) semaphore(%arg14 : memref<!tpu.dma_semaphore, #tpu.memory_space<semaphore_mem>>)
      %dma_start3A_2568 = arith.constant 8 : i32
      %dma_start3A_2569 = arith.constant 240 : i32
      %dma_start3A_2570 = arith.constant 0 : i32
      %dma_start3A_2571 = tpu.memref_slice %arg9[%dma_start3A_2569, %dma_start3A_2570] : memref<400x16xf32, #tpu.memory_space<vmem>> -> memref<80x16xf32, #tpu.memory_space<vmem>>
      %dma_start3A_2572 = arith.constant 0 : i32
      %dma_start3A_2573 = tpu.memref_slice %arg7[%dma_start3A_2568, %dma_start3A_2572] : memref<20x80xi32, #tpu.memory_space<vmem>> -> memref<1x80xi32, #tpu.memory_space<vmem>>
      %dma_start3A_2574 = tpu.memref_squeeze %dma_start3A_2573 : memref<1x80xi32, #tpu.memory_space<vmem>> -> memref<80xi32, #tpu.memory_space<vmem>>
      %dma_start3A_2575 = arith.constant 0 : i32
      %dma_start3A_2576 = arith.constant 0 : i32
      %dma_start3A_2577 = tpu.memref_slice %arg2[%arg0, %dma_start3A_2575, %dma_start3A_2576] : memref<2x100096x16xf32, #tpu.memory_space<hbm>> -> memref<1x100096x16xf32, #tpu.memory_space<hbm>>
      %dma_start3A_2578 = tpu.memref_squeeze %dma_start3A_2577 : memref<1x100096x16xf32, #tpu.memory_space<hbm>> -> memref<100096x16xf32, #tpu.memory_space<hbm>>
      %dma_start3A_2579 = arith.constant 0 : i32
      %dma_start3A_2580 = arith.constant 0 : i32
      %dma_start3A_2581 = tpu.memref_slice %dma_start3A_2578[%dma_start3A_2579, %dma_start3A_2580] : memref<100096x16xf32, #tpu.memory_space<hbm>> -> memref<100096x16xf32, #tpu.memory_space<hbm>>
      tpu.enqueue_indirect_dma source(%dma_start3A_2581 : memref<100096x16xf32, #tpu.memory_space<hbm>>) target(%dma_start3A_2571 : memref<80x16xf32, #tpu.memory_space<vmem>>) offsets(%dma_start3A_2574 : memref<80xi32, #tpu.memory_space<vmem>>) semaphore(%arg14 : memref<!tpu.dma_semaphore, #tpu.memory_space<semaphore_mem>>)
      %dma_start3A_2582 = arith.constant 8 : i32
      %dma_start3A_2583 = arith.constant 240 : i32
      %dma_start3A_2584 = arith.constant 0 : i32
      %dma_start3A_2585 = tpu.memref_slice %arg11[%dma_start3A_2583, %dma_start3A_2584] : memref<400x16xf32, #tpu.memory_space<vmem>> -> memref<80x16xf32, #tpu.memory_space<vmem>>
      %dma_start3A_2586 = arith.constant 0 : i32
      %dma_start3A_2587 = tpu.memref_slice %arg6[%dma_start3A_2582, %dma_start3A_2586] : memref<20x80xi32, #tpu.memory_space<vmem>> -> memref<1x80xi32, #tpu.memory_space<vmem>>
      %dma_start3A_2588 = tpu.memref_squeeze %dma_start3A_2587 : memref<1x80xi32, #tpu.memory_space<vmem>> -> memref<80xi32, #tpu.memory_space<vmem>>
      %dma_start3A_2589 = arith.constant 0 : i32
      %dma_start3A_2590 = arith.constant 0 : i32
      %dma_start3A_2591 = tpu.memref_slice %arg2[%arg0, %dma_start3A_2589, %dma_start3A_2590] : memref<2x100096x16xf32, #tpu.memory_space<hbm>> -> memref<1x100096x16xf32, #tpu.memory_space<hbm>>
      %dma_start3A_2592 = tpu.memref_squeeze %dma_start3A_2591 : memref<1x100096x16xf32, #tpu.memory_space<hbm>> -> memref<100096x16xf32, #tpu.memory_space<hbm>>
      %dma_start3A_2593 = arith.constant 0 : i32
      %dma_start3A_2594 = arith.constant 0 : i32
      %dma_start3A_2595 = tpu.memref_slice %dma_start3A_2592[%dma_start3A_2593, %dma_start3A_2594] : memref<100096x16xf32, #tpu.memory_space<hbm>> -> memref<100096x16xf32, #tpu.memory_space<hbm>>
      tpu.enqueue_indirect_dma source(%dma_start3A_2595 : memref<100096x16xf32, #tpu.memory_space<hbm>>) target(%dma_start3A_2585 : memref<80x16xf32, #tpu.memory_space<vmem>>) offsets(%dma_start3A_2588 : memref<80xi32, #tpu.memory_space<vmem>>) semaphore(%arg14 : memref<!tpu.dma_semaphore, #tpu.memory_space<semaphore_mem>>)
      %dma_start3A_2596 = arith.constant 9 : i32
      %dma_start3A_2597 = arith.constant 320 : i32
      %dma_start3A_2598 = arith.constant 0 : i32
      %dma_start3A_2599 = tpu.memref_slice %arg9[%dma_start3A_2597, %dma_start3A_2598] : memref<400x16xf32, #tpu.memory_space<vmem>> -> memref<80x16xf32, #tpu.memory_space<vmem>>
      %dma_start3A_2600 = arith.constant 0 : i32
      %dma_start3A_2601 = tpu.memref_slice %arg7[%dma_start3A_2596, %dma_start3A_2600] : memref<20x80xi32, #tpu.memory_space<vmem>> -> memref<1x80xi32, #tpu.memory_space<vmem>>
      %dma_start3A_2602 = tpu.memref_squeeze %dma_start3A_2601 : memref<1x80xi32, #tpu.memory_space<vmem>> -> memref<80xi32, #tpu.memory_space<vmem>>
      %dma_start3A_2603 = arith.constant 0 : i32
      %dma_start3A_2604 = arith.constant 0 : i32
      %dma_start3A_2605 = tpu.memref_slice %arg2[%arg0, %dma_start3A_2603, %dma_start3A_2604] : memref<2x100096x16xf32, #tpu.memory_space<hbm>> -> memref<1x100096x16xf32, #tpu.memory_space<hbm>>
      %dma_start3A_2606 = tpu.memref_squeeze %dma_start3A_2605 : memref<1x100096x16xf32, #tpu.memory_space<hbm>> -> memref<100096x16xf32, #tpu.memory_space<hbm>>
      %dma_start3A_2607 = arith.constant 0 : i32
      %dma_start3A_2608 = arith.constant 0 : i32
      %dma_start3A_2609 = tpu.memref_slice %dma_start3A_2606[%dma_start3A_2607, %dma_start3A_2608] : memref<100096x16xf32, #tpu.memory_space<hbm>> -> memref<100096x16xf32, #tpu.memory_space<hbm>>
      tpu.enqueue_indirect_dma source(%dma_start3A_2609 : memref<100096x16xf32, #tpu.memory_space<hbm>>) target(%dma_start3A_2599 : memref<80x16xf32, #tpu.memory_space<vmem>>) offsets(%dma_start3A_2602 : memref<80xi32, #tpu.memory_space<vmem>>) semaphore(%arg14 : memref<!tpu.dma_semaphore, #tpu.memory_space<semaphore_mem>>)
      %dma_start3A_2610 = arith.constant 9 : i32
      %dma_start3A_2611 = arith.constant 320 : i32
      %dma_start3A_2612 = arith.constant 0 : i32
      %dma_start3A_2613 = tpu.memref_slice %arg11[%dma_start3A_2611, %dma_start3A_2612] : memref<400x16xf32, #tpu.memory_space<vmem>> -> memref<80x16xf32, #tpu.memory_space<vmem>>
      %dma_start3A_2614 = arith.constant 0 : i32
      %dma_start3A_2615 = tpu.memref_slice %arg6[%dma_start3A_2610, %dma_start3A_2614] : memref<20x80xi32, #tpu.memory_space<vmem>> -> memref<1x80xi32, #tpu.memory_space<vmem>>
      %dma_start3A_2616 = tpu.memref_squeeze %dma_start3A_2615 : memref<1x80xi32, #tpu.memory_space<vmem>> -> memref<80xi32, #tpu.memory_space<vmem>>
      %dma_start3A_2617 = arith.constant 0 : i32
      %dma_start3A_2618 = arith.constant 0 : i32
      %dma_start3A_2619 = tpu.memref_slice %arg2[%arg0, %dma_start3A_2617, %dma_start3A_2618] : memref<2x100096x16xf32, #tpu.memory_space<hbm>> -> memref<1x100096x16xf32, #tpu.memory_space<hbm>>
      %dma_start3A_2620 = tpu.memref_squeeze %dma_start3A_2619 : memref<1x100096x16xf32, #tpu.memory_space<hbm>> -> memref<100096x16xf32, #tpu.memory_space<hbm>>
      %dma_start3A_2621 = arith.constant 0 : i32
      %dma_start3A_2622 = arith.constant 0 : i32
      %dma_start3A_2623 = tpu.memref_slice %dma_start3A_2620[%dma_start3A_2621, %dma_start3A_2622] : memref<100096x16xf32, #tpu.memory_space<hbm>> -> memref<100096x16xf32, #tpu.memory_space<hbm>>
      tpu.enqueue_indirect_dma source(%dma_start3A_2623 : memref<100096x16xf32, #tpu.memory_space<hbm>>) target(%dma_start3A_2613 : memref<80x16xf32, #tpu.memory_space<vmem>>) offsets(%dma_start3A_2616 : memref<80xi32, #tpu.memory_space<vmem>>) semaphore(%arg14 : memref<!tpu.dma_semaphore, #tpu.memory_space<semaphore_mem>>)
      %add3A_2624 = arith.constant 2 : i32
      %add3A_2625 = arith.addi %add3A_2431, %add3A_2624 : i32
      %mul3A_2626 = arith.constant 1250 : i32
      %mul3A_2627 = arith.muli %arg1, %mul3A_2626 : i32
      %mul3A_2628 = arith.constant 5 : i32
      %mul3A_2629 = arith.muli %add3A_2625, %mul3A_2628 : i32
      %add3A_2630 = arith.addi %mul3A_2627, %mul3A_2629 : i32
      %min3A_2631 = arith.constant 19995 : i32
      %min3A_2632 = arith.minsi %add3A_2630, %min3A_2631 : i32
      %dma_start3A_2633 = arith.constant 15 : i32
      %dma_start3A_2634 = arith.constant 0 : i32
      %dma_start3A_2635 = tpu.memref_slice %arg6[%dma_start3A_2633, %dma_start3A_2634] : memref<20x80xi32, #tpu.memory_space<vmem>> -> memref<5x80xi32, #tpu.memory_space<vmem>>
      %dma_start3A_2636 = arith.constant 0 : i32
      %dma_start3A_2637 = tpu.memref_slice %arg3[%min3A_2632, %dma_start3A_2636] : memref<20000x80xi32, #tpu.memory_space<hbm>> -> memref<5x80xi32, #tpu.memory_space<hbm>>
      %dma_start3A_2638 = arith.constant 15 : i32
      %dma_start3A_2639 = arith.constant 0 : i32
      %dma_start3A_2640 = tpu.memref_slice %arg6[%dma_start3A_2638, %dma_start3A_2639] : memref<20x80xi32, #tpu.memory_space<vmem>> -> memref<5x80xi32, #tpu.memory_space<vmem>>
      %dma_start3A_2641 = arith.constant 0 : i32
      %dma_start3A_2642 = tpu.memref_slice %arg3[%min3A_2632, %dma_start3A_2641] : memref<20000x80xi32, #tpu.memory_space<hbm>> -> memref<5x80xi32, #tpu.memory_space<hbm>>
      tpu.enqueue_dma source(%dma_start3A_2642 : memref<5x80xi32, #tpu.memory_space<hbm>>) target(%dma_start3A_2640 : memref<5x80xi32, #tpu.memory_space<vmem>>) target_semaphore(%arg13 : memref<!tpu.dma_semaphore, #tpu.memory_space<semaphore_mem>>)
      %dma_start3A_2643 = arith.constant 15 : i32
      %dma_start3A_2644 = arith.constant 0 : i32
      %dma_start3A_2645 = tpu.memref_slice %arg7[%dma_start3A_2643, %dma_start3A_2644] : memref<20x80xi32, #tpu.memory_space<vmem>> -> memref<5x80xi32, #tpu.memory_space<vmem>>
      %dma_start3A_2646 = arith.constant 0 : i32
      %dma_start3A_2647 = tpu.memref_slice %arg4[%min3A_2632, %dma_start3A_2646] : memref<20000x80xi32, #tpu.memory_space<hbm>> -> memref<5x80xi32, #tpu.memory_space<hbm>>
      %dma_start3A_2648 = arith.constant 15 : i32
      %dma_start3A_2649 = arith.constant 0 : i32
      %dma_start3A_2650 = tpu.memref_slice %arg7[%dma_start3A_2648, %dma_start3A_2649] : memref<20x80xi32, #tpu.memory_space<vmem>> -> memref<5x80xi32, #tpu.memory_space<vmem>>
      %dma_start3A_2651 = arith.constant 0 : i32
      %dma_start3A_2652 = tpu.memref_slice %arg4[%min3A_2632, %dma_start3A_2651] : memref<20000x80xi32, #tpu.memory_space<hbm>> -> memref<5x80xi32, #tpu.memory_space<hbm>>
      tpu.enqueue_dma source(%dma_start3A_2652 : memref<5x80xi32, #tpu.memory_space<hbm>>) target(%dma_start3A_2650 : memref<5x80xi32, #tpu.memory_space<vmem>>) target_semaphore(%arg13 : memref<!tpu.dma_semaphore, #tpu.memory_space<semaphore_mem>>)
      %dma_wait3A_2653 = arith.constant 5 : i32
      %dma_wait3A_2654 = arith.constant 0 : i32
      %dma_wait3A_2655 = arith.constant 0 : i32
      %dma_wait3A_2656 = tpu.memref_slice %arg9[%dma_wait3A_2654, %dma_wait3A_2655] : memref<400x16xf32, #tpu.memory_space<vmem>> -> memref<80x16xf32, #tpu.memory_space<vmem>>
      %dma_wait3A_2657 = arith.constant 0 : i32
      %dma_wait3A_2658 = tpu.memref_slice %arg7[%dma_wait3A_2653, %dma_wait3A_2657] : memref<20x80xi32, #tpu.memory_space<vmem>> -> memref<1x80xi32, #tpu.memory_space<vmem>>
      %dma_wait3A_2659 = tpu.memref_squeeze %dma_wait3A_2658 : memref<1x80xi32, #tpu.memory_space<vmem>> -> memref<80xi32, #tpu.memory_space<vmem>>
      %dma_wait3A_2660 = arith.constant 0 : i32
      %dma_wait3A_2661 = arith.constant 0 : i32
      %dma_wait3A_2662 = tpu.memref_slice %arg2[%arg0, %dma_wait3A_2660, %dma_wait3A_2661] : memref<2x100096x16xf32, #tpu.memory_space<hbm>> -> memref<1x100096x16xf32, #tpu.memory_space<hbm>>
      %dma_wait3A_2663 = tpu.memref_squeeze %dma_wait3A_2662 : memref<1x100096x16xf32, #tpu.memory_space<hbm>> -> memref<100096x16xf32, #tpu.memory_space<hbm>>
      %dma_wait3A_2664 = arith.constant 0 : i32
      %dma_wait3A_2665 = arith.constant 0 : i32
      %dma_wait3A_2666 = tpu.memref_slice %dma_wait3A_2663[%dma_wait3A_2664, %dma_wait3A_2665] : memref<100096x16xf32, #tpu.memory_space<hbm>> -> memref<100096x16xf32, #tpu.memory_space<hbm>>
      tpu.wait_indirect_dma semaphore(%arg14 : memref<!tpu.dma_semaphore, #tpu.memory_space<semaphore_mem>>) src(%dma_wait3A_2666 : memref<100096x16xf32, #tpu.memory_space<hbm>>) dst(%dma_wait3A_2656 : memref<80x16xf32, #tpu.memory_space<vmem>>)
      %dma_wait3A_2667 = arith.constant 5 : i32
      %dma_wait3A_2668 = arith.constant 0 : i32
      %dma_wait3A_2669 = arith.constant 0 : i32
      %dma_wait3A_2670 = tpu.memref_slice %arg11[%dma_wait3A_2668, %dma_wait3A_2669] : memref<400x16xf32, #tpu.memory_space<vmem>> -> memref<80x16xf32, #tpu.memory_space<vmem>>
      %dma_wait3A_2671 = arith.constant 0 : i32
      %dma_wait3A_2672 = tpu.memref_slice %arg6[%dma_wait3A_2667, %dma_wait3A_2671] : memref<20x80xi32, #tpu.memory_space<vmem>> -> memref<1x80xi32, #tpu.memory_space<vmem>>
      %dma_wait3A_2673 = tpu.memref_squeeze %dma_wait3A_2672 : memref<1x80xi32, #tpu.memory_space<vmem>> -> memref<80xi32, #tpu.memory_space<vmem>>
      %dma_wait3A_2674 = arith.constant 0 : i32
      %dma_wait3A_2675 = arith.constant 0 : i32
      %dma_wait3A_2676 = tpu.memref_slice %arg2[%arg0, %dma_wait3A_2674, %dma_wait3A_2675] : memref<2x100096x16xf32, #tpu.memory_space<hbm>> -> memref<1x100096x16xf32, #tpu.memory_space<hbm>>
      %dma_wait3A_2677 = tpu.memref_squeeze %dma_wait3A_2676 : memref<1x100096x16xf32, #tpu.memory_space<hbm>> -> memref<100096x16xf32, #tpu.memory_space<hbm>>
      %dma_wait3A_2678 = arith.constant 0 : i32
      %dma_wait3A_2679 = arith.constant 0 : i32
      %dma_wait3A_2680 = tpu.memref_slice %dma_wait3A_2677[%dma_wait3A_2678, %dma_wait3A_2679] : memref<100096x16xf32, #tpu.memory_space<hbm>> -> memref<100096x16xf32, #tpu.memory_space<hbm>>
      tpu.wait_indirect_dma semaphore(%arg14 : memref<!tpu.dma_semaphore, #tpu.memory_space<semaphore_mem>>) src(%dma_wait3A_2680 : memref<100096x16xf32, #tpu.memory_space<hbm>>) dst(%dma_wait3A_2670 : memref<80x16xf32, #tpu.memory_space<vmem>>)
      %dma_start3A_2681 = arith.constant 5 : i32
      %dma_start3A_2682 = arith.constant 0 : i32
      %dma_start3A_2683 = arith.constant 0 : i32
      %dma_start3A_2684 = tpu.memref_slice %arg9[%dma_start3A_2682, %dma_start3A_2683] : memref<400x16xf32, #tpu.memory_space<vmem>> -> memref<80x16xf32, #tpu.memory_space<vmem>>
      %dma_start3A_2685 = arith.constant 0 : i32
      %dma_start3A_2686 = tpu.memref_slice %arg6[%dma_start3A_2681, %dma_start3A_2685] : memref<20x80xi32, #tpu.memory_space<vmem>> -> memref<1x80xi32, #tpu.memory_space<vmem>>
      %dma_start3A_2687 = tpu.memref_squeeze %dma_start3A_2686 : memref<1x80xi32, #tpu.memory_space<vmem>> -> memref<80xi32, #tpu.memory_space<vmem>>
      %dma_start3A_2688 = arith.constant 0 : i32
      %dma_start3A_2689 = arith.constant 0 : i32
      %dma_start3A_2690 = tpu.memref_slice %arg12[%dma_start3A_2688, %dma_start3A_2689] : memref<100096x16xf32, #tpu.memory_space<vmem_shared>> -> memref<100096x16xf32, #tpu.memory_space<vmem_shared>>
      tpu.enqueue_indirect_dma source(%dma_start3A_2684 : memref<80x16xf32, #tpu.memory_space<vmem>>) target(%dma_start3A_2690 : memref<100096x16xf32, #tpu.memory_space<vmem_shared>>) offsets(%dma_start3A_2687 : memref<80xi32, #tpu.memory_space<vmem>>) semaphore(%arg16 : memref<!tpu.dma_semaphore, #tpu.memory_space<semaphore_mem>>) {add = true}
      %dma_start3A_2691 = arith.constant 5 : i32
      %dma_start3A_2692 = arith.constant 0 : i32
      %dma_start3A_2693 = arith.constant 0 : i32
      %dma_start3A_2694 = tpu.memref_slice %arg11[%dma_start3A_2692, %dma_start3A_2693] : memref<400x16xf32, #tpu.memory_space<vmem>> -> memref<80x16xf32, #tpu.memory_space<vmem>>
      %dma_start3A_2695 = arith.constant 0 : i32
      %dma_start3A_2696 = tpu.memref_slice %arg7[%dma_start3A_2691, %dma_start3A_2695] : memref<20x80xi32, #tpu.memory_space<vmem>> -> memref<1x80xi32, #tpu.memory_space<vmem>>
      %dma_start3A_2697 = tpu.memref_squeeze %dma_start3A_2696 : memref<1x80xi32, #tpu.memory_space<vmem>> -> memref<80xi32, #tpu.memory_space<vmem>>
      %dma_start3A_2698 = arith.constant 0 : i32
      %dma_start3A_2699 = arith.constant 0 : i32
      %dma_start3A_2700 = tpu.memref_slice %arg12[%dma_start3A_2698, %dma_start3A_2699] : memref<100096x16xf32, #tpu.memory_space<vmem_shared>> -> memref<100096x16xf32, #tpu.memory_space<vmem_shared>>
      tpu.enqueue_indirect_dma source(%dma_start3A_2694 : memref<80x16xf32, #tpu.memory_space<vmem>>) target(%dma_start3A_2700 : memref<100096x16xf32, #tpu.memory_space<vmem_shared>>) offsets(%dma_start3A_2697 : memref<80xi32, #tpu.memory_space<vmem>>) semaphore(%arg16 : memref<!tpu.dma_semaphore, #tpu.memory_space<semaphore_mem>>) {add = true}
      %dma_wait3A_2701 = arith.constant 6 : i32
      %dma_wait3A_2702 = arith.constant 80 : i32
      %dma_wait3A_2703 = arith.constant 0 : i32
      %dma_wait3A_2704 = tpu.memref_slice %arg9[%dma_wait3A_2702, %dma_wait3A_2703] : memref<400x16xf32, #tpu.memory_space<vmem>> -> memref<80x16xf32, #tpu.memory_space<vmem>>
      %dma_wait3A_2705 = arith.constant 0 : i32
      %dma_wait3A_2706 = tpu.memref_slice %arg7[%dma_wait3A_2701, %dma_wait3A_2705] : memref<20x80xi32, #tpu.memory_space<vmem>> -> memref<1x80xi32, #tpu.memory_space<vmem>>
      %dma_wait3A_2707 = tpu.memref_squeeze %dma_wait3A_2706 : memref<1x80xi32, #tpu.memory_space<vmem>> -> memref<80xi32, #tpu.memory_space<vmem>>
      %dma_wait3A_2708 = arith.constant 0 : i32
      %dma_wait3A_2709 = arith.constant 0 : i32
      %dma_wait3A_2710 = tpu.memref_slice %arg2[%arg0, %dma_wait3A_2708, %dma_wait3A_2709] : memref<2x100096x16xf32, #tpu.memory_space<hbm>> -> memref<1x100096x16xf32, #tpu.memory_space<hbm>>
      %dma_wait3A_2711 = tpu.memref_squeeze %dma_wait3A_2710 : memref<1x100096x16xf32, #tpu.memory_space<hbm>> -> memref<100096x16xf32, #tpu.memory_space<hbm>>
      %dma_wait3A_2712 = arith.constant 0 : i32
      %dma_wait3A_2713 = arith.constant 0 : i32
      %dma_wait3A_2714 = tpu.memref_slice %dma_wait3A_2711[%dma_wait3A_2712, %dma_wait3A_2713] : memref<100096x16xf32, #tpu.memory_space<hbm>> -> memref<100096x16xf32, #tpu.memory_space<hbm>>
      tpu.wait_indirect_dma semaphore(%arg14 : memref<!tpu.dma_semaphore, #tpu.memory_space<semaphore_mem>>) src(%dma_wait3A_2714 : memref<100096x16xf32, #tpu.memory_space<hbm>>) dst(%dma_wait3A_2704 : memref<80x16xf32, #tpu.memory_space<vmem>>)
      %dma_wait3A_2715 = arith.constant 6 : i32
      %dma_wait3A_2716 = arith.constant 80 : i32
      %dma_wait3A_2717 = arith.constant 0 : i32
      %dma_wait3A_2718 = tpu.memref_slice %arg11[%dma_wait3A_2716, %dma_wait3A_2717] : memref<400x16xf32, #tpu.memory_space<vmem>> -> memref<80x16xf32, #tpu.memory_space<vmem>>
      %dma_wait3A_2719 = arith.constant 0 : i32
      %dma_wait3A_2720 = tpu.memref_slice %arg6[%dma_wait3A_2715, %dma_wait3A_2719] : memref<20x80xi32, #tpu.memory_space<vmem>> -> memref<1x80xi32, #tpu.memory_space<vmem>>
      %dma_wait3A_2721 = tpu.memref_squeeze %dma_wait3A_2720 : memref<1x80xi32, #tpu.memory_space<vmem>> -> memref<80xi32, #tpu.memory_space<vmem>>
      %dma_wait3A_2722 = arith.constant 0 : i32
      %dma_wait3A_2723 = arith.constant 0 : i32
      %dma_wait3A_2724 = tpu.memref_slice %arg2[%arg0, %dma_wait3A_2722, %dma_wait3A_2723] : memref<2x100096x16xf32, #tpu.memory_space<hbm>> -> memref<1x100096x16xf32, #tpu.memory_space<hbm>>
      %dma_wait3A_2725 = tpu.memref_squeeze %dma_wait3A_2724 : memref<1x100096x16xf32, #tpu.memory_space<hbm>> -> memref<100096x16xf32, #tpu.memory_space<hbm>>
      %dma_wait3A_2726 = arith.constant 0 : i32
      %dma_wait3A_2727 = arith.constant 0 : i32
      %dma_wait3A_2728 = tpu.memref_slice %dma_wait3A_2725[%dma_wait3A_2726, %dma_wait3A_2727] : memref<100096x16xf32, #tpu.memory_space<hbm>> -> memref<100096x16xf32, #tpu.memory_space<hbm>>
      tpu.wait_indirect_dma semaphore(%arg14 : memref<!tpu.dma_semaphore, #tpu.memory_space<semaphore_mem>>) src(%dma_wait3A_2728 : memref<100096x16xf32, #tpu.memory_space<hbm>>) dst(%dma_wait3A_2718 : memref<80x16xf32, #tpu.memory_space<vmem>>)
      %dma_start3A_2729 = arith.constant 6 : i32
      %dma_start3A_2730 = arith.constant 80 : i32
      %dma_start3A_2731 = arith.constant 0 : i32
      %dma_start3A_2732 = tpu.memref_slice %arg9[%dma_start3A_2730, %dma_start3A_2731] : memref<400x16xf32, #tpu.memory_space<vmem>> -> memref<80x16xf32, #tpu.memory_space<vmem>>
      %dma_start3A_2733 = arith.constant 0 : i32
      %dma_start3A_2734 = tpu.memref_slice %arg6[%dma_start3A_2729, %dma_start3A_2733] : memref<20x80xi32, #tpu.memory_space<vmem>> -> memref<1x80xi32, #tpu.memory_space<vmem>>
      %dma_start3A_2735 = tpu.memref_squeeze %dma_start3A_2734 : memref<1x80xi32, #tpu.memory_space<vmem>> -> memref<80xi32, #tpu.memory_space<vmem>>
      %dma_start3A_2736 = arith.constant 0 : i32
      %dma_start3A_2737 = arith.constant 0 : i32
      %dma_start3A_2738 = tpu.memref_slice %arg12[%dma_start3A_2736, %dma_start3A_2737] : memref<100096x16xf32, #tpu.memory_space<vmem_shared>> -> memref<100096x16xf32, #tpu.memory_space<vmem_shared>>
      tpu.enqueue_indirect_dma source(%dma_start3A_2732 : memref<80x16xf32, #tpu.memory_space<vmem>>) target(%dma_start3A_2738 : memref<100096x16xf32, #tpu.memory_space<vmem_shared>>) offsets(%dma_start3A_2735 : memref<80xi32, #tpu.memory_space<vmem>>) semaphore(%arg16 : memref<!tpu.dma_semaphore, #tpu.memory_space<semaphore_mem>>) {add = true}
      %dma_start3A_2739 = arith.constant 6 : i32
      %dma_start3A_2740 = arith.constant 80 : i32
      %dma_start3A_2741 = arith.constant 0 : i32
      %dma_start3A_2742 = tpu.memref_slice %arg11[%dma_start3A_2740, %dma_start3A_2741] : memref<400x16xf32, #tpu.memory_space<vmem>> -> memref<80x16xf32, #tpu.memory_space<vmem>>
      %dma_start3A_2743 = arith.constant 0 : i32
      %dma_start3A_2744 = tpu.memref_slice %arg7[%dma_start3A_2739, %dma_start3A_2743] : memref<20x80xi32, #tpu.memory_space<vmem>> -> memref<1x80xi32, #tpu.memory_space<vmem>>
      %dma_start3A_2745 = tpu.memref_squeeze %dma_start3A_2744 : memref<1x80xi32, #tpu.memory_space<vmem>> -> memref<80xi32, #tpu.memory_space<vmem>>
      %dma_start3A_2746 = arith.constant 0 : i32
      %dma_start3A_2747 = arith.constant 0 : i32
      %dma_start3A_2748 = tpu.memref_slice %arg12[%dma_start3A_2746, %dma_start3A_2747] : memref<100096x16xf32, #tpu.memory_space<vmem_shared>> -> memref<100096x16xf32, #tpu.memory_space<vmem_shared>>
      tpu.enqueue_indirect_dma source(%dma_start3A_2742 : memref<80x16xf32, #tpu.memory_space<vmem>>) target(%dma_start3A_2748 : memref<100096x16xf32, #tpu.memory_space<vmem_shared>>) offsets(%dma_start3A_2745 : memref<80xi32, #tpu.memory_space<vmem>>) semaphore(%arg16 : memref<!tpu.dma_semaphore, #tpu.memory_space<semaphore_mem>>) {add = true}
      %dma_wait3A_2749 = arith.constant 7 : i32
      %dma_wait3A_2750 = arith.constant 160 : i32
      %dma_wait3A_2751 = arith.constant 0 : i32
      %dma_wait3A_2752 = tpu.memref_slice %arg9[%dma_wait3A_2750, %dma_wait3A_2751] : memref<400x16xf32, #tpu.memory_space<vmem>> -> memref<80x16xf32, #tpu.memory_space<vmem>>
      %dma_wait3A_2753 = arith.constant 0 : i32
      %dma_wait3A_2754 = tpu.memref_slice %arg7[%dma_wait3A_2749, %dma_wait3A_2753] : memref<20x80xi32, #tpu.memory_space<vmem>> -> memref<1x80xi32, #tpu.memory_space<vmem>>
      %dma_wait3A_2755 = tpu.memref_squeeze %dma_wait3A_2754 : memref<1x80xi32, #tpu.memory_space<vmem>> -> memref<80xi32, #tpu.memory_space<vmem>>
      %dma_wait3A_2756 = arith.constant 0 : i32
      %dma_wait3A_2757 = arith.constant 0 : i32
      %dma_wait3A_2758 = tpu.memref_slice %arg2[%arg0, %dma_wait3A_2756, %dma_wait3A_2757] : memref<2x100096x16xf32, #tpu.memory_space<hbm>> -> memref<1x100096x16xf32, #tpu.memory_space<hbm>>
      %dma_wait3A_2759 = tpu.memref_squeeze %dma_wait3A_2758 : memref<1x100096x16xf32, #tpu.memory_space<hbm>> -> memref<100096x16xf32, #tpu.memory_space<hbm>>
      %dma_wait3A_2760 = arith.constant 0 : i32
      %dma_wait3A_2761 = arith.constant 0 : i32
      %dma_wait3A_2762 = tpu.memref_slice %dma_wait3A_2759[%dma_wait3A_2760, %dma_wait3A_2761] : memref<100096x16xf32, #tpu.memory_space<hbm>> -> memref<100096x16xf32, #tpu.memory_space<hbm>>
      tpu.wait_indirect_dma semaphore(%arg14 : memref<!tpu.dma_semaphore, #tpu.memory_space<semaphore_mem>>) src(%dma_wait3A_2762 : memref<100096x16xf32, #tpu.memory_space<hbm>>) dst(%dma_wait3A_2752 : memref<80x16xf32, #tpu.memory_space<vmem>>)
      %dma_wait3A_2763 = arith.constant 7 : i32
      %dma_wait3A_2764 = arith.constant 160 : i32
      %dma_wait3A_2765 = arith.constant 0 : i32
      %dma_wait3A_2766 = tpu.memref_slice %arg11[%dma_wait3A_2764, %dma_wait3A_2765] : memref<400x16xf32, #tpu.memory_space<vmem>> -> memref<80x16xf32, #tpu.memory_space<vmem>>
      %dma_wait3A_2767 = arith.constant 0 : i32
      %dma_wait3A_2768 = tpu.memref_slice %arg6[%dma_wait3A_2763, %dma_wait3A_2767] : memref<20x80xi32, #tpu.memory_space<vmem>> -> memref<1x80xi32, #tpu.memory_space<vmem>>
      %dma_wait3A_2769 = tpu.memref_squeeze %dma_wait3A_2768 : memref<1x80xi32, #tpu.memory_space<vmem>> -> memref<80xi32, #tpu.memory_space<vmem>>
      %dma_wait3A_2770 = arith.constant 0 : i32
      %dma_wait3A_2771 = arith.constant 0 : i32
      %dma_wait3A_2772 = tpu.memref_slice %arg2[%arg0, %dma_wait3A_2770, %dma_wait3A_2771] : memref<2x100096x16xf32, #tpu.memory_space<hbm>> -> memref<1x100096x16xf32, #tpu.memory_space<hbm>>
      %dma_wait3A_2773 = tpu.memref_squeeze %dma_wait3A_2772 : memref<1x100096x16xf32, #tpu.memory_space<hbm>> -> memref<100096x16xf32, #tpu.memory_space<hbm>>
      %dma_wait3A_2774 = arith.constant 0 : i32
      %dma_wait3A_2775 = arith.constant 0 : i32
      %dma_wait3A_2776 = tpu.memref_slice %dma_wait3A_2773[%dma_wait3A_2774, %dma_wait3A_2775] : memref<100096x16xf32, #tpu.memory_space<hbm>> -> memref<100096x16xf32, #tpu.memory_space<hbm>>
      tpu.wait_indirect_dma semaphore(%arg14 : memref<!tpu.dma_semaphore, #tpu.memory_space<semaphore_mem>>) src(%dma_wait3A_2776 : memref<100096x16xf32, #tpu.memory_space<hbm>>) dst(%dma_wait3A_2766 : memref<80x16xf32, #tpu.memory_space<vmem>>)
      %dma_start3A_2777 = arith.constant 7 : i32
      %dma_start3A_2778 = arith.constant 160 : i32
      %dma_start3A_2779 = arith.constant 0 : i32
      %dma_start3A_2780 = tpu.memref_slice %arg9[%dma_start3A_2778, %dma_start3A_2779] : memref<400x16xf32, #tpu.memory_space<vmem>> -> memref<80x16xf32, #tpu.memory_space<vmem>>
      %dma_start3A_2781 = arith.constant 0 : i32
      %dma_start3A_2782 = tpu.memref_slice %arg6[%dma_start3A_2777, %dma_start3A_2781] : memref<20x80xi32, #tpu.memory_space<vmem>> -> memref<1x80xi32, #tpu.memory_space<vmem>>
      %dma_start3A_2783 = tpu.memref_squeeze %dma_start3A_2782 : memref<1x80xi32, #tpu.memory_space<vmem>> -> memref<80xi32, #tpu.memory_space<vmem>>
      %dma_start3A_2784 = arith.constant 0 : i32
      %dma_start3A_2785 = arith.constant 0 : i32
      %dma_start3A_2786 = tpu.memref_slice %arg12[%dma_start3A_2784, %dma_start3A_2785] : memref<100096x16xf32, #tpu.memory_space<vmem_shared>> -> memref<100096x16xf32, #tpu.memory_space<vmem_shared>>
      tpu.enqueue_indirect_dma source(%dma_start3A_2780 : memref<80x16xf32, #tpu.memory_space<vmem>>) target(%dma_start3A_2786 : memref<100096x16xf32, #tpu.memory_space<vmem_shared>>) offsets(%dma_start3A_2783 : memref<80xi32, #tpu.memory_space<vmem>>) semaphore(%arg16 : memref<!tpu.dma_semaphore, #tpu.memory_space<semaphore_mem>>) {add = true}
      %dma_start3A_2787 = arith.constant 7 : i32
      %dma_start3A_2788 = arith.constant 160 : i32
      %dma_start3A_2789 = arith.constant 0 : i32
      %dma_start3A_2790 = tpu.memref_slice %arg11[%dma_start3A_2788, %dma_start3A_2789] : memref<400x16xf32, #tpu.memory_space<vmem>> -> memref<80x16xf32, #tpu.memory_space<vmem>>
      %dma_start3A_2791 = arith.constant 0 : i32
      %dma_start3A_2792 = tpu.memref_slice %arg7[%dma_start3A_2787, %dma_start3A_2791] : memref<20x80xi32, #tpu.memory_space<vmem>> -> memref<1x80xi32, #tpu.memory_space<vmem>>
      %dma_start3A_2793 = tpu.memref_squeeze %dma_start3A_2792 : memref<1x80xi32, #tpu.memory_space<vmem>> -> memref<80xi32, #tpu.memory_space<vmem>>
      %dma_start3A_2794 = arith.constant 0 : i32
      %dma_start3A_2795 = arith.constant 0 : i32
      %dma_start3A_2796 = tpu.memref_slice %arg12[%dma_start3A_2794, %dma_start3A_2795] : memref<100096x16xf32, #tpu.memory_space<vmem_shared>> -> memref<100096x16xf32, #tpu.memory_space<vmem_shared>>
      tpu.enqueue_indirect_dma source(%dma_start3A_2790 : memref<80x16xf32, #tpu.memory_space<vmem>>) target(%dma_start3A_2796 : memref<100096x16xf32, #tpu.memory_space<vmem_shared>>) offsets(%dma_start3A_2793 : memref<80xi32, #tpu.memory_space<vmem>>) semaphore(%arg16 : memref<!tpu.dma_semaphore, #tpu.memory_space<semaphore_mem>>) {add = true}
      %dma_wait3A_2797 = arith.constant 8 : i32
      %dma_wait3A_2798 = arith.constant 240 : i32
      %dma_wait3A_2799 = arith.constant 0 : i32
      %dma_wait3A_2800 = tpu.memref_slice %arg9[%dma_wait3A_2798, %dma_wait3A_2799] : memref<400x16xf32, #tpu.memory_space<vmem>> -> memref<80x16xf32, #tpu.memory_space<vmem>>
      %dma_wait3A_2801 = arith.constant 0 : i32
      %dma_wait3A_2802 = tpu.memref_slice %arg7[%dma_wait3A_2797, %dma_wait3A_2801] : memref<20x80xi32, #tpu.memory_space<vmem>> -> memref<1x80xi32, #tpu.memory_space<vmem>>
      %dma_wait3A_2803 = tpu.memref_squeeze %dma_wait3A_2802 : memref<1x80xi32, #tpu.memory_space<vmem>> -> memref<80xi32, #tpu.memory_space<vmem>>
      %dma_wait3A_2804 = arith.constant 0 : i32
      %dma_wait3A_2805 = arith.constant 0 : i32
      %dma_wait3A_2806 = tpu.memref_slice %arg2[%arg0, %dma_wait3A_2804, %dma_wait3A_2805] : memref<2x100096x16xf32, #tpu.memory_space<hbm>> -> memref<1x100096x16xf32, #tpu.memory_space<hbm>>
      %dma_wait3A_2807 = tpu.memref_squeeze %dma_wait3A_2806 : memref<1x100096x16xf32, #tpu.memory_space<hbm>> -> memref<100096x16xf32, #tpu.memory_space<hbm>>
      %dma_wait3A_2808 = arith.constant 0 : i32
      %dma_wait3A_2809 = arith.constant 0 : i32
      %dma_wait3A_2810 = tpu.memref_slice %dma_wait3A_2807[%dma_wait3A_2808, %dma_wait3A_2809] : memref<100096x16xf32, #tpu.memory_space<hbm>> -> memref<100096x16xf32, #tpu.memory_space<hbm>>
      tpu.wait_indirect_dma semaphore(%arg14 : memref<!tpu.dma_semaphore, #tpu.memory_space<semaphore_mem>>) src(%dma_wait3A_2810 : memref<100096x16xf32, #tpu.memory_space<hbm>>) dst(%dma_wait3A_2800 : memref<80x16xf32, #tpu.memory_space<vmem>>)
      %dma_wait3A_2811 = arith.constant 8 : i32
      %dma_wait3A_2812 = arith.constant 240 : i32
      %dma_wait3A_2813 = arith.constant 0 : i32
      %dma_wait3A_2814 = tpu.memref_slice %arg11[%dma_wait3A_2812, %dma_wait3A_2813] : memref<400x16xf32, #tpu.memory_space<vmem>> -> memref<80x16xf32, #tpu.memory_space<vmem>>
      %dma_wait3A_2815 = arith.constant 0 : i32
      %dma_wait3A_2816 = tpu.memref_slice %arg6[%dma_wait3A_2811, %dma_wait3A_2815] : memref<20x80xi32, #tpu.memory_space<vmem>> -> memref<1x80xi32, #tpu.memory_space<vmem>>
      %dma_wait3A_2817 = tpu.memref_squeeze %dma_wait3A_2816 : memref<1x80xi32, #tpu.memory_space<vmem>> -> memref<80xi32, #tpu.memory_space<vmem>>
      %dma_wait3A_2818 = arith.constant 0 : i32
      %dma_wait3A_2819 = arith.constant 0 : i32
      %dma_wait3A_2820 = tpu.memref_slice %arg2[%arg0, %dma_wait3A_2818, %dma_wait3A_2819] : memref<2x100096x16xf32, #tpu.memory_space<hbm>> -> memref<1x100096x16xf32, #tpu.memory_space<hbm>>
      %dma_wait3A_2821 = tpu.memref_squeeze %dma_wait3A_2820 : memref<1x100096x16xf32, #tpu.memory_space<hbm>> -> memref<100096x16xf32, #tpu.memory_space<hbm>>
      %dma_wait3A_2822 = arith.constant 0 : i32
      %dma_wait3A_2823 = arith.constant 0 : i32
      %dma_wait3A_2824 = tpu.memref_slice %dma_wait3A_2821[%dma_wait3A_2822, %dma_wait3A_2823] : memref<100096x16xf32, #tpu.memory_space<hbm>> -> memref<100096x16xf32, #tpu.memory_space<hbm>>
      tpu.wait_indirect_dma semaphore(%arg14 : memref<!tpu.dma_semaphore, #tpu.memory_space<semaphore_mem>>) src(%dma_wait3A_2824 : memref<100096x16xf32, #tpu.memory_space<hbm>>) dst(%dma_wait3A_2814 : memref<80x16xf32, #tpu.memory_space<vmem>>)
      %dma_start3A_2825 = arith.constant 8 : i32
      %dma_start3A_2826 = arith.constant 240 : i32
      %dma_start3A_2827 = arith.constant 0 : i32
      %dma_start3A_2828 = tpu.memref_slice %arg9[%dma_start3A_2826, %dma_start3A_2827] : memref<400x16xf32, #tpu.memory_space<vmem>> -> memref<80x16xf32, #tpu.memory_space<vmem>>
      %dma_start3A_2829 = arith.constant 0 : i32
      %dma_start3A_2830 = tpu.memref_slice %arg6[%dma_start3A_2825, %dma_start3A_2829] : memref<20x80xi32, #tpu.memory_space<vmem>> -> memref<1x80xi32, #tpu.memory_space<vmem>>
      %dma_start3A_2831 = tpu.memref_squeeze %dma_start3A_2830 : memref<1x80xi32, #tpu.memory_space<vmem>> -> memref<80xi32, #tpu.memory_space<vmem>>
      %dma_start3A_2832 = arith.constant 0 : i32
      %dma_start3A_2833 = arith.constant 0 : i32
      %dma_start3A_2834 = tpu.memref_slice %arg12[%dma_start3A_2832, %dma_start3A_2833] : memref<100096x16xf32, #tpu.memory_space<vmem_shared>> -> memref<100096x16xf32, #tpu.memory_space<vmem_shared>>
      tpu.enqueue_indirect_dma source(%dma_start3A_2828 : memref<80x16xf32, #tpu.memory_space<vmem>>) target(%dma_start3A_2834 : memref<100096x16xf32, #tpu.memory_space<vmem_shared>>) offsets(%dma_start3A_2831 : memref<80xi32, #tpu.memory_space<vmem>>) semaphore(%arg16 : memref<!tpu.dma_semaphore, #tpu.memory_space<semaphore_mem>>) {add = true}
      %dma_start3A_2835 = arith.constant 8 : i32
      %dma_start3A_2836 = arith.constant 240 : i32
      %dma_start3A_2837 = arith.constant 0 : i32
      %dma_start3A_2838 = tpu.memref_slice %arg11[%dma_start3A_2836, %dma_start3A_2837] : memref<400x16xf32, #tpu.memory_space<vmem>> -> memref<80x16xf32, #tpu.memory_space<vmem>>
      %dma_start3A_2839 = arith.constant 0 : i32
      %dma_start3A_2840 = tpu.memref_slice %arg7[%dma_start3A_2835, %dma_start3A_2839] : memref<20x80xi32, #tpu.memory_space<vmem>> -> memref<1x80xi32, #tpu.memory_space<vmem>>
      %dma_start3A_2841 = tpu.memref_squeeze %dma_start3A_2840 : memref<1x80xi32, #tpu.memory_space<vmem>> -> memref<80xi32, #tpu.memory_space<vmem>>
      %dma_start3A_2842 = arith.constant 0 : i32
      %dma_start3A_2843 = arith.constant 0 : i32
      %dma_start3A_2844 = tpu.memref_slice %arg12[%dma_start3A_2842, %dma_start3A_2843] : memref<100096x16xf32, #tpu.memory_space<vmem_shared>> -> memref<100096x16xf32, #tpu.memory_space<vmem_shared>>
      tpu.enqueue_indirect_dma source(%dma_start3A_2838 : memref<80x16xf32, #tpu.memory_space<vmem>>) target(%dma_start3A_2844 : memref<100096x16xf32, #tpu.memory_space<vmem_shared>>) offsets(%dma_start3A_2841 : memref<80xi32, #tpu.memory_space<vmem>>) semaphore(%arg16 : memref<!tpu.dma_semaphore, #tpu.memory_space<semaphore_mem>>) {add = true}
      %dma_wait3A_2845 = arith.constant 9 : i32
      %dma_wait3A_2846 = arith.constant 320 : i32
      %dma_wait3A_2847 = arith.constant 0 : i32
      %dma_wait3A_2848 = tpu.memref_slice %arg9[%dma_wait3A_2846, %dma_wait3A_2847] : memref<400x16xf32, #tpu.memory_space<vmem>> -> memref<80x16xf32, #tpu.memory_space<vmem>>
      %dma_wait3A_2849 = arith.constant 0 : i32
      %dma_wait3A_2850 = tpu.memref_slice %arg7[%dma_wait3A_2845, %dma_wait3A_2849] : memref<20x80xi32, #tpu.memory_space<vmem>> -> memref<1x80xi32, #tpu.memory_space<vmem>>
      %dma_wait3A_2851 = tpu.memref_squeeze %dma_wait3A_2850 : memref<1x80xi32, #tpu.memory_space<vmem>> -> memref<80xi32, #tpu.memory_space<vmem>>
      %dma_wait3A_2852 = arith.constant 0 : i32
      %dma_wait3A_2853 = arith.constant 0 : i32
      %dma_wait3A_2854 = tpu.memref_slice %arg2[%arg0, %dma_wait3A_2852, %dma_wait3A_2853] : memref<2x100096x16xf32, #tpu.memory_space<hbm>> -> memref<1x100096x16xf32, #tpu.memory_space<hbm>>
      %dma_wait3A_2855 = tpu.memref_squeeze %dma_wait3A_2854 : memref<1x100096x16xf32, #tpu.memory_space<hbm>> -> memref<100096x16xf32, #tpu.memory_space<hbm>>
      %dma_wait3A_2856 = arith.constant 0 : i32
      %dma_wait3A_2857 = arith.constant 0 : i32
      %dma_wait3A_2858 = tpu.memref_slice %dma_wait3A_2855[%dma_wait3A_2856, %dma_wait3A_2857] : memref<100096x16xf32, #tpu.memory_space<hbm>> -> memref<100096x16xf32, #tpu.memory_space<hbm>>
      tpu.wait_indirect_dma semaphore(%arg14 : memref<!tpu.dma_semaphore, #tpu.memory_space<semaphore_mem>>) src(%dma_wait3A_2858 : memref<100096x16xf32, #tpu.memory_space<hbm>>) dst(%dma_wait3A_2848 : memref<80x16xf32, #tpu.memory_space<vmem>>)
      %dma_wait3A_2859 = arith.constant 9 : i32
      %dma_wait3A_2860 = arith.constant 320 : i32
      %dma_wait3A_2861 = arith.constant 0 : i32
      %dma_wait3A_2862 = tpu.memref_slice %arg11[%dma_wait3A_2860, %dma_wait3A_2861] : memref<400x16xf32, #tpu.memory_space<vmem>> -> memref<80x16xf32, #tpu.memory_space<vmem>>
      %dma_wait3A_2863 = arith.constant 0 : i32
      %dma_wait3A_2864 = tpu.memref_slice %arg6[%dma_wait3A_2859, %dma_wait3A_2863] : memref<20x80xi32, #tpu.memory_space<vmem>> -> memref<1x80xi32, #tpu.memory_space<vmem>>
      %dma_wait3A_2865 = tpu.memref_squeeze %dma_wait3A_2864 : memref<1x80xi32, #tpu.memory_space<vmem>> -> memref<80xi32, #tpu.memory_space<vmem>>
      %dma_wait3A_2866 = arith.constant 0 : i32
      %dma_wait3A_2867 = arith.constant 0 : i32
      %dma_wait3A_2868 = tpu.memref_slice %arg2[%arg0, %dma_wait3A_2866, %dma_wait3A_2867] : memref<2x100096x16xf32, #tpu.memory_space<hbm>> -> memref<1x100096x16xf32, #tpu.memory_space<hbm>>
      %dma_wait3A_2869 = tpu.memref_squeeze %dma_wait3A_2868 : memref<1x100096x16xf32, #tpu.memory_space<hbm>> -> memref<100096x16xf32, #tpu.memory_space<hbm>>
      %dma_wait3A_2870 = arith.constant 0 : i32
      %dma_wait3A_2871 = arith.constant 0 : i32
      %dma_wait3A_2872 = tpu.memref_slice %dma_wait3A_2869[%dma_wait3A_2870, %dma_wait3A_2871] : memref<100096x16xf32, #tpu.memory_space<hbm>> -> memref<100096x16xf32, #tpu.memory_space<hbm>>
      tpu.wait_indirect_dma semaphore(%arg14 : memref<!tpu.dma_semaphore, #tpu.memory_space<semaphore_mem>>) src(%dma_wait3A_2872 : memref<100096x16xf32, #tpu.memory_space<hbm>>) dst(%dma_wait3A_2862 : memref<80x16xf32, #tpu.memory_space<vmem>>)
      %dma_start3A_2873 = arith.constant 9 : i32
      %dma_start3A_2874 = arith.constant 320 : i32
      %dma_start3A_2875 = arith.constant 0 : i32
      %dma_start3A_2876 = tpu.memref_slice %arg9[%dma_start3A_2874, %dma_start3A_2875] : memref<400x16xf32, #tpu.memory_space<vmem>> -> memref<80x16xf32, #tpu.memory_space<vmem>>
      %dma_start3A_2877 = arith.constant 0 : i32
      %dma_start3A_2878 = tpu.memref_slice %arg6[%dma_start3A_2873, %dma_start3A_2877] : memref<20x80xi32, #tpu.memory_space<vmem>> -> memref<1x80xi32, #tpu.memory_space<vmem>>
      %dma_start3A_2879 = tpu.memref_squeeze %dma_start3A_2878 : memref<1x80xi32, #tpu.memory_space<vmem>> -> memref<80xi32, #tpu.memory_space<vmem>>
      %dma_start3A_2880 = arith.constant 0 : i32
      %dma_start3A_2881 = arith.constant 0 : i32
      %dma_start3A_2882 = tpu.memref_slice %arg12[%dma_start3A_2880, %dma_start3A_2881] : memref<100096x16xf32, #tpu.memory_space<vmem_shared>> -> memref<100096x16xf32, #tpu.memory_space<vmem_shared>>
      tpu.enqueue_indirect_dma source(%dma_start3A_2876 : memref<80x16xf32, #tpu.memory_space<vmem>>) target(%dma_start3A_2882 : memref<100096x16xf32, #tpu.memory_space<vmem_shared>>) offsets(%dma_start3A_2879 : memref<80xi32, #tpu.memory_space<vmem>>) semaphore(%arg16 : memref<!tpu.dma_semaphore, #tpu.memory_space<semaphore_mem>>) {add = true}
      %dma_start3A_2883 = arith.constant 9 : i32
      %dma_start3A_2884 = arith.constant 320 : i32
      %dma_start3A_2885 = arith.constant 0 : i32
      %dma_start3A_2886 = tpu.memref_slice %arg11[%dma_start3A_2884, %dma_start3A_2885] : memref<400x16xf32, #tpu.memory_space<vmem>> -> memref<80x16xf32, #tpu.memory_space<vmem>>
      %dma_start3A_2887 = arith.constant 0 : i32
      %dma_start3A_2888 = tpu.memref_slice %arg7[%dma_start3A_2883, %dma_start3A_2887] : memref<20x80xi32, #tpu.memory_space<vmem>> -> memref<1x80xi32, #tpu.memory_space<vmem>>
      %dma_start3A_2889 = tpu.memref_squeeze %dma_start3A_2888 : memref<1x80xi32, #tpu.memory_space<vmem>> -> memref<80xi32, #tpu.memory_space<vmem>>
      %dma_start3A_2890 = arith.constant 0 : i32
      %dma_start3A_2891 = arith.constant 0 : i32
      %dma_start3A_2892 = tpu.memref_slice %arg12[%dma_start3A_2890, %dma_start3A_2891] : memref<100096x16xf32, #tpu.memory_space<vmem_shared>> -> memref<100096x16xf32, #tpu.memory_space<vmem_shared>>
      tpu.enqueue_indirect_dma source(%dma_start3A_2886 : memref<80x16xf32, #tpu.memory_space<vmem>>) target(%dma_start3A_2892 : memref<100096x16xf32, #tpu.memory_space<vmem_shared>>) offsets(%dma_start3A_2889 : memref<80xi32, #tpu.memory_space<vmem>>) semaphore(%arg16 : memref<!tpu.dma_semaphore, #tpu.memory_space<semaphore_mem>>) {add = true}
    }
    %scan3A_924 = arith.constant 62 : i32
    %dma_wait3A_925 = arith.constant 0 : i32
    %dma_wait3A_926 = arith.constant 0 : i32
    %dma_wait3A_927 = tpu.memref_slice %arg2[%arg0, %dma_wait3A_925, %dma_wait3A_926] : memref<2x100096x16xf32, #tpu.memory_space<hbm>> -> memref<1x100096x16xf32, #tpu.memory_space<hbm>>
    %dma_wait3A_928 = tpu.memref_squeeze %dma_wait3A_927 : memref<1x100096x16xf32, #tpu.memory_space<hbm>> -> memref<100096x16xf32, #tpu.memory_space<hbm>>
    %dma_wait3A_929 = arith.constant 0 : i32
    %dma_wait3A_930 = arith.constant 0 : i32
    %dma_wait3A_931 = tpu.memref_slice %dma_wait3A_928[%dma_wait3A_929, %dma_wait3A_930] : memref<100096x16xf32, #tpu.memory_space<hbm>> -> memref<400x16xf32, #tpu.memory_space<hbm>>
    %dma_wait3A_932 = arith.constant 0 : i32
    %dma_wait3A_933 = arith.constant 0 : i32
    %dma_wait3A_934 = tpu.memref_slice %arg2[%arg0, %dma_wait3A_932, %dma_wait3A_933] : memref<2x100096x16xf32, #tpu.memory_space<hbm>> -> memref<1x100096x16xf32, #tpu.memory_space<hbm>>
    %dma_wait3A_935 = tpu.memref_squeeze %dma_wait3A_934 : memref<1x100096x16xf32, #tpu.memory_space<hbm>> -> memref<100096x16xf32, #tpu.memory_space<hbm>>
    %dma_wait3A_936 = arith.constant 0 : i32
    %dma_wait3A_937 = arith.constant 0 : i32
    %dma_wait3A_938 = tpu.memref_slice %dma_wait3A_935[%dma_wait3A_936, %dma_wait3A_937] : memref<100096x16xf32, #tpu.memory_space<hbm>> -> memref<400x16xf32, #tpu.memory_space<hbm>>
    tpu.wait_dma2 semaphore(%arg15 : memref<!tpu.dma_semaphore, #tpu.memory_space<semaphore_mem>>) src(%dma_wait3A_938 : memref<400x16xf32, #tpu.memory_space<hbm>>) dst(%arg8 : memref<400x16xf32, #tpu.memory_space<vmem>>)
    %dma_wait3A_939 = arith.constant 0 : i32
    %dma_wait3A_940 = arith.constant 0 : i32
    %dma_wait3A_941 = tpu.memref_slice %arg2[%arg0, %dma_wait3A_939, %dma_wait3A_940] : memref<2x100096x16xf32, #tpu.memory_space<hbm>> -> memref<1x100096x16xf32, #tpu.memory_space<hbm>>
    %dma_wait3A_942 = tpu.memref_squeeze %dma_wait3A_941 : memref<1x100096x16xf32, #tpu.memory_space<hbm>> -> memref<100096x16xf32, #tpu.memory_space<hbm>>
    %dma_wait3A_943 = arith.constant 0 : i32
    %dma_wait3A_944 = arith.constant 0 : i32
    %dma_wait3A_945 = tpu.memref_slice %dma_wait3A_942[%dma_wait3A_943, %dma_wait3A_944] : memref<100096x16xf32, #tpu.memory_space<hbm>> -> memref<400x16xf32, #tpu.memory_space<hbm>>
    %dma_wait3A_946 = arith.constant 0 : i32
    %dma_wait3A_947 = arith.constant 0 : i32
    %dma_wait3A_948 = tpu.memref_slice %arg2[%arg0, %dma_wait3A_946, %dma_wait3A_947] : memref<2x100096x16xf32, #tpu.memory_space<hbm>> -> memref<1x100096x16xf32, #tpu.memory_space<hbm>>
    %dma_wait3A_949 = tpu.memref_squeeze %dma_wait3A_948 : memref<1x100096x16xf32, #tpu.memory_space<hbm>> -> memref<100096x16xf32, #tpu.memory_space<hbm>>
    %dma_wait3A_950 = arith.constant 0 : i32
    %dma_wait3A_951 = arith.constant 0 : i32
    %dma_wait3A_952 = tpu.memref_slice %dma_wait3A_949[%dma_wait3A_950, %dma_wait3A_951] : memref<100096x16xf32, #tpu.memory_space<hbm>> -> memref<400x16xf32, #tpu.memory_space<hbm>>
    tpu.wait_dma2 semaphore(%arg15 : memref<!tpu.dma_semaphore, #tpu.memory_space<semaphore_mem>>) src(%dma_wait3A_952 : memref<400x16xf32, #tpu.memory_space<hbm>>) dst(%arg10 : memref<400x16xf32, #tpu.memory_space<vmem>>)
    %dma_wait3A_953 = arith.constant 0 : i32
    %dma_wait3A_954 = arith.constant 0 : i32
    %dma_wait3A_955 = tpu.memref_slice %arg2[%arg0, %dma_wait3A_953, %dma_wait3A_954] : memref<2x100096x16xf32, #tpu.memory_space<hbm>> -> memref<1x100096x16xf32, #tpu.memory_space<hbm>>
    %dma_wait3A_956 = tpu.memref_squeeze %dma_wait3A_955 : memref<1x100096x16xf32, #tpu.memory_space<hbm>> -> memref<100096x16xf32, #tpu.memory_space<hbm>>
    %dma_wait3A_957 = arith.constant 0 : i32
    %dma_wait3A_958 = arith.constant 0 : i32
    %dma_wait3A_959 = tpu.memref_slice %dma_wait3A_956[%dma_wait3A_957, %dma_wait3A_958] : memref<100096x16xf32, #tpu.memory_space<hbm>> -> memref<400x16xf32, #tpu.memory_space<hbm>>
    %dma_wait3A_960 = arith.constant 0 : i32
    %dma_wait3A_961 = arith.constant 0 : i32
    %dma_wait3A_962 = tpu.memref_slice %arg2[%arg0, %dma_wait3A_960, %dma_wait3A_961] : memref<2x100096x16xf32, #tpu.memory_space<hbm>> -> memref<1x100096x16xf32, #tpu.memory_space<hbm>>
    %dma_wait3A_963 = tpu.memref_squeeze %dma_wait3A_962 : memref<1x100096x16xf32, #tpu.memory_space<hbm>> -> memref<100096x16xf32, #tpu.memory_space<hbm>>
    %dma_wait3A_964 = arith.constant 0 : i32
    %dma_wait3A_965 = arith.constant 0 : i32
    %dma_wait3A_966 = tpu.memref_slice %dma_wait3A_963[%dma_wait3A_964, %dma_wait3A_965] : memref<100096x16xf32, #tpu.memory_space<hbm>> -> memref<400x16xf32, #tpu.memory_space<hbm>>
    tpu.wait_dma2 semaphore(%arg16 : memref<!tpu.dma_semaphore, #tpu.memory_space<semaphore_mem>>) src(%dma_wait3A_966 : memref<400x16xf32, #tpu.memory_space<hbm>>) dst(%arg9 : memref<400x16xf32, #tpu.memory_space<vmem>>)
    %dma_wait3A_967 = arith.constant 0 : i32
    %dma_wait3A_968 = arith.constant 0 : i32
    %dma_wait3A_969 = tpu.memref_slice %arg2[%arg0, %dma_wait3A_967, %dma_wait3A_968] : memref<2x100096x16xf32, #tpu.memory_space<hbm>> -> memref<1x100096x16xf32, #tpu.memory_space<hbm>>
    %dma_wait3A_970 = tpu.memref_squeeze %dma_wait3A_969 : memref<1x100096x16xf32, #tpu.memory_space<hbm>> -> memref<100096x16xf32, #tpu.memory_space<hbm>>
    %dma_wait3A_971 = arith.constant 0 : i32
    %dma_wait3A_972 = arith.constant 0 : i32
    %dma_wait3A_973 = tpu.memref_slice %dma_wait3A_970[%dma_wait3A_971, %dma_wait3A_972] : memref<100096x16xf32, #tpu.memory_space<hbm>> -> memref<400x16xf32, #tpu.memory_space<hbm>>
    %dma_wait3A_974 = arith.constant 0 : i32
    %dma_wait3A_975 = arith.constant 0 : i32
    %dma_wait3A_976 = tpu.memref_slice %arg2[%arg0, %dma_wait3A_974, %dma_wait3A_975] : memref<2x100096x16xf32, #tpu.memory_space<hbm>> -> memref<1x100096x16xf32, #tpu.memory_space<hbm>>
    %dma_wait3A_977 = tpu.memref_squeeze %dma_wait3A_976 : memref<1x100096x16xf32, #tpu.memory_space<hbm>> -> memref<100096x16xf32, #tpu.memory_space<hbm>>
    %dma_wait3A_978 = arith.constant 0 : i32
    %dma_wait3A_979 = arith.constant 0 : i32
    %dma_wait3A_980 = tpu.memref_slice %dma_wait3A_977[%dma_wait3A_978, %dma_wait3A_979] : memref<100096x16xf32, #tpu.memory_space<hbm>> -> memref<400x16xf32, #tpu.memory_space<hbm>>
    tpu.wait_dma2 semaphore(%arg16 : memref<!tpu.dma_semaphore, #tpu.memory_space<semaphore_mem>>) src(%dma_wait3A_980 : memref<400x16xf32, #tpu.memory_space<hbm>>) dst(%arg11 : memref<400x16xf32, #tpu.memory_space<vmem>>)
    %dma_wait3A_981 = arith.constant 0 : i32
    %dma_wait3A_982 = arith.constant 0 : i32
    %dma_wait3A_983 = tpu.memref_slice %arg6[%dma_wait3A_981, %dma_wait3A_982] : memref<20x80xi32, #tpu.memory_space<vmem>> -> memref<5x80xi32, #tpu.memory_space<vmem>>
    %dma_wait3A_984 = arith.constant 0 : i32
    %dma_wait3A_985 = arith.constant 0 : i32
    %dma_wait3A_986 = tpu.memref_slice %arg3[%dma_wait3A_984, %dma_wait3A_985] : memref<20000x80xi32, #tpu.memory_space<hbm>> -> memref<5x80xi32, #tpu.memory_space<hbm>>
    %dma_wait3A_987 = arith.constant 0 : i32
    %dma_wait3A_988 = arith.constant 0 : i32
    %dma_wait3A_989 = tpu.memref_slice %arg6[%dma_wait3A_987, %dma_wait3A_988] : memref<20x80xi32, #tpu.memory_space<vmem>> -> memref<5x80xi32, #tpu.memory_space<vmem>>
    %dma_wait3A_990 = arith.constant 0 : i32
    %dma_wait3A_991 = arith.constant 0 : i32
    %dma_wait3A_992 = tpu.memref_slice %arg3[%dma_wait3A_990, %dma_wait3A_991] : memref<20000x80xi32, #tpu.memory_space<hbm>> -> memref<5x80xi32, #tpu.memory_space<hbm>>
    tpu.wait_dma2 semaphore(%arg13 : memref<!tpu.dma_semaphore, #tpu.memory_space<semaphore_mem>>) src(%dma_wait3A_992 : memref<5x80xi32, #tpu.memory_space<hbm>>) dst(%dma_wait3A_989 : memref<5x80xi32, #tpu.memory_space<vmem>>)
    %dma_wait3A_993 = arith.constant 0 : i32
    %dma_wait3A_994 = arith.constant 0 : i32
    %dma_wait3A_995 = tpu.memref_slice %arg7[%dma_wait3A_993, %dma_wait3A_994] : memref<20x80xi32, #tpu.memory_space<vmem>> -> memref<5x80xi32, #tpu.memory_space<vmem>>
    %dma_wait3A_996 = arith.constant 0 : i32
    %dma_wait3A_997 = arith.constant 0 : i32
    %dma_wait3A_998 = tpu.memref_slice %arg4[%dma_wait3A_996, %dma_wait3A_997] : memref<20000x80xi32, #tpu.memory_space<hbm>> -> memref<5x80xi32, #tpu.memory_space<hbm>>
    %dma_wait3A_999 = arith.constant 0 : i32
    %dma_wait3A_1000 = arith.constant 0 : i32
    %dma_wait3A_1001 = tpu.memref_slice %arg7[%dma_wait3A_999, %dma_wait3A_1000] : memref<20x80xi32, #tpu.memory_space<vmem>> -> memref<5x80xi32, #tpu.memory_space<vmem>>
    %dma_wait3A_1002 = arith.constant 0 : i32
    %dma_wait3A_1003 = arith.constant 0 : i32
    %dma_wait3A_1004 = tpu.memref_slice %arg4[%dma_wait3A_1002, %dma_wait3A_1003] : memref<20000x80xi32, #tpu.memory_space<hbm>> -> memref<5x80xi32, #tpu.memory_space<hbm>>
    tpu.wait_dma2 semaphore(%arg13 : memref<!tpu.dma_semaphore, #tpu.memory_space<semaphore_mem>>) src(%dma_wait3A_1004 : memref<5x80xi32, #tpu.memory_space<hbm>>) dst(%dma_wait3A_1001 : memref<5x80xi32, #tpu.memory_space<vmem>>)
    %dma_wait3A_1005 = arith.constant 0 : i32
    %dma_wait3A_1006 = arith.constant 0 : i32
    %dma_wait3A_1007 = tpu.memref_slice %arg6[%dma_wait3A_1005, %dma_wait3A_1006] : memref<20x80xi32, #tpu.memory_space<vmem>> -> memref<5x80xi32, #tpu.memory_space<vmem>>
    %dma_wait3A_1008 = arith.constant 0 : i32
    %dma_wait3A_1009 = arith.constant 0 : i32
    %dma_wait3A_1010 = tpu.memref_slice %arg3[%dma_wait3A_1008, %dma_wait3A_1009] : memref<20000x80xi32, #tpu.memory_space<hbm>> -> memref<5x80xi32, #tpu.memory_space<hbm>>
    %dma_wait3A_1011 = arith.constant 0 : i32
    %dma_wait3A_1012 = arith.constant 0 : i32
    %dma_wait3A_1013 = tpu.memref_slice %arg6[%dma_wait3A_1011, %dma_wait3A_1012] : memref<20x80xi32, #tpu.memory_space<vmem>> -> memref<5x80xi32, #tpu.memory_space<vmem>>
    %dma_wait3A_1014 = arith.constant 0 : i32
    %dma_wait3A_1015 = arith.constant 0 : i32
    %dma_wait3A_1016 = tpu.memref_slice %arg3[%dma_wait3A_1014, %dma_wait3A_1015] : memref<20000x80xi32, #tpu.memory_space<hbm>> -> memref<5x80xi32, #tpu.memory_space<hbm>>
    tpu.wait_dma2 semaphore(%arg13 : memref<!tpu.dma_semaphore, #tpu.memory_space<semaphore_mem>>) src(%dma_wait3A_1016 : memref<5x80xi32, #tpu.memory_space<hbm>>) dst(%dma_wait3A_1013 : memref<5x80xi32, #tpu.memory_space<vmem>>)
    %dma_wait3A_1017 = arith.constant 0 : i32
    %dma_wait3A_1018 = arith.constant 0 : i32
    %dma_wait3A_1019 = tpu.memref_slice %arg7[%dma_wait3A_1017, %dma_wait3A_1018] : memref<20x80xi32, #tpu.memory_space<vmem>> -> memref<5x80xi32, #tpu.memory_space<vmem>>
    %dma_wait3A_1020 = arith.constant 0 : i32
    %dma_wait3A_1021 = arith.constant 0 : i32
    %dma_wait3A_1022 = tpu.memref_slice %arg4[%dma_wait3A_1020, %dma_wait3A_1021] : memref<20000x80xi32, #tpu.memory_space<hbm>> -> memref<5x80xi32, #tpu.memory_space<hbm>>
    %dma_wait3A_1023 = arith.constant 0 : i32
    %dma_wait3A_1024 = arith.constant 0 : i32
    %dma_wait3A_1025 = tpu.memref_slice %arg7[%dma_wait3A_1023, %dma_wait3A_1024] : memref<20x80xi32, #tpu.memory_space<vmem>> -> memref<5x80xi32, #tpu.memory_space<vmem>>
    %dma_wait3A_1026 = arith.constant 0 : i32
    %dma_wait3A_1027 = arith.constant 0 : i32
    %dma_wait3A_1028 = tpu.memref_slice %arg4[%dma_wait3A_1026, %dma_wait3A_1027] : memref<20000x80xi32, #tpu.memory_space<hbm>> -> memref<5x80xi32, #tpu.memory_space<hbm>>
    tpu.wait_dma2 semaphore(%arg13 : memref<!tpu.dma_semaphore, #tpu.memory_space<semaphore_mem>>) src(%dma_wait3A_1028 : memref<5x80xi32, #tpu.memory_space<hbm>>) dst(%dma_wait3A_1025 : memref<5x80xi32, #tpu.memory_space<vmem>>)
    %barrier3A_1029 = arith.constant 0 : index
    tpu.barrier barrier_id(%barrier3A_1029)
    %scan3A_1030 = arith.constant 0 : i32
    %scan3A_1031 = arith.constant 0 : i32
    %scan3A_1032 = arith.constant 17 : i32
    %scan3A_1033 = arith.addi %scan3A_1031, %scan3A_1032 : i32
    %scan3A_1034 = arith.constant 1 : i32
    scf.for %scan3A_1036 = %scan3A_1031 to %scan3A_1033 step %scan3A_1034  : i32 {
      %mul3A_1037 = arith.constant 6256 : i32
      %mul3A_1038 = arith.muli %arg1, %mul3A_1037 : i32
      %mul3A_1039 = arith.constant 368 : i32
      %mul3A_1040 = arith.muli %scan3A_1036, %mul3A_1039 : i32
      %add3A_1041 = arith.addi %mul3A_1038, %mul3A_1040 : i32
      %dma_start3A_1042 = arith.constant 0 : i32
      %dma_start3A_1043 = arith.constant 0 : i32
      %dma_start3A_1044 = tpu.memref_slice %arg8[%dma_start3A_1042, %dma_start3A_1043] : memref<400x16xf32, #tpu.memory_space<vmem>> -> memref<368x16xf32, #tpu.memory_space<vmem>>
      %dma_start3A_1045 = arith.constant 0 : i32
      %dma_start3A_1046 = tpu.memref_slice %arg12[%add3A_1041, %dma_start3A_1045] : memref<100096x16xf32, #tpu.memory_space<vmem_shared>> -> memref<368x16xf32, #tpu.memory_space<vmem_shared>>
      %dma_start3A_1047 = arith.constant 0 : i32
      %dma_start3A_1048 = arith.constant 0 : i32
      %dma_start3A_1049 = tpu.memref_slice %arg8[%dma_start3A_1047, %dma_start3A_1048] : memref<400x16xf32, #tpu.memory_space<vmem>> -> memref<368x16xf32, #tpu.memory_space<vmem>>
      %dma_start3A_1050 = arith.constant 0 : i32
      %dma_start3A_1051 = tpu.memref_slice %arg12[%add3A_1041, %dma_start3A_1050] : memref<100096x16xf32, #tpu.memory_space<vmem_shared>> -> memref<368x16xf32, #tpu.memory_space<vmem_shared>>
      tpu.enqueue_dma source(%dma_start3A_1051 : memref<368x16xf32, #tpu.memory_space<vmem_shared>>) target(%dma_start3A_1049 : memref<368x16xf32, #tpu.memory_space<vmem>>) target_semaphore(%arg13 : memref<!tpu.dma_semaphore, #tpu.memory_space<semaphore_mem>>)
      %dma_start3A_1052 = arith.constant 0 : i32
      %dma_start3A_1053 = arith.constant 0 : i32
      %dma_start3A_1054 = tpu.memref_slice %arg10[%dma_start3A_1052, %dma_start3A_1053] : memref<400x16xf32, #tpu.memory_space<vmem>> -> memref<368x16xf32, #tpu.memory_space<vmem>>
      %dma_start3A_1055 = arith.constant 0 : i32
      %dma_start3A_1056 = arith.constant 0 : i32
      %dma_start3A_1057 = tpu.memref_slice %arg2[%arg0, %dma_start3A_1055, %dma_start3A_1056] : memref<2x100096x16xf32, #tpu.memory_space<hbm>> -> memref<1x100096x16xf32, #tpu.memory_space<hbm>>
      %dma_start3A_1058 = tpu.memref_squeeze %dma_start3A_1057 : memref<1x100096x16xf32, #tpu.memory_space<hbm>> -> memref<100096x16xf32, #tpu.memory_space<hbm>>
      %dma_start3A_1059 = arith.constant 0 : i32
      %dma_start3A_1060 = tpu.memref_slice %dma_start3A_1058[%add3A_1041, %dma_start3A_1059] : memref<100096x16xf32, #tpu.memory_space<hbm>> -> memref<368x16xf32, #tpu.memory_space<hbm>>
      %dma_start3A_1061 = arith.constant 0 : i32
      %dma_start3A_1062 = arith.constant 0 : i32
      %dma_start3A_1063 = tpu.memref_slice %arg10[%dma_start3A_1061, %dma_start3A_1062] : memref<400x16xf32, #tpu.memory_space<vmem>> -> memref<368x16xf32, #tpu.memory_space<vmem>>
      %dma_start3A_1064 = arith.constant 0 : i32
      %dma_start3A_1065 = arith.constant 0 : i32
      %dma_start3A_1066 = tpu.memref_slice %arg2[%arg0, %dma_start3A_1064, %dma_start3A_1065] : memref<2x100096x16xf32, #tpu.memory_space<hbm>> -> memref<1x100096x16xf32, #tpu.memory_space<hbm>>
      %dma_start3A_1067 = tpu.memref_squeeze %dma_start3A_1066 : memref<1x100096x16xf32, #tpu.memory_space<hbm>> -> memref<100096x16xf32, #tpu.memory_space<hbm>>
      %dma_start3A_1068 = arith.constant 0 : i32
      %dma_start3A_1069 = tpu.memref_slice %dma_start3A_1067[%add3A_1041, %dma_start3A_1068] : memref<100096x16xf32, #tpu.memory_space<hbm>> -> memref<368x16xf32, #tpu.memory_space<hbm>>
      tpu.enqueue_dma source(%dma_start3A_1069 : memref<368x16xf32, #tpu.memory_space<hbm>>) target(%dma_start3A_1063 : memref<368x16xf32, #tpu.memory_space<vmem>>) target_semaphore(%arg14 : memref<!tpu.dma_semaphore, #tpu.memory_space<semaphore_mem>>)
      %dma_wait3A_1070 = arith.constant 0 : i32
      %dma_wait3A_1071 = arith.constant 0 : i32
      %dma_wait3A_1072 = tpu.memref_slice %arg8[%dma_wait3A_1070, %dma_wait3A_1071] : memref<400x16xf32, #tpu.memory_space<vmem>> -> memref<368x16xf32, #tpu.memory_space<vmem>>
      %dma_wait3A_1073 = arith.constant 0 : i32
      %dma_wait3A_1074 = tpu.memref_slice %arg12[%add3A_1041, %dma_wait3A_1073] : memref<100096x16xf32, #tpu.memory_space<vmem_shared>> -> memref<368x16xf32, #tpu.memory_space<vmem_shared>>
      %dma_wait3A_1075 = arith.constant 0 : i32
      %dma_wait3A_1076 = arith.constant 0 : i32
      %dma_wait3A_1077 = tpu.memref_slice %arg8[%dma_wait3A_1075, %dma_wait3A_1076] : memref<400x16xf32, #tpu.memory_space<vmem>> -> memref<368x16xf32, #tpu.memory_space<vmem>>
      %dma_wait3A_1078 = arith.constant 0 : i32
      %dma_wait3A_1079 = tpu.memref_slice %arg12[%add3A_1041, %dma_wait3A_1078] : memref<100096x16xf32, #tpu.memory_space<vmem_shared>> -> memref<368x16xf32, #tpu.memory_space<vmem_shared>>
      tpu.wait_dma2 semaphore(%arg13 : memref<!tpu.dma_semaphore, #tpu.memory_space<semaphore_mem>>) src(%dma_wait3A_1079 : memref<368x16xf32, #tpu.memory_space<vmem_shared>>) dst(%dma_wait3A_1077 : memref<368x16xf32, #tpu.memory_space<vmem>>)
      %dma_wait3A_1080 = arith.constant 0 : i32
      %dma_wait3A_1081 = arith.constant 0 : i32
      %dma_wait3A_1082 = tpu.memref_slice %arg10[%dma_wait3A_1080, %dma_wait3A_1081] : memref<400x16xf32, #tpu.memory_space<vmem>> -> memref<368x16xf32, #tpu.memory_space<vmem>>
      %dma_wait3A_1083 = arith.constant 0 : i32
      %dma_wait3A_1084 = arith.constant 0 : i32
      %dma_wait3A_1085 = tpu.memref_slice %arg2[%arg0, %dma_wait3A_1083, %dma_wait3A_1084] : memref<2x100096x16xf32, #tpu.memory_space<hbm>> -> memref<1x100096x16xf32, #tpu.memory_space<hbm>>
      %dma_wait3A_1086 = tpu.memref_squeeze %dma_wait3A_1085 : memref<1x100096x16xf32, #tpu.memory_space<hbm>> -> memref<100096x16xf32, #tpu.memory_space<hbm>>
      %dma_wait3A_1087 = arith.constant 0 : i32
      %dma_wait3A_1088 = tpu.memref_slice %dma_wait3A_1086[%add3A_1041, %dma_wait3A_1087] : memref<100096x16xf32, #tpu.memory_space<hbm>> -> memref<368x16xf32, #tpu.memory_space<hbm>>
      %dma_wait3A_1089 = arith.constant 0 : i32
      %dma_wait3A_1090 = arith.constant 0 : i32
      %dma_wait3A_1091 = tpu.memref_slice %arg10[%dma_wait3A_1089, %dma_wait3A_1090] : memref<400x16xf32, #tpu.memory_space<vmem>> -> memref<368x16xf32, #tpu.memory_space<vmem>>
      %dma_wait3A_1092 = arith.constant 0 : i32
      %dma_wait3A_1093 = arith.constant 0 : i32
      %dma_wait3A_1094 = tpu.memref_slice %arg2[%arg0, %dma_wait3A_1092, %dma_wait3A_1093] : memref<2x100096x16xf32, #tpu.memory_space<hbm>> -> memref<1x100096x16xf32, #tpu.memory_space<hbm>>
      %dma_wait3A_1095 = tpu.memref_squeeze %dma_wait3A_1094 : memref<1x100096x16xf32, #tpu.memory_space<hbm>> -> memref<100096x16xf32, #tpu.memory_space<hbm>>
      %dma_wait3A_1096 = arith.constant 0 : i32
      %dma_wait3A_1097 = tpu.memref_slice %dma_wait3A_1095[%add3A_1041, %dma_wait3A_1096] : memref<100096x16xf32, #tpu.memory_space<hbm>> -> memref<368x16xf32, #tpu.memory_space<hbm>>
      tpu.wait_dma2 semaphore(%arg14 : memref<!tpu.dma_semaphore, #tpu.memory_space<semaphore_mem>>) src(%dma_wait3A_1097 : memref<368x16xf32, #tpu.memory_space<hbm>>) dst(%dma_wait3A_1091 : memref<368x16xf32, #tpu.memory_space<vmem>>)
      %scan3A_1098 = arith.constant 0 : i32
      %scan3A_1099 = arith.constant 0 : i32
      %scan3A_1100 = arith.constant 46 : i32
      %scan3A_1101 = arith.addi %scan3A_1099, %scan3A_1100 : i32
      %scan3A_1102 = arith.constant 1 : i32
      scf.for %scan3A_1128 = %scan3A_1099 to %scan3A_1101 step %scan3A_1102  : i32 {
        %mul3A_1129 = arith.constant 8 : i32
        %mul3A_1130 = arith.muli %scan3A_1128, %mul3A_1129 : i32
        %add3A_1131 = arith.constant 0 : i32
        %add3A_1132 = arith.addi %mul3A_1130, %add3A_1131 : i32
        %get3A = arith.index_cast %add3A_1132 : i32 to index
        %get3A_1133 = arith.constant 0 : index
        %get3A_1134 = tpu.vector_load %arg8[%get3A, %get3A_1133] {strides = array<i32>} : memref<400x16xf32, #tpu.memory_space<vmem>>, vector<1x16xf32>,
        %get3A_1135 = vector.shape_cast %get3A_1134 : vector<1x16xf32> to vector<16xf32>
        %get3A_1136 = arith.index_cast %add3A_1132 : i32 to index
        %get3A_1137 = arith.constant 0 : index
        %get3A_1138 = tpu.vector_load %arg10[%get3A_1136, %get3A_1137] {strides = array<i32>} : memref<400x16xf32, #tpu.memory_space<vmem>>, vector<1x16xf32>,
        %get3A_1139 = vector.shape_cast %get3A_1138 : vector<1x16xf32> to vector<16xf32>
        %slice3A = vector.extract_strided_slice %get3A_1135 {offsets = [12], sizes = [1], strides = [1]} : vector<16xf32> to vector<1xf32>
        %squeeze3A = vector.extract %slice3A[0] : f32 from vector<1xf32>
        %mul3A_1140 = vector.broadcast %squeeze3A : f32 to vector<16xf32>
        %mul3A_1141 = arith.mulf %get3A_1139, %mul3A_1140 : vector<16xf32>
        %sub3A = arith.subf %mul3A_1141, %get3A_1135 : vector<16xf32>
        %swap3A = arith.index_cast %add3A_1132 : i32 to index
        %swap3A_1142 = arith.constant 0 : index
        %swap3A_1143 = tpu.vector_load %arg8[%swap3A, %swap3A_1142] {strides = array<i32>} : memref<400x16xf32, #tpu.memory_space<vmem>>, vector<1x16xf32>,
        %swap3A_1144 = vector.shape_cast %swap3A_1143 : vector<1x16xf32> to vector<16xf32>
        %swap3A_1145 = vector.shape_cast %sub3A : vector<16xf32> to vector<1x16xf32>
        tpu.vector_store %arg8[%swap3A, %swap3A_1142], %swap3A_1145 {strides = array<i32>} : memref<400x16xf32, #tpu.memory_space<vmem>>, vector<1x16xf32>,
        %add3A_1146 = arith.constant 1 : i32
        %add3A_1147 = arith.addi %mul3A_1130, %add3A_1146 : i32
        %get3A_1148 = arith.index_cast %add3A_1147 : i32 to index
        %get3A_1149 = arith.constant 0 : index
        %get3A_1150 = tpu.vector_load %arg8[%get3A_1148, %get3A_1149] {strides = array<i32>} : memref<400x16xf32, #tpu.memory_space<vmem>>, vector<1x16xf32>,
        %get3A_1151 = vector.shape_cast %get3A_1150 : vector<1x16xf32> to vector<16xf32>
        %get3A_1152 = arith.index_cast %add3A_1147 : i32 to index
        %get3A_1153 = arith.constant 0 : index
        %get3A_1154 = tpu.vector_load %arg10[%get3A_1152, %get3A_1153] {strides = array<i32>} : memref<400x16xf32, #tpu.memory_space<vmem>>, vector<1x16xf32>,
        %get3A_1155 = vector.shape_cast %get3A_1154 : vector<1x16xf32> to vector<16xf32>
        %slice3A_1156 = vector.extract_strided_slice %get3A_1151 {offsets = [12], sizes = [1], strides = [1]} : vector<16xf32> to vector<1xf32>
        %squeeze3A_1157 = vector.extract %slice3A_1156[0] : f32 from vector<1xf32>
        %mul3A_1158 = vector.broadcast %squeeze3A_1157 : f32 to vector<16xf32>
        %mul3A_1159 = arith.mulf %get3A_1155, %mul3A_1158 : vector<16xf32>
        %sub3A_1160 = arith.subf %mul3A_1159, %get3A_1151 : vector<16xf32>
        %swap3A_1161 = arith.index_cast %add3A_1147 : i32 to index
        %swap3A_1162 = arith.constant 0 : index
        %swap3A_1163 = tpu.vector_load %arg8[%swap3A_1161, %swap3A_1162] {strides = array<i32>} : memref<400x16xf32, #tpu.memory_space<vmem>>, vector<1x16xf32>,
        %swap3A_1164 = vector.shape_cast %swap3A_1163 : vector<1x16xf32> to vector<16xf32>
        %swap3A_1165 = vector.shape_cast %sub3A_1160 : vector<16xf32> to vector<1x16xf32>
        tpu.vector_store %arg8[%swap3A_1161, %swap3A_1162], %swap3A_1165 {strides = array<i32>} : memref<400x16xf32, #tpu.memory_space<vmem>>, vector<1x16xf32>,
        %add3A_1166 = arith.constant 2 : i32
        %add3A_1167 = arith.addi %mul3A_1130, %add3A_1166 : i32
        %get3A_1168 = arith.index_cast %add3A_1167 : i32 to index
        %get3A_1169 = arith.constant 0 : index
        %get3A_1170 = tpu.vector_load %arg8[%get3A_1168, %get3A_1169] {strides = array<i32>} : memref<400x16xf32, #tpu.memory_space<vmem>>, vector<1x16xf32>,
        %get3A_1171 = vector.shape_cast %get3A_1170 : vector<1x16xf32> to vector<16xf32>
        %get3A_1172 = arith.index_cast %add3A_1167 : i32 to index
        %get3A_1173 = arith.constant 0 : index
        %get3A_1174 = tpu.vector_load %arg10[%get3A_1172, %get3A_1173] {strides = array<i32>} : memref<400x16xf32, #tpu.memory_space<vmem>>, vector<1x16xf32>,
        %get3A_1175 = vector.shape_cast %get3A_1174 : vector<1x16xf32> to vector<16xf32>
        %slice3A_1176 = vector.extract_strided_slice %get3A_1171 {offsets = [12], sizes = [1], strides = [1]} : vector<16xf32> to vector<1xf32>
        %squeeze3A_1177 = vector.extract %slice3A_1176[0] : f32 from vector<1xf32>
        %mul3A_1178 = vector.broadcast %squeeze3A_1177 : f32 to vector<16xf32>
        %mul3A_1179 = arith.mulf %get3A_1175, %mul3A_1178 : vector<16xf32>
        %sub3A_1180 = arith.subf %mul3A_1179, %get3A_1171 : vector<16xf32>
        %swap3A_1181 = arith.index_cast %add3A_1167 : i32 to index
        %swap3A_1182 = arith.constant 0 : index
        %swap3A_1183 = tpu.vector_load %arg8[%swap3A_1181, %swap3A_1182] {strides = array<i32>} : memref<400x16xf32, #tpu.memory_space<vmem>>, vector<1x16xf32>,
        %swap3A_1184 = vector.shape_cast %swap3A_1183 : vector<1x16xf32> to vector<16xf32>
        %swap3A_1185 = vector.shape_cast %sub3A_1180 : vector<16xf32> to vector<1x16xf32>
        tpu.vector_store %arg8[%swap3A_1181, %swap3A_1182], %swap3A_1185 {strides = array<i32>} : memref<400x16xf32, #tpu.memory_space<vmem>>, vector<1x16xf32>,
        %add3A_1186 = arith.constant 3 : i32
        %add3A_1187 = arith.addi %mul3A_1130, %add3A_1186 : i32
        %get3A_1188 = arith.index_cast %add3A_1187 : i32 to index
        %get3A_1189 = arith.constant 0 : index
        %get3A_1190 = tpu.vector_load %arg8[%get3A_1188, %get3A_1189] {strides = array<i32>} : memref<400x16xf32, #tpu.memory_space<vmem>>, vector<1x16xf32>,
        %get3A_1191 = vector.shape_cast %get3A_1190 : vector<1x16xf32> to vector<16xf32>
        %get3A_1192 = arith.index_cast %add3A_1187 : i32 to index
        %get3A_1193 = arith.constant 0 : index
        %get3A_1194 = tpu.vector_load %arg10[%get3A_1192, %get3A_1193] {strides = array<i32>} : memref<400x16xf32, #tpu.memory_space<vmem>>, vector<1x16xf32>,
        %get3A_1195 = vector.shape_cast %get3A_1194 : vector<1x16xf32> to vector<16xf32>
        %slice3A_1196 = vector.extract_strided_slice %get3A_1191 {offsets = [12], sizes = [1], strides = [1]} : vector<16xf32> to vector<1xf32>
        %squeeze3A_1197 = vector.extract %slice3A_1196[0] : f32 from vector<1xf32>
        %mul3A_1198 = vector.broadcast %squeeze3A_1197 : f32 to vector<16xf32>
        %mul3A_1199 = arith.mulf %get3A_1195, %mul3A_1198 : vector<16xf32>
        %sub3A_1200 = arith.subf %mul3A_1199, %get3A_1191 : vector<16xf32>
        %swap3A_1201 = arith.index_cast %add3A_1187 : i32 to index
        %swap3A_1202 = arith.constant 0 : index
        %swap3A_1203 = tpu.vector_load %arg8[%swap3A_1201, %swap3A_1202] {strides = array<i32>} : memref<400x16xf32, #tpu.memory_space<vmem>>, vector<1x16xf32>,
        %swap3A_1204 = vector.shape_cast %swap3A_1203 : vector<1x16xf32> to vector<16xf32>
        %swap3A_1205 = vector.shape_cast %sub3A_1200 : vector<16xf32> to vector<1x16xf32>
        tpu.vector_store %arg8[%swap3A_1201, %swap3A_1202], %swap3A_1205 {strides = array<i32>} : memref<400x16xf32, #tpu.memory_space<vmem>>, vector<1x16xf32>,
        %add3A_1206 = arith.constant 4 : i32
        %add3A_1207 = arith.addi %mul3A_1130, %add3A_1206 : i32
        %get3A_1208 = arith.index_cast %add3A_1207 : i32 to index
        %get3A_1209 = arith.constant 0 : index
        %get3A_1210 = tpu.vector_load %arg8[%get3A_1208, %get3A_1209] {strides = array<i32>} : memref<400x16xf32, #tpu.memory_space<vmem>>, vector<1x16xf32>,
        %get3A_1211 = vector.shape_cast %get3A_1210 : vector<1x16xf32> to vector<16xf32>
        %get3A_1212 = arith.index_cast %add3A_1207 : i32 to index
        %get3A_1213 = arith.constant 0 : index
        %get3A_1214 = tpu.vector_load %arg10[%get3A_1212, %get3A_1213] {strides = array<i32>} : memref<400x16xf32, #tpu.memory_space<vmem>>, vector<1x16xf32>,
        %get3A_1215 = vector.shape_cast %get3A_1214 : vector<1x16xf32> to vector<16xf32>
        %slice3A_1216 = vector.extract_strided_slice %get3A_1211 {offsets = [12], sizes = [1], strides = [1]} : vector<16xf32> to vector<1xf32>
        %squeeze3A_1217 = vector.extract %slice3A_1216[0] : f32 from vector<1xf32>
        %mul3A_1218 = vector.broadcast %squeeze3A_1217 : f32 to vector<16xf32>
        %mul3A_1219 = arith.mulf %get3A_1215, %mul3A_1218 : vector<16xf32>
        %sub3A_1220 = arith.subf %mul3A_1219, %get3A_1211 : vector<16xf32>
        %swap3A_1221 = arith.index_cast %add3A_1207 : i32 to index
        %swap3A_1222 = arith.constant 0 : index
        %swap3A_1223 = tpu.vector_load %arg8[%swap3A_1221, %swap3A_1222] {strides = array<i32>} : memref<400x16xf32, #tpu.memory_space<vmem>>, vector<1x16xf32>,
        %swap3A_1224 = vector.shape_cast %swap3A_1223 : vector<1x16xf32> to vector<16xf32>
        %swap3A_1225 = vector.shape_cast %sub3A_1220 : vector<16xf32> to vector<1x16xf32>
        tpu.vector_store %arg8[%swap3A_1221, %swap3A_1222], %swap3A_1225 {strides = array<i32>} : memref<400x16xf32, #tpu.memory_space<vmem>>, vector<1x16xf32>,
        %add3A_1226 = arith.constant 5 : i32
        %add3A_1227 = arith.addi %mul3A_1130, %add3A_1226 : i32
        %get3A_1228 = arith.index_cast %add3A_1227 : i32 to index
        %get3A_1229 = arith.constant 0 : index
        %get3A_1230 = tpu.vector_load %arg8[%get3A_1228, %get3A_1229] {strides = array<i32>} : memref<400x16xf32, #tpu.memory_space<vmem>>, vector<1x16xf32>,
        %get3A_1231 = vector.shape_cast %get3A_1230 : vector<1x16xf32> to vector<16xf32>
        %get3A_1232 = arith.index_cast %add3A_1227 : i32 to index
        %get3A_1233 = arith.constant 0 : index
        %get3A_1234 = tpu.vector_load %arg10[%get3A_1232, %get3A_1233] {strides = array<i32>} : memref<400x16xf32, #tpu.memory_space<vmem>>, vector<1x16xf32>,
        %get3A_1235 = vector.shape_cast %get3A_1234 : vector<1x16xf32> to vector<16xf32>
        %slice3A_1236 = vector.extract_strided_slice %get3A_1231 {offsets = [12], sizes = [1], strides = [1]} : vector<16xf32> to vector<1xf32>
        %squeeze3A_1237 = vector.extract %slice3A_1236[0] : f32 from vector<1xf32>
        %mul3A_1238 = vector.broadcast %squeeze3A_1237 : f32 to vector<16xf32>
        %mul3A_1239 = arith.mulf %get3A_1235, %mul3A_1238 : vector<16xf32>
        %sub3A_1240 = arith.subf %mul3A_1239, %get3A_1231 : vector<16xf32>
        %swap3A_1241 = arith.index_cast %add3A_1227 : i32 to index
        %swap3A_1242 = arith.constant 0 : index
        %swap3A_1243 = tpu.vector_load %arg8[%swap3A_1241, %swap3A_1242] {strides = array<i32>} : memref<400x16xf32, #tpu.memory_space<vmem>>, vector<1x16xf32>,
        %swap3A_1244 = vector.shape_cast %swap3A_1243 : vector<1x16xf32> to vector<16xf32>
        %swap3A_1245 = vector.shape_cast %sub3A_1240 : vector<16xf32> to vector<1x16xf32>
        tpu.vector_store %arg8[%swap3A_1241, %swap3A_1242], %swap3A_1245 {strides = array<i32>} : memref<400x16xf32, #tpu.memory_space<vmem>>, vector<1x16xf32>,
        %add3A_1246 = arith.constant 6 : i32
        %add3A_1247 = arith.addi %mul3A_1130, %add3A_1246 : i32
        %get3A_1248 = arith.index_cast %add3A_1247 : i32 to index
        %get3A_1249 = arith.constant 0 : index
        %get3A_1250 = tpu.vector_load %arg8[%get3A_1248, %get3A_1249] {strides = array<i32>} : memref<400x16xf32, #tpu.memory_space<vmem>>, vector<1x16xf32>,
        %get3A_1251 = vector.shape_cast %get3A_1250 : vector<1x16xf32> to vector<16xf32>
        %get3A_1252 = arith.index_cast %add3A_1247 : i32 to index
        %get3A_1253 = arith.constant 0 : index
        %get3A_1254 = tpu.vector_load %arg10[%get3A_1252, %get3A_1253] {strides = array<i32>} : memref<400x16xf32, #tpu.memory_space<vmem>>, vector<1x16xf32>,
        %get3A_1255 = vector.shape_cast %get3A_1254 : vector<1x16xf32> to vector<16xf32>
        %slice3A_1256 = vector.extract_strided_slice %get3A_1251 {offsets = [12], sizes = [1], strides = [1]} : vector<16xf32> to vector<1xf32>
        %squeeze3A_1257 = vector.extract %slice3A_1256[0] : f32 from vector<1xf32>
        %mul3A_1258 = vector.broadcast %squeeze3A_1257 : f32 to vector<16xf32>
        %mul3A_1259 = arith.mulf %get3A_1255, %mul3A_1258 : vector<16xf32>
        %sub3A_1260 = arith.subf %mul3A_1259, %get3A_1251 : vector<16xf32>
        %swap3A_1261 = arith.index_cast %add3A_1247 : i32 to index
        %swap3A_1262 = arith.constant 0 : index
        %swap3A_1263 = tpu.vector_load %arg8[%swap3A_1261, %swap3A_1262] {strides = array<i32>} : memref<400x16xf32, #tpu.memory_space<vmem>>, vector<1x16xf32>,
        %swap3A_1264 = vector.shape_cast %swap3A_1263 : vector<1x16xf32> to vector<16xf32>
        %swap3A_1265 = vector.shape_cast %sub3A_1260 : vector<16xf32> to vector<1x16xf32>
        tpu.vector_store %arg8[%swap3A_1261, %swap3A_1262], %swap3A_1265 {strides = array<i32>} : memref<400x16xf32, #tpu.memory_space<vmem>>, vector<1x16xf32>,
        %add3A_1266 = arith.constant 7 : i32
        %add3A_1267 = arith.addi %mul3A_1130, %add3A_1266 : i32
        %get3A_1268 = arith.index_cast %add3A_1267 : i32 to index
        %get3A_1269 = arith.constant 0 : index
        %get3A_1270 = tpu.vector_load %arg8[%get3A_1268, %get3A_1269] {strides = array<i32>} : memref<400x16xf32, #tpu.memory_space<vmem>>, vector<1x16xf32>,
        %get3A_1271 = vector.shape_cast %get3A_1270 : vector<1x16xf32> to vector<16xf32>
        %get3A_1272 = arith.index_cast %add3A_1267 : i32 to index
        %get3A_1273 = arith.constant 0 : index
        %get3A_1274 = tpu.vector_load %arg10[%get3A_1272, %get3A_1273] {strides = array<i32>} : memref<400x16xf32, #tpu.memory_space<vmem>>, vector<1x16xf32>,
        %get3A_1275 = vector.shape_cast %get3A_1274 : vector<1x16xf32> to vector<16xf32>
        %slice3A_1276 = vector.extract_strided_slice %get3A_1271 {offsets = [12], sizes = [1], strides = [1]} : vector<16xf32> to vector<1xf32>
        %squeeze3A_1277 = vector.extract %slice3A_1276[0] : f32 from vector<1xf32>
        %mul3A_1278 = vector.broadcast %squeeze3A_1277 : f32 to vector<16xf32>
        %mul3A_1279 = arith.mulf %get3A_1275, %mul3A_1278 : vector<16xf32>
        %sub3A_1280 = arith.subf %mul3A_1279, %get3A_1271 : vector<16xf32>
        %swap3A_1281 = arith.index_cast %add3A_1267 : i32 to index
        %swap3A_1282 = arith.constant 0 : index
        %swap3A_1283 = tpu.vector_load %arg8[%swap3A_1281, %swap3A_1282] {strides = array<i32>} : memref<400x16xf32, #tpu.memory_space<vmem>>, vector<1x16xf32>,
        %swap3A_1284 = vector.shape_cast %swap3A_1283 : vector<1x16xf32> to vector<16xf32>
        %swap3A_1285 = vector.shape_cast %sub3A_1280 : vector<16xf32> to vector<1x16xf32>
        tpu.vector_store %arg8[%swap3A_1281, %swap3A_1282], %swap3A_1285 {strides = array<i32>} : memref<400x16xf32, #tpu.memory_space<vmem>>, vector<1x16xf32>,
      }
      %scan3A_1103 = arith.constant 46 : i32
      %dma_start3A_1104 = arith.constant 0 : i32
      %dma_start3A_1105 = arith.constant 0 : i32
      %dma_start3A_1106 = tpu.memref_slice %arg8[%dma_start3A_1104, %dma_start3A_1105] : memref<400x16xf32, #tpu.memory_space<vmem>> -> memref<368x16xf32, #tpu.memory_space<vmem>>
      %dma_start3A_1107 = arith.constant 0 : i32
      %dma_start3A_1108 = tpu.memref_slice %arg5[%arg0, %add3A_1041, %dma_start3A_1107] : memref<2x100096x16xf32, #tpu.memory_space<hbm>> -> memref<1x368x16xf32, #tpu.memory_space<hbm>>
      %dma_start3A_1109 = tpu.memref_squeeze %dma_start3A_1108 : memref<1x368x16xf32, #tpu.memory_space<hbm>> -> memref<368x16xf32, #tpu.memory_space<hbm>>
      %dma_start3A_1110 = arith.constant 0 : i32
      %dma_start3A_1111 = tpu.memref_slice %arg5[%arg0, %add3A_1041, %dma_start3A_1110] : memref<2x100096x16xf32, #tpu.memory_space<hbm>> -> memref<1x368x16xf32, #tpu.memory_space<hbm>>
      %dma_start3A_1112 = tpu.memref_squeeze %dma_start3A_1111 : memref<1x368x16xf32, #tpu.memory_space<hbm>> -> memref<368x16xf32, #tpu.memory_space<hbm>>
      %dma_start3A_1113 = arith.constant 0 : i32
      %dma_start3A_1114 = arith.constant 0 : i32
      %dma_start3A_1115 = tpu.memref_slice %arg8[%dma_start3A_1113, %dma_start3A_1114] : memref<400x16xf32, #tpu.memory_space<vmem>> -> memref<368x16xf32, #tpu.memory_space<vmem>>
      tpu.enqueue_dma source(%dma_start3A_1115 : memref<368x16xf32, #tpu.memory_space<vmem>>) target(%dma_start3A_1112 : memref<368x16xf32, #tpu.memory_space<hbm>>) target_semaphore(%arg15 : memref<!tpu.dma_semaphore, #tpu.memory_space<semaphore_mem>>)
      %dma_wait3A_1116 = arith.constant 0 : i32
      %dma_wait3A_1117 = arith.constant 0 : i32
      %dma_wait3A_1118 = tpu.memref_slice %arg8[%dma_wait3A_1116, %dma_wait3A_1117] : memref<400x16xf32, #tpu.memory_space<vmem>> -> memref<368x16xf32, #tpu.memory_space<vmem>>
      %dma_wait3A_1119 = arith.constant 0 : i32
      %dma_wait3A_1120 = tpu.memref_slice %arg5[%arg0, %add3A_1041, %dma_wait3A_1119] : memref<2x100096x16xf32, #tpu.memory_space<hbm>> -> memref<1x368x16xf32, #tpu.memory_space<hbm>>
      %dma_wait3A_1121 = tpu.memref_squeeze %dma_wait3A_1120 : memref<1x368x16xf32, #tpu.memory_space<hbm>> -> memref<368x16xf32, #tpu.memory_space<hbm>>
      %dma_wait3A_1122 = arith.constant 0 : i32
      %dma_wait3A_1123 = tpu.memref_slice %arg5[%arg0, %add3A_1041, %dma_wait3A_1122] : memref<2x100096x16xf32, #tpu.memory_space<hbm>> -> memref<1x368x16xf32, #tpu.memory_space<hbm>>
      %dma_wait3A_1124 = tpu.memref_squeeze %dma_wait3A_1123 : memref<1x368x16xf32, #tpu.memory_space<hbm>> -> memref<368x16xf32, #tpu.memory_space<hbm>>
      %dma_wait3A_1125 = arith.constant 0 : i32
      %dma_wait3A_1126 = arith.constant 0 : i32
      %dma_wait3A_1127 = tpu.memref_slice %arg8[%dma_wait3A_1125, %dma_wait3A_1126] : memref<400x16xf32, #tpu.memory_space<vmem>> -> memref<368x16xf32, #tpu.memory_space<vmem>>
      tpu.wait_dma2 semaphore(%arg15 : memref<!tpu.dma_semaphore, #tpu.memory_space<semaphore_mem>>) src(%dma_wait3A_1127 : memref<368x16xf32, #tpu.memory_space<vmem>>) dst(%dma_wait3A_1124 : memref<368x16xf32, #tpu.memory_space<hbm>>)
    }
    %scan3A_1035 = arith.constant 17 : i32
    return
  }
}

</mosaic_0001>

<sc_bundles>
// kernel: kernel.3.cloned.1.call-start
scs
__scs_entry_jumppad:
0x0: {  	(pc) =	sbr.rel $0x88, $3  }
0x1: {  	(tag) =	ssettag $0x0;
	lr =	simm.s32 $0x1  }
0x2: {  	[smem:$0x3F9E] =	sst lr;
	_ =	strace $0xD0000000  }
0x3: {  	_ = 	snop  }
0x4: {  	_ = 	snop  }
0x5: {  	_ = 	snop  }
0x6: {  	_ = 	snop  }
0x7: {  	_ = 	snop  }
__scs_overlays_trampoline_lowered:
0x8: {  	[smem:$0x3FAD] =	sst s0  }
0x9: {  	[smem:$0x3FAE] =	sst s1  }
0xa: {  	[smem:$0x3FAF] =	sst s2  }
0xb: {  	[smem:$0x3FB0] =	sst s3  }
0xc: {  	[smem:$0x3FB1] =	sst s4  }
0xd: {  	[smem:$0x3FB2] =	sst s5  }
0xe: {  	[smem:$0x3FB3] =	sst s6  }
0xf: {  	[smem:$0x3FB4] =	sst s7  }
0x10: {  	[smem:$0x3FB5] =	sst s8  }
0x11: {  	[smem:$0x3FB6] =	sst s9;
	s0 =	simm.s32 @!p0 $0x0  }
0x12: {  	s1 =	sld [smem:$0x3F9C];
	s0 =	simm.s32 @p0 $0x1  }
0x13: {  	[smem:$0x3FB7] =	sst s0;
	s0 =	simm.s32 @!p1 $0x0  }
0x14: {  	s2 =	sld [smem:$0x3F9B];
	s0 =	simm.s32 @p1 $0x1  }
0x15: {  	[smem:$0x3FB8] =	sst s0;
	s0 =	simm.s32 @!p2 $0x0  }
0x16: {  	s3 =	sld [smem:$0x3FDB];
	s0 =	simm.s32 @p2 $0x1  }
0x17: {  	s4 =	simm.s32 $0x1BF5;
	[smem:$0x3FBA] =	sst s0  }
0x18: {  	s0 =	sld [smem:$0x3F9D];
	_ =	swait.ge [sflag:s4], $0x0  }
0x19: {  	s7 =	sld [smem:$0x3F9E]  }
0x1a: {  	s8 =	sadd.s32 $0xFFFFE003, lr  }
0x1b: {  	s9 =	sadd.s32 $0xFFFFFEF7, lr;
	s5 =	simm.s32 $0xFFFFFFFF;
	p2 =	slt.u32 s8, $0xFFFFF086  }
0x1c: {  	p1 =	slt.u32 s9, $0xF7A;
	s5 =	simm.s32 @!p2 $0x0  }
0x1d: {  	s5 =	simm.s32 @p1 $0x1;
	p0 =	seq.s32 s7, s2  }
0x1e: {  	s7 =	smul.u32 @!p0 $0xF7A, s2;
	p2 =	seq.s32 @!p0 s5, $0x0  }
0x1f: {  	s9 =	smul.u32 $0xF7A, s1;
	s8 =	simm.s32 @!p0 $0x1BF5;
	p2 =	por !p2, p0  }
0x20: {  	[sflag:s8] =	ssyncset.s32 @!p0 $0xFFFFF086;
	s6 =	sadd.s32 @!p0 s3, s7;
	s7 =	simm.s32 @!p0 $0x108  }
0x21: {  	s3 =	sadd.s32 s3, s9;
	s6 =	sadd.s32 @!p0 $0x88, s6;
	s7 =	simm.s32 @p2 $0x1082  }
0x22: {  	[simem:s7], [sflag:s8] =	dma.local @!p0 [hbm:s6], $0xF7A  }
0x23: {  	s9 =	sor.u32 $0xD0000000, s2;
	s6 =	simm.s32 $0x108;
	_ =	swait.ge @!p0 [sflag:s8], $0x0  }
0x24: {  	s3 =	sadd.s32 $0x88, s3;
	s6 =	simm.s32 @!p1 $0x1082;
	[sflag:s4] =	ssyncset.s32 $0xFFFFF086  }
0x25: {  	[simem:s6], [sflag:s4] =	dma.local [hbm:s3], $0xF7A  }
0x26: {  	[smem:$0x3F9E] =	sst s1;
	(tag) =	ssettag s2;
	_ =	strace s9  }
0x27: {  	s1 =	sld [smem:$0x3FAE]  }
0x28: {  	s2 =	sld [smem:$0x3FAF]  }
0x29: {  	s4 =	sld [smem:$0x3FB1]  }
0x2a: {  	p0 =	seq.s32 s5, $0x0;
	s5 =	sld [smem:$0x3FB2]  }
0x2b: {  	s6 =	sld [smem:$0x3FB3]  }
0x2c: {  	s7 =	sld [smem:$0x3FB4]  }
0x2d: {  	s3 =	simm.s32 $0x108;
	s8 =	sld [smem:$0x3FB5]  }
0x2e: {  	s3 =	simm.s32 @!p0 $0x1082;
	s9 =	sld [smem:$0x3FB6]  }
0x2f: {  	lr =	sadd.s32 s0, s3;
	s0 =	sld [smem:$0x3FAD]  }
0x30: {  	s3 =	sld [smem:$0x3FB0]  }
0x31: {  	[smem:$0x3FB9] =	sst s10  }
0x32: {  	s10 =	sld [smem:$0x3FB7];
	_ =	sdelay $0x3  }
0x33: {  	p0 =	seq.s32 s10, $0x1;
	s10 =	sld [smem:$0x3FB9];
	_ =	sdelay $0x3  }
0x34: {  	[smem:$0x3FB9] =	sst s10  }
0x35: {  	s10 =	sld [smem:$0x3FB8];
	_ =	sdelay $0x3  }
0x36: {  	p1 =	seq.s32 s10, $0x1;
	s10 =	sld [smem:$0x3FB9];
	_ =	sdelay $0x3  }
0x37: {  	[smem:$0x3FB9] =	sst s10  }
0x38: {  	s10 =	sld [smem:$0x3FBA]  }
0x39: {  	_ = 	snop;
	(pc) =	sbr.ind lr, $3  }
0x3a: {  	_ = 	snop  }
0x3b: {  	_ = 	snop  }
0x3c: {  	p2 =	seq.s32 s10, $0x1;
	s10 =	sld [smem:$0x3FB9]  }
0x3d: {  	_ =	shalt  }
0x3e: {  	_ =	shalt  }
0x3f: {  	_ =	shalt  }
0x40: {  	_ =	shalt  }
0x41: {  	_ =	shalt  }
0x42: {  	_ =	shalt  }
0x43: {  	_ =	shalt  }
0x44: {  	_ =	shalt  }
0x45: {  	_ =	shalt  }
0x46: {  	_ =	shalt  }
0x47: {  	_ =	shalt  }
0x48: {  	_ =	shalt  }
0x49: {  	_ =	shalt  }
0x4a: {  	_ =	shalt  }
0x4b: {  	_ =	shalt  }
0x4c: {  	_ =	shalt  }
0x4d: {  	_ =	shalt  }
0x4e: {  	_ =	shalt  }
0x4f: {  	_ =	shalt  }
0x50: {  	_ =	shalt  }
0x51: {  	_ =	shalt  }
0x52: {  	_ =	shalt  }
0x53: {  	_ =	shalt  }
0x54: {  	_ =	shalt  }
0x55: {  	_ =	shalt  }
0x56: {  	_ =	shalt  }
0x57: {  	_ =	shalt  }
0x58: {  	_ =	shalt  }
0x59: {  	_ =	shalt  }
0x5a: {  	_ =	shalt  }
0x5b: {  	_ =	shalt  }
0x5c: {  	_ =	shalt  }
0x5d: {  	_ =	shalt  }
0x5e: {  	_ =	shalt  }
0x5f: {  	_ =	shalt  }
0x60: {  	_ =	shalt  }
0x61: {  	_ =	shalt  }
0x62: {  	_ =	shalt  }
0x63: {  	_ =	shalt  }
0x64: {  	_ =	shalt  }
0x65: {  	_ =	shalt  }
0x66: {  	_ =	shalt  }
0x67: {  	_ =	shalt  }
0x68: {  	_ =	shalt  }
0x69: {  	_ =	shalt  }
0x6a: {  	_ =	shalt  }
0x6b: {  	_ =	shalt  }
0x6c: {  	_ =	shalt  }
0x6d: {  	_ =	shalt  }
0x6e: {  	_ =	shalt  }
0x6f: {  	_ =	shalt  }
0x70: {  	_ =	shalt  }
0x71: {  	_ =	shalt  }
0x72: {  	_ =	shalt  }
0x73: {  	_ =	shalt  }
0x74: {  	_ =	shalt  }
0x75: {  	_ =	shalt  }
0x76: {  	_ =	shalt  }
0x77: {  	_ =	shalt  }
0x78: {  	_ =	shalt  }
0x79: {  	_ =	shalt  }
0x7a: {  	_ =	shalt  }
0x7b: {  	_ =	shalt  }
0x7c: {  	_ =	shalt  }
0x7d: {  	_ =	shalt  }
0x7e: {  	_ =	shalt  }
0x7f: {  	_ =	shalt  }
0x80: {  	_ =	shalt  }
0x81: {  	_ =	shalt  }
0x82: {  	_ =	shalt  }
0x83: {  	_ =	shalt  }
0x84: {  	_ =	shalt  }
0x85: {  	_ =	shalt  }
0x86: {  	_ =	shalt  }
0x87: {  	_ =	shalt  }
.Lfunc_end0:
.L_simem_size_0:
called_computation_lowered:
.L_overlay_start_0:
0x88: {  	s2 =	sld [smem:$0x3FD9]  }
0x89: {  	s3 =	sld [smem:$0x3FFE];
	_ =	sdelay $0x1  }
0x8a: {  	s1 =	srdreg.scid  }
0x8b: {  	s0 =	sand.u32 $0x1, s1  }
0x8c: {  	s17 =	sshll.u32 s0, $0xA;
	s2 =	sadd.s32 s3, s2  }
0x8d: {  	s2 =	sadd.s32 s2, s17  }
0x8e: {  	[smem:$0x3FC5] =	sst s2  }
0x8f: {  	_ = 	snop  }
0x90: {  	s2 =	sld [smem:$0x3FC8]  }
0x91: {  	s18 =	sld [smem:$0x3FC7];
	(tm) =	ssettm $0x1  }
0x92: {  	s4 =	sld [smem:$0x3FFB];
	_ =	sdelay $0x3  }
0x93: {  	_ =	strace s4  }
0x94: {  	s4 =	sld [smem:$0x3FFC];
	_ =	sdelay $0x3  }
0x95: {  	_ =	strace s4  }
0x96: {  	s4 =	sld [smem:$0x3FFD];
	_ =	sdelay $0x3  }
0x97: {  	_ =	strace s4  }
0x98: {  	_ =	strace $0x8FFFFFFF  }
0x99: {  	s19 =	sld [smem:$0x3FDB];
	_ =	sdelay $0x1  }
0x9a: {  	s5 =	simm.s32 $_scs_section_size  }
0x9b: {  	s6 =	simm.s32 $_size__tile_overlayer_lowered;
	s7 =	simm.s32 $_tile_overlayer_lowered  }
0x9c: {  	s22 =	simm.s32 $0x1BFF;
	s21 =	sshll.u32 s7, $0x1;
	s4 =	sadd.s32 s5, s19  }
0x9d: {  	s8 =	simm.s32 $0x0;
	s20 =	sshll.u32 s6, $0x1;
	s6 =	sadd.s32 s21, s4  }
0x9e: {  	[timem:s8], [sflag:s22] =	dma.local [hbm:s6], s20  }
0x9f: {  	_ =	swait.ge [sflag:s22], s20  }
0xa0: {  	s5 =	ssub.s32 $0x0, s20;
	[sflag:s22] =	ssyncset.done $0x0  }
0xa1: {  	[sflag:s22] =	ssyncadd.s32 s5;
	_ =	sdelay $0x1  }
0xa2: {  	s23 =	simm.s32 $0x1B8B  }
0xa3: {  	_ =	swait.ge [sflag:s23], $0x1  }
0xa4: {  	[sflag:s23] =	ssyncset.done $0x0  }
0xa5: {  	s25 =	simm.s32 $0x1B8E;
	s24 =	sld [smem:$0x3FFE];
	[sflag:s23] =	ssyncadd.s32 $0xFFFFFFFF  }
0xa6: {  	s26 =	simm.s32 $execute0_lowered;
	[smem:$0x3FD2] =	sst s25  }
0xa7: {  	s6 =	sshll.u32 s26, $0x1;
	_ =	strace $0x80000046;
	[dreg:$0x1] =	wrdreg $0xFFFFFFFF  }
0xa8: {  	s28 =	simm.s32 $_size_execute0_lowered;
	s4 =	sadd.s32 s4, s6;
	[dreg:$0x0] =	wrdreg $0x0  }
0xa9: {  	s6 =	sshll.u32 s28, $0x1;
	[dreg:$0x2] =	wrdreg s4  }
0xaa: {  	[dreg:$0x3] =	wrdreg s6  }
0xab: {  	[dreg:$0x4] =	wrdreg $0xC0  }
0xac: {  	_ =	task [dreg:s8], $0x5FFFF  }
0xad: {  	[dreg:$0x1] =	wrdreg $0xFFFFFFFF  }
0xae: {  	[dreg:$0x0] =	wrdreg $0x60  }
0xaf: {  	[dreg:$0x2] =	wrdreg s24  }
0xb0: {  	[dreg:$0x3] =	wrdreg s2  }
0xb1: {  	[dreg:$0x4] =	wrdreg s18  }
0xb2: {  	[dreg:$0x5] =	wrdreg $0x70800  }
0xb3: {  	[dreg:$0x6] =	wrdreg $0x9  }
0xb4: {  	_ =	task.clear_ibuf [dreg:s8], $0x7FFFF;
	_ =	strace $0x90000046  }
0xb5: {  	s29 =	simm.s32 $0x9;
	_ =	strace $0x80000048  }
0xb6: {  	_ =	swait.ge [sflag:s29], $0x1  }
0xb7: {  	[sflag:s29] =	ssyncadd.s32 $0xFFFFFFFF  }
0xb8: {  	_ =	strace $0x90000048  }
0xb9: {  	_ =	sfence  }
0xba: {  	s30 =	sld [smem:$0x0];
	_ =	sdelay $0x2  }
0xbb: {  	s31 =	sshll.u32 s1, $0xD;
	s1 =	sshrl.u32 s1, $0x2  }
0xbc: {  	s3 =	sand.u32 $0x4000, s31;
	s1 =	sadd.s32 s1, s30  }
0xbd: {  	s0 =	sor.u32 s3, s0;
	s1 =	sshll.u32 s1, $0x11  }
0xbe: {  	s0 =	sor.u32 s1, s0  }
0xbf: {  	s0 =	sadd.s32 $0x8F2B, s0  }
0xc0: {  	[sflag:s0] =	ssyncadd.remote.s32 $0x1  }
0xc1: {  	_ =	sfence.sel $0xFFFF  }
0xc2: {  	[dreg:$0x0] =	wrdreg $0xFFFFFFFF;
	(pc) =	sbr.abs _section_cstart, $3  }
0xc3: {  	[dreg:$0x1] =	wrdreg $0xFFFFFFFF  }
0xc4: {  	_ =	task.clear_ibuf [dreg:s8], $0x2FFFF;
	_ =	strace $0x9FFFFFFF  }
0xc5: {  	(tm) =	ssettm $0x7FFFFFFF  }
tec
execute0_lowered:
.L_overlay_start_1:
0x0: {  	(tag) =	ssettag $0x1  }
0x1: {  	s0 =	rddreg [dreg:$0x0]  }
0x2: {  	s9 =	rddreg [dreg:$0x1];
	s8 =	stileid.u32  }
0x3: {  	s10 =	rddreg [dreg:$0x2];
	s5 =	smul.u32 $0x186A0, s8  }
0x4: {  	s1 =	srdreg.scid;
	s6 =	smul.u32 $0x30D4, s8  }
0x5: {  	s3 =	rddreg [dreg:$0x3];
	s25 =	smul.u32 $0x1870, s8  }
0x6: {  	s4 =	simm.s32 $0x0;
	s1 =	sand.u32 $0x1, s1;
	s28 =	smul.u32 $0x4E2, s8  }
0x7: {  	[smem:$0x7FF] =	sst s4;
	s2 =	smul.u32 $0x187000, s1;
	s1 =	ssub.s32 $0x2, s1  }
0x8: {  	_ =	strace $0x80000047;
	s24 =	sshrl.u32 s1, $0x1;
	[dreg:$0xa] =	wrdreg s25  }
0x9: {  	s26 =	sshrl.u32 s5, $0x3;
	s18 =	sadd.s32 $0x23, s28;
	[dreg:$0x8] =	wrdreg s2  }
0xa: {  	s20 =	sadd.s32 s9, s6;
	s16 =	sadd.s32 s10, s6;
	[dreg:$0x18] =	wrdreg s18  }
0xb: {  	s2 =	sshrl.u32 s2, $0x3;
	s7 =	sadd.s32 $0x32, s26;
	[dreg:$0x5] =	wrdreg s20  }
0xc: {  	[dreg:$0x6] =	wrdreg s16;
	s2 =	sadd.s32 s2, s0;
	s0 =	sadd.s32 $0x62600, s0  }
0xd: {  	s31 =	sadd.s32 $0x64, s26;
	s29 =	sadd.s32 s9, s7;
	[dreg:$0x9] =	wrdreg s0  }
0xe: {  	s7 =	sadd.s32 s10, s7;
	s4 =	sadd.s32 s9, s31;
	[dreg:$0xb] =	wrdreg s29  }
0xf: {  	s0 =	ssub.s32 s1, s24;
	[dreg:$0xc] =	wrdreg s7;
	s13 =	sadd.s32 $0xA00, s2  }
0x10: {  	[dreg:$0xd] =	wrdreg s4;
	s1 =	sadd.s32 $0x96, s26;
	s2 =	sadd.s32 s10, s31  }
0x11: {  	s30 =	smul.u32 $0x61C00, s8;
	[dreg:$0xe] =	wrdreg s2;
	s8 =	sadd.s32 s9, s1  }
0x12: {  	s1 =	sadd.s32 s10, s1;
	[dreg:$0xf] =	wrdreg s8  }
0x13: {  	s6 =	sshrl.u32 s30, $0x2;
	s0 =	smax.u32 s0, $0x1;
	[dreg:$0x11] =	wrdreg s1  }
0x14: {  	s9 =	sadd.s32 s6, s3;
	[dreg:$0x12] =	wrdreg s0  }
0x15: {  	s11 =	sadd.s32 $0x1700, s9;
	[dreg:$0x10] =	wrdreg s9  }
0x16: {  	s12 =	sadd.s32 $0x2E00, s9;
	[dreg:$0x13] =	wrdreg s11  }
0x17: {  	s14 =	sadd.s32 $0x4500, s9;
	[dreg:$0x14] =	wrdreg s12  }
0x18: {  	s15 =	sadd.s32 $0x5C00, s9;
	[dreg:$0x15] =	wrdreg s14  }
0x19: {  	s17 =	sadd.s32 $0x7300, s9;
	[dreg:$0x16] =	wrdreg s15  }
0x1a: {  	s19 =	sadd.s32 $0x8A00, s9;
	[dreg:$0x17] =	wrdreg s17  }
0x1b: {  	s21 =	sadd.s32 $0xA100, s9;
	[dreg:$0x19] =	wrdreg s19  }
0x1c: {  	s22 =	sadd.s32 $0xB800, s9;
	[dreg:$0x1a] =	wrdreg s21  }
0x1d: {  	s23 =	sadd.s32 $0xCF00, s9;
	[dreg:$0x1b] =	wrdreg s22  }
0x1e: {  	s18 =	simm.s32 $0x4D80;
	s24 =	sadd.s32 $0xE600, s9;
	[dreg:$0x1c] =	wrdreg s23  }
0x1f: {  	s4 =	simm.s32 $0x4880;
	s25 =	sadd.s32 $0xFD00, s9;
	[dreg:$0x1d] =	wrdreg s24  }
0x20: {  	s7 =	simm.s32 $0xF0;
	s26 =	sadd.s32 $0x11400, s9;
	[dreg:$0x1e] =	wrdreg s25  }
0x21: {  	s10 =	simm.s32 $0x690;
	s28 =	sadd.s32 $0x12B00, s9;
	[dreg:$0x1f] =	wrdreg s26  }
0x22: {  	s2 =	simm.s32 $0x6E0;
	s29 =	sadd.s32 $0x14200, s9;
	[smem:$0x7FA] =	sst s28  }
0x23: {  	s6 =	simm.s32 $0x0;
	s30 =	sadd.s32 $0x15900, s9;
	[smem:$0x7FB] =	sst s29  }
0x24: {  	s31 =	sadd.s32 $0x17000, s9;
	s9 =	simm.s32 $0x1180;
	[smem:$0x7FC] =	sst s30  }
0x25: {  	s0 =	simm.s32 $0x730;
	s1 =	simm.s32 $0x2;
	[smem:$0x7FD] =	sst s31  }
0x26: {  	s22 =	simm.s32 $0x640;
	s15 =	simm.s32 $0x190;
	s12 =	simm.s32 $0x7D0  }
0x27: {  	s25 =	simm.s32 $0x1;
	s23 =	simm.s32 $0x50;
	s24 =	simm.s32 $0x4380  }
0x28: {  	v0 =	vimm.f32 $0.0e+00;
	s14 =	simm.s32 $0x1680;
	s17 =	simm.s32 $0xA0;
	s21 =	simm.s32 $0x230  }
.LBB2_1:
0x29: {  	[smem:$0x7F9] =	sst s6;
	s8 =	simm.s32 $0x0;
	s19 =	simm.s32 $0x200  }
.LBB2_2:
0x2a: {  	p0 =	sne.s32 s19, $0x5A00;
	[tilespmem:s8+$0xCF0] =	vst v0  }
0x2b: {  	[tilespmem:s8+$0xC80] =	vst v0  }
0x2c: {  	[tilespmem:s8+$0xC90] =	vst v0  }
.Ltmp0:
0x2d: {  	[tilespmem:s8+$0xCA0] =	vst v0;
	(pc) =	sbr.rel @p0 .LBB2_2-.Ltmp0, $4  }
0x2e: {  	[tilespmem:s8+$0xCB0] =	vst v0  }
0x2f: {  	[tilespmem:s8+$0xCC0] =	vst v0  }
0x30: {  	[tilespmem:s8+$0xCD0] =	vst v0  }
0x31: {  	[tilespmem:s8+$0xCE0] =	vst v0;
	s8 =	sshra.s32 s19, $0x2;
	s19 =	sadd.s32 $0x200, s19  }
0x32: {  	[tilespmem:s8+$0xCF0] =	vst v0  }
0x33: {  	[tilespmem:s8+$0xC80] =	vst v0  }
0x34: {  	[tilespmem:s8+$0xC90] =	vst v0  }
0x35: {  	[tilespmem:s8+$0xCA0] =	vst v0  }
0x36: {  	[tilespmem:s8+$0xCB0] =	vst v0  }
0x37: {  	[tilespmem:s8+$0xCC0] =	vst v0  }
0x38: {  	[tilespmem:s8+$0xCD0] =	vst v0  }
0x39: {  	[tilespmem:s8+$0xCE0] =	vst v0;
	s5 =	rddreg [dreg:$0x10];
	s28 =	simm.s32 $0xC80;
	s8 =	simm.s32 $0x5  }
0x3a: {  	[spmem:s5] =	stream.linear.scatter [tilespmem:s28], [sflag:$0x5], $0x1700, $0x38;
	[tilespmem:$0x1F780] =	vst v63  }
0x3b: {  	_ =	swait.ge [sflag:s8], $0x1700  }
0x3c: {  	[sflag:s8] =	ssyncset.done $0x0  }
0x3d: {  	s11 =	rddreg [dreg:$0x13];
	[sflag:s8] =	ssyncadd.s32 $0xFFFFE900  }
0x3e: {  	[spmem:s11] =	stream.linear.scatter [tilespmem:s28], [sflag:$0x5], $0x1700, $0x38;
	[tilespmem:$0x1F780] =	vst v63  }
0x3f: {  	_ =	swait.ge [sflag:s8], $0x1700  }
0x40: {  	[sflag:s8] =	ssyncset.done $0x0  }
0x41: {  	s19 =	rddreg [dreg:$0x14];
	[sflag:s8] =	ssyncadd.s32 $0xFFFFE900  }
0x42: {  	[spmem:s19] =	stream.linear.scatter [tilespmem:s28], [sflag:$0x5], $0x1700, $0x38;
	[tilespmem:$0x1F780] =	vst v63  }
0x43: {  	_ =	swait.ge [sflag:s8], $0x1700  }
0x44: {  	[sflag:s8] =	ssyncset.done $0x0  }
0x45: {  	s26 =	rddreg [dreg:$0x15];
	[sflag:s8] =	ssyncadd.s32 $0xFFFFE900  }
0x46: {  	[spmem:s26] =	stream.linear.scatter [tilespmem:s28], [sflag:$0x5], $0x1700, $0x38;
	[tilespmem:$0x1F780] =	vst v63  }
0x47: {  	_ =	swait.ge [sflag:s8], $0x1700  }
0x48: {  	[sflag:s8] =	ssyncset.done $0x0  }
0x49: {  	s30 =	rddreg [dreg:$0x16];
	[sflag:s8] =	ssyncadd.s32 $0xFFFFE900  }
0x4a: {  	[spmem:s30] =	stream.linear.scatter [tilespmem:s28], [sflag:$0x5], $0x1700, $0x38;
	[tilespmem:$0x1F780] =	vst v63  }
0x4b: {  	_ =	swait.ge [sflag:s8], $0x1700  }
0x4c: {  	[sflag:s8] =	ssyncset.done $0x0  }
0x4d: {  	s6 =	rddreg [dreg:$0x17];
	[sflag:s8] =	ssyncadd.s32 $0xFFFFE900  }
0x4e: {  	[spmem:s6] =	stream.linear.scatter [tilespmem:s28], [sflag:$0x5], $0x1700, $0x38;
	[tilespmem:$0x1F780] =	vst v63  }
0x4f: {  	_ =	swait.ge [sflag:s8], $0x1700  }
0x50: {  	[sflag:s8] =	ssyncset.done $0x0  }
0x51: {  	s11 =	rddreg [dreg:$0x19];
	[sflag:s8] =	ssyncadd.s32 $0xFFFFE900  }
0x52: {  	[spmem:s11] =	stream.linear.scatter [tilespmem:s28], [sflag:$0x5], $0x1700, $0x38;
	[tilespmem:$0x1F780] =	vst v63  }
0x53: {  	_ =	swait.ge [sflag:s8], $0x1700  }
0x54: {  	[sflag:s8] =	ssyncset.done $0x0  }
0x55: {  	s19 =	rddreg [dreg:$0x1a];
	[sflag:s8] =	ssyncadd.s32 $0xFFFFE900  }
0x56: {  	[spmem:s19] =	stream.linear.scatter [tilespmem:s28], [sflag:$0x5], $0x1700, $0x38;
	[tilespmem:$0x1F780] =	vst v63  }
0x57: {  	_ =	swait.ge [sflag:s8], $0x1700  }
0x58: {  	[sflag:s8] =	ssyncset.done $0x0  }
0x59: {  	s26 =	rddreg [dreg:$0x1b];
	[sflag:s8] =	ssyncadd.s32 $0xFFFFE900  }
0x5a: {  	[spmem:s26] =	stream.linear.scatter [tilespmem:s28], [sflag:$0x5], $0x1700, $0x38;
	[tilespmem:$0x1F780] =	vst v63  }
0x5b: {  	_ =	swait.ge [sflag:s8], $0x1700  }
0x5c: {  	[sflag:s8] =	ssyncset.done $0x0  }
0x5d: {  	s30 =	rddreg [dreg:$0x1c];
	[sflag:s8] =	ssyncadd.s32 $0xFFFFE900  }
0x5e: {  	[spmem:s30] =	stream.linear.scatter [tilespmem:s28], [sflag:$0x5], $0x1700, $0x38;
	[tilespmem:$0x1F780] =	vst v63  }
0x5f: {  	_ =	swait.ge [sflag:s8], $0x1700  }
0x60: {  	[sflag:s8] =	ssyncset.done $0x0  }
0x61: {  	s6 =	rddreg [dreg:$0x1d];
	[sflag:s8] =	ssyncadd.s32 $0xFFFFE900  }
0x62: {  	[spmem:s6] =	stream.linear.scatter [tilespmem:s28], [sflag:$0x5], $0x1700, $0x38;
	[tilespmem:$0x1F780] =	vst v63  }
0x63: {  	_ =	swait.ge [sflag:s8], $0x1700  }
0x64: {  	[sflag:s8] =	ssyncset.done $0x0  }
0x65: {  	s11 =	rddreg [dreg:$0x1e];
	[sflag:s8] =	ssyncadd.s32 $0xFFFFE900  }
0x66: {  	[spmem:s11] =	stream.linear.scatter [tilespmem:s28], [sflag:$0x5], $0x1700, $0x38;
	[tilespmem:$0x1F780] =	vst v63  }
0x67: {  	_ =	swait.ge [sflag:s8], $0x1700  }
0x68: {  	[sflag:s8] =	ssyncset.done $0x0  }
0x69: {  	s19 =	rddreg [dreg:$0x1f];
	[sflag:s8] =	ssyncadd.s32 $0xFFFFE900  }
0x6a: {  	[spmem:s19] =	stream.linear.scatter [tilespmem:s28], [sflag:$0x5], $0x1700, $0x38;
	[tilespmem:$0x1F780] =	vst v63  }
0x6b: {  	_ =	swait.ge [sflag:s8], $0x1700  }
0x6c: {  	s26 =	sld [smem:$0x7FA]  }
0x6d: {  	[sflag:s8] =	ssyncset.done $0x0  }
0x6e: {  	[sflag:s8] =	ssyncadd.s32 $0xFFFFE900  }
0x6f: {  	[spmem:s26] =	stream.linear.scatter [tilespmem:s28], [sflag:$0x5], $0x1700, $0x38;
	[tilespmem:$0x1F780] =	vst v63  }
0x70: {  	_ =	swait.ge [sflag:s8], $0x1700  }
0x71: {  	s30 =	sld [smem:$0x7FB]  }
0x72: {  	[sflag:s8] =	ssyncset.done $0x0  }
0x73: {  	[sflag:s8] =	ssyncadd.s32 $0xFFFFE900  }
0x74: {  	[spmem:s30] =	stream.linear.scatter [tilespmem:s28], [sflag:$0x5], $0x1700, $0x38;
	[tilespmem:$0x1F780] =	vst v63  }
0x75: {  	_ =	swait.ge [sflag:s8], $0x1700  }
0x76: {  	s6 =	sld [smem:$0x7FC]  }
0x77: {  	[sflag:s8] =	ssyncset.done $0x0  }
0x78: {  	[sflag:s8] =	ssyncadd.s32 $0xFFFFE900  }
0x79: {  	[spmem:s6] =	stream.linear.scatter [tilespmem:s28], [sflag:$0x5], $0x1700, $0x38;
	[tilespmem:$0x1F780] =	vst v63  }
0x7a: {  	_ =	swait.ge [sflag:s8], $0x1700  }
0x7b: {  	s11 =	sld [smem:$0x7FD]  }
0x7c: {  	[sflag:s8] =	ssyncset.done $0x0  }
0x7d: {  	[sflag:s8] =	ssyncadd.s32 $0xFFFFE900  }
0x7e: {  	[spmem:s11] =	stream.linear.scatter [tilespmem:s28], [sflag:$0x5], $0x1700, $0x38;
	[tilespmem:$0x1F780] =	vst v63  }
0x7f: {  	_ =	swait.ge [sflag:s8], $0x1700  }
0x80: {  	[sflag:s8] =	ssyncset.done $0x0  }
0x81: {  	[sflag:s8] =	ssyncadd.s32 $0xFFFFE900  }
0x82: {  	s8 =	simm.s32 $0x0;
	[bflag:$0x0] =	sbarrier.arrive $0xFFFF  }
0x83: {  	[tilespmem:s8], [sflag:$0x1] =	stream.linear.gather [hbm4b:s20+s8], $0x190, $0x38;
	[tilespmem:$0x1F780] =	vst v63  }
0x84: {  	_ = 	snop  }
0x85: {  	[tilespmem:s22], [sflag:$0x1] =	stream.linear.gather [hbm4b:s16+s8], $0x190, $0x38;
	[tilespmem:$0x1F780] =	vst v63  }
0x86: {  	s16 =	rddreg [dreg:$0xb]  }
0x87: {  	[tilespmem:s15], [sflag:$0x1] =	stream.linear.gather [hbm4b:s16+s8], $0x190, $0x38;
	[tilespmem:$0x1F780] =	vst v63  }
0x88: {  	s19 =	rddreg [dreg:$0xc]  }
0x89: {  	[tilespmem:s12], [sflag:$0x1] =	stream.linear.gather [hbm4b:s19+s8], $0x190, $0x38;
	[tilespmem:$0x1F780] =	vst v63  }
0x8a: {  	_ =	swait.ge [sflag:s25], $0x190  }
0x8b: {  	[sflag:s25] =	ssyncset.done $0x0  }
0x8c: {  	[sflag:s25] =	ssyncadd.s32 $0xFFFFFE70  }
0x8d: {  	_ =	swait.ge [sflag:s25], $0x190  }
0x8e: {  	[sflag:s25] =	ssyncset.done $0x0  }
0x8f: {  	[sflag:s25] =	ssyncadd.s32 $0xFFFFFE70  }
0x90: {  	[tilespmem:s28], [sflag:$0x2] =	stream.indirect.gather [hbm4b:s13+s23], $0x10, s22, s23, $0xb8;
	[tilespmem:$0x1F780] =	vst v63  }
0x91: {  	s26 =	simm.s32 $0x3E80  }
0x92: {  	[tilespmem:s26], [sflag:$0x2] =	stream.indirect.gather [hbm4b:s13+s23], $0x10, s8, s23, $0xb8;
	[tilespmem:$0x1F780] =	vst v63  }
0x93: {  	_ = 	snop  }
0x94: {  	[tilespmem:s9], [sflag:$0x2] =	stream.indirect.gather [hbm4b:s13+s23], $0x10, s10, s23, $0xb8;
	[tilespmem:$0x1F780] =	vst v63  }
0x95: {  	_ = 	snop  }
0x96: {  	[tilespmem:s24], [sflag:$0x2] =	stream.indirect.gather [hbm4b:s13+s23], $0x10, s23, s23, $0xb8;
	[tilespmem:$0x1F780] =	vst v63  }
0x97: {  	_ = 	snop  }
0x98: {  	[tilespmem:s14], [sflag:$0x2] =	stream.indirect.gather [hbm4b:s13+s23], $0x10, s2, s23, $0xb8;
	[tilespmem:$0x1F780] =	vst v63  }
0x99: {  	_ = 	snop  }
0x9a: {  	[tilespmem:s4], [sflag:$0x2] =	stream.indirect.gather [hbm4b:s13+s23], $0x10, s17, s23, $0xb8;
	[tilespmem:$0x1F780] =	vst v63  }
0x9b: {  	s30 =	simm.s32 $0x1B80  }
0x9c: {  	[tilespmem:s30], [sflag:$0x2] =	stream.indirect.gather [hbm4b:s13+s23], $0x10, s0, s23, $0xb8;
	[tilespmem:$0x1F780] =	vst v63  }
0x9d: {  	_ = 	snop  }
0x9e: {  	[tilespmem:s18], [sflag:$0x2] =	stream.indirect.gather [hbm4b:s13+s23], $0x10, s7, s23, $0xb8;
	[tilespmem:$0x1F780] =	vst v63  }
0x9f: {  	s6 =	simm.s32 $0x780;
	s19 =	simm.s32 $0x2080  }
0xa0: {  	[tilespmem:s19], [sflag:$0x2] =	stream.indirect.gather [hbm4b:s13+s23], $0x10, s6, s23, $0xb8;
	[tilespmem:$0x1F780] =	vst v63  }
0xa1: {  	s22 =	simm.s32 $0x140;
	s18 =	simm.s32 $0x5280  }
0xa2: {  	[tilespmem:s18], [sflag:$0x2] =	stream.indirect.gather [hbm4b:s13+s23], $0x10, s22, s23, $0xb8;
	[tilespmem:$0x1F780] =	vst v63  }
0xa3: {  	s31 =	simm.s32 $0x320;
	s30 =	rddreg [dreg:$0xd]  }
0xa4: {  	[tilespmem:s31], [sflag:$0x1] =	stream.linear.gather [hbm4b:s30+s8], $0x190, $0x38;
	[tilespmem:$0x1F780] =	vst v63  }
0xa5: {  	s30 =	rddreg [dreg:$0xe];
	s31 =	simm.s32 $0x960  }
0xa6: {  	[tilespmem:s31], [sflag:$0x1] =	stream.linear.gather [hbm4b:s30+s8], $0x190, $0x38;
	[tilespmem:$0x1F780] =	vst v63  }
0xa7: {  	_ =	swait.ge [sflag:s1], $0x500  }
0xa8: {  	[sflag:s1] =	ssyncset.done $0x0  }
0xa9: {  	[sflag:s1] =	ssyncadd.s32 $0xFFFFFB00  }
0xaa: {  	_ =	swait.ge [sflag:s1], $0x500  }
0xab: {  	[sflag:s1] =	ssyncset.done $0x0  }
0xac: {  	[sflag:s1] =	ssyncadd.s32 $0xFFFFFB00  }
0xad: {  	[spmem:s3] =	stream.indirect.scatter.add.f32 [tilespmem:s28], [sflag:$0x3], $0x10, s8, s23, $0xb8;
	[tilespmem:$0x1F780] =	vst v63  }
0xae: {  	s16 =	simm.s32 $0x3E80;
	s6 =	simm.s32 $0x640  }
0xaf: {  	[spmem:s3] =	stream.indirect.scatter.add.f32 [tilespmem:s16], [sflag:$0x3], $0x10, s6, s23, $0xb8;
	[tilespmem:$0x1F780] =	vst v63  }
0xb0: {  	_ =	swait.ge [sflag:s1], $0x500  }
0xb1: {  	[sflag:s1] =	ssyncset.done $0x0  }
0xb2: {  	[sflag:s1] =	ssyncadd.s32 $0xFFFFFB00  }
0xb3: {  	_ =	swait.ge [sflag:s1], $0x500  }
0xb4: {  	[sflag:s1] =	ssyncset.done $0x0  }
0xb5: {  	[sflag:s1] =	ssyncadd.s32 $0xFFFFFB00  }
0xb6: {  	[spmem:s3] =	stream.indirect.scatter.add.f32 [tilespmem:s9], [sflag:$0x3], $0x10, s23, s23, $0xb8;
	[tilespmem:$0x1F780] =	vst v63  }
0xb7: {  	_ = 	snop  }
0xb8: {  	[spmem:s3] =	stream.indirect.scatter.add.f32 [tilespmem:s24], [sflag:$0x3], $0x10, s10, s23, $0xb8;
	[tilespmem:$0x1F780] =	vst v63  }
0xb9: {  	_ =	swait.ge [sflag:s1], $0x500  }
0xba: {  	[sflag:s1] =	ssyncset.done $0x0  }
0xbb: {  	[sflag:s1] =	ssyncadd.s32 $0xFFFFFB00  }
0xbc: {  	_ =	swait.ge [sflag:s1], $0x500  }
0xbd: {  	[sflag:s1] =	ssyncset.done $0x0  }
0xbe: {  	[sflag:s1] =	ssyncadd.s32 $0xFFFFFB00  }
0xbf: {  	[spmem:s3] =	stream.indirect.scatter.add.f32 [tilespmem:s14], [sflag:$0x3], $0x10, s17, s23, $0xb8;
	[tilespmem:$0x1F780] =	vst v63  }
0xc0: {  	_ = 	snop  }
0xc1: {  	[spmem:s3] =	stream.indirect.scatter.add.f32 [tilespmem:s4], [sflag:$0x3], $0x10, s2, s23, $0xb8;
	[tilespmem:$0x1F780] =	vst v63  }
0xc2: {  	_ =	swait.ge [sflag:s1], $0x500  }
0xc3: {  	[sflag:s1] =	ssyncset.done $0x0  }
0xc4: {  	[sflag:s1] =	ssyncadd.s32 $0xFFFFFB00  }
0xc5: {  	_ =	swait.ge [sflag:s1], $0x500  }
0xc6: {  	[sflag:s1] =	ssyncset.done $0x0  }
0xc7: {  	s11 =	simm.s32 $0x1B80;
	[sflag:s1] =	ssyncadd.s32 $0xFFFFFB00  }
0xc8: {  	[spmem:s3] =	stream.indirect.scatter.add.f32 [tilespmem:s11], [sflag:$0x3], $0x10, s7, s23, $0xb8;
	[tilespmem:$0x1F780] =	vst v63  }
0xc9: {  	s26 =	simm.s32 $0x4D80  }
0xca: {  	[spmem:s3] =	stream.indirect.scatter.add.f32 [tilespmem:s26], [sflag:$0x3], $0x10, s0, s23, $0xb8;
	[tilespmem:$0x1F780] =	vst v63  }
0xcb: {  	_ =	swait.ge [sflag:s1], $0x500  }
0xcc: {  	[sflag:s1] =	ssyncset.done $0x0  }
0xcd: {  	[sflag:s1] =	ssyncadd.s32 $0xFFFFFB00  }
0xce: {  	_ =	swait.ge [sflag:s1], $0x500  }
0xcf: {  	[sflag:s1] =	ssyncset.done $0x0  }
0xd0: {  	s29 =	simm.s32 $0x2080;
	s22 =	simm.s32 $0x140;
	[sflag:s1] =	ssyncadd.s32 $0xFFFFFB00  }
0xd1: {  	[spmem:s3] =	stream.indirect.scatter.add.f32 [tilespmem:s29], [sflag:$0x3], $0x10, s22, s23, $0xb8;
	[tilespmem:$0x1F780] =	vst v63  }
0xd2: {  	s19 =	simm.s32 $0x780;
	s18 =	simm.s32 $0x5280  }
0xd3: {  	[spmem:s3] =	stream.indirect.scatter.add.f32 [tilespmem:s18], [sflag:$0x3], $0x10, s19, s23, $0xb8;
	[tilespmem:$0x1F780] =	vst v63  }
0xd4: {  	_ =	swait.ge [sflag:s25], $0x190  }
0xd5: {  	[sflag:s25] =	ssyncset.done $0x0  }
0xd6: {  	[sflag:s25] =	ssyncadd.s32 $0xFFFFFE70  }
0xd7: {  	_ =	swait.ge [sflag:s25], $0x190  }
0xd8: {  	[sflag:s25] =	ssyncset.done $0x0  }
0xd9: {  	s6 =	simm.s32 $0x2580;
	[sflag:s25] =	ssyncadd.s32 $0xFFFFFE70  }
0xda: {  	[tilespmem:s6], [sflag:$0x2] =	stream.indirect.gather [hbm4b:s13+s23], $0x10, s12, s23, $0xb8;
	[tilespmem:$0x1F780] =	vst v63  }
0xdb: {  	s7 =	simm.s32 $0x5780  }
0xdc: {  	[tilespmem:s7], [sflag:$0x2] =	stream.indirect.gather [hbm4b:s13+s23], $0x10, s15, s23, $0xb8;
	[tilespmem:$0x1F780] =	vst v63  }
0xdd: {  	s16 =	simm.s32 $0x820;
	s10 =	simm.s32 $0x2A80  }
0xde: {  	[tilespmem:s10], [sflag:$0x2] =	stream.indirect.gather [hbm4b:s13+s23], $0x10, s16, s23, $0xb8;
	[tilespmem:$0x1F780] =	vst v63  }
0xdf: {  	s17 =	simm.s32 $0x5C80;
	s18 =	simm.s32 $0x1E0  }
0xe0: {  	[tilespmem:s17], [sflag:$0x2] =	stream.indirect.gather [hbm4b:s13+s23], $0x10, s18, s23, $0xb8;
	[tilespmem:$0x1F780] =	vst v63  }
0xe1: {  	s22 =	simm.s32 $0x870;
	s19 =	simm.s32 $0x2F80  }
0xe2: {  	[tilespmem:s19], [sflag:$0x2] =	stream.indirect.gather [hbm4b:s13+s23], $0x10, s22, s23, $0xb8;
	[tilespmem:$0x1F780] =	vst v63  }
0xe3: {  	s5 =	simm.s32 $0x6180  }
0xe4: {  	[tilespmem:s5], [sflag:$0x2] =	stream.indirect.gather [hbm4b:s13+s23], $0x10, s21, s23, $0xb8;
	[tilespmem:$0x1F780] =	vst v63  }
0xe5: {  	s7 =	simm.s32 $0x3480;
	s10 =	simm.s32 $0x8C0  }
0xe6: {  	[tilespmem:s7], [sflag:$0x2] =	stream.indirect.gather [hbm4b:s13+s23], $0x10, s10, s23, $0xb8;
	[tilespmem:$0x1F780] =	vst v63  }
0xe7: {  	s17 =	simm.s32 $0x6680;
	s18 =	simm.s32 $0x280  }
0xe8: {  	[tilespmem:s17], [sflag:$0x2] =	stream.indirect.gather [hbm4b:s13+s23], $0x10, s18, s23, $0xb8;
	[tilespmem:$0x1F780] =	vst v63  }
0xe9: {  	s2 =	simm.s32 $0x3980;
	s5 =	simm.s32 $0x910  }
0xea: {  	[tilespmem:s2], [sflag:$0x2] =	stream.indirect.gather [hbm4b:s13+s23], $0x10, s5, s23, $0xb8;
	[tilespmem:$0x1F780] =	vst v63  }
0xeb: {  	s2 =	simm.s32 $0x6B80;
	s5 =	simm.s32 $0x2D0  }
0xec: {  	[tilespmem:s2], [sflag:$0x2] =	stream.indirect.gather [hbm4b:s13+s23], $0x10, s5, s23, $0xb8;
	[tilespmem:$0x1F780] =	vst v63  }
0xed: {  	s0 =	simm.s32 $0x4B0;
	s5 =	rddreg [dreg:$0xf]  }
0xee: {  	[tilespmem:s0], [sflag:$0x1] =	stream.linear.gather [hbm4b:s5+s8], $0x190, $0x38;
	[tilespmem:$0x1F780] =	vst v63  }
0xef: {  	s5 =	rddreg [dreg:$0x11];
	s0 =	simm.s32 $0xAF0  }
0xf0: {  	[tilespmem:s0], [sflag:$0x1] =	stream.linear.gather [hbm4b:s5+s8], $0x190, $0x38;
	[tilespmem:$0x1F780] =	vst v63  }
0xf1: {  	_ =	swait.ge [sflag:s1], $0x500  }
0xf2: {  	[sflag:s1] =	ssyncset.done $0x0  }
0xf3: {  	[sflag:s1] =	ssyncadd.s32 $0xFFFFFB00  }
0xf4: {  	_ =	swait.ge [sflag:s1], $0x500  }
0xf5: {  	[sflag:s1] =	ssyncset.done $0x0  }
0xf6: {  	s30 =	simm.s32 $0x2580;
	[sflag:s1] =	ssyncadd.s32 $0xFFFFFB00  }
0xf7: {  	[spmem:s3] =	stream.indirect.scatter.add.f32 [tilespmem:s30], [sflag:$0x4], $0x10, s15, s23, $0xb8;
	[tilespmem:$0x1F780] =	vst v63  }
0xf8: {  	s11 =	simm.s32 $0x5780  }
0xf9: {  	[spmem:s3] =	stream.indirect.scatter.add.f32 [tilespmem:s11], [sflag:$0x4], $0x10, s12, s23, $0xb8;
	[tilespmem:$0x1F780] =	vst v63  }
0xfa: {  	_ =	swait.ge [sflag:s1], $0x500  }
0xfb: {  	[sflag:s1] =	ssyncset.done $0x0  }
0xfc: {  	[sflag:s1] =	ssyncadd.s32 $0xFFFFFB00  }
0xfd: {  	_ =	swait.ge [sflag:s1], $0x500  }
0xfe: {  	[sflag:s1] =	ssyncset.done $0x0  }
0xff: {  	s6 =	simm.s32 $0x2A80;
	s16 =	simm.s32 $0x1E0;
	[sflag:s1] =	ssyncadd.s32 $0xFFFFFB00  }
0x100: {  	[spmem:s3] =	stream.indirect.scatter.add.f32 [tilespmem:s6], [sflag:$0x4], $0x10, s16, s23, $0xb8;
	[tilespmem:$0x1F780] =	vst v63  }
0x101: {  	s24 =	simm.s32 $0x5C80;
	s26 =	simm.s32 $0x820  }
0x102: {  	[spmem:s3] =	stream.indirect.scatter.add.f32 [tilespmem:s24], [sflag:$0x4], $0x10, s26, s23, $0xb8;
	[tilespmem:$0x1F780] =	vst v63  }
0x103: {  	_ =	swait.ge [sflag:s1], $0x500  }
0x104: {  	[sflag:s1] =	ssyncset.done $0x0  }
0x105: {  	[sflag:s1] =	ssyncadd.s32 $0xFFFFFB00  }
0x106: {  	_ =	swait.ge [sflag:s1], $0x500  }
0x107: {  	[sflag:s1] =	ssyncset.done $0x0  }
0x108: {  	s29 =	simm.s32 $0x2F80;
	s21 =	simm.s32 $0x230;
	[sflag:s1] =	ssyncadd.s32 $0xFFFFFB00  }
0x109: {  	[spmem:s3] =	stream.indirect.scatter.add.f32 [tilespmem:s29], [sflag:$0x4], $0x10, s21, s23, $0xb8;
	[tilespmem:$0x1F780] =	vst v63  }
0x10a: {  	s19 =	simm.s32 $0x870;
	s22 =	simm.s32 $0x6180  }
0x10b: {  	[spmem:s3] =	stream.indirect.scatter.add.f32 [tilespmem:s22], [sflag:$0x4], $0x10, s19, s23, $0xb8;
	[tilespmem:$0x1F780] =	vst v63  }
0x10c: {  	_ =	swait.ge [sflag:s1], $0x500  }
0x10d: {  	[sflag:s1] =	ssyncset.done $0x0  }
0x10e: {  	[sflag:s1] =	ssyncadd.s32 $0xFFFFFB00  }
0x10f: {  	_ =	swait.ge [sflag:s1], $0x500  }
0x110: {  	[sflag:s1] =	ssyncset.done $0x0  }
0x111: {  	s10 =	simm.s32 $0x3480;
	s17 =	simm.s32 $0x280;
	[sflag:s1] =	ssyncadd.s32 $0xFFFFFB00  }
0x112: {  	[spmem:s3] =	stream.indirect.scatter.add.f32 [tilespmem:s10], [sflag:$0x4], $0x10, s17, s23, $0xb8;
	[tilespmem:$0x1F780] =	vst v63  }
0x113: {  	s7 =	simm.s32 $0x8C0;
	s18 =	simm.s32 $0x6680  }
0x114: {  	[spmem:s3] =	stream.indirect.scatter.add.f32 [tilespmem:s18], [sflag:$0x4], $0x10, s7, s23, $0xb8;
	[tilespmem:$0x1F780] =	vst v63  }
0x115: {  	_ =	swait.ge [sflag:s1], $0x500  }
0x116: {  	[sflag:s1] =	ssyncset.done $0x0  }
0x117: {  	[sflag:s1] =	ssyncadd.s32 $0xFFFFFB00  }
0x118: {  	_ =	swait.ge [sflag:s1], $0x500  }
0x119: {  	[sflag:s1] =	ssyncset.done $0x0  }
0x11a: {  	s17 =	simm.s32 $0x3980;
	s18 =	simm.s32 $0x2D0;
	[sflag:s1] =	ssyncadd.s32 $0xFFFFFB00  }
0x11b: {  	[spmem:s3] =	stream.indirect.scatter.add.f32 [tilespmem:s17], [sflag:$0x4], $0x10, s18, s23, $0xb8;
	[tilespmem:$0x1F780] =	vst v63  }
0x11c: {  	s31 =	simm.s32 $0x910;
	s2 =	simm.s32 $0x6B80  }
0x11d: {  	[spmem:s3] =	stream.indirect.scatter.add.f32 [tilespmem:s2], [sflag:$0x4], $0x10, s31, s23, $0xb8;
	[tilespmem:$0x1F780] =	vst v63  }
0x11e: {  	s2 =	simm.s32 $0x3  }
0x11f: {  	_ =	swait.ge [sflag:s2], $0x1900  }
0x120: {  	[sflag:s2] =	ssyncset.done $0x0  }
0x121: {  	[sflag:s2] =	ssyncadd.s32 $0xFFFFE700  }
0x122: {  	_ =	swait.ge [sflag:s2], $0x1900  }
0x123: {  	[sflag:s2] =	ssyncset.done $0x0  }
0x124: {  	[sflag:s2] =	ssyncadd.s32 $0xFFFFE700  }
0x125: {  	_ =	swait.ge [sflag:s25], $0x190  }
0x126: {  	[sflag:s25] =	ssyncset.done $0x0  }
0x127: {  	[sflag:s25] =	ssyncadd.s32 $0xFFFFFE70  }
0x128: {  	_ =	swait.ge [sflag:s25], $0x190  }
0x129: {  	[sflag:s25] =	ssyncset.done $0x0  }
0x12a: {  	s12 =	simm.s32 $0x960;
	[sflag:s25] =	ssyncadd.s32 $0xFFFFFE70  }
0x12b: {  	[tilespmem:s28], [sflag:$0x2] =	stream.indirect.gather [hbm4b:s13+s23], $0x10, s12, s23, $0xb8;
	[tilespmem:$0x1F780] =	vst v63  }
0x12c: {  	s15 =	simm.s32 $0x320;
	s16 =	simm.s32 $0x3E80  }
0x12d: {  	[tilespmem:s16], [sflag:$0x2] =	stream.indirect.gather [hbm4b:s13+s23], $0x10, s15, s23, $0xb8;
	[tilespmem:$0x1F780] =	vst v63  }
0x12e: {  	s5 =	simm.s32 $0x9B0  }
0x12f: {  	[tilespmem:s9], [sflag:$0x2] =	stream.indirect.gather [hbm4b:s13+s23], $0x10, s5, s23, $0xb8;
	[tilespmem:$0x1F780] =	vst v63  }
0x130: {  	s21 =	simm.s32 $0x370;
	s31 =	simm.s32 $0x4380  }
0x131: {  	[tilespmem:s31], [sflag:$0x2] =	stream.indirect.gather [hbm4b:s13+s23], $0x10, s21, s23, $0xb8;
	[tilespmem:$0x1F780] =	vst v63  }
0x132: {  	s0 =	simm.s32 $0xA00  }
0x133: {  	[tilespmem:s14], [sflag:$0x2] =	stream.indirect.gather [hbm4b:s13+s23], $0x10, s0, s23, $0xb8;
	[tilespmem:$0x1F780] =	vst v63  }
0x134: {  	s29 =	simm.s32 $0x3C0  }
0x135: {  	[tilespmem:s4], [sflag:$0x2] =	stream.indirect.gather [hbm4b:s13+s23], $0x10, s29, s23, $0xb8;
	[tilespmem:$0x1F780] =	vst v63  }
0x136: {  	s26 =	simm.s32 $0xA50;
	s24 =	simm.s32 $0x1B80  }
0x137: {  	[tilespmem:s24], [sflag:$0x2] =	stream.indirect.gather [hbm4b:s13+s23], $0x10, s26, s23, $0xb8;
	[tilespmem:$0x1F780] =	vst v63  }
0x138: {  	s22 =	simm.s32 $0x4D80;
	s17 =	simm.s32 $0x410  }
0x139: {  	[tilespmem:s22], [sflag:$0x2] =	stream.indirect.gather [hbm4b:s13+s23], $0x10, s17, s23, $0xb8;
	[tilespmem:$0x1F780] =	vst v63  }
0x13a: {  	s8 =	sadd.s32 $0x0, s20;
	s11 =	simm.s32 $0x2080;
	s18 =	simm.s32 $0xAA0  }
0x13b: {  	[tilespmem:s11], [sflag:$0x2] =	stream.indirect.gather [hbm4b:s13+s23], $0x10, s18, s23, $0xb8;
	[tilespmem:$0x1F780] =	vst v63  }
0x13c: {  	s10 =	simm.s32 $0x460;
	s7 =	simm.s32 $0x5280;
	s19 =	rddreg [dreg:$0x6]  }
0x13d: {  	[tilespmem:s7], [sflag:$0x2] =	stream.indirect.gather [hbm4b:s13+s23], $0x10, s10, s23, $0xb8;
	[tilespmem:$0x1F780] =	vst v63  }
0x13e: {  	s20 =	sadd.s32 $0xC8, s8;
	s6 =	simm.s32 $0x0;
	s19 =	sadd.s32 $0x0, s19  }
0x13f: {  	[tilespmem:s6], [sflag:$0x1] =	stream.linear.gather [hbm4b:s20+s6], $0x190, $0x38;
	[tilespmem:$0x1F780] =	vst v63  }
0x140: {  	s30 =	simm.s32 $0x640;
	s20 =	sadd.s32 $0xC8, s19  }
0x141: {  	[tilespmem:s30], [sflag:$0x1] =	stream.linear.gather [hbm4b:s20+s6], $0x190, $0x38;
	[tilespmem:$0x1F780] =	vst v63  }
0x142: {  	_ =	swait.ge [sflag:s1], $0x500  }
0x143: {  	[sflag:s1] =	ssyncset.done $0x0  }
0x144: {  	[sflag:s1] =	ssyncadd.s32 $0xFFFFFB00  }
0x145: {  	_ =	swait.ge [sflag:s1], $0x500  }
0x146: {  	[sflag:s1] =	ssyncset.done $0x0  }
0x147: {  	[sflag:s1] =	ssyncadd.s32 $0xFFFFFB00  }
0x148: {  	[spmem:s3] =	stream.indirect.scatter.add.f32 [tilespmem:s28], [sflag:$0x3], $0x10, s15, s23, $0xb8;
	[tilespmem:$0x1F780] =	vst v63  }
0x149: {  	_ = 	snop  }
0x14a: {  	[spmem:s3] =	stream.indirect.scatter.add.f32 [tilespmem:s16], [sflag:$0x3], $0x10, s12, s23, $0xb8;
	[tilespmem:$0x1F780] =	vst v63  }
0x14b: {  	_ =	swait.ge [sflag:s1], $0x500  }
0x14c: {  	[sflag:s1] =	ssyncset.done $0x0  }
0x14d: {  	[sflag:s1] =	ssyncadd.s32 $0xFFFFFB00  }
0x14e: {  	_ =	swait.ge [sflag:s1], $0x500  }
0x14f: {  	[sflag:s1] =	ssyncset.done $0x0  }
0x150: {  	[sflag:s1] =	ssyncadd.s32 $0xFFFFFB00  }
0x151: {  	[spmem:s3] =	stream.indirect.scatter.add.f32 [tilespmem:s9], [sflag:$0x3], $0x10, s21, s23, $0xb8;
	[tilespmem:$0x1F780] =	vst v63  }
0x152: {  	_ = 	snop  }
0x153: {  	[spmem:s3] =	stream.indirect.scatter.add.f32 [tilespmem:s31], [sflag:$0x3], $0x10, s5, s23, $0xb8;
	[tilespmem:$0x1F780] =	vst v63  }
0x154: {  	_ =	swait.ge [sflag:s1], $0x500  }
0x155: {  	[sflag:s1] =	ssyncset.done $0x0  }
0x156: {  	[sflag:s1] =	ssyncadd.s32 $0xFFFFFB00  }
0x157: {  	_ =	swait.ge [sflag:s1], $0x500  }
0x158: {  	[sflag:s1] =	ssyncset.done $0x0  }
0x159: {  	[sflag:s1] =	ssyncadd.s32 $0xFFFFFB00  }
0x15a: {  	[spmem:s3] =	stream.indirect.scatter.add.f32 [tilespmem:s14], [sflag:$0x3], $0x10, s29, s23, $0xb8;
	[tilespmem:$0x1F780] =	vst v63  }
0x15b: {  	_ = 	snop  }
0x15c: {  	[spmem:s3] =	stream.indirect.scatter.add.f32 [tilespmem:s4], [sflag:$0x3], $0x10, s0, s23, $0xb8;
	[tilespmem:$0x1F780] =	vst v63  }
0x15d: {  	_ =	swait.ge [sflag:s1], $0x500  }
0x15e: {  	[sflag:s1] =	ssyncset.done $0x0  }
0x15f: {  	[sflag:s1] =	ssyncadd.s32 $0xFFFFFB00  }
0x160: {  	_ =	swait.ge [sflag:s1], $0x500  }
0x161: {  	[sflag:s1] =	ssyncset.done $0x0  }
0x162: {  	[sflag:s1] =	ssyncadd.s32 $0xFFFFFB00  }
0x163: {  	[spmem:s3] =	stream.indirect.scatter.add.f32 [tilespmem:s24], [sflag:$0x3], $0x10, s17, s23, $0xb8;
	[tilespmem:$0x1F780] =	vst v63  }
0x164: {  	_ = 	snop  }
0x165: {  	[spmem:s3] =	stream.indirect.scatter.add.f32 [tilespmem:s22], [sflag:$0x3], $0x10, s26, s23, $0xb8;
	[tilespmem:$0x1F780] =	vst v63  }
0x166: {  	_ =	swait.ge [sflag:s1], $0x500  }
0x167: {  	[sflag:s1] =	ssyncset.done $0x0  }
0x168: {  	[sflag:s1] =	ssyncadd.s32 $0xFFFFFB00  }
0x169: {  	_ =	swait.ge [sflag:s1], $0x500  }
0x16a: {  	[sflag:s1] =	ssyncset.done $0x0  }
0x16b: {  	[sflag:s1] =	ssyncadd.s32 $0xFFFFFB00  }
0x16c: {  	[spmem:s3] =	stream.indirect.scatter.add.f32 [tilespmem:s11], [sflag:$0x3], $0x10, s10, s23, $0xb8;
	[tilespmem:$0x1F780] =	vst v63  }
0x16d: {  	s22 =	simm.s32 $0x4  }
0x16e: {  	[spmem:s3] =	stream.indirect.scatter.add.f32 [tilespmem:s7], [sflag:$0x3], $0x10, s18, s23, $0xb8;
	[tilespmem:$0x1F780] =	vst v63  }
0x16f: {  	_ =	swait.ge [sflag:s22], $0x1900  }
0x170: {  	[sflag:s22] =	ssyncset.done $0x0  }
0x171: {  	[sflag:s22] =	ssyncadd.s32 $0xFFFFE700  }
0x172: {  	_ =	swait.ge [sflag:s22], $0x1900  }
0x173: {  	[sflag:s22] =	ssyncset.done $0x0  }
0x174: {  	[sflag:s22] =	ssyncadd.s32 $0xFFFFE700  }
0x175: {  	_ =	swait.ge [sflag:s25], $0x190  }
0x176: {  	[sflag:s25] =	ssyncset.done $0x0  }
0x177: {  	[sflag:s25] =	ssyncadd.s32 $0xFFFFFE70  }
0x178: {  	_ =	swait.ge [sflag:s25], $0x190  }
0x179: {  	[sflag:s25] =	ssyncset.done $0x0  }
0x17a: {  	s30 =	simm.s32 $0x2580;
	s14 =	simm.s32 $0xAF0;
	[sflag:s25] =	ssyncadd.s32 $0xFFFFFE70  }
0x17b: {  	[tilespmem:s30], [sflag:$0x2] =	stream.indirect.gather [hbm4b:s13+s23], $0x10, s14, s23, $0xb8;
	[tilespmem:$0x1F780] =	vst v63  }
0x17c: {  	s5 =	simm.s32 $0x5780;
	s4 =	simm.s32 $0x4B0  }
0x17d: {  	[tilespmem:s5], [sflag:$0x2] =	stream.indirect.gather [hbm4b:s13+s23], $0x10, s4, s23, $0xb8;
	[tilespmem:$0x1F780] =	vst v63  }
0x17e: {  	s10 =	simm.s32 $0xB40;
	s7 =	simm.s32 $0x2A80  }
0x17f: {  	[tilespmem:s7], [sflag:$0x2] =	stream.indirect.gather [hbm4b:s13+s23], $0x10, s10, s23, $0xb8;
	[tilespmem:$0x1F780] =	vst v63  }
0x180: {  	s6 =	simm.s32 $0x500;
	s24 =	simm.s32 $0x5C80  }
0x181: {  	[tilespmem:s24], [sflag:$0x2] =	stream.indirect.gather [hbm4b:s13+s23], $0x10, s6, s23, $0xb8;
	[tilespmem:$0x1F780] =	vst v63  }
0x182: {  	s31 =	simm.s32 $0x2F80;
	s11 =	simm.s32 $0xB90  }
0x183: {  	[tilespmem:s31], [sflag:$0x2] =	stream.indirect.gather [hbm4b:s13+s23], $0x10, s11, s23, $0xb8;
	[tilespmem:$0x1F780] =	vst v63  }
0x184: {  	s12 =	simm.s32 $0x6180;
	s17 =	simm.s32 $0x550  }
0x185: {  	[tilespmem:s12], [sflag:$0x2] =	stream.indirect.gather [hbm4b:s13+s23], $0x10, s17, s23, $0xb8;
	[tilespmem:$0x1F780] =	vst v63  }
0x186: {  	s15 =	simm.s32 $0x3480;
	s18 =	simm.s32 $0xBE0  }
0x187: {  	[tilespmem:s15], [sflag:$0x2] =	stream.indirect.gather [hbm4b:s13+s23], $0x10, s18, s23, $0xb8;
	[tilespmem:$0x1F780] =	vst v63  }
0x188: {  	s20 =	simm.s32 $0x5A0;
	s29 =	simm.s32 $0x6680  }
0x189: {  	[tilespmem:s29], [sflag:$0x2] =	stream.indirect.gather [hbm4b:s13+s23], $0x10, s20, s23, $0xb8;
	[tilespmem:$0x1F780] =	vst v63  }
0x18a: {  	s21 =	simm.s32 $0xC30;
	s26 =	simm.s32 $0x3980  }
0x18b: {  	[tilespmem:s26], [sflag:$0x2] =	stream.indirect.gather [hbm4b:s13+s23], $0x10, s21, s23, $0xb8;
	[tilespmem:$0x1F780] =	vst v63  }
0x18c: {  	s16 =	simm.s32 $0x6B80;
	s21 =	simm.s32 $0x5F0  }
0x18d: {  	[tilespmem:s16], [sflag:$0x2] =	stream.indirect.gather [hbm4b:s13+s23], $0x10, s21, s23, $0xb8;
	[tilespmem:$0x1F780] =	vst v63  }
0x18e: {  	s8 =	sadd.s32 $0xFA, s8;
	s0 =	simm.s32 $0x190;
	s21 =	simm.s32 $0x0  }
0x18f: {  	[tilespmem:s0], [sflag:$0x1] =	stream.linear.gather [hbm4b:s8+s21], $0x190, $0x38;
	[tilespmem:$0x1F780] =	vst v63  }
0x190: {  	s9 =	simm.s32 $0x7D0;
	s0 =	sadd.s32 $0xFA, s19  }
0x191: {  	[tilespmem:s9], [sflag:$0x1] =	stream.linear.gather [hbm4b:s0+s21], $0x190, $0x38;
	[tilespmem:$0x1F780] =	vst v63  }
0x192: {  	_ =	swait.ge [sflag:s1], $0x500  }
0x193: {  	[sflag:s1] =	ssyncset.done $0x0  }
0x194: {  	[sflag:s1] =	ssyncadd.s32 $0xFFFFFB00  }
0x195: {  	_ =	swait.ge [sflag:s1], $0x500  }
0x196: {  	[sflag:s1] =	ssyncset.done $0x0  }
0x197: {  	[sflag:s1] =	ssyncadd.s32 $0xFFFFFB00  }
0x198: {  	[spmem:s3] =	stream.indirect.scatter.add.f32 [tilespmem:s30], [sflag:$0x4], $0x10, s4, s23, $0xb8;
	[tilespmem:$0x1F780] =	vst v63  }
0x199: {  	_ = 	snop  }
0x19a: {  	[spmem:s3] =	stream.indirect.scatter.add.f32 [tilespmem:s5], [sflag:$0x4], $0x10, s14, s23, $0xb8;
	[tilespmem:$0x1F780] =	vst v63  }
0x19b: {  	_ =	swait.ge [sflag:s1], $0x500  }
0x19c: {  	[sflag:s1] =	ssyncset.done $0x0  }
0x19d: {  	[sflag:s1] =	ssyncadd.s32 $0xFFFFFB00  }
0x19e: {  	_ =	swait.ge [sflag:s1], $0x500  }
0x19f: {  	[sflag:s1] =	ssyncset.done $0x0  }
0x1a0: {  	[sflag:s1] =	ssyncadd.s32 $0xFFFFFB00  }
0x1a1: {  	[spmem:s3] =	stream.indirect.scatter.add.f32 [tilespmem:s7], [sflag:$0x4], $0x10, s6, s23, $0xb8;
	[tilespmem:$0x1F780] =	vst v63  }
0x1a2: {  	_ = 	snop  }
0x1a3: {  	[spmem:s3] =	stream.indirect.scatter.add.f32 [tilespmem:s24], [sflag:$0x4], $0x10, s10, s23, $0xb8;
	[tilespmem:$0x1F780] =	vst v63  }
0x1a4: {  	_ =	swait.ge [sflag:s1], $0x500  }
0x1a5: {  	[sflag:s1] =	ssyncset.done $0x0  }
0x1a6: {  	[sflag:s1] =	ssyncadd.s32 $0xFFFFFB00  }
0x1a7: {  	_ =	swait.ge [sflag:s1], $0x500  }
0x1a8: {  	[sflag:s1] =	ssyncset.done $0x0  }
0x1a9: {  	[sflag:s1] =	ssyncadd.s32 $0xFFFFFB00  }
0x1aa: {  	[spmem:s3] =	stream.indirect.scatter.add.f32 [tilespmem:s31], [sflag:$0x4], $0x10, s17, s23, $0xb8;
	[tilespmem:$0x1F780] =	vst v63  }
0x1ab: {  	_ = 	snop  }
0x1ac: {  	[spmem:s3] =	stream.indirect.scatter.add.f32 [tilespmem:s12], [sflag:$0x4], $0x10, s11, s23, $0xb8;
	[tilespmem:$0x1F780] =	vst v63  }
0x1ad: {  	_ =	swait.ge [sflag:s1], $0x500  }
0x1ae: {  	[sflag:s1] =	ssyncset.done $0x0  }
0x1af: {  	[sflag:s1] =	ssyncadd.s32 $0xFFFFFB00  }
0x1b0: {  	_ =	swait.ge [sflag:s1], $0x500  }
0x1b1: {  	[sflag:s1] =	ssyncset.done $0x0  }
0x1b2: {  	[sflag:s1] =	ssyncadd.s32 $0xFFFFFB00  }
0x1b3: {  	[spmem:s3] =	stream.indirect.scatter.add.f32 [tilespmem:s15], [sflag:$0x4], $0x10, s20, s23, $0xb8;
	[tilespmem:$0x1F780] =	vst v63  }
0x1b4: {  	_ = 	snop  }
0x1b5: {  	[spmem:s3] =	stream.indirect.scatter.add.f32 [tilespmem:s29], [sflag:$0x4], $0x10, s18, s23, $0xb8;
	[tilespmem:$0x1F780] =	vst v63  }
0x1b6: {  	_ =	swait.ge [sflag:s1], $0x500  }
0x1b7: {  	[sflag:s1] =	ssyncset.done $0x0  }
0x1b8: {  	[sflag:s1] =	ssyncadd.s32 $0xFFFFFB00  }
0x1b9: {  	_ =	swait.ge [sflag:s1], $0x500  }
0x1ba: {  	[sflag:s1] =	ssyncset.done $0x0  }
0x1bb: {  	s17 =	simm.s32 $0x5F0;
	[sflag:s1] =	ssyncadd.s32 $0xFFFFFB00  }
0x1bc: {  	[spmem:s3] =	stream.indirect.scatter.add.f32 [tilespmem:s26], [sflag:$0x4], $0x10, s17, s23, $0xb8;
	[tilespmem:$0x1F780] =	vst v63  }
0x1bd: {  	s18 =	simm.s32 $0xC30  }
0x1be: {  	[spmem:s3] =	stream.indirect.scatter.add.f32 [tilespmem:s16], [sflag:$0x4], $0x10, s18, s23, $0xb8;
	[tilespmem:$0x1F780] =	vst v63  }
0x1bf: {  	_ =	swait.ge [sflag:s2], $0x1900  }
0x1c0: {  	[sflag:s2] =	ssyncset.done $0x0  }
0x1c1: {  	[sflag:s2] =	ssyncadd.s32 $0xFFFFE700  }
0x1c2: {  	_ =	swait.ge [sflag:s2], $0x1900  }
0x1c3: {  	[sflag:s2] =	ssyncset.done $0x0  }
0x1c4: {  	[sflag:s2] =	ssyncadd.s32 $0xFFFFE700  }
0x1c5: {  	_ =	swait.ge [sflag:s25], $0x190  }
0x1c6: {  	[sflag:s25] =	ssyncset.done $0x0  }
0x1c7: {  	[sflag:s25] =	ssyncadd.s32 $0xFFFFFE70  }
0x1c8: {  	_ =	swait.ge [sflag:s25], $0x190  }
0x1c9: {  	[sflag:s25] =	ssyncset.done $0x0  }
0x1ca: {  	s9 =	simm.s32 $0x640;
	[sflag:s25] =	ssyncadd.s32 $0xFFFFFE70  }
0x1cb: {  	[tilespmem:s28], [sflag:$0x2] =	stream.indirect.gather [hbm4b:s13+s23], $0x10, s9, s23, $0xb8;
	[tilespmem:$0x1F780] =	vst v63  }
0x1cc: {  	s8 =	simm.s32 $0x0;
	s14 =	simm.s32 $0x3E80  }
0x1cd: {  	[tilespmem:s14], [sflag:$0x2] =	stream.indirect.gather [hbm4b:s13+s23], $0x10, s8, s23, $0xb8;
	[tilespmem:$0x1F780] =	vst v63  }
0x1ce: {  	s4 =	simm.s32 $0x1180;
	s31 =	simm.s32 $0x690  }
0x1cf: {  	[tilespmem:s4], [sflag:$0x2] =	stream.indirect.gather [hbm4b:s13+s23], $0x10, s31, s23, $0xb8;
	[tilespmem:$0x1F780] =	vst v63  }
0x1d0: {  	s24 =	simm.s32 $0x4380  }
0x1d1: {  	[tilespmem:s24], [sflag:$0x2] =	stream.indirect.gather [hbm4b:s13+s23], $0x10, s23, s23, $0xb8;
	[tilespmem:$0x1F780] =	vst v63  }
0x1d2: {  	s21 =	simm.s32 $0x780;
	s10 =	simm.s32 $0x1680;
	s16 =	simm.s32 $0x6E0  }
0x1d3: {  	[tilespmem:s10], [sflag:$0x2] =	stream.indirect.gather [hbm4b:s13+s23], $0x10, s16, s23, $0xb8;
	[tilespmem:$0x1F780] =	vst v63  }
0x1d4: {  	s6 =	simm.s32 $0x4880;
	s29 =	simm.s32 $0xA0;
	s5 =	rddreg [dreg:$0x18]  }
0x1d5: {  	[tilespmem:s6], [sflag:$0x2] =	stream.indirect.gather [hbm4b:s13+s23], $0x10, s29, s23, $0xb8;
	[tilespmem:$0x1F780] =	vst v63  }
0x1d6: {  	s11 =	simm.s32 $0x1B80;
	s18 =	simm.s32 $0x730;
	s8 =	sadd.s32 $0xFFFFFFFB, s5  }
0x1d7: {  	[tilespmem:s11], [sflag:$0x2] =	stream.indirect.gather [hbm4b:s13+s23], $0x10, s18, s23, $0xb8;
	[tilespmem:$0x1F780] =	vst v63  }
0x1d8: {  	s15 =	simm.s32 $0x4D80;
	s26 =	simm.s32 $0xF0;
	p0 =	slt.s32 s8, $0x4E1B  }
0x1d9: {  	[tilespmem:s15], [sflag:$0x2] =	stream.indirect.gather [hbm4b:s13+s23], $0x10, s26, s23, $0xb8;
	[tilespmem:$0x1F780] =	vst v63  }
0x1da: {  	s12 =	simm.s32 $0x140;
	s20 =	simm.s32 $0x2080;
	s8 =	simm.s32 @!p0 $0x4E1B  }
0x1db: {  	[tilespmem:s20], [sflag:$0x2] =	stream.indirect.gather [hbm4b:s13+s23], $0x10, s21, s23, $0xb8;
	[tilespmem:$0x1F780] =	vst v63  }
0x1dc: {  	s17 =	simm.s32 $0x5280;
	s0 =	rddreg [dreg:$0x1];
	s8 =	smul.u32 $0xA, s8  }
0x1dd: {  	[tilespmem:s17], [sflag:$0x2] =	stream.indirect.gather [hbm4b:s13+s23], $0x10, s12, s23, $0xb8;
	[tilespmem:$0x1F780] =	vst v63  }
0x1de: {  	s19 =	simm.s32 $0x0;
	s30 =	simm.s32 $0x320;
	s2 =	sadd.s32 s0, s8  }
0x1df: {  	[tilespmem:s30], [sflag:$0x1] =	stream.linear.gather [hbm4b:s2+s19], $0x190, $0x38;
	[tilespmem:$0x1F780] =	vst v63  }
0x1e0: {  	s2 =	rddreg [dreg:$0x2]  }
0x1e1: {  	s19 =	simm.s32 $0x960;
	s30 =	simm.s32 $0x0;
	s8 =	sadd.s32 s2, s8  }
0x1e2: {  	[tilespmem:s19], [sflag:$0x1] =	stream.linear.gather [hbm4b:s8+s30], $0x190, $0x38;
	[tilespmem:$0x1F780] =	vst v63  }
0x1e3: {  	_ =	swait.ge [sflag:s1], $0x500  }
0x1e4: {  	[sflag:s1] =	ssyncset.done $0x0  }
0x1e5: {  	[sflag:s1] =	ssyncadd.s32 $0xFFFFFB00  }
0x1e6: {  	_ =	swait.ge [sflag:s1], $0x500  }
0x1e7: {  	[sflag:s1] =	ssyncset.done $0x0  }
0x1e8: {  	[sflag:s1] =	ssyncadd.s32 $0xFFFFFB00  }
0x1e9: {  	[spmem:s3] =	stream.indirect.scatter.add.f32 [tilespmem:s28], [sflag:$0x3], $0x10, s30, s23, $0xb8;
	[tilespmem:$0x1F780] =	vst v63  }
0x1ea: {  	_ = 	snop  }
0x1eb: {  	[spmem:s3] =	stream.indirect.scatter.add.f32 [tilespmem:s14], [sflag:$0x3], $0x10, s9, s23, $0xb8;
	[tilespmem:$0x1F780] =	vst v63  }
0x1ec: {  	_ =	swait.ge [sflag:s1], $0x500  }
0x1ed: {  	[sflag:s1] =	ssyncset.done $0x0  }
0x1ee: {  	[sflag:s1] =	ssyncadd.s32 $0xFFFFFB00  }
0x1ef: {  	_ =	swait.ge [sflag:s1], $0x500  }
0x1f0: {  	[sflag:s1] =	ssyncset.done $0x0  }
0x1f1: {  	[sflag:s1] =	ssyncadd.s32 $0xFFFFFB00  }
0x1f2: {  	[spmem:s3] =	stream.indirect.scatter.add.f32 [tilespmem:s4], [sflag:$0x3], $0x10, s23, s23, $0xb8;
	[tilespmem:$0x1F780] =	vst v63  }
0x1f3: {  	_ = 	snop  }
0x1f4: {  	[spmem:s3] =	stream.indirect.scatter.add.f32 [tilespmem:s24], [sflag:$0x3], $0x10, s31, s23, $0xb8;
	[tilespmem:$0x1F780] =	vst v63  }
0x1f5: {  	_ =	swait.ge [sflag:s1], $0x500  }
0x1f6: {  	[sflag:s1] =	ssyncset.done $0x0  }
0x1f7: {  	[sflag:s1] =	ssyncadd.s32 $0xFFFFFB00  }
0x1f8: {  	_ =	swait.ge [sflag:s1], $0x500  }
0x1f9: {  	[sflag:s1] =	ssyncset.done $0x0  }
0x1fa: {  	[sflag:s1] =	ssyncadd.s32 $0xFFFFFB00  }
0x1fb: {  	[spmem:s3] =	stream.indirect.scatter.add.f32 [tilespmem:s10], [sflag:$0x3], $0x10, s29, s23, $0xb8;
	[tilespmem:$0x1F780] =	vst v63  }
0x1fc: {  	_ = 	snop  }
0x1fd: {  	[spmem:s3] =	stream.indirect.scatter.add.f32 [tilespmem:s6], [sflag:$0x3], $0x10, s16, s23, $0xb8;
	[tilespmem:$0x1F780] =	vst v63  }
0x1fe: {  	_ =	swait.ge [sflag:s1], $0x500  }
0x1ff: {  	[sflag:s1] =	ssyncset.done $0x0  }
0x200: {  	[sflag:s1] =	ssyncadd.s32 $0xFFFFFB00  }
0x201: {  	_ =	swait.ge [sflag:s1], $0x500  }
0x202: {  	[sflag:s1] =	ssyncset.done $0x0  }
0x203: {  	[sflag:s1] =	ssyncadd.s32 $0xFFFFFB00  }
0x204: {  	[spmem:s3] =	stream.indirect.scatter.add.f32 [tilespmem:s11], [sflag:$0x3], $0x10, s26, s23, $0xb8;
	[tilespmem:$0x1F780] =	vst v63  }
0x205: {  	_ = 	snop  }
0x206: {  	[spmem:s3] =	stream.indirect.scatter.add.f32 [tilespmem:s15], [sflag:$0x3], $0x10, s18, s23, $0xb8;
	[tilespmem:$0x1F780] =	vst v63  }
0x207: {  	_ =	swait.ge [sflag:s1], $0x500  }
0x208: {  	[sflag:s1] =	ssyncset.done $0x0  }
0x209: {  	[sflag:s1] =	ssyncadd.s32 $0xFFFFFB00  }
0x20a: {  	_ =	swait.ge [sflag:s1], $0x500  }
0x20b: {  	[sflag:s1] =	ssyncset.done $0x0  }
0x20c: {  	[sflag:s1] =	ssyncadd.s32 $0xFFFFFB00  }
0x20d: {  	[spmem:s3] =	stream.indirect.scatter.add.f32 [tilespmem:s20], [sflag:$0x3], $0x10, s12, s23, $0xb8;
	[tilespmem:$0x1F780] =	vst v63  }
0x20e: {  	_ = 	snop  }
0x20f: {  	[spmem:s3] =	stream.indirect.scatter.add.f32 [tilespmem:s17], [sflag:$0x3], $0x10, s21, s23, $0xb8;
	[tilespmem:$0x1F780] =	vst v63  }
0x210: {  	_ =	swait.ge [sflag:s22], $0x1900  }
0x211: {  	[sflag:s22] =	ssyncset.done $0x0  }
0x212: {  	[sflag:s22] =	ssyncadd.s32 $0xFFFFE700  }
0x213: {  	_ =	swait.ge [sflag:s22], $0x1900  }
0x214: {  	[sflag:s22] =	ssyncset.done $0x0  }
0x215: {  	[sflag:s22] =	ssyncadd.s32 $0xFFFFE700  }
0x216: {  	_ =	swait.ge [sflag:s25], $0x190  }
0x217: {  	[sflag:s25] =	ssyncset.done $0x0  }
0x218: {  	[sflag:s25] =	ssyncadd.s32 $0xFFFFFE70  }
0x219: {  	_ =	swait.ge [sflag:s25], $0x190  }
0x21a: {  	[sflag:s25] =	ssyncset.done $0x0  }
0x21b: {  	s7 =	simm.s32 $0x7D0;
	s10 =	simm.s32 $0x2580;
	[sflag:s25] =	ssyncadd.s32 $0xFFFFFE70  }
0x21c: {  	[tilespmem:s10], [sflag:$0x2] =	stream.indirect.gather [hbm4b:s13+s23], $0x10, s7, s23, $0xb8;
	[tilespmem:$0x1F780] =	vst v63  }
0x21d: {  	s11 =	simm.s32 $0x5780;
	s26 =	simm.s32 $0x190  }
0x21e: {  	[tilespmem:s11], [sflag:$0x2] =	stream.indirect.gather [hbm4b:s13+s23], $0x10, s26, s23, $0xb8;
	[tilespmem:$0x1F780] =	vst v63  }
0x21f: {  	s4 =	simm.s32 $0x2A80;
	s24 =	simm.s32 $0x820  }
0x220: {  	[tilespmem:s4], [sflag:$0x2] =	stream.indirect.gather [hbm4b:s13+s23], $0x10, s24, s23, $0xb8;
	[tilespmem:$0x1F780] =	vst v63  }
0x221: {  	s9 =	simm.s32 $0x1E0;
	s6 =	simm.s32 $0x5C80  }
0x222: {  	[tilespmem:s6], [sflag:$0x2] =	stream.indirect.gather [hbm4b:s13+s23], $0x10, s9, s23, $0xb8;
	[tilespmem:$0x1F780] =	vst v63  }
0x223: {  	s20 =	simm.s32 $0x2F80;
	s22 =	simm.s32 $0x870  }
0x224: {  	[tilespmem:s20], [sflag:$0x2] =	stream.indirect.gather [hbm4b:s13+s23], $0x10, s22, s23, $0xb8;
	[tilespmem:$0x1F780] =	vst v63  }
0x225: {  	s28 =	simm.s32 $0x6180;
	s18 =	simm.s32 $0x230  }
0x226: {  	[tilespmem:s28], [sflag:$0x2] =	stream.indirect.gather [hbm4b:s13+s23], $0x10, s18, s23, $0xb8;
	[tilespmem:$0x1F780] =	vst v63  }
0x227: {  	p0 =	slt.s32 s5, $0x4E1B;
	s15 =	simm.s32 $0x8C0;
	s17 =	simm.s32 $0x3480  }
0x228: {  	[tilespmem:s17], [sflag:$0x2] =	stream.indirect.gather [hbm4b:s13+s23], $0x10, s15, s23, $0xb8;
	[tilespmem:$0x1F780] =	vst v63  }
0x229: {  	s8 =	smov.u32 s5;
	s16 =	simm.s32 $0x280;
	s21 =	simm.s32 $0x6680  }
0x22a: {  	[tilespmem:s21], [sflag:$0x2] =	stream.indirect.gather [hbm4b:s13+s23], $0x10, s16, s23, $0xb8;
	[tilespmem:$0x1F780] =	vst v63  }
0x22b: {  	s19 =	simm.s32 $0x910;
	s8 =	simm.s32 @!p0 $0x4E1B;
	s12 =	simm.s32 $0x3980  }
0x22c: {  	[tilespmem:s12], [sflag:$0x2] =	stream.indirect.gather [hbm4b:s13+s23], $0x10, s19, s23, $0xb8;
	[tilespmem:$0x1F780] =	vst v63  }
0x22d: {  	s8 =	smul.u32 $0xA, s8;
	s14 =	simm.s32 $0x2D0;
	s29 =	simm.s32 $0x6B80  }
0x22e: {  	[tilespmem:s29], [sflag:$0x2] =	stream.indirect.gather [hbm4b:s13+s23], $0x10, s14, s23, $0xb8;
	[tilespmem:$0x1F780] =	vst v63  }
0x22f: {  	s30 =	simm.s32 $0x0;
	s19 =	sadd.s32 s0, s8;
	s0 =	simm.s32 $0x4B0  }
0x230: {  	[tilespmem:s0], [sflag:$0x1] =	stream.linear.gather [hbm4b:s19+s30], $0x190, $0x38;
	[tilespmem:$0x1F780] =	vst v63  }
0x231: {  	s31 =	simm.s32 $0x0;
	s8 =	sadd.s32 s2, s8;
	s30 =	simm.s32 $0xAF0  }
0x232: {  	[tilespmem:s30], [sflag:$0x1] =	stream.linear.gather [hbm4b:s8+s31], $0x190, $0x38;
	[tilespmem:$0x1F780] =	vst v63  }
0x233: {  	_ =	swait.ge [sflag:s1], $0x500  }
0x234: {  	[sflag:s1] =	ssyncset.done $0x0  }
0x235: {  	[sflag:s1] =	ssyncadd.s32 $0xFFFFFB00  }
0x236: {  	_ =	swait.ge [sflag:s1], $0x500  }
0x237: {  	[sflag:s1] =	ssyncset.done $0x0  }
0x238: {  	[sflag:s1] =	ssyncadd.s32 $0xFFFFFB00  }
0x239: {  	[spmem:s3] =	stream.indirect.scatter.add.f32 [tilespmem:s10], [sflag:$0x4], $0x10, s26, s23, $0xb8;
	[tilespmem:$0x1F780] =	vst v63  }
0x23a: {  	_ = 	snop  }
0x23b: {  	[spmem:s3] =	stream.indirect.scatter.add.f32 [tilespmem:s11], [sflag:$0x4], $0x10, s7, s23, $0xb8;
	[tilespmem:$0x1F780] =	vst v63  }
0x23c: {  	_ =	swait.ge [sflag:s1], $0x500  }
0x23d: {  	[sflag:s1] =	ssyncset.done $0x0  }
0x23e: {  	[sflag:s1] =	ssyncadd.s32 $0xFFFFFB00  }
0x23f: {  	_ =	swait.ge [sflag:s1], $0x500  }
0x240: {  	[sflag:s1] =	ssyncset.done $0x0  }
0x241: {  	[sflag:s1] =	ssyncadd.s32 $0xFFFFFB00  }
0x242: {  	[spmem:s3] =	stream.indirect.scatter.add.f32 [tilespmem:s4], [sflag:$0x4], $0x10, s9, s23, $0xb8;
	[tilespmem:$0x1F780] =	vst v63  }
0x243: {  	_ = 	snop  }
0x244: {  	[spmem:s3] =	stream.indirect.scatter.add.f32 [tilespmem:s6], [sflag:$0x4], $0x10, s24, s23, $0xb8;
	[tilespmem:$0x1F780] =	vst v63  }
0x245: {  	_ =	swait.ge [sflag:s1], $0x500  }
0x246: {  	[sflag:s1] =	ssyncset.done $0x0  }
0x247: {  	[sflag:s1] =	ssyncadd.s32 $0xFFFFFB00  }
0x248: {  	_ =	swait.ge [sflag:s1], $0x500  }
0x249: {  	[sflag:s1] =	ssyncset.done $0x0  }
0x24a: {  	[sflag:s1] =	ssyncadd.s32 $0xFFFFFB00  }
0x24b: {  	[spmem:s3] =	stream.indirect.scatter.add.f32 [tilespmem:s20], [sflag:$0x4], $0x10, s18, s23, $0xb8;
	[tilespmem:$0x1F780] =	vst v63  }
0x24c: {  	_ = 	snop  }
0x24d: {  	[spmem:s3] =	stream.indirect.scatter.add.f32 [tilespmem:s28], [sflag:$0x4], $0x10, s22, s23, $0xb8;
	[tilespmem:$0x1F780] =	vst v63  }
0x24e: {  	_ =	swait.ge [sflag:s1], $0x500  }
0x24f: {  	[sflag:s1] =	ssyncset.done $0x0  }
0x250: {  	[sflag:s1] =	ssyncadd.s32 $0xFFFFFB00  }
0x251: {  	_ =	swait.ge [sflag:s1], $0x500  }
0x252: {  	[sflag:s1] =	ssyncset.done $0x0  }
0x253: {  	[sflag:s1] =	ssyncadd.s32 $0xFFFFFB00  }
0x254: {  	[spmem:s3] =	stream.indirect.scatter.add.f32 [tilespmem:s17], [sflag:$0x4], $0x10, s16, s23, $0xb8;
	[tilespmem:$0x1F780] =	vst v63  }
0x255: {  	_ = 	snop  }
0x256: {  	[spmem:s3] =	stream.indirect.scatter.add.f32 [tilespmem:s21], [sflag:$0x4], $0x10, s15, s23, $0xb8;
	[tilespmem:$0x1F780] =	vst v63  }
0x257: {  	_ =	swait.ge [sflag:s1], $0x500  }
0x258: {  	[sflag:s1] =	ssyncset.done $0x0  }
0x259: {  	[sflag:s1] =	ssyncadd.s32 $0xFFFFFB00  }
0x25a: {  	_ =	swait.ge [sflag:s1], $0x500  }
0x25b: {  	[sflag:s1] =	ssyncset.done $0x0  }
0x25c: {  	s2 =	simm.s32 $0xC8;
	s19 =	smov.u32 s5;
	[sflag:s1] =	ssyncadd.s32 $0xFFFFFB00  }
0x25d: {  	[spmem:s3] =	stream.indirect.scatter.add.f32 [tilespmem:s12], [sflag:$0x4], $0x10, s14, s23, $0xb8;
	[tilespmem:$0x1F780] =	vst v63  }
.LBB2_4:
0x25e: {  	s6 =	sadd.s32 $0xC8, s2  }
0x25f: {  	s0 =	simm.s32 $0x910;
	s21 =	simm.s32 $0x3;
	[dreg:$0x7] =	wrdreg s6  }
0x260: {  	[spmem:s3] =	stream.indirect.scatter.add.f32 [tilespmem:s29], [sflag:$0x4], $0x10, s0, s23, $0xb8;
	[tilespmem:$0x1F780] =	vst v63  }
0x261: {  	_ =	swait.ge [sflag:s21], $0x1900  }
0x262: {  	[sflag:s21] =	ssyncset.done $0x0  }
0x263: {  	[sflag:s21] =	ssyncadd.s32 $0xFFFFE700  }
0x264: {  	_ =	swait.ge [sflag:s21], $0x1900  }
0x265: {  	[sflag:s21] =	ssyncset.done $0x0  }
0x266: {  	[sflag:s21] =	ssyncadd.s32 $0xFFFFE700  }
0x267: {  	_ =	swait.ge [sflag:s25], $0x190  }
0x268: {  	[sflag:s25] =	ssyncset.done $0x0  }
0x269: {  	[sflag:s25] =	ssyncadd.s32 $0xFFFFFE70  }
0x26a: {  	_ =	swait.ge [sflag:s25], $0x190  }
0x26b: {  	[sflag:s25] =	ssyncset.done $0x0  }
0x26c: {  	s7 =	simm.s32 $0xC80;
	s8 =	simm.s32 $0x960;
	[sflag:s25] =	ssyncadd.s32 $0xFFFFFE70  }
0x26d: {  	[tilespmem:s7], [sflag:$0x2] =	stream.indirect.gather [hbm4b:s13+s23], $0x10, s8, s23, $0xb8;
	[tilespmem:$0x1F780] =	vst v63  }
0x26e: {  	s9 =	simm.s32 $0x3E80;
	s10 =	simm.s32 $0x320  }
0x26f: {  	[tilespmem:s9], [sflag:$0x2] =	stream.indirect.gather [hbm4b:s13+s23], $0x10, s10, s23, $0xb8;
	[tilespmem:$0x1F780] =	vst v63  }
0x270: {  	p0 =	sne.s32 s2, $0x2FA8;
	s11 =	simm.s32 $0x1180;
	s0 =	simm.s32 $0x9B0  }
0x271: {  	[tilespmem:s11], [sflag:$0x2] =	stream.indirect.gather [hbm4b:s13+s23], $0x10, s0, s23, $0xb8;
	[tilespmem:$0x1F780] =	vst v63  }
0x272: {  	s28 =	smov.u32 s2;
	s2 =	simm.s32 $0x370;
	s4 =	simm.s32 $0x4380  }
0x273: {  	[tilespmem:s4], [sflag:$0x2] =	stream.indirect.gather [hbm4b:s13+s23], $0x10, s2, s23, $0xb8;
	[tilespmem:$0x1F780] =	vst v63  }
0x274: {  	s5 =	simm.s32 $0xA00;
	s12 =	simm.s32 $0x1680  }
0x275: {  	[tilespmem:s12], [sflag:$0x2] =	stream.indirect.gather [hbm4b:s13+s23], $0x10, s5, s23, $0xb8;
	[tilespmem:$0x1F780] =	vst v63  }
0x276: {  	s15 =	simm.s32 $0x4880;
	s7 =	simm.s32 $0x3C0  }
0x277: {  	[tilespmem:s15], [sflag:$0x2] =	stream.indirect.gather [hbm4b:s13+s23], $0x10, s7, s23, $0xb8;
	[tilespmem:$0x1F780] =	vst v63  }
0x278: {  	s16 =	simm.s32 $0x1B80;
	s9 =	simm.s32 $0xA50  }
0x279: {  	[tilespmem:s16], [sflag:$0x2] =	stream.indirect.gather [hbm4b:s13+s23], $0x10, s9, s23, $0xb8;
	[tilespmem:$0x1F780] =	vst v63  }
0x27a: {  	s17 =	simm.s32 $0x4D80;
	s20 =	simm.s32 $0x2080;
	s11 =	simm.s32 $0x410  }
0x27b: {  	[tilespmem:s17], [sflag:$0x2] =	stream.indirect.gather [hbm4b:s13+s23], $0x10, s11, s23, $0xb8;
	[tilespmem:$0x1F780] =	vst v63  }
0x27c: {  	s26 =	simm.s32 $0x5280;
	s10 =	simm.s32 $0xAA0;
	s15 =	rddreg [dreg:$0x5]  }
0x27d: {  	[tilespmem:s20], [sflag:$0x2] =	stream.indirect.gather [hbm4b:s13+s23], $0x10, s10, s23, $0xb8;
	[tilespmem:$0x1F780] =	vst v63  }
0x27e: {  	s4 =	rddreg [dreg:$0x6];
	s20 =	sadd.s32 s28, s15;
	s15 =	simm.s32 $0x460  }
0x27f: {  	[tilespmem:s26], [sflag:$0x2] =	stream.indirect.gather [hbm4b:s13+s23], $0x10, s15, s23, $0xb8;
	[tilespmem:$0x1F780] =	vst v63  }
0x280: {  	s28 =	sadd.s32 s28, s4;
	s29 =	sadd.s32 $0xC8, s20  }
0x281: {  	[tilespmem:s31], [sflag:$0x1] =	stream.linear.gather [hbm4b:s29+s31], $0x190, $0x38;
	[tilespmem:$0x1F780] =	vst v63  }
0x282: {  	s4 =	simm.s32 $0x640;
	s29 =	sadd.s32 $0xC8, s28  }
0x283: {  	[tilespmem:s4], [sflag:$0x1] =	stream.linear.gather [hbm4b:s29+s31], $0x190, $0x38;
	[tilespmem:$0x1F780] =	vst v63  }
0x284: {  	_ =	swait.ge [sflag:s1], $0x500  }
0x285: {  	[sflag:s1] =	ssyncset.done $0x0  }
0x286: {  	[sflag:s1] =	ssyncadd.s32 $0xFFFFFB00  }
0x287: {  	_ =	swait.ge [sflag:s1], $0x500  }
0x288: {  	[sflag:s1] =	ssyncset.done $0x0  }
0x289: {  	s14 =	simm.s32 $0xC80;
	s6 =	simm.s32 $0x320;
	[sflag:s1] =	ssyncadd.s32 $0xFFFFFB00  }
0x28a: {  	[spmem:s3] =	stream.indirect.scatter.add.f32 [tilespmem:s14], [sflag:$0x3], $0x10, s6, s23, $0xb8;
	[tilespmem:$0x1F780] =	vst v63  }
0x28b: {  	s24 =	simm.s32 $0x3E80;
	s8 =	simm.s32 $0x960  }
0x28c: {  	[spmem:s3] =	stream.indirect.scatter.add.f32 [tilespmem:s24], [sflag:$0x3], $0x10, s8, s23, $0xb8;
	[tilespmem:$0x1F780] =	vst v63  }
0x28d: {  	_ =	swait.ge [sflag:s1], $0x500  }
0x28e: {  	[sflag:s1] =	ssyncset.done $0x0  }
0x28f: {  	[sflag:s1] =	ssyncadd.s32 $0xFFFFFB00  }
0x290: {  	_ =	swait.ge [sflag:s1], $0x500  }
0x291: {  	[sflag:s1] =	ssyncset.done $0x0  }
0x292: {  	s18 =	simm.s32 $0x1180;
	[sflag:s1] =	ssyncadd.s32 $0xFFFFFB00  }
0x293: {  	[spmem:s3] =	stream.indirect.scatter.add.f32 [tilespmem:s18], [sflag:$0x3], $0x10, s2, s23, $0xb8;
	[tilespmem:$0x1F780] =	vst v63  }
0x294: {  	s30 =	simm.s32 $0x4380  }
0x295: {  	[spmem:s3] =	stream.indirect.scatter.add.f32 [tilespmem:s30], [sflag:$0x3], $0x10, s0, s23, $0xb8;
	[tilespmem:$0x1F780] =	vst v63  }
0x296: {  	_ =	swait.ge [sflag:s1], $0x500  }
0x297: {  	[sflag:s1] =	ssyncset.done $0x0  }
0x298: {  	[sflag:s1] =	ssyncadd.s32 $0xFFFFFB00  }
0x299: {  	_ =	swait.ge [sflag:s1], $0x500  }
0x29a: {  	[sflag:s1] =	ssyncset.done $0x0  }
0x29b: {  	s12 =	simm.s32 $0x1680;
	[sflag:s1] =	ssyncadd.s32 $0xFFFFFB00  }
0x29c: {  	[spmem:s3] =	stream.indirect.scatter.add.f32 [tilespmem:s12], [sflag:$0x3], $0x10, s7, s23, $0xb8;
	[tilespmem:$0x1F780] =	vst v63  }
0x29d: {  	s22 =	simm.s32 $0x4880  }
0x29e: {  	[spmem:s3] =	stream.indirect.scatter.add.f32 [tilespmem:s22], [sflag:$0x3], $0x10, s5, s23, $0xb8;
	[tilespmem:$0x1F780] =	vst v63  }
0x29f: {  	_ =	swait.ge [sflag:s1], $0x500  }
0x2a0: {  	[sflag:s1] =	ssyncset.done $0x0  }
0x2a1: {  	[sflag:s1] =	ssyncadd.s32 $0xFFFFFB00  }
0x2a2: {  	_ =	swait.ge [sflag:s1], $0x500  }
0x2a3: {  	[sflag:s1] =	ssyncset.done $0x0  }
0x2a4: {  	s16 =	simm.s32 $0x1B80;
	[sflag:s1] =	ssyncadd.s32 $0xFFFFFB00  }
0x2a5: {  	[spmem:s3] =	stream.indirect.scatter.add.f32 [tilespmem:s16], [sflag:$0x3], $0x10, s11, s23, $0xb8;
	[tilespmem:$0x1F780] =	vst v63  }
0x2a6: {  	s17 =	simm.s32 $0x4D80  }
0x2a7: {  	[spmem:s3] =	stream.indirect.scatter.add.f32 [tilespmem:s17], [sflag:$0x3], $0x10, s9, s23, $0xb8;
	[tilespmem:$0x1F780] =	vst v63  }
0x2a8: {  	_ =	swait.ge [sflag:s1], $0x500  }
0x2a9: {  	[sflag:s1] =	ssyncset.done $0x0  }
0x2aa: {  	[sflag:s1] =	ssyncadd.s32 $0xFFFFFB00  }
0x2ab: {  	_ =	swait.ge [sflag:s1], $0x500  }
0x2ac: {  	[sflag:s1] =	ssyncset.done $0x0  }
0x2ad: {  	s24 =	simm.s32 $0x2080;
	[sflag:s1] =	ssyncadd.s32 $0xFFFFFB00  }
0x2ae: {  	[spmem:s3] =	stream.indirect.scatter.add.f32 [tilespmem:s24], [sflag:$0x3], $0x10, s15, s23, $0xb8;
	[tilespmem:$0x1F780] =	vst v63  }
0x2af: {  	s26 =	simm.s32 $0x5280;
	s22 =	simm.s32 $0x4  }
0x2b0: {  	[spmem:s3] =	stream.indirect.scatter.add.f32 [tilespmem:s26], [sflag:$0x3], $0x10, s10, s23, $0xb8;
	[tilespmem:$0x1F780] =	vst v63  }
0x2b1: {  	_ =	swait.ge [sflag:s22], $0x1900  }
0x2b2: {  	[sflag:s22] =	ssyncset.done $0x0  }
0x2b3: {  	[sflag:s22] =	ssyncadd.s32 $0xFFFFE700  }
0x2b4: {  	_ =	swait.ge [sflag:s22], $0x1900  }
0x2b5: {  	[sflag:s22] =	ssyncset.done $0x0  }
0x2b6: {  	[sflag:s22] =	ssyncadd.s32 $0xFFFFE700  }
0x2b7: {  	_ =	swait.ge [sflag:s25], $0x190  }
0x2b8: {  	[sflag:s25] =	ssyncset.done $0x0  }
0x2b9: {  	[sflag:s25] =	ssyncadd.s32 $0xFFFFFE70  }
0x2ba: {  	_ =	swait.ge [sflag:s25], $0x190  }
0x2bb: {  	[sflag:s25] =	ssyncset.done $0x0  }
0x2bc: {  	s30 =	simm.s32 $0xAF0;
	s26 =	simm.s32 $0x2580;
	[sflag:s25] =	ssyncadd.s32 $0xFFFFFE70  }
0x2bd: {  	[tilespmem:s26], [sflag:$0x2] =	stream.indirect.gather [hbm4b:s13+s23], $0x10, s30, s23, $0xb8;
	[tilespmem:$0x1F780] =	vst v63  }
0x2be: {  	s4 =	simm.s32 $0x5780;
	s5 =	simm.s32 $0x4B0  }
0x2bf: {  	[tilespmem:s4], [sflag:$0x2] =	stream.indirect.gather [hbm4b:s13+s23], $0x10, s5, s23, $0xb8;
	[tilespmem:$0x1F780] =	vst v63  }
0x2c0: {  	s6 =	simm.s32 $0x2A80;
	s0 =	simm.s32 $0xB40  }
0x2c1: {  	[tilespmem:s6], [sflag:$0x2] =	stream.indirect.gather [hbm4b:s13+s23], $0x10, s0, s23, $0xb8;
	[tilespmem:$0x1F780] =	vst v63  }
0x2c2: {  	s17 =	simm.s32 $0x500;
	s10 =	simm.s32 $0x5C80  }
0x2c3: {  	[tilespmem:s10], [sflag:$0x2] =	stream.indirect.gather [hbm4b:s13+s23], $0x10, s17, s23, $0xb8;
	[tilespmem:$0x1F780] =	vst v63  }
0x2c4: {  	s2 =	simm.s32 $0xB90;
	s11 =	simm.s32 $0x2F80  }
0x2c5: {  	[tilespmem:s11], [sflag:$0x2] =	stream.indirect.gather [hbm4b:s13+s23], $0x10, s2, s23, $0xb8;
	[tilespmem:$0x1F780] =	vst v63  }
0x2c6: {  	s12 =	simm.s32 $0x6180;
	s4 =	simm.s32 $0x550  }
0x2c7: {  	[tilespmem:s12], [sflag:$0x2] =	stream.indirect.gather [hbm4b:s13+s23], $0x10, s4, s23, $0xb8;
	[tilespmem:$0x1F780] =	vst v63  }
0x2c8: {  	s16 =	simm.s32 $0x3480;
	s5 =	simm.s32 $0xBE0  }
0x2c9: {  	[tilespmem:s16], [sflag:$0x2] =	stream.indirect.gather [hbm4b:s13+s23], $0x10, s5, s23, $0xb8;
	[tilespmem:$0x1F780] =	vst v63  }
0x2ca: {  	s18 =	simm.s32 $0x6680;
	s30 =	simm.s32 $0x5A0  }
0x2cb: {  	[tilespmem:s18], [sflag:$0x2] =	stream.indirect.gather [hbm4b:s13+s23], $0x10, s30, s23, $0xb8;
	[tilespmem:$0x1F780] =	vst v63  }
0x2cc: {  	s24 =	simm.s32 $0x3980;
	s6 =	simm.s32 $0xC30  }
0x2cd: {  	[tilespmem:s24], [sflag:$0x2] =	stream.indirect.gather [hbm4b:s13+s23], $0x10, s6, s23, $0xb8;
	[tilespmem:$0x1F780] =	vst v63  }
0x2ce: {  	s26 =	simm.s32 $0x6B80;
	s16 =	simm.s32 $0x5F0  }
0x2cf: {  	[tilespmem:s26], [sflag:$0x2] =	stream.indirect.gather [hbm4b:s13+s23], $0x10, s16, s23, $0xb8;
	[tilespmem:$0x1F780] =	vst v63  }
0x2d0: {  	s20 =	sadd.s32 $0xFA, s20;
	s31 =	simm.s32 $0x0;
	s26 =	simm.s32 $0x190  }
0x2d1: {  	[tilespmem:s26], [sflag:$0x1] =	stream.linear.gather [hbm4b:s20+s31], $0x190, $0x38;
	[tilespmem:$0x1F780] =	vst v63  }
0x2d2: {  	s26 =	sadd.s32 $0xFA, s28;
	s28 =	simm.s32 $0x7D0  }
0x2d3: {  	[tilespmem:s28], [sflag:$0x1] =	stream.linear.gather [hbm4b:s26+s31], $0x190, $0x38;
	[tilespmem:$0x1F780] =	vst v63  }
0x2d4: {  	_ =	swait.ge [sflag:s1], $0x500  }
0x2d5: {  	[sflag:s1] =	ssyncset.done $0x0  }
0x2d6: {  	[sflag:s1] =	ssyncadd.s32 $0xFFFFFB00  }
0x2d7: {  	_ =	swait.ge [sflag:s1], $0x500  }
0x2d8: {  	[sflag:s1] =	ssyncset.done $0x0  }
0x2d9: {  	s14 =	simm.s32 $0x4B0;
	s8 =	simm.s32 $0x2580;
	[sflag:s1] =	ssyncadd.s32 $0xFFFFFB00  }
0x2da: {  	[spmem:s3] =	stream.indirect.scatter.add.f32 [tilespmem:s8], [sflag:$0x4], $0x10, s14, s23, $0xb8;
	[tilespmem:$0x1F780] =	vst v63  }
0x2db: {  	s7 =	simm.s32 $0x5780;
	s9 =	simm.s32 $0xAF0  }
0x2dc: {  	[spmem:s3] =	stream.indirect.scatter.add.f32 [tilespmem:s7], [sflag:$0x4], $0x10, s9, s23, $0xb8;
	[tilespmem:$0x1F780] =	vst v63  }
0x2dd: {  	_ =	swait.ge [sflag:s1], $0x500  }
0x2de: {  	[sflag:s1] =	ssyncset.done $0x0  }
0x2df: {  	[sflag:s1] =	ssyncadd.s32 $0xFFFFFB00  }
0x2e0: {  	_ =	swait.ge [sflag:s1], $0x500  }
0x2e1: {  	[sflag:s1] =	ssyncset.done $0x0  }
0x2e2: {  	s29 =	simm.s32 $0x2A80;
	[sflag:s1] =	ssyncadd.s32 $0xFFFFFB00  }
0x2e3: {  	[spmem:s3] =	stream.indirect.scatter.add.f32 [tilespmem:s29], [sflag:$0x4], $0x10, s17, s23, $0xb8;
	[tilespmem:$0x1F780] =	vst v63  }
0x2e4: {  	s10 =	simm.s32 $0x5C80  }
0x2e5: {  	[spmem:s3] =	stream.indirect.scatter.add.f32 [tilespmem:s10], [sflag:$0x4], $0x10, s0, s23, $0xb8;
	[tilespmem:$0x1F780] =	vst v63  }
0x2e6: {  	_ =	swait.ge [sflag:s1], $0x500  }
0x2e7: {  	[sflag:s1] =	ssyncset.done $0x0  }
0x2e8: {  	[sflag:s1] =	ssyncadd.s32 $0xFFFFFB00  }
0x2e9: {  	_ =	swait.ge [sflag:s1], $0x500  }
0x2ea: {  	[sflag:s1] =	ssyncset.done $0x0  }
0x2eb: {  	s11 =	simm.s32 $0x2F80;
	[sflag:s1] =	ssyncadd.s32 $0xFFFFFB00  }
0x2ec: {  	[spmem:s3] =	stream.indirect.scatter.add.f32 [tilespmem:s11], [sflag:$0x4], $0x10, s4, s23, $0xb8;
	[tilespmem:$0x1F780] =	vst v63  }
0x2ed: {  	s12 =	simm.s32 $0x6180  }
0x2ee: {  	[spmem:s3] =	stream.indirect.scatter.add.f32 [tilespmem:s12], [sflag:$0x4], $0x10, s2, s23, $0xb8;
	[tilespmem:$0x1F780] =	vst v63  }
0x2ef: {  	_ =	swait.ge [sflag:s1], $0x500  }
0x2f0: {  	[sflag:s1] =	ssyncset.done $0x0  }
0x2f1: {  	[sflag:s1] =	ssyncadd.s32 $0xFFFFFB00  }
0x2f2: {  	_ =	swait.ge [sflag:s1], $0x500  }
0x2f3: {  	[sflag:s1] =	ssyncset.done $0x0  }
0x2f4: {  	s25 =	simm.s32 $0x3480;
	[sflag:s1] =	ssyncadd.s32 $0xFFFFFB00  }
0x2f5: {  	[spmem:s3] =	stream.indirect.scatter.add.f32 [tilespmem:s25], [sflag:$0x4], $0x10, s30, s23, $0xb8;
	[tilespmem:$0x1F780] =	vst v63  }
0x2f6: {  	s18 =	simm.s32 $0x6680  }
0x2f7: {  	[spmem:s3] =	stream.indirect.scatter.add.f32 [tilespmem:s18], [sflag:$0x4], $0x10, s5, s23, $0xb8;
	[tilespmem:$0x1F780] =	vst v63  }
0x2f8: {  	_ =	swait.ge [sflag:s1], $0x500  }
0x2f9: {  	[sflag:s1] =	ssyncset.done $0x0  }
0x2fa: {  	[sflag:s1] =	ssyncadd.s32 $0xFFFFFB00  }
0x2fb: {  	_ =	swait.ge [sflag:s1], $0x500  }
0x2fc: {  	[sflag:s1] =	ssyncset.done $0x0  }
0x2fd: {  	s24 =	simm.s32 $0x3980;
	[sflag:s1] =	ssyncadd.s32 $0xFFFFFB00  }
0x2fe: {  	[spmem:s3] =	stream.indirect.scatter.add.f32 [tilespmem:s24], [sflag:$0x4], $0x10, s16, s23, $0xb8;
	[tilespmem:$0x1F780] =	vst v63  }
0x2ff: {  	s29 =	simm.s32 $0x6B80  }
0x300: {  	[spmem:s3] =	stream.indirect.scatter.add.f32 [tilespmem:s29], [sflag:$0x4], $0x10, s6, s23, $0xb8;
	[tilespmem:$0x1F780] =	vst v63  }
0x301: {  	_ =	swait.ge [sflag:s21], $0x1900  }
0x302: {  	[sflag:s21] =	ssyncset.done $0x0  }
0x303: {  	[sflag:s21] =	ssyncadd.s32 $0xFFFFE700  }
0x304: {  	_ =	swait.ge [sflag:s21], $0x1900  }
0x305: {  	[sflag:s21] =	ssyncset.done $0x0  }
0x306: {  	s25 =	simm.s32 $0x1;
	[sflag:s21] =	ssyncadd.s32 $0xFFFFE700  }
0x307: {  	_ =	swait.ge [sflag:s25], $0x190  }
0x308: {  	[sflag:s25] =	ssyncset.done $0x0  }
0x309: {  	[sflag:s25] =	ssyncadd.s32 $0xFFFFFE70  }
0x30a: {  	_ =	swait.ge [sflag:s25], $0x190  }
0x30b: {  	[sflag:s25] =	ssyncset.done $0x0  }
0x30c: {  	s8 =	simm.s32 $0x640;
	s7 =	simm.s32 $0xC80;
	[sflag:s25] =	ssyncadd.s32 $0xFFFFFE70  }
0x30d: {  	[tilespmem:s7], [sflag:$0x2] =	stream.indirect.gather [hbm4b:s13+s23], $0x10, s8, s23, $0xb8;
	[tilespmem:$0x1F780] =	vst v63  }
0x30e: {  	s26 =	simm.s32 $0x3E80  }
0x30f: {  	[tilespmem:s26], [sflag:$0x2] =	stream.indirect.gather [hbm4b:s13+s23], $0x10, s31, s23, $0xb8;
	[tilespmem:$0x1F780] =	vst v63  }
0x310: {  	s5 =	simm.s32 $0x690;
	s24 =	simm.s32 $0x1180  }
0x311: {  	[tilespmem:s24], [sflag:$0x2] =	stream.indirect.gather [hbm4b:s13+s23], $0x10, s5, s23, $0xb8;
	[tilespmem:$0x1F780] =	vst v63  }
0x312: {  	s19 =	sadd.s32 $0x14, s19;
	s18 =	simm.s32 $0x4380  }
0x313: {  	[tilespmem:s18], [sflag:$0x2] =	stream.indirect.gather [hbm4b:s13+s23], $0x10, s23, s23, $0xb8;
	[tilespmem:$0x1F780] =	vst v63  }
0x314: {  	s15 =	simm.s32 $0x2080;
	s12 =	simm.s32 $0x1680;
	s6 =	simm.s32 $0x6E0  }
0x315: {  	[tilespmem:s12], [sflag:$0x2] =	stream.indirect.gather [hbm4b:s13+s23], $0x10, s6, s23, $0xb8;
	[tilespmem:$0x1F780] =	vst v63  }
0x316: {  	s20 =	sadd.s32 $0xFFFFFFFB, s19;
	s14 =	simm.s32 $0x4880;
	s16 =	simm.s32 $0xA0  }
0x317: {  	[tilespmem:s14], [sflag:$0x2] =	stream.indirect.gather [hbm4b:s13+s23], $0x10, s16, s23, $0xb8;
	[tilespmem:$0x1F780] =	vst v63  }
0x318: {  	p1 =	slt.s32 s20, $0x4E1B;
	s10 =	simm.s32 $0x1B80;
	s21 =	simm.s32 $0x730  }
0x319: {  	[tilespmem:s10], [sflag:$0x2] =	stream.indirect.gather [hbm4b:s13+s23], $0x10, s21, s23, $0xb8;
	[tilespmem:$0x1F780] =	vst v63  }
0x31a: {  	s20 =	simm.s32 @!p1 $0x4E1B;
	s11 =	simm.s32 $0x4D80;
	s30 =	simm.s32 $0xF0  }
0x31b: {  	[tilespmem:s11], [sflag:$0x2] =	stream.indirect.gather [hbm4b:s13+s23], $0x10, s30, s23, $0xb8;
	[tilespmem:$0x1F780] =	vst v63  }
0x31c: {  	s20 =	smul.u32 $0xA, s20;
	s0 =	simm.s32 $0x780;
	s2 =	rddreg [dreg:$0x1]  }
0x31d: {  	[tilespmem:s15], [sflag:$0x2] =	stream.indirect.gather [hbm4b:s13+s23], $0x10, s0, s23, $0xb8;
	[tilespmem:$0x1F780] =	vst v63  }
0x31e: {  	s9 =	simm.s32 $0x5280;
	s17 =	simm.s32 $0x140;
	s4 =	rddreg [dreg:$0x2]  }
0x31f: {  	[tilespmem:s9], [sflag:$0x2] =	stream.indirect.gather [hbm4b:s13+s23], $0x10, s17, s23, $0xb8;
	[tilespmem:$0x1F780] =	vst v63  }
0x320: {  	s28 =	sadd.s32 s2, s20;
	s20 =	sadd.s32 s4, s20;
	s4 =	simm.s32 $0x320  }
0x321: {  	[tilespmem:s4], [sflag:$0x1] =	stream.linear.gather [hbm4b:s28+s31], $0x190, $0x38;
	[tilespmem:$0x1F780] =	vst v63  }
0x322: {  	s28 =	simm.s32 $0x960  }
0x323: {  	[tilespmem:s28], [sflag:$0x1] =	stream.linear.gather [hbm4b:s20+s31], $0x190, $0x38;
	[tilespmem:$0x1F780] =	vst v63  }
0x324: {  	_ =	swait.ge [sflag:s1], $0x500  }
0x325: {  	[sflag:s1] =	ssyncset.done $0x0  }
0x326: {  	[sflag:s1] =	ssyncadd.s32 $0xFFFFFB00  }
0x327: {  	_ =	swait.ge [sflag:s1], $0x500  }
0x328: {  	[sflag:s1] =	ssyncset.done $0x0  }
0x329: {  	[sflag:s1] =	ssyncadd.s32 $0xFFFFFB00  }
0x32a: {  	[spmem:s3] =	stream.indirect.scatter.add.f32 [tilespmem:s7], [sflag:$0x3], $0x10, s31, s23, $0xb8;
	[tilespmem:$0x1F780] =	vst v63  }
0x32b: {  	_ = 	snop  }
0x32c: {  	[spmem:s3] =	stream.indirect.scatter.add.f32 [tilespmem:s26], [sflag:$0x3], $0x10, s8, s23, $0xb8;
	[tilespmem:$0x1F780] =	vst v63  }
0x32d: {  	_ =	swait.ge [sflag:s1], $0x500  }
0x32e: {  	[sflag:s1] =	ssyncset.done $0x0  }
0x32f: {  	[sflag:s1] =	ssyncadd.s32 $0xFFFFFB00  }
0x330: {  	_ =	swait.ge [sflag:s1], $0x500  }
0x331: {  	[sflag:s1] =	ssyncset.done $0x0  }
0x332: {  	[sflag:s1] =	ssyncadd.s32 $0xFFFFFB00  }
0x333: {  	[spmem:s3] =	stream.indirect.scatter.add.f32 [tilespmem:s24], [sflag:$0x3], $0x10, s23, s23, $0xb8;
	[tilespmem:$0x1F780] =	vst v63  }
0x334: {  	_ = 	snop  }
0x335: {  	[spmem:s3] =	stream.indirect.scatter.add.f32 [tilespmem:s18], [sflag:$0x3], $0x10, s5, s23, $0xb8;
	[tilespmem:$0x1F780] =	vst v63  }
0x336: {  	_ =	swait.ge [sflag:s1], $0x500  }
0x337: {  	[sflag:s1] =	ssyncset.done $0x0  }
0x338: {  	[sflag:s1] =	ssyncadd.s32 $0xFFFFFB00  }
0x339: {  	_ =	swait.ge [sflag:s1], $0x500  }
0x33a: {  	[sflag:s1] =	ssyncset.done $0x0  }
0x33b: {  	[sflag:s1] =	ssyncadd.s32 $0xFFFFFB00  }
0x33c: {  	[spmem:s3] =	stream.indirect.scatter.add.f32 [tilespmem:s12], [sflag:$0x3], $0x10, s16, s23, $0xb8;
	[tilespmem:$0x1F780] =	vst v63  }
0x33d: {  	_ = 	snop  }
0x33e: {  	[spmem:s3] =	stream.indirect.scatter.add.f32 [tilespmem:s14], [sflag:$0x3], $0x10, s6, s23, $0xb8;
	[tilespmem:$0x1F780] =	vst v63  }
0x33f: {  	_ =	swait.ge [sflag:s1], $0x500  }
0x340: {  	[sflag:s1] =	ssyncset.done $0x0  }
0x341: {  	[sflag:s1] =	ssyncadd.s32 $0xFFFFFB00  }
0x342: {  	_ =	swait.ge [sflag:s1], $0x500  }
0x343: {  	[sflag:s1] =	ssyncset.done $0x0  }
0x344: {  	[sflag:s1] =	ssyncadd.s32 $0xFFFFFB00  }
0x345: {  	[spmem:s3] =	stream.indirect.scatter.add.f32 [tilespmem:s10], [sflag:$0x3], $0x10, s30, s23, $0xb8;
	[tilespmem:$0x1F780] =	vst v63  }
0x346: {  	_ = 	snop  }
0x347: {  	[spmem:s3] =	stream.indirect.scatter.add.f32 [tilespmem:s11], [sflag:$0x3], $0x10, s21, s23, $0xb8;
	[tilespmem:$0x1F780] =	vst v63  }
0x348: {  	_ =	swait.ge [sflag:s1], $0x500  }
0x349: {  	[sflag:s1] =	ssyncset.done $0x0  }
0x34a: {  	[sflag:s1] =	ssyncadd.s32 $0xFFFFFB00  }
0x34b: {  	_ =	swait.ge [sflag:s1], $0x500  }
0x34c: {  	[sflag:s1] =	ssyncset.done $0x0  }
0x34d: {  	[sflag:s1] =	ssyncadd.s32 $0xFFFFFB00  }
0x34e: {  	[spmem:s3] =	stream.indirect.scatter.add.f32 [tilespmem:s15], [sflag:$0x3], $0x10, s17, s23, $0xb8;
	[tilespmem:$0x1F780] =	vst v63  }
0x34f: {  	_ = 	snop  }
0x350: {  	[spmem:s3] =	stream.indirect.scatter.add.f32 [tilespmem:s9], [sflag:$0x3], $0x10, s0, s23, $0xb8;
	[tilespmem:$0x1F780] =	vst v63  }
0x351: {  	_ =	swait.ge [sflag:s22], $0x1900  }
0x352: {  	[sflag:s22] =	ssyncset.done $0x0  }
0x353: {  	[sflag:s22] =	ssyncadd.s32 $0xFFFFE700  }
0x354: {  	_ =	swait.ge [sflag:s22], $0x1900  }
0x355: {  	[sflag:s22] =	ssyncset.done $0x0  }
0x356: {  	[sflag:s22] =	ssyncadd.s32 $0xFFFFE700  }
0x357: {  	_ =	swait.ge [sflag:s25], $0x190  }
0x358: {  	[sflag:s25] =	ssyncset.done $0x0  }
0x359: {  	[sflag:s25] =	ssyncadd.s32 $0xFFFFFE70  }
0x35a: {  	_ =	swait.ge [sflag:s25], $0x190  }
0x35b: {  	[sflag:s25] =	ssyncset.done $0x0  }
0x35c: {  	s7 =	simm.s32 $0x2580;
	s8 =	simm.s32 $0x7D0;
	[sflag:s25] =	ssyncadd.s32 $0xFFFFFE70  }
0x35d: {  	[tilespmem:s7], [sflag:$0x2] =	stream.indirect.gather [hbm4b:s13+s23], $0x10, s8, s23, $0xb8;
	[tilespmem:$0x1F780] =	vst v63  }
0x35e: {  	s4 =	simm.s32 $0x5780;
	s0 =	simm.s32 $0x190  }
0x35f: {  	[tilespmem:s4], [sflag:$0x2] =	stream.indirect.gather [hbm4b:s13+s23], $0x10, s0, s23, $0xb8;
	[tilespmem:$0x1F780] =	vst v63  }
0x360: {  	s6 =	simm.s32 $0x820;
	s30 =	simm.s32 $0x2A80  }
0x361: {  	[tilespmem:s30], [sflag:$0x2] =	stream.indirect.gather [hbm4b:s13+s23], $0x10, s6, s23, $0xb8;
	[tilespmem:$0x1F780] =	vst v63  }
0x362: {  	s14 =	simm.s32 $0x5C80;
	s10 =	simm.s32 $0x1E0  }
0x363: {  	[tilespmem:s14], [sflag:$0x2] =	stream.indirect.gather [hbm4b:s13+s23], $0x10, s10, s23, $0xb8;
	[tilespmem:$0x1F780] =	vst v63  }
0x364: {  	s12 =	simm.s32 $0x870;
	s22 =	simm.s32 $0x2F80  }
0x365: {  	[tilespmem:s22], [sflag:$0x2] =	stream.indirect.gather [hbm4b:s13+s23], $0x10, s12, s23, $0xb8;
	[tilespmem:$0x1F780] =	vst v63  }
0x366: {  	s11 =	simm.s32 $0x6180;
	s17 =	simm.s32 $0x230  }
0x367: {  	[tilespmem:s11], [sflag:$0x2] =	stream.indirect.gather [hbm4b:s13+s23], $0x10, s17, s23, $0xb8;
	[tilespmem:$0x1F780] =	vst v63  }
0x368: {  	p1 =	slt.s32 s19, $0x4E1B;
	s18 =	simm.s32 $0x8C0;
	s9 =	simm.s32 $0x3480  }
0x369: {  	[tilespmem:s9], [sflag:$0x2] =	stream.indirect.gather [hbm4b:s13+s23], $0x10, s18, s23, $0xb8;
	[tilespmem:$0x1F780] =	vst v63  }
0x36a: {  	s20 =	smov.u32 s19;
	s24 =	simm.s32 $0x280;
	s21 =	simm.s32 $0x6680  }
0x36b: {  	[tilespmem:s21], [sflag:$0x2] =	stream.indirect.gather [hbm4b:s13+s23], $0x10, s24, s23, $0xb8;
	[tilespmem:$0x1F780] =	vst v63  }
0x36c: {  	s20 =	simm.s32 @!p1 $0x4E1B;
	s26 =	simm.s32 $0x910;
	s16 =	simm.s32 $0x3980  }
0x36d: {  	[tilespmem:s16], [sflag:$0x2] =	stream.indirect.gather [hbm4b:s13+s23], $0x10, s26, s23, $0xb8;
	[tilespmem:$0x1F780] =	vst v63  }
0x36e: {  	s20 =	smul.u32 $0xA, s20;
	s26 =	simm.s32 $0x2D0  }
0x36f: {  	[tilespmem:s29], [sflag:$0x2] =	stream.indirect.gather [hbm4b:s13+s23], $0x10, s26, s23, $0xb8;
	[tilespmem:$0x1F780] =	vst v63  }
0x370: {  	s28 =	sadd.s32 s2, s20;
	s5 =	simm.s32 $0x4B0  }
0x371: {  	[tilespmem:s5], [sflag:$0x1] =	stream.linear.gather [hbm4b:s28+s31], $0x190, $0x38;
	[tilespmem:$0x1F780] =	vst v63  }
0x372: {  	s28 =	rddreg [dreg:$0x2]  }
0x373: {  	s31 =	simm.s32 $0x0;
	s20 =	sadd.s32 s28, s20;
	s28 =	simm.s32 $0xAF0  }
0x374: {  	[tilespmem:s28], [sflag:$0x1] =	stream.linear.gather [hbm4b:s20+s31], $0x190, $0x38;
	[tilespmem:$0x1F780] =	vst v63  }
0x375: {  	s2 =	rddreg [dreg:$0x7];
	_ =	swait.ge [sflag:s1], $0x500  }
0x376: {  	[sflag:s1] =	ssyncset.done $0x0  }
0x377: {  	[sflag:s1] =	ssyncadd.s32 $0xFFFFFB00  }
0x378: {  	_ =	swait.ge [sflag:s1], $0x500  }
0x379: {  	[sflag:s1] =	ssyncset.done $0x0  }
0x37a: {  	[sflag:s1] =	ssyncadd.s32 $0xFFFFFB00  }
0x37b: {  	[spmem:s3] =	stream.indirect.scatter.add.f32 [tilespmem:s7], [sflag:$0x4], $0x10, s0, s23, $0xb8;
	[tilespmem:$0x1F780] =	vst v63  }
0x37c: {  	_ = 	snop  }
0x37d: {  	[spmem:s3] =	stream.indirect.scatter.add.f32 [tilespmem:s4], [sflag:$0x4], $0x10, s8, s23, $0xb8;
	[tilespmem:$0x1F780] =	vst v63  }
0x37e: {  	_ =	swait.ge [sflag:s1], $0x500  }
0x37f: {  	[sflag:s1] =	ssyncset.done $0x0  }
0x380: {  	[sflag:s1] =	ssyncadd.s32 $0xFFFFFB00  }
0x381: {  	_ =	swait.ge [sflag:s1], $0x500  }
0x382: {  	[sflag:s1] =	ssyncset.done $0x0  }
0x383: {  	[sflag:s1] =	ssyncadd.s32 $0xFFFFFB00  }
0x384: {  	[spmem:s3] =	stream.indirect.scatter.add.f32 [tilespmem:s30], [sflag:$0x4], $0x10, s10, s23, $0xb8;
	[tilespmem:$0x1F780] =	vst v63  }
0x385: {  	_ = 	snop  }
0x386: {  	[spmem:s3] =	stream.indirect.scatter.add.f32 [tilespmem:s14], [sflag:$0x4], $0x10, s6, s23, $0xb8;
	[tilespmem:$0x1F780] =	vst v63  }
0x387: {  	_ =	swait.ge [sflag:s1], $0x500  }
0x388: {  	[sflag:s1] =	ssyncset.done $0x0  }
0x389: {  	[sflag:s1] =	ssyncadd.s32 $0xFFFFFB00  }
0x38a: {  	_ =	swait.ge [sflag:s1], $0x500  }
0x38b: {  	[sflag:s1] =	ssyncset.done $0x0  }
0x38c: {  	[sflag:s1] =	ssyncadd.s32 $0xFFFFFB00  }
0x38d: {  	[spmem:s3] =	stream.indirect.scatter.add.f32 [tilespmem:s22], [sflag:$0x4], $0x10, s17, s23, $0xb8;
	[tilespmem:$0x1F780] =	vst v63  }
0x38e: {  	_ = 	snop  }
0x38f: {  	[spmem:s3] =	stream.indirect.scatter.add.f32 [tilespmem:s11], [sflag:$0x4], $0x10, s12, s23, $0xb8;
	[tilespmem:$0x1F780] =	vst v63  }
0x390: {  	_ =	swait.ge [sflag:s1], $0x500  }
0x391: {  	[sflag:s1] =	ssyncset.done $0x0  }
0x392: {  	[sflag:s1] =	ssyncadd.s32 $0xFFFFFB00  }
0x393: {  	_ =	swait.ge [sflag:s1], $0x500  }
0x394: {  	[sflag:s1] =	ssyncset.done $0x0  }
0x395: {  	[sflag:s1] =	ssyncadd.s32 $0xFFFFFB00  }
0x396: {  	[spmem:s3] =	stream.indirect.scatter.add.f32 [tilespmem:s9], [sflag:$0x4], $0x10, s24, s23, $0xb8;
	[tilespmem:$0x1F780] =	vst v63  }
0x397: {  	_ = 	snop  }
0x398: {  	[spmem:s3] =	stream.indirect.scatter.add.f32 [tilespmem:s21], [sflag:$0x4], $0x10, s18, s23, $0xb8;
	[tilespmem:$0x1F780] =	vst v63  }
0x399: {  	_ =	swait.ge [sflag:s1], $0x500  }
0x39a: {  	[sflag:s1] =	ssyncset.done $0x0  }
.Ltmp1:
0x39b: {  	[sflag:s1] =	ssyncadd.s32 $0xFFFFFB00;
	(pc) =	sbr.rel @p0 .LBB2_4-.Ltmp1, $4  }
0x39c: {  	_ =	swait.ge [sflag:s1], $0x500  }
0x39d: {  	[sflag:s1] =	ssyncset.done $0x0  }
0x39e: {  	s15 =	simm.s32 $0x910;
	[sflag:s1] =	ssyncadd.s32 $0xFFFFFB00  }
0x39f: {  	[spmem:s3] =	stream.indirect.scatter.add.f32 [tilespmem:s16], [sflag:$0x4], $0x10, s26, s23, $0xb8;
	[tilespmem:$0x1F780] =	vst v63  }
0x3a0: {  	[spmem:s3] =	stream.indirect.scatter.add.f32 [tilespmem:s29], [sflag:$0x4], $0x10, s15, s23, $0xb8;
	[tilespmem:$0x1F780] =	vst v63  }
0x3a1: {  	s0 =	simm.s32 $0x3  }
0x3a2: {  	s12 =	rddreg [dreg:$0x6];
	_ =	swait.ge [sflag:s0], $0x1900  }
0x3a3: {  	[sflag:s0] =	ssyncset.done $0x0  }
0x3a4: {  	[sflag:s0] =	ssyncadd.s32 $0xFFFFE700  }
0x3a5: {  	_ =	swait.ge [sflag:s0], $0x1900  }
0x3a6: {  	[sflag:s0] =	ssyncset.done $0x0  }
0x3a7: {  	s30 =	simm.s32 $0x4;
	[sflag:s0] =	ssyncadd.s32 $0xFFFFE700  }
0x3a8: {  	_ =	swait.ge [sflag:s30], $0x1900  }
0x3a9: {  	[sflag:s30] =	ssyncset.done $0x0  }
0x3aa: {  	[sflag:s30] =	ssyncadd.s32 $0xFFFFE700  }
0x3ab: {  	_ =	swait.ge [sflag:s30], $0x1900  }
0x3ac: {  	[sflag:s30] =	ssyncset.done $0x0  }
0x3ad: {  	[sflag:s30] =	ssyncadd.s32 $0xFFFFE700  }
0x3ae: {  	_ =	swait.ge [sflag:s25], $0x190  }
0x3af: {  	[sflag:s25] =	ssyncset.done $0x0  }
0x3b0: {  	[sflag:s25] =	ssyncadd.s32 $0xFFFFFE70  }
0x3b1: {  	_ =	swait.ge [sflag:s25], $0x190  }
0x3b2: {  	[sflag:s25] =	ssyncset.done $0x0  }
0x3b3: {  	[sflag:s25] =	ssyncadd.s32 $0xFFFFFE70  }
0x3b4: {  	_ =	swait.ge [sflag:s25], $0x190  }
0x3b5: {  	[sflag:s25] =	ssyncset.done $0x0  }
0x3b6: {  	[sflag:s25] =	ssyncadd.s32 $0xFFFFFE70  }
0x3b7: {  	_ =	swait.ge [sflag:s25], $0x190  }
0x3b8: {  	s4 =	simm.s32 $0x0;
	s19 =	simm.s32 $0x0;
	[sflag:s25] =	ssyncset.done $0x0  }
0x3b9: {  	s6 =	simm.s32 $0x3E80;
	s2 =	simm.s32 $0xC80;
	[sflag:s25] =	ssyncadd.s32 $0xFFFFFE70  }
0x3ba: {  	s21 =	simm.s32 $0x230;
	s0 =	simm.s32 $0x3;
	[bflag:$0x0] =	sbarrier.arrive $0xFFFF  }
.LBB2_6:
0x3bb: {  	s8 =	smul.u32 $0x170, s19  }
0x3bc: {  	s20 =	rddreg [dreg:$0xa]  }
0x3bd: {  	s8 =	sadd.s32 s20, s8  }
0x3be: {  	s20 =	sshll.u32 s8, $0x4  }
0x3bf: {  	s8 =	sshll.u32 s8, $0x1;
	s28 =	sadd.s32 s20, s3  }
0x3c0: {  	[tilespmem:s2], [sflag:$0x1] =	stream.linear.gather [spmem:s28], $0x1700, $0x38;
	[tilespmem:$0x1F780] =	vst v63  }
0x3c1: {  	s8 =	sadd.s32 s13, s8  }
0x3c2: {  	[tilespmem:s6], [sflag:$0x2] =	stream.linear.gather [hbm4b:s8+s4], $0x1700, $0x38;
	[tilespmem:$0x1F780] =	vst v63  }
0x3c3: {  	_ =	swait.ge [sflag:s25], $0x1700  }
0x3c4: {  	[sflag:s25] =	ssyncset.done $0x0  }
0x3c5: {  	[sflag:s25] =	ssyncadd.s32 $0xFFFFE900  }
0x3c6: {  	_ =	swait.ge [sflag:s1], $0x1700  }
0x3c7: {  	[sflag:s1] =	ssyncset.done $0x0  }
0x3c8: {  	s28 =	simm.s32 $0x0;
	[sflag:s1] =	ssyncadd.s32 $0xFFFFE900  }
0x3c9: {  	v9 =	vld [tilespmem:s28+$0x3E80]  }
0x3ca: {  	v7 =	vld [tilespmem:s28+$0x3E90]  }
0x3cb: {  	v6 =	vld [tilespmem:s28+$0x3EA0]  }
0x3cc: {  	v3 =	vld [tilespmem:s28+$0x3EB0]  }
0x3cd: {  	v2 =	vld [tilespmem:s28+$0x3EC0]  }
0x3ce: {  	v1 =	vld [tilespmem:s28+$0x3ED0]  }
0x3cf: {  	v13 =	vld [tilespmem:s28+$0xC80]  }
0x3d0: {  	v12 =	vld [tilespmem:s28+$0xC90]  }
0x3d1: {  	v11 =	vld [tilespmem:s28+$0xCA0]  }
0x3d2: {  	v10 =	vld [tilespmem:s28+$0xCB0]  }
0x3d3: {  	v8 =	vld [tilespmem:s28+$0xCC0]  }
0x3d4: {  	v5 =	vld [tilespmem:s28+$0xCD0];
	v15 =	vbroadcast v13, $0xC  }
0x3d5: {  	s8 =	simm.s32 $0x200;
	v4 =	vld [tilespmem:s28+$0xCE0];
	v14 =	vbroadcast v12, $0xC  }
.LBB2_7:
0x3d6: {  	p0 =	sne.s32 s8, $0x5A00;
	v9 =	vmul.f32 v15, v9;
	v15 =	vbroadcast v11, $0xC;
	v16 =	vld [tilespmem:s28+$0xCF0]  }
0x3d7: {  	v7 =	vmul.f32 v14, v7;
	v14 =	vbroadcast v10, $0xC;
	v17 =	vld [tilespmem:s28+$0x3EE0]  }
0x3d8: {  	s29 =	sshra.s32 s8, $0x2;
	v13 =	vsub.f32 v9, v13;
	v6 =	vmul.f32 v15, v6;
	v15 =	vbroadcast v8, $0xC;
	v18 =	vld [tilespmem:s28+$0x3EF0]  }
0x3d9: {  	v9 =	vld [tilespmem:s29+$0x3E80];
	v12 =	vsub.f32 v7, v12;
	v3 =	vmul.f32 v14, v3;
	v14 =	vbroadcast v5, $0xC  }
0x3da: {  	v7 =	vld [tilespmem:s29+$0x3E90];
	[tilespmem:s28+$0xC80] =	vst v13;
	v11 =	vsub.f32 v6, v11;
	v2 =	vmul.f32 v15, v2;
	v13 =	vbroadcast v4, $0xC  }
0x3db: {  	v6 =	vld [tilespmem:s29+$0x3EA0];
	[tilespmem:s28+$0xC90] =	vst v12;
	v10 =	vsub.f32 v3, v10;
	v1 =	vmul.f32 v14, v1;
	v12 =	vbroadcast v16, $0xC  }
0x3dc: {  	v3 =	vld [tilespmem:s29+$0x3EB0];
	[tilespmem:s28+$0xCA0] =	vst v11;
	v8 =	vsub.f32 v2, v8;
	v11 =	vmul.f32 v13, v17  }
0x3dd: {  	v2 =	vld [tilespmem:s29+$0x3EC0];
	[tilespmem:s28+$0xCB0] =	vst v10;
	v5 =	vsub.f32 v1, v5;
	v10 =	vmul.f32 v12, v18  }
0x3de: {  	v1 =	vld [tilespmem:s29+$0x3ED0];
	[tilespmem:s28+$0xCC0] =	vst v8;
	v4 =	vsub.f32 v11, v4  }
0x3df: {  	v13 =	vld [tilespmem:s29+$0xC80];
	[tilespmem:s28+$0xCD0] =	vst v5;
	v5 =	vsub.f32 v10, v16  }
0x3e0: {  	v12 =	vld [tilespmem:s29+$0xC90];
	[tilespmem:s28+$0xCE0] =	vst v4  }
.Ltmp2:
0x3e1: {  	v11 =	vld [tilespmem:s29+$0xCA0];
	[tilespmem:s28+$0xCF0] =	vst v5;
	s28 =	smov.u32 s29;
	(pc) =	sbr.rel @p0 .LBB2_7-.Ltmp2, $4  }
0x3e2: {  	v10 =	vld [tilespmem:s28+$0xCB0]  }
0x3e3: {  	v8 =	vld [tilespmem:s28+$0xCC0]  }
0x3e4: {  	v15 =	vbroadcast v13, $0xC;
	v5 =	vld [tilespmem:s28+$0xCD0]  }
0x3e5: {  	s8 =	sadd.s32 $0x200, s8;
	v14 =	vbroadcast v12, $0xC;
	v4 =	vld [tilespmem:s28+$0xCE0]  }
0x3e6: {  	v9 =	vmul.f32 v15, v9;
	v56 =	vbroadcast v11, $0xC;
	v16 =	vld [tilespmem:s28+$0xCF0]  }
0x3e7: {  	v17 =	vld [tilespmem:s28+$0x3EE0];
	v7 =	vmul.f32 v14, v7;
	v57 =	vbroadcast v10, $0xC  }
0x3e8: {  	v59 =	vld [tilespmem:s28+$0x3EF0];
	v9 =	vsub.f32 v9, v13;
	v6 =	vmul.f32 v56, v6;
	v58 =	vbroadcast v8, $0xC  }
0x3e9: {  	v7 =	vsub.f32 v7, v12;
	v3 =	vmul.f32 v57, v3;
	v60 =	vbroadcast v5, $0xC  }
0x3ea: {  	[tilespmem:s28+$0xC80] =	vst v9;
	v6 =	vsub.f32 v6, v11;
	v2 =	vmul.f32 v58, v2;
	v61 =	vbroadcast v4, $0xC  }
0x3eb: {  	[tilespmem:s28+$0xC90] =	vst v7;
	v3 =	vsub.f32 v3, v10;
	v1 =	vmul.f32 v60, v1;
	v62 =	vbroadcast v16, $0xC  }
0x3ec: {  	[tilespmem:s28+$0xCA0] =	vst v6;
	v2 =	vsub.f32 v2, v8;
	v63 =	vmul.f32 v61, v17  }
0x3ed: {  	[tilespmem:s28+$0xCB0] =	vst v3;
	v1 =	vsub.f32 v1, v5;
	v3 =	vmul.f32 v62, v59  }
0x3ee: {  	s8 =	rddreg [dreg:$0x8];
	[tilespmem:s28+$0xCC0] =	vst v2;
	v2 =	vsub.f32 v63, v4  }
0x3ef: {  	s19 =	sadd.s32 $0x1, s19;
	s8 =	sadd.s32 s8, s20;
	[tilespmem:s28+$0xCD0] =	vst v1;
	v1 =	vsub.f32 v3, v16  }
0x3f0: {  	s30 =	rddreg [dreg:$0x9];
	p0 =	sne.s32 s19, $0x11;
	s8 =	sshrl.u32 s8, $0x3;
	[tilespmem:s28+$0xCE0] =	vst v2  }
.Ltmp3:
0x3f1: {  	s8 =	sadd.s32 s30, s8;
	[tilespmem:s28+$0xCF0] =	vst v1;
	(pc) =	sbr.rel @p0 .LBB2_6-.Ltmp3, $4  }
0x3f2: {  	[hbm4b:s8+s31] =	stream.linear.scatter [tilespmem:s2], [sflag:$0x3], $0x1700, $0x38;
	[tilespmem:$0x1F780] =	vst v63  }
0x3f3: {  	_ =	swait.ge [sflag:s0], $0x1700  }
0x3f4: {  	[sflag:s0] =	ssyncset.done $0x0  }
0x3f5: {  	[sflag:s0] =	ssyncadd.s32 $0xFFFFE900  }
0x3f6: {  	s6 =	sld [smem:$0x7F9];
	_ =	sdelay $0x2  }
0x3f7: {  	s8 =	rddreg [dreg:$0x12];
	s6 =	sadd.s32 $0x1, s6  }
0x3f8: {  	s20 =	rddreg [dreg:$0x5];
	p0 =	sne.s32 s6, s8  }
.Ltmp4:
0x3f9: {  	s16 =	smov.u32 s12;
	s22 =	simm.s32 $0x640;
	(pc) =	sbr.rel @p0 .LBB2_1-.Ltmp4, $4  }
0x3fa: {  	s15 =	simm.s32 $0x190;
	s12 =	simm.s32 $0x7D0;
	s10 =	simm.s32 $0x690  }
0x3fb: {  	s9 =	simm.s32 $0x1180;
	s24 =	simm.s32 $0x4380;
	s2 =	simm.s32 $0x6E0  }
0x3fc: {  	s14 =	simm.s32 $0x1680;
	s17 =	simm.s32 $0xA0;
	s4 =	simm.s32 $0x4880  }
0x3fd: {  	s0 =	simm.s32 $0x730;
	s7 =	simm.s32 $0xF0;
	s18 =	simm.s32 $0x4D80  }
0x3fe: {  	_ =	sfence.sel $0x180000  }
0x3ff: {  	[bflag:$0x0] =	sbarrier.arrive $0xFFFF  }
0x400: {  	_ =	strace $0x90000047  }
0x401: {  	s0 =	stileid.u32;
	[bflag:$0x2] =	sbarrier.arrive $0xFFFF  }
0x402: {  	p0 =	sne.s32 s0, $0x0;
	s0 =	rddreg [dreg:$0x4]  }
0x403: {  	s0 =	sadd.s32 @!p0 $0x100000, s0  }
0x404: {  	[sflag:s0] =	ssyncadd.tile.s32 @!p0 $0x1;
	_ =	shalt  }
.Lfunc_end2:
_tile_overlayer_lowered:
.L_overlay_start_2:
0x405: {  	(tag) =	ssettag $0x2  }
0x406: {  	s0 =	rddreg [dreg:$0x0];
	s2 =	stileid.u32  }
0x407: {  	s1 =	rddreg [dreg:$0x1];
	p0 =	sne.s32 s2, $0x0  }
0x408: {  	s3 =	rddreg [dreg:$0x2];
	[bflag:$0x3] =	sbarrier.arrive $0xFFFF;
	s2 =	simm.s32 @!p0 $0x1C05  }
0x409: {  	[timem:s3], [sflag:s2] =	dma.local @!p0 [hbm:s0], s1  }
0x40a: {  	s0 =	simm.s32 @!p0 $0x5  }
0x40b: {  	_ =	swait.ge @!p0 [sflag:s0], s1  }
0x40c: {  	s1 =	ssub.s32 @!p0 $0x0, s1;
	[sflag:s0] =	ssyncset.done @!p0 $0x0  }
0x40d: {  	[sflag:s0] =	ssyncadd.s32 @!p0 s1  }
0x40e: {  	[bflag:$0x3] =	sbarrier.arrive $0xFFFF  }
0x40f: {  	_ =	shalt  }

</sc_bundles>
